<compile_context>
chip_gen: v7x
topology: tpu7x:2x2x1
jax: 0.10.2.dev20260603
libtpu: 0.0.44.dev20260713+nightly
codegen_flags: <defaults>
</compile_context>

<pallas_src>
import functools

import jax
import jax.numpy as jnp
from jax import lax
from jax.experimental import pallas as pl
from jax.experimental.pallas import tpu as pltpu
from jax.experimental.pallas import tpu_sc as plsc

D = 64
N_VOCAB = 1000000
N_TOK = 819200
NW = 32
NFULL = N_VOCAB // 128
NTAIL = N_VOCAB - NFULL * 128
A_MAIN = NFULL // NW
A_EXTRA = NFULL - A_MAIN * NW
B_BLOCKS = N_TOK // 128 // NW

_mesh = plsc.VectorSubcoreMesh(core_axis_name="c", subcore_axis_name="s")


def _wid():
    return lax.axis_index("s") * 2 + lax.axis_index("c")


def _lanes():
    return jax.lax.broadcasted_iota(jnp.int32, (16,), 0)


def _transpose_col(tile_v, obuf_v):
    lanes = _lanes()

    def kbody(k, carry):
        rot = (lanes + k) & 15
        sbase = rot * D + lanes

        def cbody(c16, carry2):
            c_idx = lanes + c16 * 16
            sbase_c = sbase + c16 * 16
            vs = [
                plsc.load_gather(tile_v, [c_idx, rot + j16 * 16])
                for j16 in range(8)
            ]
            for j16 in range(8):
                plsc.store_scatter(
                    obuf_v, [sbase_c + j16 * (16 * D)], vs[j16])
            return carry2
        return lax.fori_loop(0, 4, cbody, carry, unroll=True)
    lax.fori_loop(0, 16, kbody, 0, unroll=2)


@functools.partial(
    pl.kernel,
    out_type=jax.ShapeDtypeStruct((N_VOCAB * D,), jnp.float32),
    mesh=_mesh,
    scratch_types=[
        pltpu.VMEM((D, 128), jnp.float32),
        pltpu.VMEM((D, 128), jnp.float32),
        pltpu.VMEM((128 * D,), jnp.float32),
        pltpu.VMEM((128 * D,), jnp.float32),
        pltpu.SemaphoreType.DMA,
        pltpu.SemaphoreType.DMA,
        pltpu.SemaphoreType.DMA,
        pltpu.SemaphoreType.DMA,
    ],
    compiler_params=pltpu.CompilerParams(
        use_tc_tiling_on_sc=True, needs_layout_passes=False),
)
def _detile(pt_hbm, tail_hbm, out_hbm, tile0, tile1, obuf0, obuf1,
            sr0, sr1, sw0, sw1):
    w = _wid()

    def src_at(g):
        return pt_hbm.at[:, pl.ds((w + g * NW) * 128, 128)]

    def dst_at(g):
        return out_hbm.at[pl.ds((w + g * NW) * 128 * D, 128 * D)]

    pltpu.async_copy(src_at(0), tile0, sr0)

    def body(i, carry):
        g0 = 2 * i
        g1 = g0 + 1
        pltpu.make_async_copy(src_at(g0), tile0, sr0).wait()

        @pl.when(g1 < A_MAIN)
        def _():
            pltpu.async_copy(src_at(g1), tile1, sr1)

        @pl.when(i > 0)
        def _():
            pltpu.make_async_copy(obuf0, dst_at(g0 - 2), sw0).wait()
        _transpose_col(tile0, obuf0)
        pltpu.async_copy(obuf0, dst_at(g0), sw0)

        @pl.when(g1 < A_MAIN)
        def _():
            pltpu.make_async_copy(src_at(g1), tile1, sr1).wait()

            @pl.when(g0 + 2 < A_MAIN)
            def _():
                pltpu.async_copy(src_at(g0 + 2), tile0, sr0)

            @pl.when(i > 0)
            def _():
                pltpu.make_async_copy(obuf1, dst_at(g1 - 2), sw1).wait()
            _transpose_col(tile1, obuf1)
            pltpu.async_copy(obuf1, dst_at(g1), sw1)
        return carry

    lax.fori_loop(0, (A_MAIN + 1) // 2, body, 0)
    pltpu.make_async_copy(obuf0, dst_at(A_MAIN - 2), sw0).wait()
    pltpu.make_async_copy(obuf1, dst_at(A_MAIN - 1), sw1).wait()

    @pl.when(w < A_EXTRA)
    def _():
        pltpu.sync_copy(src_at(A_MAIN), tile0)
        _transpose_col(tile0, obuf0)
        pltpu.sync_copy(obuf0, dst_at(A_MAIN))

    @pl.when(w == A_EXTRA)
    def _():
        pltpu.sync_copy(tail_hbm, obuf0.at[pl.ds(0, NTAIL * D)])
        pltpu.sync_copy(
            obuf0.at[pl.ds(0, NTAIL * D)],
            out_hbm.at[pl.ds(NFULL * 128 * D, NTAIL * D)])


@functools.partial(
    pl.kernel,
    out_type=jax.ShapeDtypeStruct((200, 8, 32, 1024), jnp.float32),
    mesh=_mesh,
    scratch_types=[
        pltpu.VMEM((200, 128), jnp.int32),
        pltpu.VMEM((128, D), jnp.float32),
        pltpu.VMEM((128, D), jnp.float32),
        pltpu.VMEM((8, 1024), jnp.float32),
        pltpu.VMEM((8, 1024), jnp.float32),
        pltpu.SemaphoreType.DMA,
        pltpu.SemaphoreType.DMA,
        pltpu.SemaphoreType.DMA,
        pltpu.SemaphoreType.DMA,
    ],
    compiler_params=pltpu.CompilerParams(
        use_tc_tiling_on_sc=False, needs_layout_passes=False),
)
def _gather(tok_hbm, table_hbm, out_hbm, idx_all, rows0, rows1,
            t0, t1, sg0, sg1, sw0, sw1):
    bt = _wid()
    lanes = _lanes()

    def out_at(s):
        return out_hbm.at[s, :, bt]

    def transpose_rows(rows_v, t_v):
        def kbody(k, carry):
            rot = (lanes + k) & 15

            def cbody(c16, carry2):
                c_idx = rot + c16 * 16
                dt_idx = c_idx >> 3
                ibase = ((c_idx & 7) << 7) + lanes
                vs = [
                    plsc.load_gather(rows_v, [lanes + j16 * 16, c_idx])
                    for j16 in range(8)
                ]
                for j16 in range(8):
                    plsc.store_scatter(
                        t_v, [dt_idx, ibase + j16 * 16], vs[j16])
                return carry2
            return lax.fori_loop(0, 4, cbody, carry, unroll=True)
        lax.fori_loop(0, 16, kbody, 0, unroll=2)

    pltpu.sync_copy(tok_hbm.at[:, pl.ds(bt * 128, 128)], idx_all)
    pltpu.async_copy(table_hbm.at[idx_all.at[0]], rows0, sg0)

    def body(i, carry):
        s0 = 2 * i
        s1 = s0 + 1
        pltpu.async_copy(table_hbm.at[idx_all.at[s1]], rows1, sg1)
        pltpu.make_async_copy(table_hbm.at[idx_all.at[s0]], rows0, sg0).wait()

        @pl.when(i > 0)
        def _():
            pltpu.make_async_copy(t0, out_at(s0 - 2), sw0).wait()
        transpose_rows(rows0, t0)
        pltpu.async_copy(t0, out_at(s0), sw0)

        @pl.when(s0 + 2 < B_BLOCKS)
        def _():
            pltpu.async_copy(table_hbm.at[idx_all.at[s0 + 2]], rows0, sg0)
        pltpu.make_async_copy(table_hbm.at[idx_all.at[s1]], rows1, sg1).wait()

        @pl.when(i > 0)
        def _():
            pltpu.make_async_copy(t1, out_at(s1 - 2), sw1).wait()
        transpose_rows(rows1, t1)
        pltpu.async_copy(t1, out_at(s1), sw1)
        return carry

    lax.fori_loop(0, B_BLOCKS // 2, body, 0)
    pltpu.make_async_copy(t0, out_at(B_BLOCKS - 2), sw0).wait()
    pltpu.make_async_copy(t1, out_at(B_BLOCKS - 1), sw1).wait()


def kernel(tokens, param):
    tok_t = jnp.transpose(tokens).reshape(200, 4096)
    tail = param[NFULL * 128:, :].reshape(-1)
    flat = _detile(jnp.transpose(param), tail)
    table = flat.reshape(N_VOCAB, D)
    out4 = _gather(tok_t, table)
    out5 = out4.reshape(200, 8, 32, 8, 128)
    return out5.transpose(2, 4, 0, 1, 3).reshape(4096, 200, 64)

# --- scband reference (transcript-rebuilt; emitter-appended) ---
"""Pipeline reference for scband-embedder-48550310314012 (READ-ONLY COPY).

The authoritative reference and input builder live on the scoring server;
editing this copy changes nothing except your own understanding.
"""

import jax, jax.numpy as jnp
import numpy as np

N_VOCAB = 1000000
D_MODEL = 64


def setup_inputs(seed: int = 0) -> dict:
    key = jax.random.key(seed)
    k_tok, k_param = jax.random.split(key)
    tokens = jax.random.randint(k_tok, (4096, 200), 0, N_VOCAB, dtype=jnp.int64 if jax.config.jax_enable_x64 else jnp.int32)
    param = jax.random.normal(k_param, (N_VOCAB, D_MODEL), dtype=jnp.float32)
    return {"tokens": tokens, "param": param}


def reference(tokens, param):
    # Embedder.forward: gather rows of the embedding table
    return jnp.take(param, tokens, axis=0)

if __name__ == "__main__":
    import jax
    _d = setup_inputs()
    print(jax.jit(kernel)(*tuple(_d.values())))

</pallas_src>

<mosaic_0001>
#map = affine_map<(d0, d1) -> (0, 0)>
#map1 = affine_map<(d0, d1) -> (0)>
module attributes {stable_mosaic.version = 14 : i64} {
  func.func @_detile(%arg0: i32, %arg1: i32, %arg2: memref<64x1000000xf32, #tpu.memory_space<hbm>>, %arg3: memref<4096xf32, #tpu.memory_space<hbm>>, %arg4: memref<64000000xf32, #tpu.memory_space<hbm>>, %arg5: memref<64x128xf32, #tpu.memory_space<vmem>>, %arg6: memref<64x128xf32, #tpu.memory_space<vmem>>, %arg7: memref<8192xf32, #tpu.memory_space<vmem>>, %arg8: memref<8192xf32, #tpu.memory_space<vmem>>, %arg9: memref<!tpu.dma_semaphore, #tpu.memory_space<semaphore_mem>>, %arg10: memref<!tpu.dma_semaphore, #tpu.memory_space<semaphore_mem>>, %arg11: memref<!tpu.dma_semaphore, #tpu.memory_space<semaphore_mem>>, %arg12: memref<!tpu.dma_semaphore, #tpu.memory_space<semaphore_mem>>) attributes {dimension_semantics = [#tpu.dimension_semantics<core_parallel>, #tpu.dimension_semantics<subcore_parallel>], iteration_bounds = array<i64: 2, 16>, scalar_prefetch = 0 : i64, scratch_operands = 8 : i64, tpu.core_type = #tpu.core_type<sc_vector_subcore>, window_params = [{transform_indices = #map}, {transform_indices = #map1}, {transform_indices = #map1}]} {
    %mul3A = arith.constant 2 : i32
    %mul3A_0 = arith.muli %arg1, %mul3A : i32
    %add3A = arith.addi %mul3A_0, %arg0 : i32
    %add3A_1 = arith.constant 0 : i32
    %add3A_2 = arith.addi %add3A, %add3A_1 : i32
    %mul3A_3 = arith.constant 128 : i32
    %mul3A_4 = arith.muli %add3A_2, %mul3A_3 : i32
    %dma_start3A = arith.constant 0 : i32
    %dma_start3A_5 = tpu.memref_slice %arg2[%dma_start3A, %mul3A_4] : memref<64x1000000xf32, #tpu.memory_space<hbm>> -> memref<64x128xf32, #tpu.memory_space<hbm>>
    %dma_start3A_6 = arith.constant 0 : i32
    %dma_start3A_7 = tpu.memref_slice %arg2[%dma_start3A_6, %mul3A_4] : memref<64x1000000xf32, #tpu.memory_space<hbm>> -> memref<64x128xf32, #tpu.memory_space<hbm>>
    tpu.enqueue_dma source(%dma_start3A_7 : memref<64x128xf32, #tpu.memory_space<hbm>>) target(%arg5 : memref<64x128xf32, #tpu.memory_space<vmem>>) target_semaphore(%arg9 : memref<!tpu.dma_semaphore, #tpu.memory_space<semaphore_mem>>)
    %scan3A = arith.constant 0 : i32
    %scan3A_8 = arith.constant 0 : i32
    %scan3A_9 = arith.constant 122 : i32
    %scan3A_10 = arith.addi %scan3A_8, %scan3A_9 : i32
    %scan3A_11 = arith.constant 1 : i32
    scf.for %scan3A_34 = %scan3A_8 to %scan3A_10 step %scan3A_11  : i32 {
      %mul3A_35 = arith.constant 2 : i32
      %mul3A_36 = arith.muli %mul3A_35, %scan3A_34 : i32
      %add3A_37 = arith.constant 1 : i32
      %add3A_38 = arith.addi %mul3A_36, %add3A_37 : i32
      %mul3A_39 = arith.constant 32 : i32
      %mul3A_40 = arith.muli %mul3A_36, %mul3A_39 : i32
      %add3A_41 = arith.addi %add3A, %mul3A_40 : i32
      %mul3A_42 = arith.constant 128 : i32
      %mul3A_43 = arith.muli %add3A_41, %mul3A_42 : i32
      %dma_wait3A_44 = arith.constant 0 : i32
      %dma_wait3A_45 = tpu.memref_slice %arg2[%dma_wait3A_44, %mul3A_43] : memref<64x1000000xf32, #tpu.memory_space<hbm>> -> memref<64x128xf32, #tpu.memory_space<hbm>>
      %dma_wait3A_46 = arith.constant 0 : i32
      %dma_wait3A_47 = tpu.memref_slice %arg2[%dma_wait3A_46, %mul3A_43] : memref<64x1000000xf32, #tpu.memory_space<hbm>> -> memref<64x128xf32, #tpu.memory_space<hbm>>
      tpu.wait_dma2 semaphore(%arg9 : memref<!tpu.dma_semaphore, #tpu.memory_space<semaphore_mem>>) src(%dma_wait3A_47 : memref<64x128xf32, #tpu.memory_space<hbm>>) dst(%arg5 : memref<64x128xf32, #tpu.memory_space<vmem>>)
      %lt3A_48 = arith.constant 244 : i32
      %lt3A_49 = arith.cmpi slt, %add3A_38, %lt3A_48 : i32
      %convert_element_type3A_50 = arith.extui %lt3A_49 : i1 to i32
      %cond3A_51 = arith.constant 0 : i32
      %cond3A_52 = arith.cmpi ne, %convert_element_type3A_50, %cond3A_51 : i32
      scf.if %cond3A_52 {
        %mul3A_77 = arith.constant 32 : i32
        %mul3A_78 = arith.muli %add3A_38, %mul3A_77 : i32
        %add3A_79 = arith.addi %add3A, %mul3A_78 : i32
        %mul3A_80 = arith.constant 128 : i32
        %mul3A_81 = arith.muli %add3A_79, %mul3A_80 : i32
        %dma_start3A_82 = arith.constant 0 : i32
        %dma_start3A_83 = tpu.memref_slice %arg2[%dma_start3A_82, %mul3A_81] : memref<64x1000000xf32, #tpu.memory_space<hbm>> -> memref<64x128xf32, #tpu.memory_space<hbm>>
        %dma_start3A_84 = arith.constant 0 : i32
        %dma_start3A_85 = tpu.memref_slice %arg2[%dma_start3A_84, %mul3A_81] : memref<64x1000000xf32, #tpu.memory_space<hbm>> -> memref<64x128xf32, #tpu.memory_space<hbm>>
        tpu.enqueue_dma source(%dma_start3A_85 : memref<64x128xf32, #tpu.memory_space<hbm>>) target(%arg6 : memref<64x128xf32, #tpu.memory_space<vmem>>) target_semaphore(%arg10 : memref<!tpu.dma_semaphore, #tpu.memory_space<semaphore_mem>>)
      } else {
      }
      %gt3A = arith.constant 0 : i32
      %gt3A_53 = arith.cmpi sgt, %scan3A_34, %gt3A : i32
      %convert_element_type3A_54 = arith.extui %gt3A_53 : i1 to i32
      %cond3A_55 = arith.constant 0 : i32
      %cond3A_56 = arith.cmpi ne, %convert_element_type3A_54, %cond3A_55 : i32
      scf.if %cond3A_56 {
        %sub3A = arith.constant 2 : i32
        %sub3A_77 = arith.subi %mul3A_36, %sub3A : i32
        %mul3A_78 = arith.constant 32 : i32
        %mul3A_79 = arith.muli %sub3A_77, %mul3A_78 : i32
        %add3A_80 = arith.addi %add3A, %mul3A_79 : i32
        %mul3A_81 = arith.constant 128 : i32
        %mul3A_82 = arith.muli %add3A_80, %mul3A_81 : i32
        %mul3A_83 = arith.constant 64 : i32
        %mul3A_84 = arith.muli %mul3A_82, %mul3A_83 : i32
        %dma_wait3A_85 = tpu.memref_slice %arg4[%mul3A_84] : memref<64000000xf32, #tpu.memory_space<hbm>> -> memref<8192xf32, #tpu.memory_space<hbm>>
        %dma_wait3A_86 = tpu.memref_slice %arg4[%mul3A_84] : memref<64000000xf32, #tpu.memory_space<hbm>> -> memref<8192xf32, #tpu.memory_space<hbm>>
        tpu.wait_dma2 semaphore(%arg11 : memref<!tpu.dma_semaphore, #tpu.memory_space<semaphore_mem>>) src(%arg7 : memref<8192xf32, #tpu.memory_space<vmem>>) dst(%dma_wait3A_86 : memref<8192xf32, #tpu.memory_space<hbm>>)
      } else {
      }
      %iota3A = tpu.iota {dimensions = array<i32: 0>} : vector<16xi32>
      %scan3A_57 = arith.constant 0 : i32
      %scan3A_58 = arith.constant 0 : i32
      %scan3A_59 = arith.constant 16 : i32
      %scan3A_60 = arith.addi %scan3A_58, %scan3A_59 : i32
      %scan3A_61 = arith.constant 2 : i32
      scf.for %scan3A_77 = %scan3A_58 to %scan3A_60 step %scan3A_61  : i32 {
        %add3A_78 = vector.broadcast %scan3A_77 : i32 to vector<16xi32>
        %add3A_79 = arith.addi %iota3A, %add3A_78 : vector<16xi32>
        %and3A = arith.constant 15 : i32
        %and3A_80 = vector.broadcast %and3A : i32 to vector<16xi32>
        %and3A_81 = arith.andi %add3A_79, %and3A_80 : vector<16xi32>
        %mul3A_82 = arith.constant 64 : i32
        %mul3A_83 = vector.broadcast %mul3A_82 : i32 to vector<16xi32>
        %mul3A_84 = arith.muli %and3A_81, %mul3A_83 : vector<16xi32>
        %add3A_85 = arith.addi %mul3A_84, %iota3A : vector<16xi32>
        %scan3A_86 = arith.constant 0 : i32
        %mul3A_87 = arith.constant 16 : i32
        %mul3A_88 = arith.muli %scan3A_86, %mul3A_87 : i32
        %add3A_89 = vector.broadcast %mul3A_88 : i32 to vector<16xi32>
        %add3A_90 = arith.addi %iota3A, %add3A_89 : vector<16xi32>
        %mul3A_91 = arith.constant 16 : i32
        %mul3A_92 = arith.muli %scan3A_86, %mul3A_91 : i32
        %add3A_93 = vector.broadcast %mul3A_92 : i32 to vector<16xi32>
        %add3A_94 = arith.addi %add3A_85, %add3A_93 : vector<16xi32>
        %add3A_95 = arith.constant 0 : i32
        %add3A_96 = vector.broadcast %add3A_95 : i32 to vector<16xi32>
        %add3A_97 = arith.addi %and3A_81, %add3A_96 : vector<16xi32>
        %gather3A = tpu.vector_load_idx %arg5[%add3A_90, %add3A_97] : memref<64x128xf32, #tpu.memory_space<vmem>>[vector<16xi32>, vector<16xi32>], vector<16xf32>,
        %add3A_98 = arith.constant 16 : i32
        %add3A_99 = vector.broadcast %add3A_98 : i32 to vector<16xi32>
        %add3A_100 = arith.addi %and3A_81, %add3A_99 : vector<16xi32>
        %gather3A_101 = tpu.vector_load_idx %arg5[%add3A_90, %add3A_100] : memref<64x128xf32, #tpu.memory_space<vmem>>[vector<16xi32>, vector<16xi32>], vector<16xf32>,
        %add3A_102 = arith.constant 32 : i32
        %add3A_103 = vector.broadcast %add3A_102 : i32 to vector<16xi32>
        %add3A_104 = arith.addi %and3A_81, %add3A_103 : vector<16xi32>
        %gather3A_105 = tpu.vector_load_idx %arg5[%add3A_90, %add3A_104] : memref<64x128xf32, #tpu.memory_space<vmem>>[vector<16xi32>, vector<16xi32>], vector<16xf32>,
        %add3A_106 = arith.constant 48 : i32
        %add3A_107 = vector.broadcast %add3A_106 : i32 to vector<16xi32>
        %add3A_108 = arith.addi %and3A_81, %add3A_107 : vector<16xi32>
        %gather3A_109 = tpu.vector_load_idx %arg5[%add3A_90, %add3A_108] : memref<64x128xf32, #tpu.memory_space<vmem>>[vector<16xi32>, vector<16xi32>], vector<16xf32>,
        %add3A_110 = arith.constant 64 : i32
        %add3A_111 = vector.broadcast %add3A_110 : i32 to vector<16xi32>
        %add3A_112 = arith.addi %and3A_81, %add3A_111 : vector<16xi32>
        %gather3A_113 = tpu.vector_load_idx %arg5[%add3A_90, %add3A_112] : memref<64x128xf32, #tpu.memory_space<vmem>>[vector<16xi32>, vector<16xi32>], vector<16xf32>,
        %add3A_114 = arith.constant 80 : i32
        %add3A_115 = vector.broadcast %add3A_114 : i32 to vector<16xi32>
        %add3A_116 = arith.addi %and3A_81, %add3A_115 : vector<16xi32>
        %gather3A_117 = tpu.vector_load_idx %arg5[%add3A_90, %add3A_116] : memref<64x128xf32, #tpu.memory_space<vmem>>[vector<16xi32>, vector<16xi32>], vector<16xf32>,
        %add3A_118 = arith.constant 96 : i32
        %add3A_119 = vector.broadcast %add3A_118 : i32 to vector<16xi32>
        %add3A_120 = arith.addi %and3A_81, %add3A_119 : vector<16xi32>
        %gather3A_121 = tpu.vector_load_idx %arg5[%add3A_90, %add3A_120] : memref<64x128xf32, #tpu.memory_space<vmem>>[vector<16xi32>, vector<16xi32>], vector<16xf32>,
        %add3A_122 = arith.constant 112 : i32
        %add3A_123 = vector.broadcast %add3A_122 : i32 to vector<16xi32>
        %add3A_124 = arith.addi %and3A_81, %add3A_123 : vector<16xi32>
        %gather3A_125 = tpu.vector_load_idx %arg5[%add3A_90, %add3A_124] : memref<64x128xf32, #tpu.memory_space<vmem>>[vector<16xi32>, vector<16xi32>], vector<16xf32>,
        %add3A_126 = arith.constant 0 : i32
        %add3A_127 = vector.broadcast %add3A_126 : i32 to vector<16xi32>
        %add3A_128 = arith.addi %add3A_94, %add3A_127 : vector<16xi32>
        tpu.vector_store_idx %arg7[%add3A_128], %gather3A : memref<8192xf32, #tpu.memory_space<vmem>>[vector<16xi32>], vector<16xf32>,
        %add3A_129 = arith.constant 1024 : i32
        %add3A_130 = vector.broadcast %add3A_129 : i32 to vector<16xi32>
        %add3A_131 = arith.addi %add3A_94, %add3A_130 : vector<16xi32>
        tpu.vector_store_idx %arg7[%add3A_131], %gather3A_101 : memref<8192xf32, #tpu.memory_space<vmem>>[vector<16xi32>], vector<16xf32>,
        %add3A_132 = arith.constant 2048 : i32
        %add3A_133 = vector.broadcast %add3A_132 : i32 to vector<16xi32>
        %add3A_134 = arith.addi %add3A_94, %add3A_133 : vector<16xi32>
        tpu.vector_store_idx %arg7[%add3A_134], %gather3A_105 : memref<8192xf32, #tpu.memory_space<vmem>>[vector<16xi32>], vector<16xf32>,
        %add3A_135 = arith.constant 3072 : i32
        %add3A_136 = vector.broadcast %add3A_135 : i32 to vector<16xi32>
        %add3A_137 = arith.addi %add3A_94, %add3A_136 : vector<16xi32>
        tpu.vector_store_idx %arg7[%add3A_137], %gather3A_109 : memref<8192xf32, #tpu.memory_space<vmem>>[vector<16xi32>], vector<16xf32>,
        %add3A_138 = arith.constant 4096 : i32
        %add3A_139 = vector.broadcast %add3A_138 : i32 to vector<16xi32>
        %add3A_140 = arith.addi %add3A_94, %add3A_139 : vector<16xi32>
        tpu.vector_store_idx %arg7[%add3A_140], %gather3A_113 : memref<8192xf32, #tpu.memory_space<vmem>>[vector<16xi32>], vector<16xf32>,
        %add3A_141 = arith.constant 5120 : i32
        %add3A_142 = vector.broadcast %add3A_141 : i32 to vector<16xi32>
        %add3A_143 = arith.addi %add3A_94, %add3A_142 : vector<16xi32>
        tpu.vector_store_idx %arg7[%add3A_143], %gather3A_117 : memref<8192xf32, #tpu.memory_space<vmem>>[vector<16xi32>], vector<16xf32>,
        %add3A_144 = arith.constant 6144 : i32
        %add3A_145 = vector.broadcast %add3A_144 : i32 to vector<16xi32>
        %add3A_146 = arith.addi %add3A_94, %add3A_145 : vector<16xi32>
        tpu.vector_store_idx %arg7[%add3A_146], %gather3A_121 : memref<8192xf32, #tpu.memory_space<vmem>>[vector<16xi32>], vector<16xf32>,
        %add3A_147 = arith.constant 7168 : i32
        %add3A_148 = vector.broadcast %add3A_147 : i32 to vector<16xi32>
        %add3A_149 = arith.addi %add3A_94, %add3A_148 : vector<16xi32>
        tpu.vector_store_idx %arg7[%add3A_149], %gather3A_125 : memref<8192xf32, #tpu.memory_space<vmem>>[vector<16xi32>], vector<16xf32>,
        %scan3A_150 = arith.constant 1 : i32
        %mul3A_151 = arith.constant 16 : i32
        %mul3A_152 = arith.muli %scan3A_150, %mul3A_151 : i32
        %add3A_153 = vector.broadcast %mul3A_152 : i32 to vector<16xi32>
        %add3A_154 = arith.addi %iota3A, %add3A_153 : vector<16xi32>
        %mul3A_155 = arith.constant 16 : i32
        %mul3A_156 = arith.muli %scan3A_150, %mul3A_155 : i32
        %add3A_157 = vector.broadcast %mul3A_156 : i32 to vector<16xi32>
        %add3A_158 = arith.addi %add3A_85, %add3A_157 : vector<16xi32>
        %add3A_159 = arith.constant 0 : i32
        %add3A_160 = vector.broadcast %add3A_159 : i32 to vector<16xi32>
        %add3A_161 = arith.addi %and3A_81, %add3A_160 : vector<16xi32>
        %gather3A_162 = tpu.vector_load_idx %arg5[%add3A_154, %add3A_161] : memref<64x128xf32, #tpu.memory_space<vmem>>[vector<16xi32>, vector<16xi32>], vector<16xf32>,
        %add3A_163 = arith.constant 16 : i32
        %add3A_164 = vector.broadcast %add3A_163 : i32 to vector<16xi32>
        %add3A_165 = arith.addi %and3A_81, %add3A_164 : vector<16xi32>
        %gather3A_166 = tpu.vector_load_idx %arg5[%add3A_154, %add3A_165] : memref<64x128xf32, #tpu.memory_space<vmem>>[vector<16xi32>, vector<16xi32>], vector<16xf32>,
        %add3A_167 = arith.constant 32 : i32
        %add3A_168 = vector.broadcast %add3A_167 : i32 to vector<16xi32>
        %add3A_169 = arith.addi %and3A_81, %add3A_168 : vector<16xi32>
        %gather3A_170 = tpu.vector_load_idx %arg5[%add3A_154, %add3A_169] : memref<64x128xf32, #tpu.memory_space<vmem>>[vector<16xi32>, vector<16xi32>], vector<16xf32>,
        %add3A_171 = arith.constant 48 : i32
        %add3A_172 = vector.broadcast %add3A_171 : i32 to vector<16xi32>
        %add3A_173 = arith.addi %and3A_81, %add3A_172 : vector<16xi32>
        %gather3A_174 = tpu.vector_load_idx %arg5[%add3A_154, %add3A_173] : memref<64x128xf32, #tpu.memory_space<vmem>>[vector<16xi32>, vector<16xi32>], vector<16xf32>,
        %add3A_175 = arith.constant 64 : i32
        %add3A_176 = vector.broadcast %add3A_175 : i32 to vector<16xi32>
        %add3A_177 = arith.addi %and3A_81, %add3A_176 : vector<16xi32>
        %gather3A_178 = tpu.vector_load_idx %arg5[%add3A_154, %add3A_177] : memref<64x128xf32, #tpu.memory_space<vmem>>[vector<16xi32>, vector<16xi32>], vector<16xf32>,
        %add3A_179 = arith.constant 80 : i32
        %add3A_180 = vector.broadcast %add3A_179 : i32 to vector<16xi32>
        %add3A_181 = arith.addi %and3A_81, %add3A_180 : vector<16xi32>
        %gather3A_182 = tpu.vector_load_idx %arg5[%add3A_154, %add3A_181] : memref<64x128xf32, #tpu.memory_space<vmem>>[vector<16xi32>, vector<16xi32>], vector<16xf32>,
        %add3A_183 = arith.constant 96 : i32
        %add3A_184 = vector.broadcast %add3A_183 : i32 to vector<16xi32>
        %add3A_185 = arith.addi %and3A_81, %add3A_184 : vector<16xi32>
        %gather3A_186 = tpu.vector_load_idx %arg5[%add3A_154, %add3A_185] : memref<64x128xf32, #tpu.memory_space<vmem>>[vector<16xi32>, vector<16xi32>], vector<16xf32>,
        %add3A_187 = arith.constant 112 : i32
        %add3A_188 = vector.broadcast %add3A_187 : i32 to vector<16xi32>
        %add3A_189 = arith.addi %and3A_81, %add3A_188 : vector<16xi32>
        %gather3A_190 = tpu.vector_load_idx %arg5[%add3A_154, %add3A_189] : memref<64x128xf32, #tpu.memory_space<vmem>>[vector<16xi32>, vector<16xi32>], vector<16xf32>,
        %add3A_191 = arith.constant 0 : i32
        %add3A_192 = vector.broadcast %add3A_191 : i32 to vector<16xi32>
        %add3A_193 = arith.addi %add3A_158, %add3A_192 : vector<16xi32>
        tpu.vector_store_idx %arg7[%add3A_193], %gather3A_162 : memref<8192xf32, #tpu.memory_space<vmem>>[vector<16xi32>], vector<16xf32>,
        %add3A_194 = arith.constant 1024 : i32
        %add3A_195 = vector.broadcast %add3A_194 : i32 to vector<16xi32>
        %add3A_196 = arith.addi %add3A_158, %add3A_195 : vector<16xi32>
        tpu.vector_store_idx %arg7[%add3A_196], %gather3A_166 : memref<8192xf32, #tpu.memory_space<vmem>>[vector<16xi32>], vector<16xf32>,
        %add3A_197 = arith.constant 2048 : i32
        %add3A_198 = vector.broadcast %add3A_197 : i32 to vector<16xi32>
        %add3A_199 = arith.addi %add3A_158, %add3A_198 : vector<16xi32>
        tpu.vector_store_idx %arg7[%add3A_199], %gather3A_170 : memref<8192xf32, #tpu.memory_space<vmem>>[vector<16xi32>], vector<16xf32>,
        %add3A_200 = arith.constant 3072 : i32
        %add3A_201 = vector.broadcast %add3A_200 : i32 to vector<16xi32>
        %add3A_202 = arith.addi %add3A_158, %add3A_201 : vector<16xi32>
        tpu.vector_store_idx %arg7[%add3A_202], %gather3A_174 : memref<8192xf32, #tpu.memory_space<vmem>>[vector<16xi32>], vector<16xf32>,
        %add3A_203 = arith.constant 4096 : i32
        %add3A_204 = vector.broadcast %add3A_203 : i32 to vector<16xi32>
        %add3A_205 = arith.addi %add3A_158, %add3A_204 : vector<16xi32>
        tpu.vector_store_idx %arg7[%add3A_205], %gather3A_178 : memref<8192xf32, #tpu.memory_space<vmem>>[vector<16xi32>], vector<16xf32>,
        %add3A_206 = arith.constant 5120 : i32
        %add3A_207 = vector.broadcast %add3A_206 : i32 to vector<16xi32>
        %add3A_208 = arith.addi %add3A_158, %add3A_207 : vector<16xi32>
        tpu.vector_store_idx %arg7[%add3A_208], %gather3A_182 : memref<8192xf32, #tpu.memory_space<vmem>>[vector<16xi32>], vector<16xf32>,
        %add3A_209 = arith.constant 6144 : i32
        %add3A_210 = vector.broadcast %add3A_209 : i32 to vector<16xi32>
        %add3A_211 = arith.addi %add3A_158, %add3A_210 : vector<16xi32>
        tpu.vector_store_idx %arg7[%add3A_211], %gather3A_186 : memref<8192xf32, #tpu.memory_space<vmem>>[vector<16xi32>], vector<16xf32>,
        %add3A_212 = arith.constant 7168 : i32
        %add3A_213 = vector.broadcast %add3A_212 : i32 to vector<16xi32>
        %add3A_214 = arith.addi %add3A_158, %add3A_213 : vector<16xi32>
        tpu.vector_store_idx %arg7[%add3A_214], %gather3A_190 : memref<8192xf32, #tpu.memory_space<vmem>>[vector<16xi32>], vector<16xf32>,
        %scan3A_215 = arith.constant 2 : i32
        %mul3A_216 = arith.constant 16 : i32
        %mul3A_217 = arith.muli %scan3A_215, %mul3A_216 : i32
        %add3A_218 = vector.broadcast %mul3A_217 : i32 to vector<16xi32>
        %add3A_219 = arith.addi %iota3A, %add3A_218 : vector<16xi32>
        %mul3A_220 = arith.constant 16 : i32
        %mul3A_221 = arith.muli %scan3A_215, %mul3A_220 : i32
        %add3A_222 = vector.broadcast %mul3A_221 : i32 to vector<16xi32>
        %add3A_223 = arith.addi %add3A_85, %add3A_222 : vector<16xi32>
        %add3A_224 = arith.constant 0 : i32
        %add3A_225 = vector.broadcast %add3A_224 : i32 to vector<16xi32>
        %add3A_226 = arith.addi %and3A_81, %add3A_225 : vector<16xi32>
        %gather3A_227 = tpu.vector_load_idx %arg5[%add3A_219, %add3A_226] : memref<64x128xf32, #tpu.memory_space<vmem>>[vector<16xi32>, vector<16xi32>], vector<16xf32>,
        %add3A_228 = arith.constant 16 : i32
        %add3A_229 = vector.broadcast %add3A_228 : i32 to vector<16xi32>
        %add3A_230 = arith.addi %and3A_81, %add3A_229 : vector<16xi32>
        %gather3A_231 = tpu.vector_load_idx %arg5[%add3A_219, %add3A_230] : memref<64x128xf32, #tpu.memory_space<vmem>>[vector<16xi32>, vector<16xi32>], vector<16xf32>,
        %add3A_232 = arith.constant 32 : i32
        %add3A_233 = vector.broadcast %add3A_232 : i32 to vector<16xi32>
        %add3A_234 = arith.addi %and3A_81, %add3A_233 : vector<16xi32>
        %gather3A_235 = tpu.vector_load_idx %arg5[%add3A_219, %add3A_234] : memref<64x128xf32, #tpu.memory_space<vmem>>[vector<16xi32>, vector<16xi32>], vector<16xf32>,
        %add3A_236 = arith.constant 48 : i32
        %add3A_237 = vector.broadcast %add3A_236 : i32 to vector<16xi32>
        %add3A_238 = arith.addi %and3A_81, %add3A_237 : vector<16xi32>
        %gather3A_239 = tpu.vector_load_idx %arg5[%add3A_219, %add3A_238] : memref<64x128xf32, #tpu.memory_space<vmem>>[vector<16xi32>, vector<16xi32>], vector<16xf32>,
        %add3A_240 = arith.constant 64 : i32
        %add3A_241 = vector.broadcast %add3A_240 : i32 to vector<16xi32>
        %add3A_242 = arith.addi %and3A_81, %add3A_241 : vector<16xi32>
        %gather3A_243 = tpu.vector_load_idx %arg5[%add3A_219, %add3A_242] : memref<64x128xf32, #tpu.memory_space<vmem>>[vector<16xi32>, vector<16xi32>], vector<16xf32>,
        %add3A_244 = arith.constant 80 : i32
        %add3A_245 = vector.broadcast %add3A_244 : i32 to vector<16xi32>
        %add3A_246 = arith.addi %and3A_81, %add3A_245 : vector<16xi32>
        %gather3A_247 = tpu.vector_load_idx %arg5[%add3A_219, %add3A_246] : memref<64x128xf32, #tpu.memory_space<vmem>>[vector<16xi32>, vector<16xi32>], vector<16xf32>,
        %add3A_248 = arith.constant 96 : i32
        %add3A_249 = vector.broadcast %add3A_248 : i32 to vector<16xi32>
        %add3A_250 = arith.addi %and3A_81, %add3A_249 : vector<16xi32>
        %gather3A_251 = tpu.vector_load_idx %arg5[%add3A_219, %add3A_250] : memref<64x128xf32, #tpu.memory_space<vmem>>[vector<16xi32>, vector<16xi32>], vector<16xf32>,
        %add3A_252 = arith.constant 112 : i32
        %add3A_253 = vector.broadcast %add3A_252 : i32 to vector<16xi32>
        %add3A_254 = arith.addi %and3A_81, %add3A_253 : vector<16xi32>
        %gather3A_255 = tpu.vector_load_idx %arg5[%add3A_219, %add3A_254] : memref<64x128xf32, #tpu.memory_space<vmem>>[vector<16xi32>, vector<16xi32>], vector<16xf32>,
        %add3A_256 = arith.constant 0 : i32
        %add3A_257 = vector.broadcast %add3A_256 : i32 to vector<16xi32>
        %add3A_258 = arith.addi %add3A_223, %add3A_257 : vector<16xi32>
        tpu.vector_store_idx %arg7[%add3A_258], %gather3A_227 : memref<8192xf32, #tpu.memory_space<vmem>>[vector<16xi32>], vector<16xf32>,
        %add3A_259 = arith.constant 1024 : i32
        %add3A_260 = vector.broadcast %add3A_259 : i32 to vector<16xi32>
        %add3A_261 = arith.addi %add3A_223, %add3A_260 : vector<16xi32>
        tpu.vector_store_idx %arg7[%add3A_261], %gather3A_231 : memref<8192xf32, #tpu.memory_space<vmem>>[vector<16xi32>], vector<16xf32>,
        %add3A_262 = arith.constant 2048 : i32
        %add3A_263 = vector.broadcast %add3A_262 : i32 to vector<16xi32>
        %add3A_264 = arith.addi %add3A_223, %add3A_263 : vector<16xi32>
        tpu.vector_store_idx %arg7[%add3A_264], %gather3A_235 : memref<8192xf32, #tpu.memory_space<vmem>>[vector<16xi32>], vector<16xf32>,
        %add3A_265 = arith.constant 3072 : i32
        %add3A_266 = vector.broadcast %add3A_265 : i32 to vector<16xi32>
        %add3A_267 = arith.addi %add3A_223, %add3A_266 : vector<16xi32>
        tpu.vector_store_idx %arg7[%add3A_267], %gather3A_239 : memref<8192xf32, #tpu.memory_space<vmem>>[vector<16xi32>], vector<16xf32>,
        %add3A_268 = arith.constant 4096 : i32
        %add3A_269 = vector.broadcast %add3A_268 : i32 to vector<16xi32>
        %add3A_270 = arith.addi %add3A_223, %add3A_269 : vector<16xi32>
        tpu.vector_store_idx %arg7[%add3A_270], %gather3A_243 : memref<8192xf32, #tpu.memory_space<vmem>>[vector<16xi32>], vector<16xf32>,
        %add3A_271 = arith.constant 5120 : i32
        %add3A_272 = vector.broadcast %add3A_271 : i32 to vector<16xi32>
        %add3A_273 = arith.addi %add3A_223, %add3A_272 : vector<16xi32>
        tpu.vector_store_idx %arg7[%add3A_273], %gather3A_247 : memref<8192xf32, #tpu.memory_space<vmem>>[vector<16xi32>], vector<16xf32>,
        %add3A_274 = arith.constant 6144 : i32
        %add3A_275 = vector.broadcast %add3A_274 : i32 to vector<16xi32>
        %add3A_276 = arith.addi %add3A_223, %add3A_275 : vector<16xi32>
        tpu.vector_store_idx %arg7[%add3A_276], %gather3A_251 : memref<8192xf32, #tpu.memory_space<vmem>>[vector<16xi32>], vector<16xf32>,
        %add3A_277 = arith.constant 7168 : i32
        %add3A_278 = vector.broadcast %add3A_277 : i32 to vector<16xi32>
        %add3A_279 = arith.addi %add3A_223, %add3A_278 : vector<16xi32>
        tpu.vector_store_idx %arg7[%add3A_279], %gather3A_255 : memref<8192xf32, #tpu.memory_space<vmem>>[vector<16xi32>], vector<16xf32>,
        %scan3A_280 = arith.constant 3 : i32
        %mul3A_281 = arith.constant 16 : i32
        %mul3A_282 = arith.muli %scan3A_280, %mul3A_281 : i32
        %add3A_283 = vector.broadcast %mul3A_282 : i32 to vector<16xi32>
        %add3A_284 = arith.addi %iota3A, %add3A_283 : vector<16xi32>
        %mul3A_285 = arith.constant 16 : i32
        %mul3A_286 = arith.muli %scan3A_280, %mul3A_285 : i32
        %add3A_287 = vector.broadcast %mul3A_286 : i32 to vector<16xi32>
        %add3A_288 = arith.addi %add3A_85, %add3A_287 : vector<16xi32>
        %add3A_289 = arith.constant 0 : i32
        %add3A_290 = vector.broadcast %add3A_289 : i32 to vector<16xi32>
        %add3A_291 = arith.addi %and3A_81, %add3A_290 : vector<16xi32>
        %gather3A_292 = tpu.vector_load_idx %arg5[%add3A_284, %add3A_291] : memref<64x128xf32, #tpu.memory_space<vmem>>[vector<16xi32>, vector<16xi32>], vector<16xf32>,
        %add3A_293 = arith.constant 16 : i32
        %add3A_294 = vector.broadcast %add3A_293 : i32 to vector<16xi32>
        %add3A_295 = arith.addi %and3A_81, %add3A_294 : vector<16xi32>
        %gather3A_296 = tpu.vector_load_idx %arg5[%add3A_284, %add3A_295] : memref<64x128xf32, #tpu.memory_space<vmem>>[vector<16xi32>, vector<16xi32>], vector<16xf32>,
        %add3A_297 = arith.constant 32 : i32
        %add3A_298 = vector.broadcast %add3A_297 : i32 to vector<16xi32>
        %add3A_299 = arith.addi %and3A_81, %add3A_298 : vector<16xi32>
        %gather3A_300 = tpu.vector_load_idx %arg5[%add3A_284, %add3A_299] : memref<64x128xf32, #tpu.memory_space<vmem>>[vector<16xi32>, vector<16xi32>], vector<16xf32>,
        %add3A_301 = arith.constant 48 : i32
        %add3A_302 = vector.broadcast %add3A_301 : i32 to vector<16xi32>
        %add3A_303 = arith.addi %and3A_81, %add3A_302 : vector<16xi32>
        %gather3A_304 = tpu.vector_load_idx %arg5[%add3A_284, %add3A_303] : memref<64x128xf32, #tpu.memory_space<vmem>>[vector<16xi32>, vector<16xi32>], vector<16xf32>,
        %add3A_305 = arith.constant 64 : i32
        %add3A_306 = vector.broadcast %add3A_305 : i32 to vector<16xi32>
        %add3A_307 = arith.addi %and3A_81, %add3A_306 : vector<16xi32>
        %gather3A_308 = tpu.vector_load_idx %arg5[%add3A_284, %add3A_307] : memref<64x128xf32, #tpu.memory_space<vmem>>[vector<16xi32>, vector<16xi32>], vector<16xf32>,
        %add3A_309 = arith.constant 80 : i32
        %add3A_310 = vector.broadcast %add3A_309 : i32 to vector<16xi32>
        %add3A_311 = arith.addi %and3A_81, %add3A_310 : vector<16xi32>
        %gather3A_312 = tpu.vector_load_idx %arg5[%add3A_284, %add3A_311] : memref<64x128xf32, #tpu.memory_space<vmem>>[vector<16xi32>, vector<16xi32>], vector<16xf32>,
        %add3A_313 = arith.constant 96 : i32
        %add3A_314 = vector.broadcast %add3A_313 : i32 to vector<16xi32>
        %add3A_315 = arith.addi %and3A_81, %add3A_314 : vector<16xi32>
        %gather3A_316 = tpu.vector_load_idx %arg5[%add3A_284, %add3A_315] : memref<64x128xf32, #tpu.memory_space<vmem>>[vector<16xi32>, vector<16xi32>], vector<16xf32>,
        %add3A_317 = arith.constant 112 : i32
        %add3A_318 = vector.broadcast %add3A_317 : i32 to vector<16xi32>
        %add3A_319 = arith.addi %and3A_81, %add3A_318 : vector<16xi32>
        %gather3A_320 = tpu.vector_load_idx %arg5[%add3A_284, %add3A_319] : memref<64x128xf32, #tpu.memory_space<vmem>>[vector<16xi32>, vector<16xi32>], vector<16xf32>,
        %add3A_321 = arith.constant 0 : i32
        %add3A_322 = vector.broadcast %add3A_321 : i32 to vector<16xi32>
        %add3A_323 = arith.addi %add3A_288, %add3A_322 : vector<16xi32>
        tpu.vector_store_idx %arg7[%add3A_323], %gather3A_292 : memref<8192xf32, #tpu.memory_space<vmem>>[vector<16xi32>], vector<16xf32>,
        %add3A_324 = arith.constant 1024 : i32
        %add3A_325 = vector.broadcast %add3A_324 : i32 to vector<16xi32>
        %add3A_326 = arith.addi %add3A_288, %add3A_325 : vector<16xi32>
        tpu.vector_store_idx %arg7[%add3A_326], %gather3A_296 : memref<8192xf32, #tpu.memory_space<vmem>>[vector<16xi32>], vector<16xf32>,
        %add3A_327 = arith.constant 2048 : i32
        %add3A_328 = vector.broadcast %add3A_327 : i32 to vector<16xi32>
        %add3A_329 = arith.addi %add3A_288, %add3A_328 : vector<16xi32>
        tpu.vector_store_idx %arg7[%add3A_329], %gather3A_300 : memref<8192xf32, #tpu.memory_space<vmem>>[vector<16xi32>], vector<16xf32>,
        %add3A_330 = arith.constant 3072 : i32
        %add3A_331 = vector.broadcast %add3A_330 : i32 to vector<16xi32>
        %add3A_332 = arith.addi %add3A_288, %add3A_331 : vector<16xi32>
        tpu.vector_store_idx %arg7[%add3A_332], %gather3A_304 : memref<8192xf32, #tpu.memory_space<vmem>>[vector<16xi32>], vector<16xf32>,
        %add3A_333 = arith.constant 4096 : i32
        %add3A_334 = vector.broadcast %add3A_333 : i32 to vector<16xi32>
        %add3A_335 = arith.addi %add3A_288, %add3A_334 : vector<16xi32>
        tpu.vector_store_idx %arg7[%add3A_335], %gather3A_308 : memref<8192xf32, #tpu.memory_space<vmem>>[vector<16xi32>], vector<16xf32>,
        %add3A_336 = arith.constant 5120 : i32
        %add3A_337 = vector.broadcast %add3A_336 : i32 to vector<16xi32>
        %add3A_338 = arith.addi %add3A_288, %add3A_337 : vector<16xi32>
        tpu.vector_store_idx %arg7[%add3A_338], %gather3A_312 : memref<8192xf32, #tpu.memory_space<vmem>>[vector<16xi32>], vector<16xf32>,
        %add3A_339 = arith.constant 6144 : i32
        %add3A_340 = vector.broadcast %add3A_339 : i32 to vector<16xi32>
        %add3A_341 = arith.addi %add3A_288, %add3A_340 : vector<16xi32>
        tpu.vector_store_idx %arg7[%add3A_341], %gather3A_316 : memref<8192xf32, #tpu.memory_space<vmem>>[vector<16xi32>], vector<16xf32>,
        %add3A_342 = arith.constant 7168 : i32
        %add3A_343 = vector.broadcast %add3A_342 : i32 to vector<16xi32>
        %add3A_344 = arith.addi %add3A_288, %add3A_343 : vector<16xi32>
        tpu.vector_store_idx %arg7[%add3A_344], %gather3A_320 : memref<8192xf32, #tpu.memory_space<vmem>>[vector<16xi32>], vector<16xf32>,
        %scan3A_345 = arith.constant 4 : i32
        %scan3A_346 = arith.constant 1 : i32
        %scan3A_347 = arith.addi %scan3A_77, %scan3A_346 : i32
        %add3A_348 = vector.broadcast %scan3A_347 : i32 to vector<16xi32>
        %add3A_349 = arith.addi %iota3A, %add3A_348 : vector<16xi32>
        %and3A_350 = arith.constant 15 : i32
        %and3A_351 = vector.broadcast %and3A_350 : i32 to vector<16xi32>
        %and3A_352 = arith.andi %add3A_349, %and3A_351 : vector<16xi32>
        %mul3A_353 = arith.constant 64 : i32
        %mul3A_354 = vector.broadcast %mul3A_353 : i32 to vector<16xi32>
        %mul3A_355 = arith.muli %and3A_352, %mul3A_354 : vector<16xi32>
        %add3A_356 = arith.addi %mul3A_355, %iota3A : vector<16xi32>
        %scan3A_357 = arith.constant 0 : i32
        %mul3A_358 = arith.constant 16 : i32
        %mul3A_359 = arith.muli %scan3A_357, %mul3A_358 : i32
        %add3A_360 = vector.broadcast %mul3A_359 : i32 to vector<16xi32>
        %add3A_361 = arith.addi %iota3A, %add3A_360 : vector<16xi32>
        %mul3A_362 = arith.constant 16 : i32
        %mul3A_363 = arith.muli %scan3A_357, %mul3A_362 : i32
        %add3A_364 = vector.broadcast %mul3A_363 : i32 to vector<16xi32>
        %add3A_365 = arith.addi %add3A_356, %add3A_364 : vector<16xi32>
        %add3A_366 = arith.constant 0 : i32
        %add3A_367 = vector.broadcast %add3A_366 : i32 to vector<16xi32>
        %add3A_368 = arith.addi %and3A_352, %add3A_367 : vector<16xi32>
        %gather3A_369 = tpu.vector_load_idx %arg5[%add3A_361, %add3A_368] : memref<64x128xf32, #tpu.memory_space<vmem>>[vector<16xi32>, vector<16xi32>], vector<16xf32>,
        %add3A_370 = arith.constant 16 : i32
        %add3A_371 = vector.broadcast %add3A_370 : i32 to vector<16xi32>
        %add3A_372 = arith.addi %and3A_352, %add3A_371 : vector<16xi32>
        %gather3A_373 = tpu.vector_load_idx %arg5[%add3A_361, %add3A_372] : memref<64x128xf32, #tpu.memory_space<vmem>>[vector<16xi32>, vector<16xi32>], vector<16xf32>,
        %add3A_374 = arith.constant 32 : i32
        %add3A_375 = vector.broadcast %add3A_374 : i32 to vector<16xi32>
        %add3A_376 = arith.addi %and3A_352, %add3A_375 : vector<16xi32>
        %gather3A_377 = tpu.vector_load_idx %arg5[%add3A_361, %add3A_376] : memref<64x128xf32, #tpu.memory_space<vmem>>[vector<16xi32>, vector<16xi32>], vector<16xf32>,
        %add3A_378 = arith.constant 48 : i32
        %add3A_379 = vector.broadcast %add3A_378 : i32 to vector<16xi32>
        %add3A_380 = arith.addi %and3A_352, %add3A_379 : vector<16xi32>
        %gather3A_381 = tpu.vector_load_idx %arg5[%add3A_361, %add3A_380] : memref<64x128xf32, #tpu.memory_space<vmem>>[vector<16xi32>, vector<16xi32>], vector<16xf32>,
        %add3A_382 = arith.constant 64 : i32
        %add3A_383 = vector.broadcast %add3A_382 : i32 to vector<16xi32>
        %add3A_384 = arith.addi %and3A_352, %add3A_383 : vector<16xi32>
        %gather3A_385 = tpu.vector_load_idx %arg5[%add3A_361, %add3A_384] : memref<64x128xf32, #tpu.memory_space<vmem>>[vector<16xi32>, vector<16xi32>], vector<16xf32>,
        %add3A_386 = arith.constant 80 : i32
        %add3A_387 = vector.broadcast %add3A_386 : i32 to vector<16xi32>
        %add3A_388 = arith.addi %and3A_352, %add3A_387 : vector<16xi32>
        %gather3A_389 = tpu.vector_load_idx %arg5[%add3A_361, %add3A_388] : memref<64x128xf32, #tpu.memory_space<vmem>>[vector<16xi32>, vector<16xi32>], vector<16xf32>,
        %add3A_390 = arith.constant 96 : i32
        %add3A_391 = vector.broadcast %add3A_390 : i32 to vector<16xi32>
        %add3A_392 = arith.addi %and3A_352, %add3A_391 : vector<16xi32>
        %gather3A_393 = tpu.vector_load_idx %arg5[%add3A_361, %add3A_392] : memref<64x128xf32, #tpu.memory_space<vmem>>[vector<16xi32>, vector<16xi32>], vector<16xf32>,
        %add3A_394 = arith.constant 112 : i32
        %add3A_395 = vector.broadcast %add3A_394 : i32 to vector<16xi32>
        %add3A_396 = arith.addi %and3A_352, %add3A_395 : vector<16xi32>
        %gather3A_397 = tpu.vector_load_idx %arg5[%add3A_361, %add3A_396] : memref<64x128xf32, #tpu.memory_space<vmem>>[vector<16xi32>, vector<16xi32>], vector<16xf32>,
        %add3A_398 = arith.constant 0 : i32
        %add3A_399 = vector.broadcast %add3A_398 : i32 to vector<16xi32>
        %add3A_400 = arith.addi %add3A_365, %add3A_399 : vector<16xi32>
        tpu.vector_store_idx %arg7[%add3A_400], %gather3A_369 : memref<8192xf32, #tpu.memory_space<vmem>>[vector<16xi32>], vector<16xf32>,
        %add3A_401 = arith.constant 1024 : i32
        %add3A_402 = vector.broadcast %add3A_401 : i32 to vector<16xi32>
        %add3A_403 = arith.addi %add3A_365, %add3A_402 : vector<16xi32>
        tpu.vector_store_idx %arg7[%add3A_403], %gather3A_373 : memref<8192xf32, #tpu.memory_space<vmem>>[vector<16xi32>], vector<16xf32>,
        %add3A_404 = arith.constant 2048 : i32
        %add3A_405 = vector.broadcast %add3A_404 : i32 to vector<16xi32>
        %add3A_406 = arith.addi %add3A_365, %add3A_405 : vector<16xi32>
        tpu.vector_store_idx %arg7[%add3A_406], %gather3A_377 : memref<8192xf32, #tpu.memory_space<vmem>>[vector<16xi32>], vector<16xf32>,
        %add3A_407 = arith.constant 3072 : i32
        %add3A_408 = vector.broadcast %add3A_407 : i32 to vector<16xi32>
        %add3A_409 = arith.addi %add3A_365, %add3A_408 : vector<16xi32>
        tpu.vector_store_idx %arg7[%add3A_409], %gather3A_381 : memref<8192xf32, #tpu.memory_space<vmem>>[vector<16xi32>], vector<16xf32>,
        %add3A_410 = arith.constant 4096 : i32
        %add3A_411 = vector.broadcast %add3A_410 : i32 to vector<16xi32>
        %add3A_412 = arith.addi %add3A_365, %add3A_411 : vector<16xi32>
        tpu.vector_store_idx %arg7[%add3A_412], %gather3A_385 : memref<8192xf32, #tpu.memory_space<vmem>>[vector<16xi32>], vector<16xf32>,
        %add3A_413 = arith.constant 5120 : i32
        %add3A_414 = vector.broadcast %add3A_413 : i32 to vector<16xi32>
        %add3A_415 = arith.addi %add3A_365, %add3A_414 : vector<16xi32>
        tpu.vector_store_idx %arg7[%add3A_415], %gather3A_389 : memref<8192xf32, #tpu.memory_space<vmem>>[vector<16xi32>], vector<16xf32>,
        %add3A_416 = arith.constant 6144 : i32
        %add3A_417 = vector.broadcast %add3A_416 : i32 to vector<16xi32>
        %add3A_418 = arith.addi %add3A_365, %add3A_417 : vector<16xi32>
        tpu.vector_store_idx %arg7[%add3A_418], %gather3A_393 : memref<8192xf32, #tpu.memory_space<vmem>>[vector<16xi32>], vector<16xf32>,
        %add3A_419 = arith.constant 7168 : i32
        %add3A_420 = vector.broadcast %add3A_419 : i32 to vector<16xi32>
        %add3A_421 = arith.addi %add3A_365, %add3A_420 : vector<16xi32>
        tpu.vector_store_idx %arg7[%add3A_421], %gather3A_397 : memref<8192xf32, #tpu.memory_space<vmem>>[vector<16xi32>], vector<16xf32>,
        %scan3A_422 = arith.constant 1 : i32
        %mul3A_423 = arith.constant 16 : i32
        %mul3A_424 = arith.muli %scan3A_422, %mul3A_423 : i32
        %add3A_425 = vector.broadcast %mul3A_424 : i32 to vector<16xi32>
        %add3A_426 = arith.addi %iota3A, %add3A_425 : vector<16xi32>
        %mul3A_427 = arith.constant 16 : i32
        %mul3A_428 = arith.muli %scan3A_422, %mul3A_427 : i32
        %add3A_429 = vector.broadcast %mul3A_428 : i32 to vector<16xi32>
        %add3A_430 = arith.addi %add3A_356, %add3A_429 : vector<16xi32>
        %add3A_431 = arith.constant 0 : i32
        %add3A_432 = vector.broadcast %add3A_431 : i32 to vector<16xi32>
        %add3A_433 = arith.addi %and3A_352, %add3A_432 : vector<16xi32>
        %gather3A_434 = tpu.vector_load_idx %arg5[%add3A_426, %add3A_433] : memref<64x128xf32, #tpu.memory_space<vmem>>[vector<16xi32>, vector<16xi32>], vector<16xf32>,
        %add3A_435 = arith.constant 16 : i32
        %add3A_436 = vector.broadcast %add3A_435 : i32 to vector<16xi32>
        %add3A_437 = arith.addi %and3A_352, %add3A_436 : vector<16xi32>
        %gather3A_438 = tpu.vector_load_idx %arg5[%add3A_426, %add3A_437] : memref<64x128xf32, #tpu.memory_space<vmem>>[vector<16xi32>, vector<16xi32>], vector<16xf32>,
        %add3A_439 = arith.constant 32 : i32
        %add3A_440 = vector.broadcast %add3A_439 : i32 to vector<16xi32>
        %add3A_441 = arith.addi %and3A_352, %add3A_440 : vector<16xi32>
        %gather3A_442 = tpu.vector_load_idx %arg5[%add3A_426, %add3A_441] : memref<64x128xf32, #tpu.memory_space<vmem>>[vector<16xi32>, vector<16xi32>], vector<16xf32>,
        %add3A_443 = arith.constant 48 : i32
        %add3A_444 = vector.broadcast %add3A_443 : i32 to vector<16xi32>
        %add3A_445 = arith.addi %and3A_352, %add3A_444 : vector<16xi32>
        %gather3A_446 = tpu.vector_load_idx %arg5[%add3A_426, %add3A_445] : memref<64x128xf32, #tpu.memory_space<vmem>>[vector<16xi32>, vector<16xi32>], vector<16xf32>,
        %add3A_447 = arith.constant 64 : i32
        %add3A_448 = vector.broadcast %add3A_447 : i32 to vector<16xi32>
        %add3A_449 = arith.addi %and3A_352, %add3A_448 : vector<16xi32>
        %gather3A_450 = tpu.vector_load_idx %arg5[%add3A_426, %add3A_449] : memref<64x128xf32, #tpu.memory_space<vmem>>[vector<16xi32>, vector<16xi32>], vector<16xf32>,
        %add3A_451 = arith.constant 80 : i32
        %add3A_452 = vector.broadcast %add3A_451 : i32 to vector<16xi32>
        %add3A_453 = arith.addi %and3A_352, %add3A_452 : vector<16xi32>
        %gather3A_454 = tpu.vector_load_idx %arg5[%add3A_426, %add3A_453] : memref<64x128xf32, #tpu.memory_space<vmem>>[vector<16xi32>, vector<16xi32>], vector<16xf32>,
        %add3A_455 = arith.constant 96 : i32
        %add3A_456 = vector.broadcast %add3A_455 : i32 to vector<16xi32>
        %add3A_457 = arith.addi %and3A_352, %add3A_456 : vector<16xi32>
        %gather3A_458 = tpu.vector_load_idx %arg5[%add3A_426, %add3A_457] : memref<64x128xf32, #tpu.memory_space<vmem>>[vector<16xi32>, vector<16xi32>], vector<16xf32>,
        %add3A_459 = arith.constant 112 : i32
        %add3A_460 = vector.broadcast %add3A_459 : i32 to vector<16xi32>
        %add3A_461 = arith.addi %and3A_352, %add3A_460 : vector<16xi32>
        %gather3A_462 = tpu.vector_load_idx %arg5[%add3A_426, %add3A_461] : memref<64x128xf32, #tpu.memory_space<vmem>>[vector<16xi32>, vector<16xi32>], vector<16xf32>,
        %add3A_463 = arith.constant 0 : i32
        %add3A_464 = vector.broadcast %add3A_463 : i32 to vector<16xi32>
        %add3A_465 = arith.addi %add3A_430, %add3A_464 : vector<16xi32>
        tpu.vector_store_idx %arg7[%add3A_465], %gather3A_434 : memref<8192xf32, #tpu.memory_space<vmem>>[vector<16xi32>], vector<16xf32>,
        %add3A_466 = arith.constant 1024 : i32
        %add3A_467 = vector.broadcast %add3A_466 : i32 to vector<16xi32>
        %add3A_468 = arith.addi %add3A_430, %add3A_467 : vector<16xi32>
        tpu.vector_store_idx %arg7[%add3A_468], %gather3A_438 : memref<8192xf32, #tpu.memory_space<vmem>>[vector<16xi32>], vector<16xf32>,
        %add3A_469 = arith.constant 2048 : i32
        %add3A_470 = vector.broadcast %add3A_469 : i32 to vector<16xi32>
        %add3A_471 = arith.addi %add3A_430, %add3A_470 : vector<16xi32>
        tpu.vector_store_idx %arg7[%add3A_471], %gather3A_442 : memref<8192xf32, #tpu.memory_space<vmem>>[vector<16xi32>], vector<16xf32>,
        %add3A_472 = arith.constant 3072 : i32
        %add3A_473 = vector.broadcast %add3A_472 : i32 to vector<16xi32>
        %add3A_474 = arith.addi %add3A_430, %add3A_473 : vector<16xi32>
        tpu.vector_store_idx %arg7[%add3A_474], %gather3A_446 : memref<8192xf32, #tpu.memory_space<vmem>>[vector<16xi32>], vector<16xf32>,
        %add3A_475 = arith.constant 4096 : i32
        %add3A_476 = vector.broadcast %add3A_475 : i32 to vector<16xi32>
        %add3A_477 = arith.addi %add3A_430, %add3A_476 : vector<16xi32>
        tpu.vector_store_idx %arg7[%add3A_477], %gather3A_450 : memref<8192xf32, #tpu.memory_space<vmem>>[vector<16xi32>], vector<16xf32>,
        %add3A_478 = arith.constant 5120 : i32
        %add3A_479 = vector.broadcast %add3A_478 : i32 to vector<16xi32>
        %add3A_480 = arith.addi %add3A_430, %add3A_479 : vector<16xi32>
        tpu.vector_store_idx %arg7[%add3A_480], %gather3A_454 : memref<8192xf32, #tpu.memory_space<vmem>>[vector<16xi32>], vector<16xf32>,
        %add3A_481 = arith.constant 6144 : i32
        %add3A_482 = vector.broadcast %add3A_481 : i32 to vector<16xi32>
        %add3A_483 = arith.addi %add3A_430, %add3A_482 : vector<16xi32>
        tpu.vector_store_idx %arg7[%add3A_483], %gather3A_458 : memref<8192xf32, #tpu.memory_space<vmem>>[vector<16xi32>], vector<16xf32>,
        %add3A_484 = arith.constant 7168 : i32
        %add3A_485 = vector.broadcast %add3A_484 : i32 to vector<16xi32>
        %add3A_486 = arith.addi %add3A_430, %add3A_485 : vector<16xi32>
        tpu.vector_store_idx %arg7[%add3A_486], %gather3A_462 : memref<8192xf32, #tpu.memory_space<vmem>>[vector<16xi32>], vector<16xf32>,
        %scan3A_487 = arith.constant 2 : i32
        %mul3A_488 = arith.constant 16 : i32
        %mul3A_489 = arith.muli %scan3A_487, %mul3A_488 : i32
        %add3A_490 = vector.broadcast %mul3A_489 : i32 to vector<16xi32>
        %add3A_491 = arith.addi %iota3A, %add3A_490 : vector<16xi32>
        %mul3A_492 = arith.constant 16 : i32
        %mul3A_493 = arith.muli %scan3A_487, %mul3A_492 : i32
        %add3A_494 = vector.broadcast %mul3A_493 : i32 to vector<16xi32>
        %add3A_495 = arith.addi %add3A_356, %add3A_494 : vector<16xi32>
        %add3A_496 = arith.constant 0 : i32
        %add3A_497 = vector.broadcast %add3A_496 : i32 to vector<16xi32>
        %add3A_498 = arith.addi %and3A_352, %add3A_497 : vector<16xi32>
        %gather3A_499 = tpu.vector_load_idx %arg5[%add3A_491, %add3A_498] : memref<64x128xf32, #tpu.memory_space<vmem>>[vector<16xi32>, vector<16xi32>], vector<16xf32>,
        %add3A_500 = arith.constant 16 : i32
        %add3A_501 = vector.broadcast %add3A_500 : i32 to vector<16xi32>
        %add3A_502 = arith.addi %and3A_352, %add3A_501 : vector<16xi32>
        %gather3A_503 = tpu.vector_load_idx %arg5[%add3A_491, %add3A_502] : memref<64x128xf32, #tpu.memory_space<vmem>>[vector<16xi32>, vector<16xi32>], vector<16xf32>,
        %add3A_504 = arith.constant 32 : i32
        %add3A_505 = vector.broadcast %add3A_504 : i32 to vector<16xi32>
        %add3A_506 = arith.addi %and3A_352, %add3A_505 : vector<16xi32>
        %gather3A_507 = tpu.vector_load_idx %arg5[%add3A_491, %add3A_506] : memref<64x128xf32, #tpu.memory_space<vmem>>[vector<16xi32>, vector<16xi32>], vector<16xf32>,
        %add3A_508 = arith.constant 48 : i32
        %add3A_509 = vector.broadcast %add3A_508 : i32 to vector<16xi32>
        %add3A_510 = arith.addi %and3A_352, %add3A_509 : vector<16xi32>
        %gather3A_511 = tpu.vector_load_idx %arg5[%add3A_491, %add3A_510] : memref<64x128xf32, #tpu.memory_space<vmem>>[vector<16xi32>, vector<16xi32>], vector<16xf32>,
        %add3A_512 = arith.constant 64 : i32
        %add3A_513 = vector.broadcast %add3A_512 : i32 to vector<16xi32>
        %add3A_514 = arith.addi %and3A_352, %add3A_513 : vector<16xi32>
        %gather3A_515 = tpu.vector_load_idx %arg5[%add3A_491, %add3A_514] : memref<64x128xf32, #tpu.memory_space<vmem>>[vector<16xi32>, vector<16xi32>], vector<16xf32>,
        %add3A_516 = arith.constant 80 : i32
        %add3A_517 = vector.broadcast %add3A_516 : i32 to vector<16xi32>
        %add3A_518 = arith.addi %and3A_352, %add3A_517 : vector<16xi32>
        %gather3A_519 = tpu.vector_load_idx %arg5[%add3A_491, %add3A_518] : memref<64x128xf32, #tpu.memory_space<vmem>>[vector<16xi32>, vector<16xi32>], vector<16xf32>,
        %add3A_520 = arith.constant 96 : i32
        %add3A_521 = vector.broadcast %add3A_520 : i32 to vector<16xi32>
        %add3A_522 = arith.addi %and3A_352, %add3A_521 : vector<16xi32>
        %gather3A_523 = tpu.vector_load_idx %arg5[%add3A_491, %add3A_522] : memref<64x128xf32, #tpu.memory_space<vmem>>[vector<16xi32>, vector<16xi32>], vector<16xf32>,
        %add3A_524 = arith.constant 112 : i32
        %add3A_525 = vector.broadcast %add3A_524 : i32 to vector<16xi32>
        %add3A_526 = arith.addi %and3A_352, %add3A_525 : vector<16xi32>
        %gather3A_527 = tpu.vector_load_idx %arg5[%add3A_491, %add3A_526] : memref<64x128xf32, #tpu.memory_space<vmem>>[vector<16xi32>, vector<16xi32>], vector<16xf32>,
        %add3A_528 = arith.constant 0 : i32
        %add3A_529 = vector.broadcast %add3A_528 : i32 to vector<16xi32>
        %add3A_530 = arith.addi %add3A_495, %add3A_529 : vector<16xi32>
        tpu.vector_store_idx %arg7[%add3A_530], %gather3A_499 : memref<8192xf32, #tpu.memory_space<vmem>>[vector<16xi32>], vector<16xf32>,
        %add3A_531 = arith.constant 1024 : i32
        %add3A_532 = vector.broadcast %add3A_531 : i32 to vector<16xi32>
        %add3A_533 = arith.addi %add3A_495, %add3A_532 : vector<16xi32>
        tpu.vector_store_idx %arg7[%add3A_533], %gather3A_503 : memref<8192xf32, #tpu.memory_space<vmem>>[vector<16xi32>], vector<16xf32>,
        %add3A_534 = arith.constant 2048 : i32
        %add3A_535 = vector.broadcast %add3A_534 : i32 to vector<16xi32>
        %add3A_536 = arith.addi %add3A_495, %add3A_535 : vector<16xi32>
        tpu.vector_store_idx %arg7[%add3A_536], %gather3A_507 : memref<8192xf32, #tpu.memory_space<vmem>>[vector<16xi32>], vector<16xf32>,
        %add3A_537 = arith.constant 3072 : i32
        %add3A_538 = vector.broadcast %add3A_537 : i32 to vector<16xi32>
        %add3A_539 = arith.addi %add3A_495, %add3A_538 : vector<16xi32>
        tpu.vector_store_idx %arg7[%add3A_539], %gather3A_511 : memref<8192xf32, #tpu.memory_space<vmem>>[vector<16xi32>], vector<16xf32>,
        %add3A_540 = arith.constant 4096 : i32
        %add3A_541 = vector.broadcast %add3A_540 : i32 to vector<16xi32>
        %add3A_542 = arith.addi %add3A_495, %add3A_541 : vector<16xi32>
        tpu.vector_store_idx %arg7[%add3A_542], %gather3A_515 : memref<8192xf32, #tpu.memory_space<vmem>>[vector<16xi32>], vector<16xf32>,
        %add3A_543 = arith.constant 5120 : i32
        %add3A_544 = vector.broadcast %add3A_543 : i32 to vector<16xi32>
        %add3A_545 = arith.addi %add3A_495, %add3A_544 : vector<16xi32>
        tpu.vector_store_idx %arg7[%add3A_545], %gather3A_519 : memref<8192xf32, #tpu.memory_space<vmem>>[vector<16xi32>], vector<16xf32>,
        %add3A_546 = arith.constant 6144 : i32
        %add3A_547 = vector.broadcast %add3A_546 : i32 to vector<16xi32>
        %add3A_548 = arith.addi %add3A_495, %add3A_547 : vector<16xi32>
        tpu.vector_store_idx %arg7[%add3A_548], %gather3A_523 : memref<8192xf32, #tpu.memory_space<vmem>>[vector<16xi32>], vector<16xf32>,
        %add3A_549 = arith.constant 7168 : i32
        %add3A_550 = vector.broadcast %add3A_549 : i32 to vector<16xi32>
        %add3A_551 = arith.addi %add3A_495, %add3A_550 : vector<16xi32>
        tpu.vector_store_idx %arg7[%add3A_551], %gather3A_527 : memref<8192xf32, #tpu.memory_space<vmem>>[vector<16xi32>], vector<16xf32>,
        %scan3A_552 = arith.constant 3 : i32
        %mul3A_553 = arith.constant 16 : i32
        %mul3A_554 = arith.muli %scan3A_552, %mul3A_553 : i32
        %add3A_555 = vector.broadcast %mul3A_554 : i32 to vector<16xi32>
        %add3A_556 = arith.addi %iota3A, %add3A_555 : vector<16xi32>
        %mul3A_557 = arith.constant 16 : i32
        %mul3A_558 = arith.muli %scan3A_552, %mul3A_557 : i32
        %add3A_559 = vector.broadcast %mul3A_558 : i32 to vector<16xi32>
        %add3A_560 = arith.addi %add3A_356, %add3A_559 : vector<16xi32>
        %add3A_561 = arith.constant 0 : i32
        %add3A_562 = vector.broadcast %add3A_561 : i32 to vector<16xi32>
        %add3A_563 = arith.addi %and3A_352, %add3A_562 : vector<16xi32>
        %gather3A_564 = tpu.vector_load_idx %arg5[%add3A_556, %add3A_563] : memref<64x128xf32, #tpu.memory_space<vmem>>[vector<16xi32>, vector<16xi32>], vector<16xf32>,
        %add3A_565 = arith.constant 16 : i32
        %add3A_566 = vector.broadcast %add3A_565 : i32 to vector<16xi32>
        %add3A_567 = arith.addi %and3A_352, %add3A_566 : vector<16xi32>
        %gather3A_568 = tpu.vector_load_idx %arg5[%add3A_556, %add3A_567] : memref<64x128xf32, #tpu.memory_space<vmem>>[vector<16xi32>, vector<16xi32>], vector<16xf32>,
        %add3A_569 = arith.constant 32 : i32
        %add3A_570 = vector.broadcast %add3A_569 : i32 to vector<16xi32>
        %add3A_571 = arith.addi %and3A_352, %add3A_570 : vector<16xi32>
        %gather3A_572 = tpu.vector_load_idx %arg5[%add3A_556, %add3A_571] : memref<64x128xf32, #tpu.memory_space<vmem>>[vector<16xi32>, vector<16xi32>], vector<16xf32>,
        %add3A_573 = arith.constant 48 : i32
        %add3A_574 = vector.broadcast %add3A_573 : i32 to vector<16xi32>
        %add3A_575 = arith.addi %and3A_352, %add3A_574 : vector<16xi32>
        %gather3A_576 = tpu.vector_load_idx %arg5[%add3A_556, %add3A_575] : memref<64x128xf32, #tpu.memory_space<vmem>>[vector<16xi32>, vector<16xi32>], vector<16xf32>,
        %add3A_577 = arith.constant 64 : i32
        %add3A_578 = vector.broadcast %add3A_577 : i32 to vector<16xi32>
        %add3A_579 = arith.addi %and3A_352, %add3A_578 : vector<16xi32>
        %gather3A_580 = tpu.vector_load_idx %arg5[%add3A_556, %add3A_579] : memref<64x128xf32, #tpu.memory_space<vmem>>[vector<16xi32>, vector<16xi32>], vector<16xf32>,
        %add3A_581 = arith.constant 80 : i32
        %add3A_582 = vector.broadcast %add3A_581 : i32 to vector<16xi32>
        %add3A_583 = arith.addi %and3A_352, %add3A_582 : vector<16xi32>
        %gather3A_584 = tpu.vector_load_idx %arg5[%add3A_556, %add3A_583] : memref<64x128xf32, #tpu.memory_space<vmem>>[vector<16xi32>, vector<16xi32>], vector<16xf32>,
        %add3A_585 = arith.constant 96 : i32
        %add3A_586 = vector.broadcast %add3A_585 : i32 to vector<16xi32>
        %add3A_587 = arith.addi %and3A_352, %add3A_586 : vector<16xi32>
        %gather3A_588 = tpu.vector_load_idx %arg5[%add3A_556, %add3A_587] : memref<64x128xf32, #tpu.memory_space<vmem>>[vector<16xi32>, vector<16xi32>], vector<16xf32>,
        %add3A_589 = arith.constant 112 : i32
        %add3A_590 = vector.broadcast %add3A_589 : i32 to vector<16xi32>
        %add3A_591 = arith.addi %and3A_352, %add3A_590 : vector<16xi32>
        %gather3A_592 = tpu.vector_load_idx %arg5[%add3A_556, %add3A_591] : memref<64x128xf32, #tpu.memory_space<vmem>>[vector<16xi32>, vector<16xi32>], vector<16xf32>,
        %add3A_593 = arith.constant 0 : i32
        %add3A_594 = vector.broadcast %add3A_593 : i32 to vector<16xi32>
        %add3A_595 = arith.addi %add3A_560, %add3A_594 : vector<16xi32>
        tpu.vector_store_idx %arg7[%add3A_595], %gather3A_564 : memref<8192xf32, #tpu.memory_space<vmem>>[vector<16xi32>], vector<16xf32>,
        %add3A_596 = arith.constant 1024 : i32
        %add3A_597 = vector.broadcast %add3A_596 : i32 to vector<16xi32>
        %add3A_598 = arith.addi %add3A_560, %add3A_597 : vector<16xi32>
        tpu.vector_store_idx %arg7[%add3A_598], %gather3A_568 : memref<8192xf32, #tpu.memory_space<vmem>>[vector<16xi32>], vector<16xf32>,
        %add3A_599 = arith.constant 2048 : i32
        %add3A_600 = vector.broadcast %add3A_599 : i32 to vector<16xi32>
        %add3A_601 = arith.addi %add3A_560, %add3A_600 : vector<16xi32>
        tpu.vector_store_idx %arg7[%add3A_601], %gather3A_572 : memref<8192xf32, #tpu.memory_space<vmem>>[vector<16xi32>], vector<16xf32>,
        %add3A_602 = arith.constant 3072 : i32
        %add3A_603 = vector.broadcast %add3A_602 : i32 to vector<16xi32>
        %add3A_604 = arith.addi %add3A_560, %add3A_603 : vector<16xi32>
        tpu.vector_store_idx %arg7[%add3A_604], %gather3A_576 : memref<8192xf32, #tpu.memory_space<vmem>>[vector<16xi32>], vector<16xf32>,
        %add3A_605 = arith.constant 4096 : i32
        %add3A_606 = vector.broadcast %add3A_605 : i32 to vector<16xi32>
        %add3A_607 = arith.addi %add3A_560, %add3A_606 : vector<16xi32>
        tpu.vector_store_idx %arg7[%add3A_607], %gather3A_580 : memref<8192xf32, #tpu.memory_space<vmem>>[vector<16xi32>], vector<16xf32>,
        %add3A_608 = arith.constant 5120 : i32
        %add3A_609 = vector.broadcast %add3A_608 : i32 to vector<16xi32>
        %add3A_610 = arith.addi %add3A_560, %add3A_609 : vector<16xi32>
        tpu.vector_store_idx %arg7[%add3A_610], %gather3A_584 : memref<8192xf32, #tpu.memory_space<vmem>>[vector<16xi32>], vector<16xf32>,
        %add3A_611 = arith.constant 6144 : i32
        %add3A_612 = vector.broadcast %add3A_611 : i32 to vector<16xi32>
        %add3A_613 = arith.addi %add3A_560, %add3A_612 : vector<16xi32>
        tpu.vector_store_idx %arg7[%add3A_613], %gather3A_588 : memref<8192xf32, #tpu.memory_space<vmem>>[vector<16xi32>], vector<16xf32>,
        %add3A_614 = arith.constant 7168 : i32
        %add3A_615 = vector.broadcast %add3A_614 : i32 to vector<16xi32>
        %add3A_616 = arith.addi %add3A_560, %add3A_615 : vector<16xi32>
        tpu.vector_store_idx %arg7[%add3A_616], %gather3A_592 : memref<8192xf32, #tpu.memory_space<vmem>>[vector<16xi32>], vector<16xf32>,
        %scan3A_617 = arith.constant 4 : i32
      }
      %scan3A_62 = arith.constant 16 : i32
      %mul3A_63 = arith.constant 32 : i32
      %mul3A_64 = arith.muli %mul3A_36, %mul3A_63 : i32
      %add3A_65 = arith.addi %add3A, %mul3A_64 : i32
      %mul3A_66 = arith.constant 128 : i32
      %mul3A_67 = arith.muli %add3A_65, %mul3A_66 : i32
      %mul3A_68 = arith.constant 64 : i32
      %mul3A_69 = arith.muli %mul3A_67, %mul3A_68 : i32
      %dma_start3A_70 = tpu.memref_slice %arg4[%mul3A_69] : memref<64000000xf32, #tpu.memory_space<hbm>> -> memref<8192xf32, #tpu.memory_space<hbm>>
      %dma_start3A_71 = tpu.memref_slice %arg4[%mul3A_69] : memref<64000000xf32, #tpu.memory_space<hbm>> -> memref<8192xf32, #tpu.memory_space<hbm>>
      tpu.enqueue_dma source(%arg7 : memref<8192xf32, #tpu.memory_space<vmem>>) target(%dma_start3A_71 : memref<8192xf32, #tpu.memory_space<hbm>>) target_semaphore(%arg11 : memref<!tpu.dma_semaphore, #tpu.memory_space<semaphore_mem>>)
      %lt3A_72 = arith.constant 244 : i32
      %lt3A_73 = arith.cmpi slt, %add3A_38, %lt3A_72 : i32
      %convert_element_type3A_74 = arith.extui %lt3A_73 : i1 to i32
      %cond3A_75 = arith.constant 0 : i32
      %cond3A_76 = arith.cmpi ne, %convert_element_type3A_74, %cond3A_75 : i32
      scf.if %cond3A_76 {
        %mul3A_77 = arith.constant 32 : i32
        %mul3A_78 = arith.muli %add3A_38, %mul3A_77 : i32
        %add3A_79 = arith.addi %add3A, %mul3A_78 : i32
        %mul3A_80 = arith.constant 128 : i32
        %mul3A_81 = arith.muli %add3A_79, %mul3A_80 : i32
        %dma_wait3A_82 = arith.constant 0 : i32
        %dma_wait3A_83 = tpu.memref_slice %arg2[%dma_wait3A_82, %mul3A_81] : memref<64x1000000xf32, #tpu.memory_space<hbm>> -> memref<64x128xf32, #tpu.memory_space<hbm>>
        %dma_wait3A_84 = arith.constant 0 : i32
        %dma_wait3A_85 = tpu.memref_slice %arg2[%dma_wait3A_84, %mul3A_81] : memref<64x1000000xf32, #tpu.memory_space<hbm>> -> memref<64x128xf32, #tpu.memory_space<hbm>>
        tpu.wait_dma2 semaphore(%arg10 : memref<!tpu.dma_semaphore, #tpu.memory_space<semaphore_mem>>) src(%dma_wait3A_85 : memref<64x128xf32, #tpu.memory_space<hbm>>) dst(%arg6 : memref<64x128xf32, #tpu.memory_space<vmem>>)
        %add3A_86 = arith.constant 2 : i32
        %add3A_87 = arith.addi %mul3A_36, %add3A_86 : i32
        %lt3A_88 = arith.constant 244 : i32
        %lt3A_89 = arith.cmpi slt, %add3A_87, %lt3A_88 : i32
        %convert_element_type3A_90 = arith.extui %lt3A_89 : i1 to i32
        %cond3A_91 = arith.constant 0 : i32
        %cond3A_92 = arith.cmpi ne, %convert_element_type3A_90, %cond3A_91 : i32
        scf.if %cond3A_92 {
          %add3A_114 = arith.constant 2 : i32
          %add3A_115 = arith.addi %mul3A_36, %add3A_114 : i32
          %mul3A_116 = arith.constant 32 : i32
          %mul3A_117 = arith.muli %add3A_115, %mul3A_116 : i32
          %add3A_118 = arith.addi %add3A, %mul3A_117 : i32
          %mul3A_119 = arith.constant 128 : i32
          %mul3A_120 = arith.muli %add3A_118, %mul3A_119 : i32
          %dma_start3A_121 = arith.constant 0 : i32
          %dma_start3A_122 = tpu.memref_slice %arg2[%dma_start3A_121, %mul3A_120] : memref<64x1000000xf32, #tpu.memory_space<hbm>> -> memref<64x128xf32, #tpu.memory_space<hbm>>
          %dma_start3A_123 = arith.constant 0 : i32
          %dma_start3A_124 = tpu.memref_slice %arg2[%dma_start3A_123, %mul3A_120] : memref<64x1000000xf32, #tpu.memory_space<hbm>> -> memref<64x128xf32, #tpu.memory_space<hbm>>
          tpu.enqueue_dma source(%dma_start3A_124 : memref<64x128xf32, #tpu.memory_space<hbm>>) target(%arg5 : memref<64x128xf32, #tpu.memory_space<vmem>>) target_semaphore(%arg9 : memref<!tpu.dma_semaphore, #tpu.memory_space<semaphore_mem>>)
        } else {
        }
        %gt3A_93 = arith.constant 0 : i32
        %gt3A_94 = arith.cmpi sgt, %scan3A_34, %gt3A_93 : i32
        %convert_element_type3A_95 = arith.extui %gt3A_94 : i1 to i32
        %cond3A_96 = arith.constant 0 : i32
        %cond3A_97 = arith.cmpi ne, %convert_element_type3A_95, %cond3A_96 : i32
        scf.if %cond3A_97 {
          %sub3A = arith.constant 2 : i32
          %sub3A_114 = arith.subi %add3A_38, %sub3A : i32
          %mul3A_115 = arith.constant 32 : i32
          %mul3A_116 = arith.muli %sub3A_114, %mul3A_115 : i32
          %add3A_117 = arith.addi %add3A, %mul3A_116 : i32
          %mul3A_118 = arith.constant 128 : i32
          %mul3A_119 = arith.muli %add3A_117, %mul3A_118 : i32
          %mul3A_120 = arith.constant 64 : i32
          %mul3A_121 = arith.muli %mul3A_119, %mul3A_120 : i32
          %dma_wait3A_122 = tpu.memref_slice %arg4[%mul3A_121] : memref<64000000xf32, #tpu.memory_space<hbm>> -> memref<8192xf32, #tpu.memory_space<hbm>>
          %dma_wait3A_123 = tpu.memref_slice %arg4[%mul3A_121] : memref<64000000xf32, #tpu.memory_space<hbm>> -> memref<8192xf32, #tpu.memory_space<hbm>>
          tpu.wait_dma2 semaphore(%arg12 : memref<!tpu.dma_semaphore, #tpu.memory_space<semaphore_mem>>) src(%arg8 : memref<8192xf32, #tpu.memory_space<vmem>>) dst(%dma_wait3A_123 : memref<8192xf32, #tpu.memory_space<hbm>>)
        } else {
        }
        %iota3A_98 = tpu.iota {dimensions = array<i32: 0>} : vector<16xi32>
        %scan3A_99 = arith.constant 0 : i32
        %scan3A_100 = arith.constant 0 : i32
        %scan3A_101 = arith.constant 16 : i32
        %scan3A_102 = arith.addi %scan3A_100, %scan3A_101 : i32
        %scan3A_103 = arith.constant 2 : i32
        scf.for %scan3A_114 = %scan3A_100 to %scan3A_102 step %scan3A_103  : i32 {
          %add3A_115 = vector.broadcast %scan3A_114 : i32 to vector<16xi32>
          %add3A_116 = arith.addi %iota3A_98, %add3A_115 : vector<16xi32>
          %and3A = arith.constant 15 : i32
          %and3A_117 = vector.broadcast %and3A : i32 to vector<16xi32>
          %and3A_118 = arith.andi %add3A_116, %and3A_117 : vector<16xi32>
          %mul3A_119 = arith.constant 64 : i32
          %mul3A_120 = vector.broadcast %mul3A_119 : i32 to vector<16xi32>
          %mul3A_121 = arith.muli %and3A_118, %mul3A_120 : vector<16xi32>
          %add3A_122 = arith.addi %mul3A_121, %iota3A_98 : vector<16xi32>
          %scan3A_123 = arith.constant 0 : i32
          %mul3A_124 = arith.constant 16 : i32
          %mul3A_125 = arith.muli %scan3A_123, %mul3A_124 : i32
          %add3A_126 = vector.broadcast %mul3A_125 : i32 to vector<16xi32>
          %add3A_127 = arith.addi %iota3A_98, %add3A_126 : vector<16xi32>
          %mul3A_128 = arith.constant 16 : i32
          %mul3A_129 = arith.muli %scan3A_123, %mul3A_128 : i32
          %add3A_130 = vector.broadcast %mul3A_129 : i32 to vector<16xi32>
          %add3A_131 = arith.addi %add3A_122, %add3A_130 : vector<16xi32>
          %add3A_132 = arith.constant 0 : i32
          %add3A_133 = vector.broadcast %add3A_132 : i32 to vector<16xi32>
          %add3A_134 = arith.addi %and3A_118, %add3A_133 : vector<16xi32>
          %gather3A = tpu.vector_load_idx %arg6[%add3A_127, %add3A_134] : memref<64x128xf32, #tpu.memory_space<vmem>>[vector<16xi32>, vector<16xi32>], vector<16xf32>,
          %add3A_135 = arith.constant 16 : i32
          %add3A_136 = vector.broadcast %add3A_135 : i32 to vector<16xi32>
          %add3A_137 = arith.addi %and3A_118, %add3A_136 : vector<16xi32>
          %gather3A_138 = tpu.vector_load_idx %arg6[%add3A_127, %add3A_137] : memref<64x128xf32, #tpu.memory_space<vmem>>[vector<16xi32>, vector<16xi32>], vector<16xf32>,
          %add3A_139 = arith.constant 32 : i32
          %add3A_140 = vector.broadcast %add3A_139 : i32 to vector<16xi32>
          %add3A_141 = arith.addi %and3A_118, %add3A_140 : vector<16xi32>
          %gather3A_142 = tpu.vector_load_idx %arg6[%add3A_127, %add3A_141] : memref<64x128xf32, #tpu.memory_space<vmem>>[vector<16xi32>, vector<16xi32>], vector<16xf32>,
          %add3A_143 = arith.constant 48 : i32
          %add3A_144 = vector.broadcast %add3A_143 : i32 to vector<16xi32>
          %add3A_145 = arith.addi %and3A_118, %add3A_144 : vector<16xi32>
          %gather3A_146 = tpu.vector_load_idx %arg6[%add3A_127, %add3A_145] : memref<64x128xf32, #tpu.memory_space<vmem>>[vector<16xi32>, vector<16xi32>], vector<16xf32>,
          %add3A_147 = arith.constant 64 : i32
          %add3A_148 = vector.broadcast %add3A_147 : i32 to vector<16xi32>
          %add3A_149 = arith.addi %and3A_118, %add3A_148 : vector<16xi32>
          %gather3A_150 = tpu.vector_load_idx %arg6[%add3A_127, %add3A_149] : memref<64x128xf32, #tpu.memory_space<vmem>>[vector<16xi32>, vector<16xi32>], vector<16xf32>,
          %add3A_151 = arith.constant 80 : i32
          %add3A_152 = vector.broadcast %add3A_151 : i32 to vector<16xi32>
          %add3A_153 = arith.addi %and3A_118, %add3A_152 : vector<16xi32>
          %gather3A_154 = tpu.vector_load_idx %arg6[%add3A_127, %add3A_153] : memref<64x128xf32, #tpu.memory_space<vmem>>[vector<16xi32>, vector<16xi32>], vector<16xf32>,
          %add3A_155 = arith.constant 96 : i32
          %add3A_156 = vector.broadcast %add3A_155 : i32 to vector<16xi32>
          %add3A_157 = arith.addi %and3A_118, %add3A_156 : vector<16xi32>
          %gather3A_158 = tpu.vector_load_idx %arg6[%add3A_127, %add3A_157] : memref<64x128xf32, #tpu.memory_space<vmem>>[vector<16xi32>, vector<16xi32>], vector<16xf32>,
          %add3A_159 = arith.constant 112 : i32
          %add3A_160 = vector.broadcast %add3A_159 : i32 to vector<16xi32>
          %add3A_161 = arith.addi %and3A_118, %add3A_160 : vector<16xi32>
          %gather3A_162 = tpu.vector_load_idx %arg6[%add3A_127, %add3A_161] : memref<64x128xf32, #tpu.memory_space<vmem>>[vector<16xi32>, vector<16xi32>], vector<16xf32>,
          %add3A_163 = arith.constant 0 : i32
          %add3A_164 = vector.broadcast %add3A_163 : i32 to vector<16xi32>
          %add3A_165 = arith.addi %add3A_131, %add3A_164 : vector<16xi32>
          tpu.vector_store_idx %arg8[%add3A_165], %gather3A : memref<8192xf32, #tpu.memory_space<vmem>>[vector<16xi32>], vector<16xf32>,
          %add3A_166 = arith.constant 1024 : i32
          %add3A_167 = vector.broadcast %add3A_166 : i32 to vector<16xi32>
          %add3A_168 = arith.addi %add3A_131, %add3A_167 : vector<16xi32>
          tpu.vector_store_idx %arg8[%add3A_168], %gather3A_138 : memref<8192xf32, #tpu.memory_space<vmem>>[vector<16xi32>], vector<16xf32>,
          %add3A_169 = arith.constant 2048 : i32
          %add3A_170 = vector.broadcast %add3A_169 : i32 to vector<16xi32>
          %add3A_171 = arith.addi %add3A_131, %add3A_170 : vector<16xi32>
          tpu.vector_store_idx %arg8[%add3A_171], %gather3A_142 : memref<8192xf32, #tpu.memory_space<vmem>>[vector<16xi32>], vector<16xf32>,
          %add3A_172 = arith.constant 3072 : i32
          %add3A_173 = vector.broadcast %add3A_172 : i32 to vector<16xi32>
          %add3A_174 = arith.addi %add3A_131, %add3A_173 : vector<16xi32>
          tpu.vector_store_idx %arg8[%add3A_174], %gather3A_146 : memref<8192xf32, #tpu.memory_space<vmem>>[vector<16xi32>], vector<16xf32>,
          %add3A_175 = arith.constant 4096 : i32
          %add3A_176 = vector.broadcast %add3A_175 : i32 to vector<16xi32>
          %add3A_177 = arith.addi %add3A_131, %add3A_176 : vector<16xi32>
          tpu.vector_store_idx %arg8[%add3A_177], %gather3A_150 : memref<8192xf32, #tpu.memory_space<vmem>>[vector<16xi32>], vector<16xf32>,
          %add3A_178 = arith.constant 5120 : i32
          %add3A_179 = vector.broadcast %add3A_178 : i32 to vector<16xi32>
          %add3A_180 = arith.addi %add3A_131, %add3A_179 : vector<16xi32>
          tpu.vector_store_idx %arg8[%add3A_180], %gather3A_154 : memref<8192xf32, #tpu.memory_space<vmem>>[vector<16xi32>], vector<16xf32>,
          %add3A_181 = arith.constant 6144 : i32
          %add3A_182 = vector.broadcast %add3A_181 : i32 to vector<16xi32>
          %add3A_183 = arith.addi %add3A_131, %add3A_182 : vector<16xi32>
          tpu.vector_store_idx %arg8[%add3A_183], %gather3A_158 : memref<8192xf32, #tpu.memory_space<vmem>>[vector<16xi32>], vector<16xf32>,
          %add3A_184 = arith.constant 7168 : i32
          %add3A_185 = vector.broadcast %add3A_184 : i32 to vector<16xi32>
          %add3A_186 = arith.addi %add3A_131, %add3A_185 : vector<16xi32>
          tpu.vector_store_idx %arg8[%add3A_186], %gather3A_162 : memref<8192xf32, #tpu.memory_space<vmem>>[vector<16xi32>], vector<16xf32>,
          %scan3A_187 = arith.constant 1 : i32
          %mul3A_188 = arith.constant 16 : i32
          %mul3A_189 = arith.muli %scan3A_187, %mul3A_188 : i32
          %add3A_190 = vector.broadcast %mul3A_189 : i32 to vector<16xi32>
          %add3A_191 = arith.addi %iota3A_98, %add3A_190 : vector<16xi32>
          %mul3A_192 = arith.constant 16 : i32
          %mul3A_193 = arith.muli %scan3A_187, %mul3A_192 : i32
          %add3A_194 = vector.broadcast %mul3A_193 : i32 to vector<16xi32>
          %add3A_195 = arith.addi %add3A_122, %add3A_194 : vector<16xi32>
          %add3A_196 = arith.constant 0 : i32
          %add3A_197 = vector.broadcast %add3A_196 : i32 to vector<16xi32>
          %add3A_198 = arith.addi %and3A_118, %add3A_197 : vector<16xi32>
          %gather3A_199 = tpu.vector_load_idx %arg6[%add3A_191, %add3A_198] : memref<64x128xf32, #tpu.memory_space<vmem>>[vector<16xi32>, vector<16xi32>], vector<16xf32>,
          %add3A_200 = arith.constant 16 : i32
          %add3A_201 = vector.broadcast %add3A_200 : i32 to vector<16xi32>
          %add3A_202 = arith.addi %and3A_118, %add3A_201 : vector<16xi32>
          %gather3A_203 = tpu.vector_load_idx %arg6[%add3A_191, %add3A_202] : memref<64x128xf32, #tpu.memory_space<vmem>>[vector<16xi32>, vector<16xi32>], vector<16xf32>,
          %add3A_204 = arith.constant 32 : i32
          %add3A_205 = vector.broadcast %add3A_204 : i32 to vector<16xi32>
          %add3A_206 = arith.addi %and3A_118, %add3A_205 : vector<16xi32>
          %gather3A_207 = tpu.vector_load_idx %arg6[%add3A_191, %add3A_206] : memref<64x128xf32, #tpu.memory_space<vmem>>[vector<16xi32>, vector<16xi32>], vector<16xf32>,
          %add3A_208 = arith.constant 48 : i32
          %add3A_209 = vector.broadcast %add3A_208 : i32 to vector<16xi32>
          %add3A_210 = arith.addi %and3A_118, %add3A_209 : vector<16xi32>
          %gather3A_211 = tpu.vector_load_idx %arg6[%add3A_191, %add3A_210] : memref<64x128xf32, #tpu.memory_space<vmem>>[vector<16xi32>, vector<16xi32>], vector<16xf32>,
          %add3A_212 = arith.constant 64 : i32
          %add3A_213 = vector.broadcast %add3A_212 : i32 to vector<16xi32>
          %add3A_214 = arith.addi %and3A_118, %add3A_213 : vector<16xi32>
          %gather3A_215 = tpu.vector_load_idx %arg6[%add3A_191, %add3A_214] : memref<64x128xf32, #tpu.memory_space<vmem>>[vector<16xi32>, vector<16xi32>], vector<16xf32>,
          %add3A_216 = arith.constant 80 : i32
          %add3A_217 = vector.broadcast %add3A_216 : i32 to vector<16xi32>
          %add3A_218 = arith.addi %and3A_118, %add3A_217 : vector<16xi32>
          %gather3A_219 = tpu.vector_load_idx %arg6[%add3A_191, %add3A_218] : memref<64x128xf32, #tpu.memory_space<vmem>>[vector<16xi32>, vector<16xi32>], vector<16xf32>,
          %add3A_220 = arith.constant 96 : i32
          %add3A_221 = vector.broadcast %add3A_220 : i32 to vector<16xi32>
          %add3A_222 = arith.addi %and3A_118, %add3A_221 : vector<16xi32>
          %gather3A_223 = tpu.vector_load_idx %arg6[%add3A_191, %add3A_222] : memref<64x128xf32, #tpu.memory_space<vmem>>[vector<16xi32>, vector<16xi32>], vector<16xf32>,
          %add3A_224 = arith.constant 112 : i32
          %add3A_225 = vector.broadcast %add3A_224 : i32 to vector<16xi32>
          %add3A_226 = arith.addi %and3A_118, %add3A_225 : vector<16xi32>
          %gather3A_227 = tpu.vector_load_idx %arg6[%add3A_191, %add3A_226] : memref<64x128xf32, #tpu.memory_space<vmem>>[vector<16xi32>, vector<16xi32>], vector<16xf32>,
          %add3A_228 = arith.constant 0 : i32
          %add3A_229 = vector.broadcast %add3A_228 : i32 to vector<16xi32>
          %add3A_230 = arith.addi %add3A_195, %add3A_229 : vector<16xi32>
          tpu.vector_store_idx %arg8[%add3A_230], %gather3A_199 : memref<8192xf32, #tpu.memory_space<vmem>>[vector<16xi32>], vector<16xf32>,
          %add3A_231 = arith.constant 1024 : i32
          %add3A_232 = vector.broadcast %add3A_231 : i32 to vector<16xi32>
          %add3A_233 = arith.addi %add3A_195, %add3A_232 : vector<16xi32>
          tpu.vector_store_idx %arg8[%add3A_233], %gather3A_203 : memref<8192xf32, #tpu.memory_space<vmem>>[vector<16xi32>], vector<16xf32>,
          %add3A_234 = arith.constant 2048 : i32
          %add3A_235 = vector.broadcast %add3A_234 : i32 to vector<16xi32>
          %add3A_236 = arith.addi %add3A_195, %add3A_235 : vector<16xi32>
          tpu.vector_store_idx %arg8[%add3A_236], %gather3A_207 : memref<8192xf32, #tpu.memory_space<vmem>>[vector<16xi32>], vector<16xf32>,
          %add3A_237 = arith.constant 3072 : i32
          %add3A_238 = vector.broadcast %add3A_237 : i32 to vector<16xi32>
          %add3A_239 = arith.addi %add3A_195, %add3A_238 : vector<16xi32>
          tpu.vector_store_idx %arg8[%add3A_239], %gather3A_211 : memref<8192xf32, #tpu.memory_space<vmem>>[vector<16xi32>], vector<16xf32>,
          %add3A_240 = arith.constant 4096 : i32
          %add3A_241 = vector.broadcast %add3A_240 : i32 to vector<16xi32>
          %add3A_242 = arith.addi %add3A_195, %add3A_241 : vector<16xi32>
          tpu.vector_store_idx %arg8[%add3A_242], %gather3A_215 : memref<8192xf32, #tpu.memory_space<vmem>>[vector<16xi32>], vector<16xf32>,
          %add3A_243 = arith.constant 5120 : i32
          %add3A_244 = vector.broadcast %add3A_243 : i32 to vector<16xi32>
          %add3A_245 = arith.addi %add3A_195, %add3A_244 : vector<16xi32>
          tpu.vector_store_idx %arg8[%add3A_245], %gather3A_219 : memref<8192xf32, #tpu.memory_space<vmem>>[vector<16xi32>], vector<16xf32>,
          %add3A_246 = arith.constant 6144 : i32
          %add3A_247 = vector.broadcast %add3A_246 : i32 to vector<16xi32>
          %add3A_248 = arith.addi %add3A_195, %add3A_247 : vector<16xi32>
          tpu.vector_store_idx %arg8[%add3A_248], %gather3A_223 : memref<8192xf32, #tpu.memory_space<vmem>>[vector<16xi32>], vector<16xf32>,
          %add3A_249 = arith.constant 7168 : i32
          %add3A_250 = vector.broadcast %add3A_249 : i32 to vector<16xi32>
          %add3A_251 = arith.addi %add3A_195, %add3A_250 : vector<16xi32>
          tpu.vector_store_idx %arg8[%add3A_251], %gather3A_227 : memref<8192xf32, #tpu.memory_space<vmem>>[vector<16xi32>], vector<16xf32>,
          %scan3A_252 = arith.constant 2 : i32
          %mul3A_253 = arith.constant 16 : i32
          %mul3A_254 = arith.muli %scan3A_252, %mul3A_253 : i32
          %add3A_255 = vector.broadcast %mul3A_254 : i32 to vector<16xi32>
          %add3A_256 = arith.addi %iota3A_98, %add3A_255 : vector<16xi32>
          %mul3A_257 = arith.constant 16 : i32
          %mul3A_258 = arith.muli %scan3A_252, %mul3A_257 : i32
          %add3A_259 = vector.broadcast %mul3A_258 : i32 to vector<16xi32>
          %add3A_260 = arith.addi %add3A_122, %add3A_259 : vector<16xi32>
          %add3A_261 = arith.constant 0 : i32
          %add3A_262 = vector.broadcast %add3A_261 : i32 to vector<16xi32>
          %add3A_263 = arith.addi %and3A_118, %add3A_262 : vector<16xi32>
          %gather3A_264 = tpu.vector_load_idx %arg6[%add3A_256, %add3A_263] : memref<64x128xf32, #tpu.memory_space<vmem>>[vector<16xi32>, vector<16xi32>], vector<16xf32>,
          %add3A_265 = arith.constant 16 : i32
          %add3A_266 = vector.broadcast %add3A_265 : i32 to vector<16xi32>
          %add3A_267 = arith.addi %and3A_118, %add3A_266 : vector<16xi32>
          %gather3A_268 = tpu.vector_load_idx %arg6[%add3A_256, %add3A_267] : memref<64x128xf32, #tpu.memory_space<vmem>>[vector<16xi32>, vector<16xi32>], vector<16xf32>,
          %add3A_269 = arith.constant 32 : i32
          %add3A_270 = vector.broadcast %add3A_269 : i32 to vector<16xi32>
          %add3A_271 = arith.addi %and3A_118, %add3A_270 : vector<16xi32>
          %gather3A_272 = tpu.vector_load_idx %arg6[%add3A_256, %add3A_271] : memref<64x128xf32, #tpu.memory_space<vmem>>[vector<16xi32>, vector<16xi32>], vector<16xf32>,
          %add3A_273 = arith.constant 48 : i32
          %add3A_274 = vector.broadcast %add3A_273 : i32 to vector<16xi32>
          %add3A_275 = arith.addi %and3A_118, %add3A_274 : vector<16xi32>
          %gather3A_276 = tpu.vector_load_idx %arg6[%add3A_256, %add3A_275] : memref<64x128xf32, #tpu.memory_space<vmem>>[vector<16xi32>, vector<16xi32>], vector<16xf32>,
          %add3A_277 = arith.constant 64 : i32
          %add3A_278 = vector.broadcast %add3A_277 : i32 to vector<16xi32>
          %add3A_279 = arith.addi %and3A_118, %add3A_278 : vector<16xi32>
          %gather3A_280 = tpu.vector_load_idx %arg6[%add3A_256, %add3A_279] : memref<64x128xf32, #tpu.memory_space<vmem>>[vector<16xi32>, vector<16xi32>], vector<16xf32>,
          %add3A_281 = arith.constant 80 : i32
          %add3A_282 = vector.broadcast %add3A_281 : i32 to vector<16xi32>
          %add3A_283 = arith.addi %and3A_118, %add3A_282 : vector<16xi32>
          %gather3A_284 = tpu.vector_load_idx %arg6[%add3A_256, %add3A_283] : memref<64x128xf32, #tpu.memory_space<vmem>>[vector<16xi32>, vector<16xi32>], vector<16xf32>,
          %add3A_285 = arith.constant 96 : i32
          %add3A_286 = vector.broadcast %add3A_285 : i32 to vector<16xi32>
          %add3A_287 = arith.addi %and3A_118, %add3A_286 : vector<16xi32>
          %gather3A_288 = tpu.vector_load_idx %arg6[%add3A_256, %add3A_287] : memref<64x128xf32, #tpu.memory_space<vmem>>[vector<16xi32>, vector<16xi32>], vector<16xf32>,
          %add3A_289 = arith.constant 112 : i32
          %add3A_290 = vector.broadcast %add3A_289 : i32 to vector<16xi32>
          %add3A_291 = arith.addi %and3A_118, %add3A_290 : vector<16xi32>
          %gather3A_292 = tpu.vector_load_idx %arg6[%add3A_256, %add3A_291] : memref<64x128xf32, #tpu.memory_space<vmem>>[vector<16xi32>, vector<16xi32>], vector<16xf32>,
          %add3A_293 = arith.constant 0 : i32
          %add3A_294 = vector.broadcast %add3A_293 : i32 to vector<16xi32>
          %add3A_295 = arith.addi %add3A_260, %add3A_294 : vector<16xi32>
          tpu.vector_store_idx %arg8[%add3A_295], %gather3A_264 : memref<8192xf32, #tpu.memory_space<vmem>>[vector<16xi32>], vector<16xf32>,
          %add3A_296 = arith.constant 1024 : i32
          %add3A_297 = vector.broadcast %add3A_296 : i32 to vector<16xi32>
          %add3A_298 = arith.addi %add3A_260, %add3A_297 : vector<16xi32>
          tpu.vector_store_idx %arg8[%add3A_298], %gather3A_268 : memref<8192xf32, #tpu.memory_space<vmem>>[vector<16xi32>], vector<16xf32>,
          %add3A_299 = arith.constant 2048 : i32
          %add3A_300 = vector.broadcast %add3A_299 : i32 to vector<16xi32>
          %add3A_301 = arith.addi %add3A_260, %add3A_300 : vector<16xi32>
          tpu.vector_store_idx %arg8[%add3A_301], %gather3A_272 : memref<8192xf32, #tpu.memory_space<vmem>>[vector<16xi32>], vector<16xf32>,
          %add3A_302 = arith.constant 3072 : i32
          %add3A_303 = vector.broadcast %add3A_302 : i32 to vector<16xi32>
          %add3A_304 = arith.addi %add3A_260, %add3A_303 : vector<16xi32>
          tpu.vector_store_idx %arg8[%add3A_304], %gather3A_276 : memref<8192xf32, #tpu.memory_space<vmem>>[vector<16xi32>], vector<16xf32>,
          %add3A_305 = arith.constant 4096 : i32
          %add3A_306 = vector.broadcast %add3A_305 : i32 to vector<16xi32>
          %add3A_307 = arith.addi %add3A_260, %add3A_306 : vector<16xi32>
          tpu.vector_store_idx %arg8[%add3A_307], %gather3A_280 : memref<8192xf32, #tpu.memory_space<vmem>>[vector<16xi32>], vector<16xf32>,
          %add3A_308 = arith.constant 5120 : i32
          %add3A_309 = vector.broadcast %add3A_308 : i32 to vector<16xi32>
          %add3A_310 = arith.addi %add3A_260, %add3A_309 : vector<16xi32>
          tpu.vector_store_idx %arg8[%add3A_310], %gather3A_284 : memref<8192xf32, #tpu.memory_space<vmem>>[vector<16xi32>], vector<16xf32>,
          %add3A_311 = arith.constant 6144 : i32
          %add3A_312 = vector.broadcast %add3A_311 : i32 to vector<16xi32>
          %add3A_313 = arith.addi %add3A_260, %add3A_312 : vector<16xi32>
          tpu.vector_store_idx %arg8[%add3A_313], %gather3A_288 : memref<8192xf32, #tpu.memory_space<vmem>>[vector<16xi32>], vector<16xf32>,
          %add3A_314 = arith.constant 7168 : i32
          %add3A_315 = vector.broadcast %add3A_314 : i32 to vector<16xi32>
          %add3A_316 = arith.addi %add3A_260, %add3A_315 : vector<16xi32>
          tpu.vector_store_idx %arg8[%add3A_316], %gather3A_292 : memref<8192xf32, #tpu.memory_space<vmem>>[vector<16xi32>], vector<16xf32>,
          %scan3A_317 = arith.constant 3 : i32
          %mul3A_318 = arith.constant 16 : i32
          %mul3A_319 = arith.muli %scan3A_317, %mul3A_318 : i32
          %add3A_320 = vector.broadcast %mul3A_319 : i32 to vector<16xi32>
          %add3A_321 = arith.addi %iota3A_98, %add3A_320 : vector<16xi32>
          %mul3A_322 = arith.constant 16 : i32
          %mul3A_323 = arith.muli %scan3A_317, %mul3A_322 : i32
          %add3A_324 = vector.broadcast %mul3A_323 : i32 to vector<16xi32>
          %add3A_325 = arith.addi %add3A_122, %add3A_324 : vector<16xi32>
          %add3A_326 = arith.constant 0 : i32
          %add3A_327 = vector.broadcast %add3A_326 : i32 to vector<16xi32>
          %add3A_328 = arith.addi %and3A_118, %add3A_327 : vector<16xi32>
          %gather3A_329 = tpu.vector_load_idx %arg6[%add3A_321, %add3A_328] : memref<64x128xf32, #tpu.memory_space<vmem>>[vector<16xi32>, vector<16xi32>], vector<16xf32>,
          %add3A_330 = arith.constant 16 : i32
          %add3A_331 = vector.broadcast %add3A_330 : i32 to vector<16xi32>
          %add3A_332 = arith.addi %and3A_118, %add3A_331 : vector<16xi32>
          %gather3A_333 = tpu.vector_load_idx %arg6[%add3A_321, %add3A_332] : memref<64x128xf32, #tpu.memory_space<vmem>>[vector<16xi32>, vector<16xi32>], vector<16xf32>,
          %add3A_334 = arith.constant 32 : i32
          %add3A_335 = vector.broadcast %add3A_334 : i32 to vector<16xi32>
          %add3A_336 = arith.addi %and3A_118, %add3A_335 : vector<16xi32>
          %gather3A_337 = tpu.vector_load_idx %arg6[%add3A_321, %add3A_336] : memref<64x128xf32, #tpu.memory_space<vmem>>[vector<16xi32>, vector<16xi32>], vector<16xf32>,
          %add3A_338 = arith.constant 48 : i32
          %add3A_339 = vector.broadcast %add3A_338 : i32 to vector<16xi32>
          %add3A_340 = arith.addi %and3A_118, %add3A_339 : vector<16xi32>
          %gather3A_341 = tpu.vector_load_idx %arg6[%add3A_321, %add3A_340] : memref<64x128xf32, #tpu.memory_space<vmem>>[vector<16xi32>, vector<16xi32>], vector<16xf32>,
          %add3A_342 = arith.constant 64 : i32
          %add3A_343 = vector.broadcast %add3A_342 : i32 to vector<16xi32>
          %add3A_344 = arith.addi %and3A_118, %add3A_343 : vector<16xi32>
          %gather3A_345 = tpu.vector_load_idx %arg6[%add3A_321, %add3A_344] : memref<64x128xf32, #tpu.memory_space<vmem>>[vector<16xi32>, vector<16xi32>], vector<16xf32>,
          %add3A_346 = arith.constant 80 : i32
          %add3A_347 = vector.broadcast %add3A_346 : i32 to vector<16xi32>
          %add3A_348 = arith.addi %and3A_118, %add3A_347 : vector<16xi32>
          %gather3A_349 = tpu.vector_load_idx %arg6[%add3A_321, %add3A_348] : memref<64x128xf32, #tpu.memory_space<vmem>>[vector<16xi32>, vector<16xi32>], vector<16xf32>,
          %add3A_350 = arith.constant 96 : i32
          %add3A_351 = vector.broadcast %add3A_350 : i32 to vector<16xi32>
          %add3A_352 = arith.addi %and3A_118, %add3A_351 : vector<16xi32>
          %gather3A_353 = tpu.vector_load_idx %arg6[%add3A_321, %add3A_352] : memref<64x128xf32, #tpu.memory_space<vmem>>[vector<16xi32>, vector<16xi32>], vector<16xf32>,
          %add3A_354 = arith.constant 112 : i32
          %add3A_355 = vector.broadcast %add3A_354 : i32 to vector<16xi32>
          %add3A_356 = arith.addi %and3A_118, %add3A_355 : vector<16xi32>
          %gather3A_357 = tpu.vector_load_idx %arg6[%add3A_321, %add3A_356] : memref<64x128xf32, #tpu.memory_space<vmem>>[vector<16xi32>, vector<16xi32>], vector<16xf32>,
          %add3A_358 = arith.constant 0 : i32
          %add3A_359 = vector.broadcast %add3A_358 : i32 to vector<16xi32>
          %add3A_360 = arith.addi %add3A_325, %add3A_359 : vector<16xi32>
          tpu.vector_store_idx %arg8[%add3A_360], %gather3A_329 : memref<8192xf32, #tpu.memory_space<vmem>>[vector<16xi32>], vector<16xf32>,
          %add3A_361 = arith.constant 1024 : i32
          %add3A_362 = vector.broadcast %add3A_361 : i32 to vector<16xi32>
          %add3A_363 = arith.addi %add3A_325, %add3A_362 : vector<16xi32>
          tpu.vector_store_idx %arg8[%add3A_363], %gather3A_333 : memref<8192xf32, #tpu.memory_space<vmem>>[vector<16xi32>], vector<16xf32>,
          %add3A_364 = arith.constant 2048 : i32
          %add3A_365 = vector.broadcast %add3A_364 : i32 to vector<16xi32>
          %add3A_366 = arith.addi %add3A_325, %add3A_365 : vector<16xi32>
          tpu.vector_store_idx %arg8[%add3A_366], %gather3A_337 : memref<8192xf32, #tpu.memory_space<vmem>>[vector<16xi32>], vector<16xf32>,
          %add3A_367 = arith.constant 3072 : i32
          %add3A_368 = vector.broadcast %add3A_367 : i32 to vector<16xi32>
          %add3A_369 = arith.addi %add3A_325, %add3A_368 : vector<16xi32>
          tpu.vector_store_idx %arg8[%add3A_369], %gather3A_341 : memref<8192xf32, #tpu.memory_space<vmem>>[vector<16xi32>], vector<16xf32>,
          %add3A_370 = arith.constant 4096 : i32
          %add3A_371 = vector.broadcast %add3A_370 : i32 to vector<16xi32>
          %add3A_372 = arith.addi %add3A_325, %add3A_371 : vector<16xi32>
          tpu.vector_store_idx %arg8[%add3A_372], %gather3A_345 : memref<8192xf32, #tpu.memory_space<vmem>>[vector<16xi32>], vector<16xf32>,
          %add3A_373 = arith.constant 5120 : i32
          %add3A_374 = vector.broadcast %add3A_373 : i32 to vector<16xi32>
          %add3A_375 = arith.addi %add3A_325, %add3A_374 : vector<16xi32>
          tpu.vector_store_idx %arg8[%add3A_375], %gather3A_349 : memref<8192xf32, #tpu.memory_space<vmem>>[vector<16xi32>], vector<16xf32>,
          %add3A_376 = arith.constant 6144 : i32
          %add3A_377 = vector.broadcast %add3A_376 : i32 to vector<16xi32>
          %add3A_378 = arith.addi %add3A_325, %add3A_377 : vector<16xi32>
          tpu.vector_store_idx %arg8[%add3A_378], %gather3A_353 : memref<8192xf32, #tpu.memory_space<vmem>>[vector<16xi32>], vector<16xf32>,
          %add3A_379 = arith.constant 7168 : i32
          %add3A_380 = vector.broadcast %add3A_379 : i32 to vector<16xi32>
          %add3A_381 = arith.addi %add3A_325, %add3A_380 : vector<16xi32>
          tpu.vector_store_idx %arg8[%add3A_381], %gather3A_357 : memref<8192xf32, #tpu.memory_space<vmem>>[vector<16xi32>], vector<16xf32>,
          %scan3A_382 = arith.constant 4 : i32
          %scan3A_383 = arith.constant 1 : i32
          %scan3A_384 = arith.addi %scan3A_114, %scan3A_383 : i32
          %add3A_385 = vector.broadcast %scan3A_384 : i32 to vector<16xi32>
          %add3A_386 = arith.addi %iota3A_98, %add3A_385 : vector<16xi32>
          %and3A_387 = arith.constant 15 : i32
          %and3A_388 = vector.broadcast %and3A_387 : i32 to vector<16xi32>
          %and3A_389 = arith.andi %add3A_386, %and3A_388 : vector<16xi32>
          %mul3A_390 = arith.constant 64 : i32
          %mul3A_391 = vector.broadcast %mul3A_390 : i32 to vector<16xi32>
          %mul3A_392 = arith.muli %and3A_389, %mul3A_391 : vector<16xi32>
          %add3A_393 = arith.addi %mul3A_392, %iota3A_98 : vector<16xi32>
          %scan3A_394 = arith.constant 0 : i32
          %mul3A_395 = arith.constant 16 : i32
          %mul3A_396 = arith.muli %scan3A_394, %mul3A_395 : i32
          %add3A_397 = vector.broadcast %mul3A_396 : i32 to vector<16xi32>
          %add3A_398 = arith.addi %iota3A_98, %add3A_397 : vector<16xi32>
          %mul3A_399 = arith.constant 16 : i32
          %mul3A_400 = arith.muli %scan3A_394, %mul3A_399 : i32
          %add3A_401 = vector.broadcast %mul3A_400 : i32 to vector<16xi32>
          %add3A_402 = arith.addi %add3A_393, %add3A_401 : vector<16xi32>
          %add3A_403 = arith.constant 0 : i32
          %add3A_404 = vector.broadcast %add3A_403 : i32 to vector<16xi32>
          %add3A_405 = arith.addi %and3A_389, %add3A_404 : vector<16xi32>
          %gather3A_406 = tpu.vector_load_idx %arg6[%add3A_398, %add3A_405] : memref<64x128xf32, #tpu.memory_space<vmem>>[vector<16xi32>, vector<16xi32>], vector<16xf32>,
          %add3A_407 = arith.constant 16 : i32
          %add3A_408 = vector.broadcast %add3A_407 : i32 to vector<16xi32>
          %add3A_409 = arith.addi %and3A_389, %add3A_408 : vector<16xi32>
          %gather3A_410 = tpu.vector_load_idx %arg6[%add3A_398, %add3A_409] : memref<64x128xf32, #tpu.memory_space<vmem>>[vector<16xi32>, vector<16xi32>], vector<16xf32>,
          %add3A_411 = arith.constant 32 : i32
          %add3A_412 = vector.broadcast %add3A_411 : i32 to vector<16xi32>
          %add3A_413 = arith.addi %and3A_389, %add3A_412 : vector<16xi32>
          %gather3A_414 = tpu.vector_load_idx %arg6[%add3A_398, %add3A_413] : memref<64x128xf32, #tpu.memory_space<vmem>>[vector<16xi32>, vector<16xi32>], vector<16xf32>,
          %add3A_415 = arith.constant 48 : i32
          %add3A_416 = vector.broadcast %add3A_415 : i32 to vector<16xi32>
          %add3A_417 = arith.addi %and3A_389, %add3A_416 : vector<16xi32>
          %gather3A_418 = tpu.vector_load_idx %arg6[%add3A_398, %add3A_417] : memref<64x128xf32, #tpu.memory_space<vmem>>[vector<16xi32>, vector<16xi32>], vector<16xf32>,
          %add3A_419 = arith.constant 64 : i32
          %add3A_420 = vector.broadcast %add3A_419 : i32 to vector<16xi32>
          %add3A_421 = arith.addi %and3A_389, %add3A_420 : vector<16xi32>
          %gather3A_422 = tpu.vector_load_idx %arg6[%add3A_398, %add3A_421] : memref<64x128xf32, #tpu.memory_space<vmem>>[vector<16xi32>, vector<16xi32>], vector<16xf32>,
          %add3A_423 = arith.constant 80 : i32
          %add3A_424 = vector.broadcast %add3A_423 : i32 to vector<16xi32>
          %add3A_425 = arith.addi %and3A_389, %add3A_424 : vector<16xi32>
          %gather3A_426 = tpu.vector_load_idx %arg6[%add3A_398, %add3A_425] : memref<64x128xf32, #tpu.memory_space<vmem>>[vector<16xi32>, vector<16xi32>], vector<16xf32>,
          %add3A_427 = arith.constant 96 : i32
          %add3A_428 = vector.broadcast %add3A_427 : i32 to vector<16xi32>
          %add3A_429 = arith.addi %and3A_389, %add3A_428 : vector<16xi32>
          %gather3A_430 = tpu.vector_load_idx %arg6[%add3A_398, %add3A_429] : memref<64x128xf32, #tpu.memory_space<vmem>>[vector<16xi32>, vector<16xi32>], vector<16xf32>,
          %add3A_431 = arith.constant 112 : i32
          %add3A_432 = vector.broadcast %add3A_431 : i32 to vector<16xi32>
          %add3A_433 = arith.addi %and3A_389, %add3A_432 : vector<16xi32>
          %gather3A_434 = tpu.vector_load_idx %arg6[%add3A_398, %add3A_433] : memref<64x128xf32, #tpu.memory_space<vmem>>[vector<16xi32>, vector<16xi32>], vector<16xf32>,
          %add3A_435 = arith.constant 0 : i32
          %add3A_436 = vector.broadcast %add3A_435 : i32 to vector<16xi32>
          %add3A_437 = arith.addi %add3A_402, %add3A_436 : vector<16xi32>
          tpu.vector_store_idx %arg8[%add3A_437], %gather3A_406 : memref<8192xf32, #tpu.memory_space<vmem>>[vector<16xi32>], vector<16xf32>,
          %add3A_438 = arith.constant 1024 : i32
          %add3A_439 = vector.broadcast %add3A_438 : i32 to vector<16xi32>
          %add3A_440 = arith.addi %add3A_402, %add3A_439 : vector<16xi32>
          tpu.vector_store_idx %arg8[%add3A_440], %gather3A_410 : memref<8192xf32, #tpu.memory_space<vmem>>[vector<16xi32>], vector<16xf32>,
          %add3A_441 = arith.constant 2048 : i32
          %add3A_442 = vector.broadcast %add3A_441 : i32 to vector<16xi32>
          %add3A_443 = arith.addi %add3A_402, %add3A_442 : vector<16xi32>
          tpu.vector_store_idx %arg8[%add3A_443], %gather3A_414 : memref<8192xf32, #tpu.memory_space<vmem>>[vector<16xi32>], vector<16xf32>,
          %add3A_444 = arith.constant 3072 : i32
          %add3A_445 = vector.broadcast %add3A_444 : i32 to vector<16xi32>
          %add3A_446 = arith.addi %add3A_402, %add3A_445 : vector<16xi32>
          tpu.vector_store_idx %arg8[%add3A_446], %gather3A_418 : memref<8192xf32, #tpu.memory_space<vmem>>[vector<16xi32>], vector<16xf32>,
          %add3A_447 = arith.constant 4096 : i32
          %add3A_448 = vector.broadcast %add3A_447 : i32 to vector<16xi32>
          %add3A_449 = arith.addi %add3A_402, %add3A_448 : vector<16xi32>
          tpu.vector_store_idx %arg8[%add3A_449], %gather3A_422 : memref<8192xf32, #tpu.memory_space<vmem>>[vector<16xi32>], vector<16xf32>,
          %add3A_450 = arith.constant 5120 : i32
          %add3A_451 = vector.broadcast %add3A_450 : i32 to vector<16xi32>
          %add3A_452 = arith.addi %add3A_402, %add3A_451 : vector<16xi32>
          tpu.vector_store_idx %arg8[%add3A_452], %gather3A_426 : memref<8192xf32, #tpu.memory_space<vmem>>[vector<16xi32>], vector<16xf32>,
          %add3A_453 = arith.constant 6144 : i32
          %add3A_454 = vector.broadcast %add3A_453 : i32 to vector<16xi32>
          %add3A_455 = arith.addi %add3A_402, %add3A_454 : vector<16xi32>
          tpu.vector_store_idx %arg8[%add3A_455], %gather3A_430 : memref<8192xf32, #tpu.memory_space<vmem>>[vector<16xi32>], vector<16xf32>,
          %add3A_456 = arith.constant 7168 : i32
          %add3A_457 = vector.broadcast %add3A_456 : i32 to vector<16xi32>
          %add3A_458 = arith.addi %add3A_402, %add3A_457 : vector<16xi32>
          tpu.vector_store_idx %arg8[%add3A_458], %gather3A_434 : memref<8192xf32, #tpu.memory_space<vmem>>[vector<16xi32>], vector<16xf32>,
          %scan3A_459 = arith.constant 1 : i32
          %mul3A_460 = arith.constant 16 : i32
          %mul3A_461 = arith.muli %scan3A_459, %mul3A_460 : i32
          %add3A_462 = vector.broadcast %mul3A_461 : i32 to vector<16xi32>
          %add3A_463 = arith.addi %iota3A_98, %add3A_462 : vector<16xi32>
          %mul3A_464 = arith.constant 16 : i32
          %mul3A_465 = arith.muli %scan3A_459, %mul3A_464 : i32
          %add3A_466 = vector.broadcast %mul3A_465 : i32 to vector<16xi32>
          %add3A_467 = arith.addi %add3A_393, %add3A_466 : vector<16xi32>
          %add3A_468 = arith.constant 0 : i32
          %add3A_469 = vector.broadcast %add3A_468 : i32 to vector<16xi32>
          %add3A_470 = arith.addi %and3A_389, %add3A_469 : vector<16xi32>
          %gather3A_471 = tpu.vector_load_idx %arg6[%add3A_463, %add3A_470] : memref<64x128xf32, #tpu.memory_space<vmem>>[vector<16xi32>, vector<16xi32>], vector<16xf32>,
          %add3A_472 = arith.constant 16 : i32
          %add3A_473 = vector.broadcast %add3A_472 : i32 to vector<16xi32>
          %add3A_474 = arith.addi %and3A_389, %add3A_473 : vector<16xi32>
          %gather3A_475 = tpu.vector_load_idx %arg6[%add3A_463, %add3A_474] : memref<64x128xf32, #tpu.memory_space<vmem>>[vector<16xi32>, vector<16xi32>], vector<16xf32>,
          %add3A_476 = arith.constant 32 : i32
          %add3A_477 = vector.broadcast %add3A_476 : i32 to vector<16xi32>
          %add3A_478 = arith.addi %and3A_389, %add3A_477 : vector<16xi32>
          %gather3A_479 = tpu.vector_load_idx %arg6[%add3A_463, %add3A_478] : memref<64x128xf32, #tpu.memory_space<vmem>>[vector<16xi32>, vector<16xi32>], vector<16xf32>,
          %add3A_480 = arith.constant 48 : i32
          %add3A_481 = vector.broadcast %add3A_480 : i32 to vector<16xi32>
          %add3A_482 = arith.addi %and3A_389, %add3A_481 : vector<16xi32>
          %gather3A_483 = tpu.vector_load_idx %arg6[%add3A_463, %add3A_482] : memref<64x128xf32, #tpu.memory_space<vmem>>[vector<16xi32>, vector<16xi32>], vector<16xf32>,
          %add3A_484 = arith.constant 64 : i32
          %add3A_485 = vector.broadcast %add3A_484 : i32 to vector<16xi32>
          %add3A_486 = arith.addi %and3A_389, %add3A_485 : vector<16xi32>
          %gather3A_487 = tpu.vector_load_idx %arg6[%add3A_463, %add3A_486] : memref<64x128xf32, #tpu.memory_space<vmem>>[vector<16xi32>, vector<16xi32>], vector<16xf32>,
          %add3A_488 = arith.constant 80 : i32
          %add3A_489 = vector.broadcast %add3A_488 : i32 to vector<16xi32>
          %add3A_490 = arith.addi %and3A_389, %add3A_489 : vector<16xi32>
          %gather3A_491 = tpu.vector_load_idx %arg6[%add3A_463, %add3A_490] : memref<64x128xf32, #tpu.memory_space<vmem>>[vector<16xi32>, vector<16xi32>], vector<16xf32>,
          %add3A_492 = arith.constant 96 : i32
          %add3A_493 = vector.broadcast %add3A_492 : i32 to vector<16xi32>
          %add3A_494 = arith.addi %and3A_389, %add3A_493 : vector<16xi32>
          %gather3A_495 = tpu.vector_load_idx %arg6[%add3A_463, %add3A_494] : memref<64x128xf32, #tpu.memory_space<vmem>>[vector<16xi32>, vector<16xi32>], vector<16xf32>,
          %add3A_496 = arith.constant 112 : i32
          %add3A_497 = vector.broadcast %add3A_496 : i32 to vector<16xi32>
          %add3A_498 = arith.addi %and3A_389, %add3A_497 : vector<16xi32>
          %gather3A_499 = tpu.vector_load_idx %arg6[%add3A_463, %add3A_498] : memref<64x128xf32, #tpu.memory_space<vmem>>[vector<16xi32>, vector<16xi32>], vector<16xf32>,
          %add3A_500 = arith.constant 0 : i32
          %add3A_501 = vector.broadcast %add3A_500 : i32 to vector<16xi32>
          %add3A_502 = arith.addi %add3A_467, %add3A_501 : vector<16xi32>
          tpu.vector_store_idx %arg8[%add3A_502], %gather3A_471 : memref<8192xf32, #tpu.memory_space<vmem>>[vector<16xi32>], vector<16xf32>,
          %add3A_503 = arith.constant 1024 : i32
          %add3A_504 = vector.broadcast %add3A_503 : i32 to vector<16xi32>
          %add3A_505 = arith.addi %add3A_467, %add3A_504 : vector<16xi32>
          tpu.vector_store_idx %arg8[%add3A_505], %gather3A_475 : memref<8192xf32, #tpu.memory_space<vmem>>[vector<16xi32>], vector<16xf32>,
          %add3A_506 = arith.constant 2048 : i32
          %add3A_507 = vector.broadcast %add3A_506 : i32 to vector<16xi32>
          %add3A_508 = arith.addi %add3A_467, %add3A_507 : vector<16xi32>
          tpu.vector_store_idx %arg8[%add3A_508], %gather3A_479 : memref<8192xf32, #tpu.memory_space<vmem>>[vector<16xi32>], vector<16xf32>,
          %add3A_509 = arith.constant 3072 : i32
          %add3A_510 = vector.broadcast %add3A_509 : i32 to vector<16xi32>
          %add3A_511 = arith.addi %add3A_467, %add3A_510 : vector<16xi32>
          tpu.vector_store_idx %arg8[%add3A_511], %gather3A_483 : memref<8192xf32, #tpu.memory_space<vmem>>[vector<16xi32>], vector<16xf32>,
          %add3A_512 = arith.constant 4096 : i32
          %add3A_513 = vector.broadcast %add3A_512 : i32 to vector<16xi32>
          %add3A_514 = arith.addi %add3A_467, %add3A_513 : vector<16xi32>
          tpu.vector_store_idx %arg8[%add3A_514], %gather3A_487 : memref<8192xf32, #tpu.memory_space<vmem>>[vector<16xi32>], vector<16xf32>,
          %add3A_515 = arith.constant 5120 : i32
          %add3A_516 = vector.broadcast %add3A_515 : i32 to vector<16xi32>
          %add3A_517 = arith.addi %add3A_467, %add3A_516 : vector<16xi32>
          tpu.vector_store_idx %arg8[%add3A_517], %gather3A_491 : memref<8192xf32, #tpu.memory_space<vmem>>[vector<16xi32>], vector<16xf32>,
          %add3A_518 = arith.constant 6144 : i32
          %add3A_519 = vector.broadcast %add3A_518 : i32 to vector<16xi32>
          %add3A_520 = arith.addi %add3A_467, %add3A_519 : vector<16xi32>
          tpu.vector_store_idx %arg8[%add3A_520], %gather3A_495 : memref<8192xf32, #tpu.memory_space<vmem>>[vector<16xi32>], vector<16xf32>,
          %add3A_521 = arith.constant 7168 : i32
          %add3A_522 = vector.broadcast %add3A_521 : i32 to vector<16xi32>
          %add3A_523 = arith.addi %add3A_467, %add3A_522 : vector<16xi32>
          tpu.vector_store_idx %arg8[%add3A_523], %gather3A_499 : memref<8192xf32, #tpu.memory_space<vmem>>[vector<16xi32>], vector<16xf32>,
          %scan3A_524 = arith.constant 2 : i32
          %mul3A_525 = arith.constant 16 : i32
          %mul3A_526 = arith.muli %scan3A_524, %mul3A_525 : i32
          %add3A_527 = vector.broadcast %mul3A_526 : i32 to vector<16xi32>
          %add3A_528 = arith.addi %iota3A_98, %add3A_527 : vector<16xi32>
          %mul3A_529 = arith.constant 16 : i32
          %mul3A_530 = arith.muli %scan3A_524, %mul3A_529 : i32
          %add3A_531 = vector.broadcast %mul3A_530 : i32 to vector<16xi32>
          %add3A_532 = arith.addi %add3A_393, %add3A_531 : vector<16xi32>
          %add3A_533 = arith.constant 0 : i32
          %add3A_534 = vector.broadcast %add3A_533 : i32 to vector<16xi32>
          %add3A_535 = arith.addi %and3A_389, %add3A_534 : vector<16xi32>
          %gather3A_536 = tpu.vector_load_idx %arg6[%add3A_528, %add3A_535] : memref<64x128xf32, #tpu.memory_space<vmem>>[vector<16xi32>, vector<16xi32>], vector<16xf32>,
          %add3A_537 = arith.constant 16 : i32
          %add3A_538 = vector.broadcast %add3A_537 : i32 to vector<16xi32>
          %add3A_539 = arith.addi %and3A_389, %add3A_538 : vector<16xi32>
          %gather3A_540 = tpu.vector_load_idx %arg6[%add3A_528, %add3A_539] : memref<64x128xf32, #tpu.memory_space<vmem>>[vector<16xi32>, vector<16xi32>], vector<16xf32>,
          %add3A_541 = arith.constant 32 : i32
          %add3A_542 = vector.broadcast %add3A_541 : i32 to vector<16xi32>
          %add3A_543 = arith.addi %and3A_389, %add3A_542 : vector<16xi32>
          %gather3A_544 = tpu.vector_load_idx %arg6[%add3A_528, %add3A_543] : memref<64x128xf32, #tpu.memory_space<vmem>>[vector<16xi32>, vector<16xi32>], vector<16xf32>,
          %add3A_545 = arith.constant 48 : i32
          %add3A_546 = vector.broadcast %add3A_545 : i32 to vector<16xi32>
          %add3A_547 = arith.addi %and3A_389, %add3A_546 : vector<16xi32>
          %gather3A_548 = tpu.vector_load_idx %arg6[%add3A_528, %add3A_547] : memref<64x128xf32, #tpu.memory_space<vmem>>[vector<16xi32>, vector<16xi32>], vector<16xf32>,
          %add3A_549 = arith.constant 64 : i32
          %add3A_550 = vector.broadcast %add3A_549 : i32 to vector<16xi32>
          %add3A_551 = arith.addi %and3A_389, %add3A_550 : vector<16xi32>
          %gather3A_552 = tpu.vector_load_idx %arg6[%add3A_528, %add3A_551] : memref<64x128xf32, #tpu.memory_space<vmem>>[vector<16xi32>, vector<16xi32>], vector<16xf32>,
          %add3A_553 = arith.constant 80 : i32
          %add3A_554 = vector.broadcast %add3A_553 : i32 to vector<16xi32>
          %add3A_555 = arith.addi %and3A_389, %add3A_554 : vector<16xi32>
          %gather3A_556 = tpu.vector_load_idx %arg6[%add3A_528, %add3A_555] : memref<64x128xf32, #tpu.memory_space<vmem>>[vector<16xi32>, vector<16xi32>], vector<16xf32>,
          %add3A_557 = arith.constant 96 : i32
          %add3A_558 = vector.broadcast %add3A_557 : i32 to vector<16xi32>
          %add3A_559 = arith.addi %and3A_389, %add3A_558 : vector<16xi32>
          %gather3A_560 = tpu.vector_load_idx %arg6[%add3A_528, %add3A_559] : memref<64x128xf32, #tpu.memory_space<vmem>>[vector<16xi32>, vector<16xi32>], vector<16xf32>,
          %add3A_561 = arith.constant 112 : i32
          %add3A_562 = vector.broadcast %add3A_561 : i32 to vector<16xi32>
          %add3A_563 = arith.addi %and3A_389, %add3A_562 : vector<16xi32>
          %gather3A_564 = tpu.vector_load_idx %arg6[%add3A_528, %add3A_563] : memref<64x128xf32, #tpu.memory_space<vmem>>[vector<16xi32>, vector<16xi32>], vector<16xf32>,
          %add3A_565 = arith.constant 0 : i32
          %add3A_566 = vector.broadcast %add3A_565 : i32 to vector<16xi32>
          %add3A_567 = arith.addi %add3A_532, %add3A_566 : vector<16xi32>
          tpu.vector_store_idx %arg8[%add3A_567], %gather3A_536 : memref<8192xf32, #tpu.memory_space<vmem>>[vector<16xi32>], vector<16xf32>,
          %add3A_568 = arith.constant 1024 : i32
          %add3A_569 = vector.broadcast %add3A_568 : i32 to vector<16xi32>
          %add3A_570 = arith.addi %add3A_532, %add3A_569 : vector<16xi32>
          tpu.vector_store_idx %arg8[%add3A_570], %gather3A_540 : memref<8192xf32, #tpu.memory_space<vmem>>[vector<16xi32>], vector<16xf32>,
          %add3A_571 = arith.constant 2048 : i32
          %add3A_572 = vector.broadcast %add3A_571 : i32 to vector<16xi32>
          %add3A_573 = arith.addi %add3A_532, %add3A_572 : vector<16xi32>
          tpu.vector_store_idx %arg8[%add3A_573], %gather3A_544 : memref<8192xf32, #tpu.memory_space<vmem>>[vector<16xi32>], vector<16xf32>,
          %add3A_574 = arith.constant 3072 : i32
          %add3A_575 = vector.broadcast %add3A_574 : i32 to vector<16xi32>
          %add3A_576 = arith.addi %add3A_532, %add3A_575 : vector<16xi32>
          tpu.vector_store_idx %arg8[%add3A_576], %gather3A_548 : memref<8192xf32, #tpu.memory_space<vmem>>[vector<16xi32>], vector<16xf32>,
          %add3A_577 = arith.constant 4096 : i32
          %add3A_578 = vector.broadcast %add3A_577 : i32 to vector<16xi32>
          %add3A_579 = arith.addi %add3A_532, %add3A_578 : vector<16xi32>
          tpu.vector_store_idx %arg8[%add3A_579], %gather3A_552 : memref<8192xf32, #tpu.memory_space<vmem>>[vector<16xi32>], vector<16xf32>,
          %add3A_580 = arith.constant 5120 : i32
          %add3A_581 = vector.broadcast %add3A_580 : i32 to vector<16xi32>
          %add3A_582 = arith.addi %add3A_532, %add3A_581 : vector<16xi32>
          tpu.vector_store_idx %arg8[%add3A_582], %gather3A_556 : memref<8192xf32, #tpu.memory_space<vmem>>[vector<16xi32>], vector<16xf32>,
          %add3A_583 = arith.constant 6144 : i32
          %add3A_584 = vector.broadcast %add3A_583 : i32 to vector<16xi32>
          %add3A_585 = arith.addi %add3A_532, %add3A_584 : vector<16xi32>
          tpu.vector_store_idx %arg8[%add3A_585], %gather3A_560 : memref<8192xf32, #tpu.memory_space<vmem>>[vector<16xi32>], vector<16xf32>,
          %add3A_586 = arith.constant 7168 : i32
          %add3A_587 = vector.broadcast %add3A_586 : i32 to vector<16xi32>
          %add3A_588 = arith.addi %add3A_532, %add3A_587 : vector<16xi32>
          tpu.vector_store_idx %arg8[%add3A_588], %gather3A_564 : memref<8192xf32, #tpu.memory_space<vmem>>[vector<16xi32>], vector<16xf32>,
          %scan3A_589 = arith.constant 3 : i32
          %mul3A_590 = arith.constant 16 : i32
          %mul3A_591 = arith.muli %scan3A_589, %mul3A_590 : i32
          %add3A_592 = vector.broadcast %mul3A_591 : i32 to vector<16xi32>
          %add3A_593 = arith.addi %iota3A_98, %add3A_592 : vector<16xi32>
          %mul3A_594 = arith.constant 16 : i32
          %mul3A_595 = arith.muli %scan3A_589, %mul3A_594 : i32
          %add3A_596 = vector.broadcast %mul3A_595 : i32 to vector<16xi32>
          %add3A_597 = arith.addi %add3A_393, %add3A_596 : vector<16xi32>
          %add3A_598 = arith.constant 0 : i32
          %add3A_599 = vector.broadcast %add3A_598 : i32 to vector<16xi32>
          %add3A_600 = arith.addi %and3A_389, %add3A_599 : vector<16xi32>
          %gather3A_601 = tpu.vector_load_idx %arg6[%add3A_593, %add3A_600] : memref<64x128xf32, #tpu.memory_space<vmem>>[vector<16xi32>, vector<16xi32>], vector<16xf32>,
          %add3A_602 = arith.constant 16 : i32
          %add3A_603 = vector.broadcast %add3A_602 : i32 to vector<16xi32>
          %add3A_604 = arith.addi %and3A_389, %add3A_603 : vector<16xi32>
          %gather3A_605 = tpu.vector_load_idx %arg6[%add3A_593, %add3A_604] : memref<64x128xf32, #tpu.memory_space<vmem>>[vector<16xi32>, vector<16xi32>], vector<16xf32>,
          %add3A_606 = arith.constant 32 : i32
          %add3A_607 = vector.broadcast %add3A_606 : i32 to vector<16xi32>
          %add3A_608 = arith.addi %and3A_389, %add3A_607 : vector<16xi32>
          %gather3A_609 = tpu.vector_load_idx %arg6[%add3A_593, %add3A_608] : memref<64x128xf32, #tpu.memory_space<vmem>>[vector<16xi32>, vector<16xi32>], vector<16xf32>,
          %add3A_610 = arith.constant 48 : i32
          %add3A_611 = vector.broadcast %add3A_610 : i32 to vector<16xi32>
          %add3A_612 = arith.addi %and3A_389, %add3A_611 : vector<16xi32>
          %gather3A_613 = tpu.vector_load_idx %arg6[%add3A_593, %add3A_612] : memref<64x128xf32, #tpu.memory_space<vmem>>[vector<16xi32>, vector<16xi32>], vector<16xf32>,
          %add3A_614 = arith.constant 64 : i32
          %add3A_615 = vector.broadcast %add3A_614 : i32 to vector<16xi32>
          %add3A_616 = arith.addi %and3A_389, %add3A_615 : vector<16xi32>
          %gather3A_617 = tpu.vector_load_idx %arg6[%add3A_593, %add3A_616] : memref<64x128xf32, #tpu.memory_space<vmem>>[vector<16xi32>, vector<16xi32>], vector<16xf32>,
          %add3A_618 = arith.constant 80 : i32
          %add3A_619 = vector.broadcast %add3A_618 : i32 to vector<16xi32>
          %add3A_620 = arith.addi %and3A_389, %add3A_619 : vector<16xi32>
          %gather3A_621 = tpu.vector_load_idx %arg6[%add3A_593, %add3A_620] : memref<64x128xf32, #tpu.memory_space<vmem>>[vector<16xi32>, vector<16xi32>], vector<16xf32>,
          %add3A_622 = arith.constant 96 : i32
          %add3A_623 = vector.broadcast %add3A_622 : i32 to vector<16xi32>
          %add3A_624 = arith.addi %and3A_389, %add3A_623 : vector<16xi32>
          %gather3A_625 = tpu.vector_load_idx %arg6[%add3A_593, %add3A_624] : memref<64x128xf32, #tpu.memory_space<vmem>>[vector<16xi32>, vector<16xi32>], vector<16xf32>,
          %add3A_626 = arith.constant 112 : i32
          %add3A_627 = vector.broadcast %add3A_626 : i32 to vector<16xi32>
          %add3A_628 = arith.addi %and3A_389, %add3A_627 : vector<16xi32>
          %gather3A_629 = tpu.vector_load_idx %arg6[%add3A_593, %add3A_628] : memref<64x128xf32, #tpu.memory_space<vmem>>[vector<16xi32>, vector<16xi32>], vector<16xf32>,
          %add3A_630 = arith.constant 0 : i32
          %add3A_631 = vector.broadcast %add3A_630 : i32 to vector<16xi32>
          %add3A_632 = arith.addi %add3A_597, %add3A_631 : vector<16xi32>
          tpu.vector_store_idx %arg8[%add3A_632], %gather3A_601 : memref<8192xf32, #tpu.memory_space<vmem>>[vector<16xi32>], vector<16xf32>,
          %add3A_633 = arith.constant 1024 : i32
          %add3A_634 = vector.broadcast %add3A_633 : i32 to vector<16xi32>
          %add3A_635 = arith.addi %add3A_597, %add3A_634 : vector<16xi32>
          tpu.vector_store_idx %arg8[%add3A_635], %gather3A_605 : memref<8192xf32, #tpu.memory_space<vmem>>[vector<16xi32>], vector<16xf32>,
          %add3A_636 = arith.constant 2048 : i32
          %add3A_637 = vector.broadcast %add3A_636 : i32 to vector<16xi32>
          %add3A_638 = arith.addi %add3A_597, %add3A_637 : vector<16xi32>
          tpu.vector_store_idx %arg8[%add3A_638], %gather3A_609 : memref<8192xf32, #tpu.memory_space<vmem>>[vector<16xi32>], vector<16xf32>,
          %add3A_639 = arith.constant 3072 : i32
          %add3A_640 = vector.broadcast %add3A_639 : i32 to vector<16xi32>
          %add3A_641 = arith.addi %add3A_597, %add3A_640 : vector<16xi32>
          tpu.vector_store_idx %arg8[%add3A_641], %gather3A_613 : memref<8192xf32, #tpu.memory_space<vmem>>[vector<16xi32>], vector<16xf32>,
          %add3A_642 = arith.constant 4096 : i32
          %add3A_643 = vector.broadcast %add3A_642 : i32 to vector<16xi32>
          %add3A_644 = arith.addi %add3A_597, %add3A_643 : vector<16xi32>
          tpu.vector_store_idx %arg8[%add3A_644], %gather3A_617 : memref<8192xf32, #tpu.memory_space<vmem>>[vector<16xi32>], vector<16xf32>,
          %add3A_645 = arith.constant 5120 : i32
          %add3A_646 = vector.broadcast %add3A_645 : i32 to vector<16xi32>
          %add3A_647 = arith.addi %add3A_597, %add3A_646 : vector<16xi32>
          tpu.vector_store_idx %arg8[%add3A_647], %gather3A_621 : memref<8192xf32, #tpu.memory_space<vmem>>[vector<16xi32>], vector<16xf32>,
          %add3A_648 = arith.constant 6144 : i32
          %add3A_649 = vector.broadcast %add3A_648 : i32 to vector<16xi32>
          %add3A_650 = arith.addi %add3A_597, %add3A_649 : vector<16xi32>
          tpu.vector_store_idx %arg8[%add3A_650], %gather3A_625 : memref<8192xf32, #tpu.memory_space<vmem>>[vector<16xi32>], vector<16xf32>,
          %add3A_651 = arith.constant 7168 : i32
          %add3A_652 = vector.broadcast %add3A_651 : i32 to vector<16xi32>
          %add3A_653 = arith.addi %add3A_597, %add3A_652 : vector<16xi32>
          tpu.vector_store_idx %arg8[%add3A_653], %gather3A_629 : memref<8192xf32, #tpu.memory_space<vmem>>[vector<16xi32>], vector<16xf32>,
          %scan3A_654 = arith.constant 4 : i32
        }
        %scan3A_104 = arith.constant 16 : i32
        %mul3A_105 = arith.constant 32 : i32
        %mul3A_106 = arith.muli %add3A_38, %mul3A_105 : i32
        %add3A_107 = arith.addi %add3A, %mul3A_106 : i32
        %mul3A_108 = arith.constant 128 : i32
        %mul3A_109 = arith.muli %add3A_107, %mul3A_108 : i32
        %mul3A_110 = arith.constant 64 : i32
        %mul3A_111 = arith.muli %mul3A_109, %mul3A_110 : i32
        %dma_start3A_112 = tpu.memref_slice %arg4[%mul3A_111] : memref<64000000xf32, #tpu.memory_space<hbm>> -> memref<8192xf32, #tpu.memory_space<hbm>>
        %dma_start3A_113 = tpu.memref_slice %arg4[%mul3A_111] : memref<64000000xf32, #tpu.memory_space<hbm>> -> memref<8192xf32, #tpu.memory_space<hbm>>
        tpu.enqueue_dma source(%arg8 : memref<8192xf32, #tpu.memory_space<vmem>>) target(%dma_start3A_113 : memref<8192xf32, #tpu.memory_space<hbm>>) target_semaphore(%arg12 : memref<!tpu.dma_semaphore, #tpu.memory_space<semaphore_mem>>)
      } else {
      }
    }
    %scan3A_12 = arith.constant 122 : i32
    %add3A_13 = arith.constant 7744 : i32
    %add3A_14 = arith.addi %add3A, %add3A_13 : i32
    %mul3A_15 = arith.constant 128 : i32
    %mul3A_16 = arith.muli %add3A_14, %mul3A_15 : i32
    %mul3A_17 = arith.constant 64 : i32
    %mul3A_18 = arith.muli %mul3A_16, %mul3A_17 : i32
    %dma_wait3A = tpu.memref_slice %arg4[%mul3A_18] : memref<64000000xf32, #tpu.memory_space<hbm>> -> memref<8192xf32, #tpu.memory_space<hbm>>
    %dma_wait3A_19 = tpu.memref_slice %arg4[%mul3A_18] : memref<64000000xf32, #tpu.memory_space<hbm>> -> memref<8192xf32, #tpu.memory_space<hbm>>
    tpu.wait_dma2 semaphore(%arg11 : memref<!tpu.dma_semaphore, #tpu.memory_space<semaphore_mem>>) src(%arg7 : memref<8192xf32, #tpu.memory_space<vmem>>) dst(%dma_wait3A_19 : memref<8192xf32, #tpu.memory_space<hbm>>)
    %add3A_20 = arith.constant 7776 : i32
    %add3A_21 = arith.addi %add3A, %add3A_20 : i32
    %mul3A_22 = arith.constant 128 : i32
    %mul3A_23 = arith.muli %add3A_21, %mul3A_22 : i32
    %mul3A_24 = arith.constant 64 : i32
    %mul3A_25 = arith.muli %mul3A_23, %mul3A_24 : i32
    %dma_wait3A_26 = tpu.memref_slice %arg4[%mul3A_25] : memref<64000000xf32, #tpu.memory_space<hbm>> -> memref<8192xf32, #tpu.memory_space<hbm>>
    %dma_wait3A_27 = tpu.memref_slice %arg4[%mul3A_25] : memref<64000000xf32, #tpu.memory_space<hbm>> -> memref<8192xf32, #tpu.memory_space<hbm>>
    tpu.wait_dma2 semaphore(%arg12 : memref<!tpu.dma_semaphore, #tpu.memory_space<semaphore_mem>>) src(%arg8 : memref<8192xf32, #tpu.memory_space<vmem>>) dst(%dma_wait3A_27 : memref<8192xf32, #tpu.memory_space<hbm>>)
    %lt3A = arith.constant 4 : i32
    %lt3A_28 = arith.cmpi slt, %add3A, %lt3A : i32
    %convert_element_type3A = arith.extui %lt3A_28 : i1 to i32
    %cond3A = arith.constant 0 : i32
    %cond3A_29 = arith.cmpi ne, %convert_element_type3A, %cond3A : i32
    scf.if %cond3A_29 {
      %add3A_34 = arith.constant 7808 : i32
      %add3A_35 = arith.addi %add3A, %add3A_34 : i32
      %mul3A_36 = arith.constant 128 : i32
      %mul3A_37 = arith.muli %add3A_35, %mul3A_36 : i32
      "tpu.region"() ({
        %run_scoped3A = tpu.sem_alloc : memref<!tpu.dma_semaphore, #tpu.memory_space<semaphore_mem>>
        %dma_start3A_50 = arith.constant 0 : i32
        %dma_start3A_51 = tpu.memref_slice %arg2[%dma_start3A_50, %mul3A_37] : memref<64x1000000xf32, #tpu.memory_space<hbm>> -> memref<64x128xf32, #tpu.memory_space<hbm>>
        %dma_start3A_52 = arith.constant 0 : i32
        %dma_start3A_53 = tpu.memref_slice %arg2[%dma_start3A_52, %mul3A_37] : memref<64x1000000xf32, #tpu.memory_space<hbm>> -> memref<64x128xf32, #tpu.memory_space<hbm>>
        tpu.enqueue_dma source(%dma_start3A_53 : memref<64x128xf32, #tpu.memory_space<hbm>>) target(%arg5 : memref<64x128xf32, #tpu.memory_space<vmem>>) target_semaphore(%run_scoped3A : memref<!tpu.dma_semaphore, #tpu.memory_space<semaphore_mem>>)
        %dma_wait3A_54 = arith.constant 0 : i32
        %dma_wait3A_55 = tpu.memref_slice %arg2[%dma_wait3A_54, %mul3A_37] : memref<64x1000000xf32, #tpu.memory_space<hbm>> -> memref<64x128xf32, #tpu.memory_space<hbm>>
        %dma_wait3A_56 = arith.constant 0 : i32
        %dma_wait3A_57 = tpu.memref_slice %arg2[%dma_wait3A_56, %mul3A_37] : memref<64x1000000xf32, #tpu.memory_space<hbm>> -> memref<64x128xf32, #tpu.memory_space<hbm>>
        tpu.wait_dma2 semaphore(%run_scoped3A : memref<!tpu.dma_semaphore, #tpu.memory_space<semaphore_mem>>) src(%dma_wait3A_57 : memref<64x128xf32, #tpu.memory_space<hbm>>) dst(%arg5 : memref<64x128xf32, #tpu.memory_space<vmem>>)
        tpu.yield
      }) : () -> ()
      %iota3A = tpu.iota {dimensions = array<i32: 0>} : vector<16xi32>
      %scan3A_38 = arith.constant 0 : i32
      %scan3A_39 = arith.constant 0 : i32
      %scan3A_40 = arith.constant 16 : i32
      %scan3A_41 = arith.addi %scan3A_39, %scan3A_40 : i32
      %scan3A_42 = arith.constant 2 : i32
      scf.for %scan3A_50 = %scan3A_39 to %scan3A_41 step %scan3A_42  : i32 {
        %add3A_51 = vector.broadcast %scan3A_50 : i32 to vector<16xi32>
        %add3A_52 = arith.addi %iota3A, %add3A_51 : vector<16xi32>
        %and3A = arith.constant 15 : i32
        %and3A_53 = vector.broadcast %and3A : i32 to vector<16xi32>
        %and3A_54 = arith.andi %add3A_52, %and3A_53 : vector<16xi32>
        %mul3A_55 = arith.constant 64 : i32
        %mul3A_56 = vector.broadcast %mul3A_55 : i32 to vector<16xi32>
        %mul3A_57 = arith.muli %and3A_54, %mul3A_56 : vector<16xi32>
        %add3A_58 = arith.addi %mul3A_57, %iota3A : vector<16xi32>
        %scan3A_59 = arith.constant 0 : i32
        %mul3A_60 = arith.constant 16 : i32
        %mul3A_61 = arith.muli %scan3A_59, %mul3A_60 : i32
        %add3A_62 = vector.broadcast %mul3A_61 : i32 to vector<16xi32>
        %add3A_63 = arith.addi %iota3A, %add3A_62 : vector<16xi32>
        %mul3A_64 = arith.constant 16 : i32
        %mul3A_65 = arith.muli %scan3A_59, %mul3A_64 : i32
        %add3A_66 = vector.broadcast %mul3A_65 : i32 to vector<16xi32>
        %add3A_67 = arith.addi %add3A_58, %add3A_66 : vector<16xi32>
        %add3A_68 = arith.constant 0 : i32
        %add3A_69 = vector.broadcast %add3A_68 : i32 to vector<16xi32>
        %add3A_70 = arith.addi %and3A_54, %add3A_69 : vector<16xi32>
        %gather3A = tpu.vector_load_idx %arg5[%add3A_63, %add3A_70] : memref<64x128xf32, #tpu.memory_space<vmem>>[vector<16xi32>, vector<16xi32>], vector<16xf32>,
        %add3A_71 = arith.constant 16 : i32
        %add3A_72 = vector.broadcast %add3A_71 : i32 to vector<16xi32>
        %add3A_73 = arith.addi %and3A_54, %add3A_72 : vector<16xi32>
        %gather3A_74 = tpu.vector_load_idx %arg5[%add3A_63, %add3A_73] : memref<64x128xf32, #tpu.memory_space<vmem>>[vector<16xi32>, vector<16xi32>], vector<16xf32>,
        %add3A_75 = arith.constant 32 : i32
        %add3A_76 = vector.broadcast %add3A_75 : i32 to vector<16xi32>
        %add3A_77 = arith.addi %and3A_54, %add3A_76 : vector<16xi32>
        %gather3A_78 = tpu.vector_load_idx %arg5[%add3A_63, %add3A_77] : memref<64x128xf32, #tpu.memory_space<vmem>>[vector<16xi32>, vector<16xi32>], vector<16xf32>,
        %add3A_79 = arith.constant 48 : i32
        %add3A_80 = vector.broadcast %add3A_79 : i32 to vector<16xi32>
        %add3A_81 = arith.addi %and3A_54, %add3A_80 : vector<16xi32>
        %gather3A_82 = tpu.vector_load_idx %arg5[%add3A_63, %add3A_81] : memref<64x128xf32, #tpu.memory_space<vmem>>[vector<16xi32>, vector<16xi32>], vector<16xf32>,
        %add3A_83 = arith.constant 64 : i32
        %add3A_84 = vector.broadcast %add3A_83 : i32 to vector<16xi32>
        %add3A_85 = arith.addi %and3A_54, %add3A_84 : vector<16xi32>
        %gather3A_86 = tpu.vector_load_idx %arg5[%add3A_63, %add3A_85] : memref<64x128xf32, #tpu.memory_space<vmem>>[vector<16xi32>, vector<16xi32>], vector<16xf32>,
        %add3A_87 = arith.constant 80 : i32
        %add3A_88 = vector.broadcast %add3A_87 : i32 to vector<16xi32>
        %add3A_89 = arith.addi %and3A_54, %add3A_88 : vector<16xi32>
        %gather3A_90 = tpu.vector_load_idx %arg5[%add3A_63, %add3A_89] : memref<64x128xf32, #tpu.memory_space<vmem>>[vector<16xi32>, vector<16xi32>], vector<16xf32>,
        %add3A_91 = arith.constant 96 : i32
        %add3A_92 = vector.broadcast %add3A_91 : i32 to vector<16xi32>
        %add3A_93 = arith.addi %and3A_54, %add3A_92 : vector<16xi32>
        %gather3A_94 = tpu.vector_load_idx %arg5[%add3A_63, %add3A_93] : memref<64x128xf32, #tpu.memory_space<vmem>>[vector<16xi32>, vector<16xi32>], vector<16xf32>,
        %add3A_95 = arith.constant 112 : i32
        %add3A_96 = vector.broadcast %add3A_95 : i32 to vector<16xi32>
        %add3A_97 = arith.addi %and3A_54, %add3A_96 : vector<16xi32>
        %gather3A_98 = tpu.vector_load_idx %arg5[%add3A_63, %add3A_97] : memref<64x128xf32, #tpu.memory_space<vmem>>[vector<16xi32>, vector<16xi32>], vector<16xf32>,
        %add3A_99 = arith.constant 0 : i32
        %add3A_100 = vector.broadcast %add3A_99 : i32 to vector<16xi32>
        %add3A_101 = arith.addi %add3A_67, %add3A_100 : vector<16xi32>
        tpu.vector_store_idx %arg7[%add3A_101], %gather3A : memref<8192xf32, #tpu.memory_space<vmem>>[vector<16xi32>], vector<16xf32>,
        %add3A_102 = arith.constant 1024 : i32
        %add3A_103 = vector.broadcast %add3A_102 : i32 to vector<16xi32>
        %add3A_104 = arith.addi %add3A_67, %add3A_103 : vector<16xi32>
        tpu.vector_store_idx %arg7[%add3A_104], %gather3A_74 : memref<8192xf32, #tpu.memory_space<vmem>>[vector<16xi32>], vector<16xf32>,
        %add3A_105 = arith.constant 2048 : i32
        %add3A_106 = vector.broadcast %add3A_105 : i32 to vector<16xi32>
        %add3A_107 = arith.addi %add3A_67, %add3A_106 : vector<16xi32>
        tpu.vector_store_idx %arg7[%add3A_107], %gather3A_78 : memref<8192xf32, #tpu.memory_space<vmem>>[vector<16xi32>], vector<16xf32>,
        %add3A_108 = arith.constant 3072 : i32
        %add3A_109 = vector.broadcast %add3A_108 : i32 to vector<16xi32>
        %add3A_110 = arith.addi %add3A_67, %add3A_109 : vector<16xi32>
        tpu.vector_store_idx %arg7[%add3A_110], %gather3A_82 : memref<8192xf32, #tpu.memory_space<vmem>>[vector<16xi32>], vector<16xf32>,
        %add3A_111 = arith.constant 4096 : i32
        %add3A_112 = vector.broadcast %add3A_111 : i32 to vector<16xi32>
        %add3A_113 = arith.addi %add3A_67, %add3A_112 : vector<16xi32>
        tpu.vector_store_idx %arg7[%add3A_113], %gather3A_86 : memref<8192xf32, #tpu.memory_space<vmem>>[vector<16xi32>], vector<16xf32>,
        %add3A_114 = arith.constant 5120 : i32
        %add3A_115 = vector.broadcast %add3A_114 : i32 to vector<16xi32>
        %add3A_116 = arith.addi %add3A_67, %add3A_115 : vector<16xi32>
        tpu.vector_store_idx %arg7[%add3A_116], %gather3A_90 : memref<8192xf32, #tpu.memory_space<vmem>>[vector<16xi32>], vector<16xf32>,
        %add3A_117 = arith.constant 6144 : i32
        %add3A_118 = vector.broadcast %add3A_117 : i32 to vector<16xi32>
        %add3A_119 = arith.addi %add3A_67, %add3A_118 : vector<16xi32>
        tpu.vector_store_idx %arg7[%add3A_119], %gather3A_94 : memref<8192xf32, #tpu.memory_space<vmem>>[vector<16xi32>], vector<16xf32>,
        %add3A_120 = arith.constant 7168 : i32
        %add3A_121 = vector.broadcast %add3A_120 : i32 to vector<16xi32>
        %add3A_122 = arith.addi %add3A_67, %add3A_121 : vector<16xi32>
        tpu.vector_store_idx %arg7[%add3A_122], %gather3A_98 : memref<8192xf32, #tpu.memory_space<vmem>>[vector<16xi32>], vector<16xf32>,
        %scan3A_123 = arith.constant 1 : i32
        %mul3A_124 = arith.constant 16 : i32
        %mul3A_125 = arith.muli %scan3A_123, %mul3A_124 : i32
        %add3A_126 = vector.broadcast %mul3A_125 : i32 to vector<16xi32>
        %add3A_127 = arith.addi %iota3A, %add3A_126 : vector<16xi32>
        %mul3A_128 = arith.constant 16 : i32
        %mul3A_129 = arith.muli %scan3A_123, %mul3A_128 : i32
        %add3A_130 = vector.broadcast %mul3A_129 : i32 to vector<16xi32>
        %add3A_131 = arith.addi %add3A_58, %add3A_130 : vector<16xi32>
        %add3A_132 = arith.constant 0 : i32
        %add3A_133 = vector.broadcast %add3A_132 : i32 to vector<16xi32>
        %add3A_134 = arith.addi %and3A_54, %add3A_133 : vector<16xi32>
        %gather3A_135 = tpu.vector_load_idx %arg5[%add3A_127, %add3A_134] : memref<64x128xf32, #tpu.memory_space<vmem>>[vector<16xi32>, vector<16xi32>], vector<16xf32>,
        %add3A_136 = arith.constant 16 : i32
        %add3A_137 = vector.broadcast %add3A_136 : i32 to vector<16xi32>
        %add3A_138 = arith.addi %and3A_54, %add3A_137 : vector<16xi32>
        %gather3A_139 = tpu.vector_load_idx %arg5[%add3A_127, %add3A_138] : memref<64x128xf32, #tpu.memory_space<vmem>>[vector<16xi32>, vector<16xi32>], vector<16xf32>,
        %add3A_140 = arith.constant 32 : i32
        %add3A_141 = vector.broadcast %add3A_140 : i32 to vector<16xi32>
        %add3A_142 = arith.addi %and3A_54, %add3A_141 : vector<16xi32>
        %gather3A_143 = tpu.vector_load_idx %arg5[%add3A_127, %add3A_142] : memref<64x128xf32, #tpu.memory_space<vmem>>[vector<16xi32>, vector<16xi32>], vector<16xf32>,
        %add3A_144 = arith.constant 48 : i32
        %add3A_145 = vector.broadcast %add3A_144 : i32 to vector<16xi32>
        %add3A_146 = arith.addi %and3A_54, %add3A_145 : vector<16xi32>
        %gather3A_147 = tpu.vector_load_idx %arg5[%add3A_127, %add3A_146] : memref<64x128xf32, #tpu.memory_space<vmem>>[vector<16xi32>, vector<16xi32>], vector<16xf32>,
        %add3A_148 = arith.constant 64 : i32
        %add3A_149 = vector.broadcast %add3A_148 : i32 to vector<16xi32>
        %add3A_150 = arith.addi %and3A_54, %add3A_149 : vector<16xi32>
        %gather3A_151 = tpu.vector_load_idx %arg5[%add3A_127, %add3A_150] : memref<64x128xf32, #tpu.memory_space<vmem>>[vector<16xi32>, vector<16xi32>], vector<16xf32>,
        %add3A_152 = arith.constant 80 : i32
        %add3A_153 = vector.broadcast %add3A_152 : i32 to vector<16xi32>
        %add3A_154 = arith.addi %and3A_54, %add3A_153 : vector<16xi32>
        %gather3A_155 = tpu.vector_load_idx %arg5[%add3A_127, %add3A_154] : memref<64x128xf32, #tpu.memory_space<vmem>>[vector<16xi32>, vector<16xi32>], vector<16xf32>,
        %add3A_156 = arith.constant 96 : i32
        %add3A_157 = vector.broadcast %add3A_156 : i32 to vector<16xi32>
        %add3A_158 = arith.addi %and3A_54, %add3A_157 : vector<16xi32>
        %gather3A_159 = tpu.vector_load_idx %arg5[%add3A_127, %add3A_158] : memref<64x128xf32, #tpu.memory_space<vmem>>[vector<16xi32>, vector<16xi32>], vector<16xf32>,
        %add3A_160 = arith.constant 112 : i32
        %add3A_161 = vector.broadcast %add3A_160 : i32 to vector<16xi32>
        %add3A_162 = arith.addi %and3A_54, %add3A_161 : vector<16xi32>
        %gather3A_163 = tpu.vector_load_idx %arg5[%add3A_127, %add3A_162] : memref<64x128xf32, #tpu.memory_space<vmem>>[vector<16xi32>, vector<16xi32>], vector<16xf32>,
        %add3A_164 = arith.constant 0 : i32
        %add3A_165 = vector.broadcast %add3A_164 : i32 to vector<16xi32>
        %add3A_166 = arith.addi %add3A_131, %add3A_165 : vector<16xi32>
        tpu.vector_store_idx %arg7[%add3A_166], %gather3A_135 : memref<8192xf32, #tpu.memory_space<vmem>>[vector<16xi32>], vector<16xf32>,
        %add3A_167 = arith.constant 1024 : i32
        %add3A_168 = vector.broadcast %add3A_167 : i32 to vector<16xi32>
        %add3A_169 = arith.addi %add3A_131, %add3A_168 : vector<16xi32>
        tpu.vector_store_idx %arg7[%add3A_169], %gather3A_139 : memref<8192xf32, #tpu.memory_space<vmem>>[vector<16xi32>], vector<16xf32>,
        %add3A_170 = arith.constant 2048 : i32
        %add3A_171 = vector.broadcast %add3A_170 : i32 to vector<16xi32>
        %add3A_172 = arith.addi %add3A_131, %add3A_171 : vector<16xi32>
        tpu.vector_store_idx %arg7[%add3A_172], %gather3A_143 : memref<8192xf32, #tpu.memory_space<vmem>>[vector<16xi32>], vector<16xf32>,
        %add3A_173 = arith.constant 3072 : i32
        %add3A_174 = vector.broadcast %add3A_173 : i32 to vector<16xi32>
        %add3A_175 = arith.addi %add3A_131, %add3A_174 : vector<16xi32>
        tpu.vector_store_idx %arg7[%add3A_175], %gather3A_147 : memref<8192xf32, #tpu.memory_space<vmem>>[vector<16xi32>], vector<16xf32>,
        %add3A_176 = arith.constant 4096 : i32
        %add3A_177 = vector.broadcast %add3A_176 : i32 to vector<16xi32>
        %add3A_178 = arith.addi %add3A_131, %add3A_177 : vector<16xi32>
        tpu.vector_store_idx %arg7[%add3A_178], %gather3A_151 : memref<8192xf32, #tpu.memory_space<vmem>>[vector<16xi32>], vector<16xf32>,
        %add3A_179 = arith.constant 5120 : i32
        %add3A_180 = vector.broadcast %add3A_179 : i32 to vector<16xi32>
        %add3A_181 = arith.addi %add3A_131, %add3A_180 : vector<16xi32>
        tpu.vector_store_idx %arg7[%add3A_181], %gather3A_155 : memref<8192xf32, #tpu.memory_space<vmem>>[vector<16xi32>], vector<16xf32>,
        %add3A_182 = arith.constant 6144 : i32
        %add3A_183 = vector.broadcast %add3A_182 : i32 to vector<16xi32>
        %add3A_184 = arith.addi %add3A_131, %add3A_183 : vector<16xi32>
        tpu.vector_store_idx %arg7[%add3A_184], %gather3A_159 : memref<8192xf32, #tpu.memory_space<vmem>>[vector<16xi32>], vector<16xf32>,
        %add3A_185 = arith.constant 7168 : i32
        %add3A_186 = vector.broadcast %add3A_185 : i32 to vector<16xi32>
        %add3A_187 = arith.addi %add3A_131, %add3A_186 : vector<16xi32>
        tpu.vector_store_idx %arg7[%add3A_187], %gather3A_163 : memref<8192xf32, #tpu.memory_space<vmem>>[vector<16xi32>], vector<16xf32>,
        %scan3A_188 = arith.constant 2 : i32
        %mul3A_189 = arith.constant 16 : i32
        %mul3A_190 = arith.muli %scan3A_188, %mul3A_189 : i32
        %add3A_191 = vector.broadcast %mul3A_190 : i32 to vector<16xi32>
        %add3A_192 = arith.addi %iota3A, %add3A_191 : vector<16xi32>
        %mul3A_193 = arith.constant 16 : i32
        %mul3A_194 = arith.muli %scan3A_188, %mul3A_193 : i32
        %add3A_195 = vector.broadcast %mul3A_194 : i32 to vector<16xi32>
        %add3A_196 = arith.addi %add3A_58, %add3A_195 : vector<16xi32>
        %add3A_197 = arith.constant 0 : i32
        %add3A_198 = vector.broadcast %add3A_197 : i32 to vector<16xi32>
        %add3A_199 = arith.addi %and3A_54, %add3A_198 : vector<16xi32>
        %gather3A_200 = tpu.vector_load_idx %arg5[%add3A_192, %add3A_199] : memref<64x128xf32, #tpu.memory_space<vmem>>[vector<16xi32>, vector<16xi32>], vector<16xf32>,
        %add3A_201 = arith.constant 16 : i32
        %add3A_202 = vector.broadcast %add3A_201 : i32 to vector<16xi32>
        %add3A_203 = arith.addi %and3A_54, %add3A_202 : vector<16xi32>
        %gather3A_204 = tpu.vector_load_idx %arg5[%add3A_192, %add3A_203] : memref<64x128xf32, #tpu.memory_space<vmem>>[vector<16xi32>, vector<16xi32>], vector<16xf32>,
        %add3A_205 = arith.constant 32 : i32
        %add3A_206 = vector.broadcast %add3A_205 : i32 to vector<16xi32>
        %add3A_207 = arith.addi %and3A_54, %add3A_206 : vector<16xi32>
        %gather3A_208 = tpu.vector_load_idx %arg5[%add3A_192, %add3A_207] : memref<64x128xf32, #tpu.memory_space<vmem>>[vector<16xi32>, vector<16xi32>], vector<16xf32>,
        %add3A_209 = arith.constant 48 : i32
        %add3A_210 = vector.broadcast %add3A_209 : i32 to vector<16xi32>
        %add3A_211 = arith.addi %and3A_54, %add3A_210 : vector<16xi32>
        %gather3A_212 = tpu.vector_load_idx %arg5[%add3A_192, %add3A_211] : memref<64x128xf32, #tpu.memory_space<vmem>>[vector<16xi32>, vector<16xi32>], vector<16xf32>,
        %add3A_213 = arith.constant 64 : i32
        %add3A_214 = vector.broadcast %add3A_213 : i32 to vector<16xi32>
        %add3A_215 = arith.addi %and3A_54, %add3A_214 : vector<16xi32>
        %gather3A_216 = tpu.vector_load_idx %arg5[%add3A_192, %add3A_215] : memref<64x128xf32, #tpu.memory_space<vmem>>[vector<16xi32>, vector<16xi32>], vector<16xf32>,
        %add3A_217 = arith.constant 80 : i32
        %add3A_218 = vector.broadcast %add3A_217 : i32 to vector<16xi32>
        %add3A_219 = arith.addi %and3A_54, %add3A_218 : vector<16xi32>
        %gather3A_220 = tpu.vector_load_idx %arg5[%add3A_192, %add3A_219] : memref<64x128xf32, #tpu.memory_space<vmem>>[vector<16xi32>, vector<16xi32>], vector<16xf32>,
        %add3A_221 = arith.constant 96 : i32
        %add3A_222 = vector.broadcast %add3A_221 : i32 to vector<16xi32>
        %add3A_223 = arith.addi %and3A_54, %add3A_222 : vector<16xi32>
        %gather3A_224 = tpu.vector_load_idx %arg5[%add3A_192, %add3A_223] : memref<64x128xf32, #tpu.memory_space<vmem>>[vector<16xi32>, vector<16xi32>], vector<16xf32>,
        %add3A_225 = arith.constant 112 : i32
        %add3A_226 = vector.broadcast %add3A_225 : i32 to vector<16xi32>
        %add3A_227 = arith.addi %and3A_54, %add3A_226 : vector<16xi32>
        %gather3A_228 = tpu.vector_load_idx %arg5[%add3A_192, %add3A_227] : memref<64x128xf32, #tpu.memory_space<vmem>>[vector<16xi32>, vector<16xi32>], vector<16xf32>,
        %add3A_229 = arith.constant 0 : i32
        %add3A_230 = vector.broadcast %add3A_229 : i32 to vector<16xi32>
        %add3A_231 = arith.addi %add3A_196, %add3A_230 : vector<16xi32>
        tpu.vector_store_idx %arg7[%add3A_231], %gather3A_200 : memref<8192xf32, #tpu.memory_space<vmem>>[vector<16xi32>], vector<16xf32>,
        %add3A_232 = arith.constant 1024 : i32
        %add3A_233 = vector.broadcast %add3A_232 : i32 to vector<16xi32>
        %add3A_234 = arith.addi %add3A_196, %add3A_233 : vector<16xi32>
        tpu.vector_store_idx %arg7[%add3A_234], %gather3A_204 : memref<8192xf32, #tpu.memory_space<vmem>>[vector<16xi32>], vector<16xf32>,
        %add3A_235 = arith.constant 2048 : i32
        %add3A_236 = vector.broadcast %add3A_235 : i32 to vector<16xi32>
        %add3A_237 = arith.addi %add3A_196, %add3A_236 : vector<16xi32>
        tpu.vector_store_idx %arg7[%add3A_237], %gather3A_208 : memref<8192xf32, #tpu.memory_space<vmem>>[vector<16xi32>], vector<16xf32>,
        %add3A_238 = arith.constant 3072 : i32
        %add3A_239 = vector.broadcast %add3A_238 : i32 to vector<16xi32>
        %add3A_240 = arith.addi %add3A_196, %add3A_239 : vector<16xi32>
        tpu.vector_store_idx %arg7[%add3A_240], %gather3A_212 : memref<8192xf32, #tpu.memory_space<vmem>>[vector<16xi32>], vector<16xf32>,
        %add3A_241 = arith.constant 4096 : i32
        %add3A_242 = vector.broadcast %add3A_241 : i32 to vector<16xi32>
        %add3A_243 = arith.addi %add3A_196, %add3A_242 : vector<16xi32>
        tpu.vector_store_idx %arg7[%add3A_243], %gather3A_216 : memref<8192xf32, #tpu.memory_space<vmem>>[vector<16xi32>], vector<16xf32>,
        %add3A_244 = arith.constant 5120 : i32
        %add3A_245 = vector.broadcast %add3A_244 : i32 to vector<16xi32>
        %add3A_246 = arith.addi %add3A_196, %add3A_245 : vector<16xi32>
        tpu.vector_store_idx %arg7[%add3A_246], %gather3A_220 : memref<8192xf32, #tpu.memory_space<vmem>>[vector<16xi32>], vector<16xf32>,
        %add3A_247 = arith.constant 6144 : i32
        %add3A_248 = vector.broadcast %add3A_247 : i32 to vector<16xi32>
        %add3A_249 = arith.addi %add3A_196, %add3A_248 : vector<16xi32>
        tpu.vector_store_idx %arg7[%add3A_249], %gather3A_224 : memref<8192xf32, #tpu.memory_space<vmem>>[vector<16xi32>], vector<16xf32>,
        %add3A_250 = arith.constant 7168 : i32
        %add3A_251 = vector.broadcast %add3A_250 : i32 to vector<16xi32>
        %add3A_252 = arith.addi %add3A_196, %add3A_251 : vector<16xi32>
        tpu.vector_store_idx %arg7[%add3A_252], %gather3A_228 : memref<8192xf32, #tpu.memory_space<vmem>>[vector<16xi32>], vector<16xf32>,
        %scan3A_253 = arith.constant 3 : i32
        %mul3A_254 = arith.constant 16 : i32
        %mul3A_255 = arith.muli %scan3A_253, %mul3A_254 : i32
        %add3A_256 = vector.broadcast %mul3A_255 : i32 to vector<16xi32>
        %add3A_257 = arith.addi %iota3A, %add3A_256 : vector<16xi32>
        %mul3A_258 = arith.constant 16 : i32
        %mul3A_259 = arith.muli %scan3A_253, %mul3A_258 : i32
        %add3A_260 = vector.broadcast %mul3A_259 : i32 to vector<16xi32>
        %add3A_261 = arith.addi %add3A_58, %add3A_260 : vector<16xi32>
        %add3A_262 = arith.constant 0 : i32
        %add3A_263 = vector.broadcast %add3A_262 : i32 to vector<16xi32>
        %add3A_264 = arith.addi %and3A_54, %add3A_263 : vector<16xi32>
        %gather3A_265 = tpu.vector_load_idx %arg5[%add3A_257, %add3A_264] : memref<64x128xf32, #tpu.memory_space<vmem>>[vector<16xi32>, vector<16xi32>], vector<16xf32>,
        %add3A_266 = arith.constant 16 : i32
        %add3A_267 = vector.broadcast %add3A_266 : i32 to vector<16xi32>
        %add3A_268 = arith.addi %and3A_54, %add3A_267 : vector<16xi32>
        %gather3A_269 = tpu.vector_load_idx %arg5[%add3A_257, %add3A_268] : memref<64x128xf32, #tpu.memory_space<vmem>>[vector<16xi32>, vector<16xi32>], vector<16xf32>,
        %add3A_270 = arith.constant 32 : i32
        %add3A_271 = vector.broadcast %add3A_270 : i32 to vector<16xi32>
        %add3A_272 = arith.addi %and3A_54, %add3A_271 : vector<16xi32>
        %gather3A_273 = tpu.vector_load_idx %arg5[%add3A_257, %add3A_272] : memref<64x128xf32, #tpu.memory_space<vmem>>[vector<16xi32>, vector<16xi32>], vector<16xf32>,
        %add3A_274 = arith.constant 48 : i32
        %add3A_275 = vector.broadcast %add3A_274 : i32 to vector<16xi32>
        %add3A_276 = arith.addi %and3A_54, %add3A_275 : vector<16xi32>
        %gather3A_277 = tpu.vector_load_idx %arg5[%add3A_257, %add3A_276] : memref<64x128xf32, #tpu.memory_space<vmem>>[vector<16xi32>, vector<16xi32>], vector<16xf32>,
        %add3A_278 = arith.constant 64 : i32
        %add3A_279 = vector.broadcast %add3A_278 : i32 to vector<16xi32>
        %add3A_280 = arith.addi %and3A_54, %add3A_279 : vector<16xi32>
        %gather3A_281 = tpu.vector_load_idx %arg5[%add3A_257, %add3A_280] : memref<64x128xf32, #tpu.memory_space<vmem>>[vector<16xi32>, vector<16xi32>], vector<16xf32>,
        %add3A_282 = arith.constant 80 : i32
        %add3A_283 = vector.broadcast %add3A_282 : i32 to vector<16xi32>
        %add3A_284 = arith.addi %and3A_54, %add3A_283 : vector<16xi32>
        %gather3A_285 = tpu.vector_load_idx %arg5[%add3A_257, %add3A_284] : memref<64x128xf32, #tpu.memory_space<vmem>>[vector<16xi32>, vector<16xi32>], vector<16xf32>,
        %add3A_286 = arith.constant 96 : i32
        %add3A_287 = vector.broadcast %add3A_286 : i32 to vector<16xi32>
        %add3A_288 = arith.addi %and3A_54, %add3A_287 : vector<16xi32>
        %gather3A_289 = tpu.vector_load_idx %arg5[%add3A_257, %add3A_288] : memref<64x128xf32, #tpu.memory_space<vmem>>[vector<16xi32>, vector<16xi32>], vector<16xf32>,
        %add3A_290 = arith.constant 112 : i32
        %add3A_291 = vector.broadcast %add3A_290 : i32 to vector<16xi32>
        %add3A_292 = arith.addi %and3A_54, %add3A_291 : vector<16xi32>
        %gather3A_293 = tpu.vector_load_idx %arg5[%add3A_257, %add3A_292] : memref<64x128xf32, #tpu.memory_space<vmem>>[vector<16xi32>, vector<16xi32>], vector<16xf32>,
        %add3A_294 = arith.constant 0 : i32
        %add3A_295 = vector.broadcast %add3A_294 : i32 to vector<16xi32>
        %add3A_296 = arith.addi %add3A_261, %add3A_295 : vector<16xi32>
        tpu.vector_store_idx %arg7[%add3A_296], %gather3A_265 : memref<8192xf32, #tpu.memory_space<vmem>>[vector<16xi32>], vector<16xf32>,
        %add3A_297 = arith.constant 1024 : i32
        %add3A_298 = vector.broadcast %add3A_297 : i32 to vector<16xi32>
        %add3A_299 = arith.addi %add3A_261, %add3A_298 : vector<16xi32>
        tpu.vector_store_idx %arg7[%add3A_299], %gather3A_269 : memref<8192xf32, #tpu.memory_space<vmem>>[vector<16xi32>], vector<16xf32>,
        %add3A_300 = arith.constant 2048 : i32
        %add3A_301 = vector.broadcast %add3A_300 : i32 to vector<16xi32>
        %add3A_302 = arith.addi %add3A_261, %add3A_301 : vector<16xi32>
        tpu.vector_store_idx %arg7[%add3A_302], %gather3A_273 : memref<8192xf32, #tpu.memory_space<vmem>>[vector<16xi32>], vector<16xf32>,
        %add3A_303 = arith.constant 3072 : i32
        %add3A_304 = vector.broadcast %add3A_303 : i32 to vector<16xi32>
        %add3A_305 = arith.addi %add3A_261, %add3A_304 : vector<16xi32>
        tpu.vector_store_idx %arg7[%add3A_305], %gather3A_277 : memref<8192xf32, #tpu.memory_space<vmem>>[vector<16xi32>], vector<16xf32>,
        %add3A_306 = arith.constant 4096 : i32
        %add3A_307 = vector.broadcast %add3A_306 : i32 to vector<16xi32>
        %add3A_308 = arith.addi %add3A_261, %add3A_307 : vector<16xi32>
        tpu.vector_store_idx %arg7[%add3A_308], %gather3A_281 : memref<8192xf32, #tpu.memory_space<vmem>>[vector<16xi32>], vector<16xf32>,
        %add3A_309 = arith.constant 5120 : i32
        %add3A_310 = vector.broadcast %add3A_309 : i32 to vector<16xi32>
        %add3A_311 = arith.addi %add3A_261, %add3A_310 : vector<16xi32>
        tpu.vector_store_idx %arg7[%add3A_311], %gather3A_285 : memref<8192xf32, #tpu.memory_space<vmem>>[vector<16xi32>], vector<16xf32>,
        %add3A_312 = arith.constant 6144 : i32
        %add3A_313 = vector.broadcast %add3A_312 : i32 to vector<16xi32>
        %add3A_314 = arith.addi %add3A_261, %add3A_313 : vector<16xi32>
        tpu.vector_store_idx %arg7[%add3A_314], %gather3A_289 : memref<8192xf32, #tpu.memory_space<vmem>>[vector<16xi32>], vector<16xf32>,
        %add3A_315 = arith.constant 7168 : i32
        %add3A_316 = vector.broadcast %add3A_315 : i32 to vector<16xi32>
        %add3A_317 = arith.addi %add3A_261, %add3A_316 : vector<16xi32>
        tpu.vector_store_idx %arg7[%add3A_317], %gather3A_293 : memref<8192xf32, #tpu.memory_space<vmem>>[vector<16xi32>], vector<16xf32>,
        %scan3A_318 = arith.constant 4 : i32
        %scan3A_319 = arith.constant 1 : i32
        %scan3A_320 = arith.addi %scan3A_50, %scan3A_319 : i32
        %add3A_321 = vector.broadcast %scan3A_320 : i32 to vector<16xi32>
        %add3A_322 = arith.addi %iota3A, %add3A_321 : vector<16xi32>
        %and3A_323 = arith.constant 15 : i32
        %and3A_324 = vector.broadcast %and3A_323 : i32 to vector<16xi32>
        %and3A_325 = arith.andi %add3A_322, %and3A_324 : vector<16xi32>
        %mul3A_326 = arith.constant 64 : i32
        %mul3A_327 = vector.broadcast %mul3A_326 : i32 to vector<16xi32>
        %mul3A_328 = arith.muli %and3A_325, %mul3A_327 : vector<16xi32>
        %add3A_329 = arith.addi %mul3A_328, %iota3A : vector<16xi32>
        %scan3A_330 = arith.constant 0 : i32
        %mul3A_331 = arith.constant 16 : i32
        %mul3A_332 = arith.muli %scan3A_330, %mul3A_331 : i32
        %add3A_333 = vector.broadcast %mul3A_332 : i32 to vector<16xi32>
        %add3A_334 = arith.addi %iota3A, %add3A_333 : vector<16xi32>
        %mul3A_335 = arith.constant 16 : i32
        %mul3A_336 = arith.muli %scan3A_330, %mul3A_335 : i32
        %add3A_337 = vector.broadcast %mul3A_336 : i32 to vector<16xi32>
        %add3A_338 = arith.addi %add3A_329, %add3A_337 : vector<16xi32>
        %add3A_339 = arith.constant 0 : i32
        %add3A_340 = vector.broadcast %add3A_339 : i32 to vector<16xi32>
        %add3A_341 = arith.addi %and3A_325, %add3A_340 : vector<16xi32>
        %gather3A_342 = tpu.vector_load_idx %arg5[%add3A_334, %add3A_341] : memref<64x128xf32, #tpu.memory_space<vmem>>[vector<16xi32>, vector<16xi32>], vector<16xf32>,
        %add3A_343 = arith.constant 16 : i32
        %add3A_344 = vector.broadcast %add3A_343 : i32 to vector<16xi32>
        %add3A_345 = arith.addi %and3A_325, %add3A_344 : vector<16xi32>
        %gather3A_346 = tpu.vector_load_idx %arg5[%add3A_334, %add3A_345] : memref<64x128xf32, #tpu.memory_space<vmem>>[vector<16xi32>, vector<16xi32>], vector<16xf32>,
        %add3A_347 = arith.constant 32 : i32
        %add3A_348 = vector.broadcast %add3A_347 : i32 to vector<16xi32>
        %add3A_349 = arith.addi %and3A_325, %add3A_348 : vector<16xi32>
        %gather3A_350 = tpu.vector_load_idx %arg5[%add3A_334, %add3A_349] : memref<64x128xf32, #tpu.memory_space<vmem>>[vector<16xi32>, vector<16xi32>], vector<16xf32>,
        %add3A_351 = arith.constant 48 : i32
        %add3A_352 = vector.broadcast %add3A_351 : i32 to vector<16xi32>
        %add3A_353 = arith.addi %and3A_325, %add3A_352 : vector<16xi32>
        %gather3A_354 = tpu.vector_load_idx %arg5[%add3A_334, %add3A_353] : memref<64x128xf32, #tpu.memory_space<vmem>>[vector<16xi32>, vector<16xi32>], vector<16xf32>,
        %add3A_355 = arith.constant 64 : i32
        %add3A_356 = vector.broadcast %add3A_355 : i32 to vector<16xi32>
        %add3A_357 = arith.addi %and3A_325, %add3A_356 : vector<16xi32>
        %gather3A_358 = tpu.vector_load_idx %arg5[%add3A_334, %add3A_357] : memref<64x128xf32, #tpu.memory_space<vmem>>[vector<16xi32>, vector<16xi32>], vector<16xf32>,
        %add3A_359 = arith.constant 80 : i32
        %add3A_360 = vector.broadcast %add3A_359 : i32 to vector<16xi32>
        %add3A_361 = arith.addi %and3A_325, %add3A_360 : vector<16xi32>
        %gather3A_362 = tpu.vector_load_idx %arg5[%add3A_334, %add3A_361] : memref<64x128xf32, #tpu.memory_space<vmem>>[vector<16xi32>, vector<16xi32>], vector<16xf32>,
        %add3A_363 = arith.constant 96 : i32
        %add3A_364 = vector.broadcast %add3A_363 : i32 to vector<16xi32>
        %add3A_365 = arith.addi %and3A_325, %add3A_364 : vector<16xi32>
        %gather3A_366 = tpu.vector_load_idx %arg5[%add3A_334, %add3A_365] : memref<64x128xf32, #tpu.memory_space<vmem>>[vector<16xi32>, vector<16xi32>], vector<16xf32>,
        %add3A_367 = arith.constant 112 : i32
        %add3A_368 = vector.broadcast %add3A_367 : i32 to vector<16xi32>
        %add3A_369 = arith.addi %and3A_325, %add3A_368 : vector<16xi32>
        %gather3A_370 = tpu.vector_load_idx %arg5[%add3A_334, %add3A_369] : memref<64x128xf32, #tpu.memory_space<vmem>>[vector<16xi32>, vector<16xi32>], vector<16xf32>,
        %add3A_371 = arith.constant 0 : i32
        %add3A_372 = vector.broadcast %add3A_371 : i32 to vector<16xi32>
        %add3A_373 = arith.addi %add3A_338, %add3A_372 : vector<16xi32>
        tpu.vector_store_idx %arg7[%add3A_373], %gather3A_342 : memref<8192xf32, #tpu.memory_space<vmem>>[vector<16xi32>], vector<16xf32>,
        %add3A_374 = arith.constant 1024 : i32
        %add3A_375 = vector.broadcast %add3A_374 : i32 to vector<16xi32>
        %add3A_376 = arith.addi %add3A_338, %add3A_375 : vector<16xi32>
        tpu.vector_store_idx %arg7[%add3A_376], %gather3A_346 : memref<8192xf32, #tpu.memory_space<vmem>>[vector<16xi32>], vector<16xf32>,
        %add3A_377 = arith.constant 2048 : i32
        %add3A_378 = vector.broadcast %add3A_377 : i32 to vector<16xi32>
        %add3A_379 = arith.addi %add3A_338, %add3A_378 : vector<16xi32>
        tpu.vector_store_idx %arg7[%add3A_379], %gather3A_350 : memref<8192xf32, #tpu.memory_space<vmem>>[vector<16xi32>], vector<16xf32>,
        %add3A_380 = arith.constant 3072 : i32
        %add3A_381 = vector.broadcast %add3A_380 : i32 to vector<16xi32>
        %add3A_382 = arith.addi %add3A_338, %add3A_381 : vector<16xi32>
        tpu.vector_store_idx %arg7[%add3A_382], %gather3A_354 : memref<8192xf32, #tpu.memory_space<vmem>>[vector<16xi32>], vector<16xf32>,
        %add3A_383 = arith.constant 4096 : i32
        %add3A_384 = vector.broadcast %add3A_383 : i32 to vector<16xi32>
        %add3A_385 = arith.addi %add3A_338, %add3A_384 : vector<16xi32>
        tpu.vector_store_idx %arg7[%add3A_385], %gather3A_358 : memref<8192xf32, #tpu.memory_space<vmem>>[vector<16xi32>], vector<16xf32>,
        %add3A_386 = arith.constant 5120 : i32
        %add3A_387 = vector.broadcast %add3A_386 : i32 to vector<16xi32>
        %add3A_388 = arith.addi %add3A_338, %add3A_387 : vector<16xi32>
        tpu.vector_store_idx %arg7[%add3A_388], %gather3A_362 : memref<8192xf32, #tpu.memory_space<vmem>>[vector<16xi32>], vector<16xf32>,
        %add3A_389 = arith.constant 6144 : i32
        %add3A_390 = vector.broadcast %add3A_389 : i32 to vector<16xi32>
        %add3A_391 = arith.addi %add3A_338, %add3A_390 : vector<16xi32>
        tpu.vector_store_idx %arg7[%add3A_391], %gather3A_366 : memref<8192xf32, #tpu.memory_space<vmem>>[vector<16xi32>], vector<16xf32>,
        %add3A_392 = arith.constant 7168 : i32
        %add3A_393 = vector.broadcast %add3A_392 : i32 to vector<16xi32>
        %add3A_394 = arith.addi %add3A_338, %add3A_393 : vector<16xi32>
        tpu.vector_store_idx %arg7[%add3A_394], %gather3A_370 : memref<8192xf32, #tpu.memory_space<vmem>>[vector<16xi32>], vector<16xf32>,
        %scan3A_395 = arith.constant 1 : i32
        %mul3A_396 = arith.constant 16 : i32
        %mul3A_397 = arith.muli %scan3A_395, %mul3A_396 : i32
        %add3A_398 = vector.broadcast %mul3A_397 : i32 to vector<16xi32>
        %add3A_399 = arith.addi %iota3A, %add3A_398 : vector<16xi32>
        %mul3A_400 = arith.constant 16 : i32
        %mul3A_401 = arith.muli %scan3A_395, %mul3A_400 : i32
        %add3A_402 = vector.broadcast %mul3A_401 : i32 to vector<16xi32>
        %add3A_403 = arith.addi %add3A_329, %add3A_402 : vector<16xi32>
        %add3A_404 = arith.constant 0 : i32
        %add3A_405 = vector.broadcast %add3A_404 : i32 to vector<16xi32>
        %add3A_406 = arith.addi %and3A_325, %add3A_405 : vector<16xi32>
        %gather3A_407 = tpu.vector_load_idx %arg5[%add3A_399, %add3A_406] : memref<64x128xf32, #tpu.memory_space<vmem>>[vector<16xi32>, vector<16xi32>], vector<16xf32>,
        %add3A_408 = arith.constant 16 : i32
        %add3A_409 = vector.broadcast %add3A_408 : i32 to vector<16xi32>
        %add3A_410 = arith.addi %and3A_325, %add3A_409 : vector<16xi32>
        %gather3A_411 = tpu.vector_load_idx %arg5[%add3A_399, %add3A_410] : memref<64x128xf32, #tpu.memory_space<vmem>>[vector<16xi32>, vector<16xi32>], vector<16xf32>,
        %add3A_412 = arith.constant 32 : i32
        %add3A_413 = vector.broadcast %add3A_412 : i32 to vector<16xi32>
        %add3A_414 = arith.addi %and3A_325, %add3A_413 : vector<16xi32>
        %gather3A_415 = tpu.vector_load_idx %arg5[%add3A_399, %add3A_414] : memref<64x128xf32, #tpu.memory_space<vmem>>[vector<16xi32>, vector<16xi32>], vector<16xf32>,
        %add3A_416 = arith.constant 48 : i32
        %add3A_417 = vector.broadcast %add3A_416 : i32 to vector<16xi32>
        %add3A_418 = arith.addi %and3A_325, %add3A_417 : vector<16xi32>
        %gather3A_419 = tpu.vector_load_idx %arg5[%add3A_399, %add3A_418] : memref<64x128xf32, #tpu.memory_space<vmem>>[vector<16xi32>, vector<16xi32>], vector<16xf32>,
        %add3A_420 = arith.constant 64 : i32
        %add3A_421 = vector.broadcast %add3A_420 : i32 to vector<16xi32>
        %add3A_422 = arith.addi %and3A_325, %add3A_421 : vector<16xi32>
        %gather3A_423 = tpu.vector_load_idx %arg5[%add3A_399, %add3A_422] : memref<64x128xf32, #tpu.memory_space<vmem>>[vector<16xi32>, vector<16xi32>], vector<16xf32>,
        %add3A_424 = arith.constant 80 : i32
        %add3A_425 = vector.broadcast %add3A_424 : i32 to vector<16xi32>
        %add3A_426 = arith.addi %and3A_325, %add3A_425 : vector<16xi32>
        %gather3A_427 = tpu.vector_load_idx %arg5[%add3A_399, %add3A_426] : memref<64x128xf32, #tpu.memory_space<vmem>>[vector<16xi32>, vector<16xi32>], vector<16xf32>,
        %add3A_428 = arith.constant 96 : i32
        %add3A_429 = vector.broadcast %add3A_428 : i32 to vector<16xi32>
        %add3A_430 = arith.addi %and3A_325, %add3A_429 : vector<16xi32>
        %gather3A_431 = tpu.vector_load_idx %arg5[%add3A_399, %add3A_430] : memref<64x128xf32, #tpu.memory_space<vmem>>[vector<16xi32>, vector<16xi32>], vector<16xf32>,
        %add3A_432 = arith.constant 112 : i32
        %add3A_433 = vector.broadcast %add3A_432 : i32 to vector<16xi32>
        %add3A_434 = arith.addi %and3A_325, %add3A_433 : vector<16xi32>
        %gather3A_435 = tpu.vector_load_idx %arg5[%add3A_399, %add3A_434] : memref<64x128xf32, #tpu.memory_space<vmem>>[vector<16xi32>, vector<16xi32>], vector<16xf32>,
        %add3A_436 = arith.constant 0 : i32
        %add3A_437 = vector.broadcast %add3A_436 : i32 to vector<16xi32>
        %add3A_438 = arith.addi %add3A_403, %add3A_437 : vector<16xi32>
        tpu.vector_store_idx %arg7[%add3A_438], %gather3A_407 : memref<8192xf32, #tpu.memory_space<vmem>>[vector<16xi32>], vector<16xf32>,
        %add3A_439 = arith.constant 1024 : i32
        %add3A_440 = vector.broadcast %add3A_439 : i32 to vector<16xi32>
        %add3A_441 = arith.addi %add3A_403, %add3A_440 : vector<16xi32>
        tpu.vector_store_idx %arg7[%add3A_441], %gather3A_411 : memref<8192xf32, #tpu.memory_space<vmem>>[vector<16xi32>], vector<16xf32>,
        %add3A_442 = arith.constant 2048 : i32
        %add3A_443 = vector.broadcast %add3A_442 : i32 to vector<16xi32>
        %add3A_444 = arith.addi %add3A_403, %add3A_443 : vector<16xi32>
        tpu.vector_store_idx %arg7[%add3A_444], %gather3A_415 : memref<8192xf32, #tpu.memory_space<vmem>>[vector<16xi32>], vector<16xf32>,
        %add3A_445 = arith.constant 3072 : i32
        %add3A_446 = vector.broadcast %add3A_445 : i32 to vector<16xi32>
        %add3A_447 = arith.addi %add3A_403, %add3A_446 : vector<16xi32>
        tpu.vector_store_idx %arg7[%add3A_447], %gather3A_419 : memref<8192xf32, #tpu.memory_space<vmem>>[vector<16xi32>], vector<16xf32>,
        %add3A_448 = arith.constant 4096 : i32
        %add3A_449 = vector.broadcast %add3A_448 : i32 to vector<16xi32>
        %add3A_450 = arith.addi %add3A_403, %add3A_449 : vector<16xi32>
        tpu.vector_store_idx %arg7[%add3A_450], %gather3A_423 : memref<8192xf32, #tpu.memory_space<vmem>>[vector<16xi32>], vector<16xf32>,
        %add3A_451 = arith.constant 5120 : i32
        %add3A_452 = vector.broadcast %add3A_451 : i32 to vector<16xi32>
        %add3A_453 = arith.addi %add3A_403, %add3A_452 : vector<16xi32>
        tpu.vector_store_idx %arg7[%add3A_453], %gather3A_427 : memref<8192xf32, #tpu.memory_space<vmem>>[vector<16xi32>], vector<16xf32>,
        %add3A_454 = arith.constant 6144 : i32
        %add3A_455 = vector.broadcast %add3A_454 : i32 to vector<16xi32>
        %add3A_456 = arith.addi %add3A_403, %add3A_455 : vector<16xi32>
        tpu.vector_store_idx %arg7[%add3A_456], %gather3A_431 : memref<8192xf32, #tpu.memory_space<vmem>>[vector<16xi32>], vector<16xf32>,
        %add3A_457 = arith.constant 7168 : i32
        %add3A_458 = vector.broadcast %add3A_457 : i32 to vector<16xi32>
        %add3A_459 = arith.addi %add3A_403, %add3A_458 : vector<16xi32>
        tpu.vector_store_idx %arg7[%add3A_459], %gather3A_435 : memref<8192xf32, #tpu.memory_space<vmem>>[vector<16xi32>], vector<16xf32>,
        %scan3A_460 = arith.constant 2 : i32
        %mul3A_461 = arith.constant 16 : i32
        %mul3A_462 = arith.muli %scan3A_460, %mul3A_461 : i32
        %add3A_463 = vector.broadcast %mul3A_462 : i32 to vector<16xi32>
        %add3A_464 = arith.addi %iota3A, %add3A_463 : vector<16xi32>
        %mul3A_465 = arith.constant 16 : i32
        %mul3A_466 = arith.muli %scan3A_460, %mul3A_465 : i32
        %add3A_467 = vector.broadcast %mul3A_466 : i32 to vector<16xi32>
        %add3A_468 = arith.addi %add3A_329, %add3A_467 : vector<16xi32>
        %add3A_469 = arith.constant 0 : i32
        %add3A_470 = vector.broadcast %add3A_469 : i32 to vector<16xi32>
        %add3A_471 = arith.addi %and3A_325, %add3A_470 : vector<16xi32>
        %gather3A_472 = tpu.vector_load_idx %arg5[%add3A_464, %add3A_471] : memref<64x128xf32, #tpu.memory_space<vmem>>[vector<16xi32>, vector<16xi32>], vector<16xf32>,
        %add3A_473 = arith.constant 16 : i32
        %add3A_474 = vector.broadcast %add3A_473 : i32 to vector<16xi32>
        %add3A_475 = arith.addi %and3A_325, %add3A_474 : vector<16xi32>
        %gather3A_476 = tpu.vector_load_idx %arg5[%add3A_464, %add3A_475] : memref<64x128xf32, #tpu.memory_space<vmem>>[vector<16xi32>, vector<16xi32>], vector<16xf32>,
        %add3A_477 = arith.constant 32 : i32
        %add3A_478 = vector.broadcast %add3A_477 : i32 to vector<16xi32>
        %add3A_479 = arith.addi %and3A_325, %add3A_478 : vector<16xi32>
        %gather3A_480 = tpu.vector_load_idx %arg5[%add3A_464, %add3A_479] : memref<64x128xf32, #tpu.memory_space<vmem>>[vector<16xi32>, vector<16xi32>], vector<16xf32>,
        %add3A_481 = arith.constant 48 : i32
        %add3A_482 = vector.broadcast %add3A_481 : i32 to vector<16xi32>
        %add3A_483 = arith.addi %and3A_325, %add3A_482 : vector<16xi32>
        %gather3A_484 = tpu.vector_load_idx %arg5[%add3A_464, %add3A_483] : memref<64x128xf32, #tpu.memory_space<vmem>>[vector<16xi32>, vector<16xi32>], vector<16xf32>,
        %add3A_485 = arith.constant 64 : i32
        %add3A_486 = vector.broadcast %add3A_485 : i32 to vector<16xi32>
        %add3A_487 = arith.addi %and3A_325, %add3A_486 : vector<16xi32>
        %gather3A_488 = tpu.vector_load_idx %arg5[%add3A_464, %add3A_487] : memref<64x128xf32, #tpu.memory_space<vmem>>[vector<16xi32>, vector<16xi32>], vector<16xf32>,
        %add3A_489 = arith.constant 80 : i32
        %add3A_490 = vector.broadcast %add3A_489 : i32 to vector<16xi32>
        %add3A_491 = arith.addi %and3A_325, %add3A_490 : vector<16xi32>
        %gather3A_492 = tpu.vector_load_idx %arg5[%add3A_464, %add3A_491] : memref<64x128xf32, #tpu.memory_space<vmem>>[vector<16xi32>, vector<16xi32>], vector<16xf32>,
        %add3A_493 = arith.constant 96 : i32
        %add3A_494 = vector.broadcast %add3A_493 : i32 to vector<16xi32>
        %add3A_495 = arith.addi %and3A_325, %add3A_494 : vector<16xi32>
        %gather3A_496 = tpu.vector_load_idx %arg5[%add3A_464, %add3A_495] : memref<64x128xf32, #tpu.memory_space<vmem>>[vector<16xi32>, vector<16xi32>], vector<16xf32>,
        %add3A_497 = arith.constant 112 : i32
        %add3A_498 = vector.broadcast %add3A_497 : i32 to vector<16xi32>
        %add3A_499 = arith.addi %and3A_325, %add3A_498 : vector<16xi32>
        %gather3A_500 = tpu.vector_load_idx %arg5[%add3A_464, %add3A_499] : memref<64x128xf32, #tpu.memory_space<vmem>>[vector<16xi32>, vector<16xi32>], vector<16xf32>,
        %add3A_501 = arith.constant 0 : i32
        %add3A_502 = vector.broadcast %add3A_501 : i32 to vector<16xi32>
        %add3A_503 = arith.addi %add3A_468, %add3A_502 : vector<16xi32>
        tpu.vector_store_idx %arg7[%add3A_503], %gather3A_472 : memref<8192xf32, #tpu.memory_space<vmem>>[vector<16xi32>], vector<16xf32>,
        %add3A_504 = arith.constant 1024 : i32
        %add3A_505 = vector.broadcast %add3A_504 : i32 to vector<16xi32>
        %add3A_506 = arith.addi %add3A_468, %add3A_505 : vector<16xi32>
        tpu.vector_store_idx %arg7[%add3A_506], %gather3A_476 : memref<8192xf32, #tpu.memory_space<vmem>>[vector<16xi32>], vector<16xf32>,
        %add3A_507 = arith.constant 2048 : i32
        %add3A_508 = vector.broadcast %add3A_507 : i32 to vector<16xi32>
        %add3A_509 = arith.addi %add3A_468, %add3A_508 : vector<16xi32>
        tpu.vector_store_idx %arg7[%add3A_509], %gather3A_480 : memref<8192xf32, #tpu.memory_space<vmem>>[vector<16xi32>], vector<16xf32>,
        %add3A_510 = arith.constant 3072 : i32
        %add3A_511 = vector.broadcast %add3A_510 : i32 to vector<16xi32>
        %add3A_512 = arith.addi %add3A_468, %add3A_511 : vector<16xi32>
        tpu.vector_store_idx %arg7[%add3A_512], %gather3A_484 : memref<8192xf32, #tpu.memory_space<vmem>>[vector<16xi32>], vector<16xf32>,
        %add3A_513 = arith.constant 4096 : i32
        %add3A_514 = vector.broadcast %add3A_513 : i32 to vector<16xi32>
        %add3A_515 = arith.addi %add3A_468, %add3A_514 : vector<16xi32>
        tpu.vector_store_idx %arg7[%add3A_515], %gather3A_488 : memref<8192xf32, #tpu.memory_space<vmem>>[vector<16xi32>], vector<16xf32>,
        %add3A_516 = arith.constant 5120 : i32
        %add3A_517 = vector.broadcast %add3A_516 : i32 to vector<16xi32>
        %add3A_518 = arith.addi %add3A_468, %add3A_517 : vector<16xi32>
        tpu.vector_store_idx %arg7[%add3A_518], %gather3A_492 : memref<8192xf32, #tpu.memory_space<vmem>>[vector<16xi32>], vector<16xf32>,
        %add3A_519 = arith.constant 6144 : i32
        %add3A_520 = vector.broadcast %add3A_519 : i32 to vector<16xi32>
        %add3A_521 = arith.addi %add3A_468, %add3A_520 : vector<16xi32>
        tpu.vector_store_idx %arg7[%add3A_521], %gather3A_496 : memref<8192xf32, #tpu.memory_space<vmem>>[vector<16xi32>], vector<16xf32>,
        %add3A_522 = arith.constant 7168 : i32
        %add3A_523 = vector.broadcast %add3A_522 : i32 to vector<16xi32>
        %add3A_524 = arith.addi %add3A_468, %add3A_523 : vector<16xi32>
        tpu.vector_store_idx %arg7[%add3A_524], %gather3A_500 : memref<8192xf32, #tpu.memory_space<vmem>>[vector<16xi32>], vector<16xf32>,
        %scan3A_525 = arith.constant 3 : i32
        %mul3A_526 = arith.constant 16 : i32
        %mul3A_527 = arith.muli %scan3A_525, %mul3A_526 : i32
        %add3A_528 = vector.broadcast %mul3A_527 : i32 to vector<16xi32>
        %add3A_529 = arith.addi %iota3A, %add3A_528 : vector<16xi32>
        %mul3A_530 = arith.constant 16 : i32
        %mul3A_531 = arith.muli %scan3A_525, %mul3A_530 : i32
        %add3A_532 = vector.broadcast %mul3A_531 : i32 to vector<16xi32>
        %add3A_533 = arith.addi %add3A_329, %add3A_532 : vector<16xi32>
        %add3A_534 = arith.constant 0 : i32
        %add3A_535 = vector.broadcast %add3A_534 : i32 to vector<16xi32>
        %add3A_536 = arith.addi %and3A_325, %add3A_535 : vector<16xi32>
        %gather3A_537 = tpu.vector_load_idx %arg5[%add3A_529, %add3A_536] : memref<64x128xf32, #tpu.memory_space<vmem>>[vector<16xi32>, vector<16xi32>], vector<16xf32>,
        %add3A_538 = arith.constant 16 : i32
        %add3A_539 = vector.broadcast %add3A_538 : i32 to vector<16xi32>
        %add3A_540 = arith.addi %and3A_325, %add3A_539 : vector<16xi32>
        %gather3A_541 = tpu.vector_load_idx %arg5[%add3A_529, %add3A_540] : memref<64x128xf32, #tpu.memory_space<vmem>>[vector<16xi32>, vector<16xi32>], vector<16xf32>,
        %add3A_542 = arith.constant 32 : i32
        %add3A_543 = vector.broadcast %add3A_542 : i32 to vector<16xi32>
        %add3A_544 = arith.addi %and3A_325, %add3A_543 : vector<16xi32>
        %gather3A_545 = tpu.vector_load_idx %arg5[%add3A_529, %add3A_544] : memref<64x128xf32, #tpu.memory_space<vmem>>[vector<16xi32>, vector<16xi32>], vector<16xf32>,
        %add3A_546 = arith.constant 48 : i32
        %add3A_547 = vector.broadcast %add3A_546 : i32 to vector<16xi32>
        %add3A_548 = arith.addi %and3A_325, %add3A_547 : vector<16xi32>
        %gather3A_549 = tpu.vector_load_idx %arg5[%add3A_529, %add3A_548] : memref<64x128xf32, #tpu.memory_space<vmem>>[vector<16xi32>, vector<16xi32>], vector<16xf32>,
        %add3A_550 = arith.constant 64 : i32
        %add3A_551 = vector.broadcast %add3A_550 : i32 to vector<16xi32>
        %add3A_552 = arith.addi %and3A_325, %add3A_551 : vector<16xi32>
        %gather3A_553 = tpu.vector_load_idx %arg5[%add3A_529, %add3A_552] : memref<64x128xf32, #tpu.memory_space<vmem>>[vector<16xi32>, vector<16xi32>], vector<16xf32>,
        %add3A_554 = arith.constant 80 : i32
        %add3A_555 = vector.broadcast %add3A_554 : i32 to vector<16xi32>
        %add3A_556 = arith.addi %and3A_325, %add3A_555 : vector<16xi32>
        %gather3A_557 = tpu.vector_load_idx %arg5[%add3A_529, %add3A_556] : memref<64x128xf32, #tpu.memory_space<vmem>>[vector<16xi32>, vector<16xi32>], vector<16xf32>,
        %add3A_558 = arith.constant 96 : i32
        %add3A_559 = vector.broadcast %add3A_558 : i32 to vector<16xi32>
        %add3A_560 = arith.addi %and3A_325, %add3A_559 : vector<16xi32>
        %gather3A_561 = tpu.vector_load_idx %arg5[%add3A_529, %add3A_560] : memref<64x128xf32, #tpu.memory_space<vmem>>[vector<16xi32>, vector<16xi32>], vector<16xf32>,
        %add3A_562 = arith.constant 112 : i32
        %add3A_563 = vector.broadcast %add3A_562 : i32 to vector<16xi32>
        %add3A_564 = arith.addi %and3A_325, %add3A_563 : vector<16xi32>
        %gather3A_565 = tpu.vector_load_idx %arg5[%add3A_529, %add3A_564] : memref<64x128xf32, #tpu.memory_space<vmem>>[vector<16xi32>, vector<16xi32>], vector<16xf32>,
        %add3A_566 = arith.constant 0 : i32
        %add3A_567 = vector.broadcast %add3A_566 : i32 to vector<16xi32>
        %add3A_568 = arith.addi %add3A_533, %add3A_567 : vector<16xi32>
        tpu.vector_store_idx %arg7[%add3A_568], %gather3A_537 : memref<8192xf32, #tpu.memory_space<vmem>>[vector<16xi32>], vector<16xf32>,
        %add3A_569 = arith.constant 1024 : i32
        %add3A_570 = vector.broadcast %add3A_569 : i32 to vector<16xi32>
        %add3A_571 = arith.addi %add3A_533, %add3A_570 : vector<16xi32>
        tpu.vector_store_idx %arg7[%add3A_571], %gather3A_541 : memref<8192xf32, #tpu.memory_space<vmem>>[vector<16xi32>], vector<16xf32>,
        %add3A_572 = arith.constant 2048 : i32
        %add3A_573 = vector.broadcast %add3A_572 : i32 to vector<16xi32>
        %add3A_574 = arith.addi %add3A_533, %add3A_573 : vector<16xi32>
        tpu.vector_store_idx %arg7[%add3A_574], %gather3A_545 : memref<8192xf32, #tpu.memory_space<vmem>>[vector<16xi32>], vector<16xf32>,
        %add3A_575 = arith.constant 3072 : i32
        %add3A_576 = vector.broadcast %add3A_575 : i32 to vector<16xi32>
        %add3A_577 = arith.addi %add3A_533, %add3A_576 : vector<16xi32>
        tpu.vector_store_idx %arg7[%add3A_577], %gather3A_549 : memref<8192xf32, #tpu.memory_space<vmem>>[vector<16xi32>], vector<16xf32>,
        %add3A_578 = arith.constant 4096 : i32
        %add3A_579 = vector.broadcast %add3A_578 : i32 to vector<16xi32>
        %add3A_580 = arith.addi %add3A_533, %add3A_579 : vector<16xi32>
        tpu.vector_store_idx %arg7[%add3A_580], %gather3A_553 : memref<8192xf32, #tpu.memory_space<vmem>>[vector<16xi32>], vector<16xf32>,
        %add3A_581 = arith.constant 5120 : i32
        %add3A_582 = vector.broadcast %add3A_581 : i32 to vector<16xi32>
        %add3A_583 = arith.addi %add3A_533, %add3A_582 : vector<16xi32>
        tpu.vector_store_idx %arg7[%add3A_583], %gather3A_557 : memref<8192xf32, #tpu.memory_space<vmem>>[vector<16xi32>], vector<16xf32>,
        %add3A_584 = arith.constant 6144 : i32
        %add3A_585 = vector.broadcast %add3A_584 : i32 to vector<16xi32>
        %add3A_586 = arith.addi %add3A_533, %add3A_585 : vector<16xi32>
        tpu.vector_store_idx %arg7[%add3A_586], %gather3A_561 : memref<8192xf32, #tpu.memory_space<vmem>>[vector<16xi32>], vector<16xf32>,
        %add3A_587 = arith.constant 7168 : i32
        %add3A_588 = vector.broadcast %add3A_587 : i32 to vector<16xi32>
        %add3A_589 = arith.addi %add3A_533, %add3A_588 : vector<16xi32>
        tpu.vector_store_idx %arg7[%add3A_589], %gather3A_565 : memref<8192xf32, #tpu.memory_space<vmem>>[vector<16xi32>], vector<16xf32>,
        %scan3A_590 = arith.constant 4 : i32
      }
      %scan3A_43 = arith.constant 16 : i32
      %add3A_44 = arith.constant 7808 : i32
      %add3A_45 = arith.addi %add3A, %add3A_44 : i32
      %mul3A_46 = arith.constant 128 : i32
      %mul3A_47 = arith.muli %add3A_45, %mul3A_46 : i32
      %mul3A_48 = arith.constant 64 : i32
      %mul3A_49 = arith.muli %mul3A_47, %mul3A_48 : i32
      "tpu.region"() ({
        %run_scoped3A = tpu.sem_alloc : memref<!tpu.dma_semaphore, #tpu.memory_space<semaphore_mem>>
        %dma_start3A_50 = tpu.memref_slice %arg4[%mul3A_49] : memref<64000000xf32, #tpu.memory_space<hbm>> -> memref<8192xf32, #tpu.memory_space<hbm>>
        %dma_start3A_51 = tpu.memref_slice %arg4[%mul3A_49] : memref<64000000xf32, #tpu.memory_space<hbm>> -> memref<8192xf32, #tpu.memory_space<hbm>>
        tpu.enqueue_dma source(%arg7 : memref<8192xf32, #tpu.memory_space<vmem>>) target(%dma_start3A_51 : memref<8192xf32, #tpu.memory_space<hbm>>) target_semaphore(%run_scoped3A : memref<!tpu.dma_semaphore, #tpu.memory_space<semaphore_mem>>)
        %dma_wait3A_52 = tpu.memref_slice %arg4[%mul3A_49] : memref<64000000xf32, #tpu.memory_space<hbm>> -> memref<8192xf32, #tpu.memory_space<hbm>>
        %dma_wait3A_53 = tpu.memref_slice %arg4[%mul3A_49] : memref<64000000xf32, #tpu.memory_space<hbm>> -> memref<8192xf32, #tpu.memory_space<hbm>>
        tpu.wait_dma2 semaphore(%run_scoped3A : memref<!tpu.dma_semaphore, #tpu.memory_space<semaphore_mem>>) src(%arg7 : memref<8192xf32, #tpu.memory_space<vmem>>) dst(%dma_wait3A_53 : memref<8192xf32, #tpu.memory_space<hbm>>)
        tpu.yield
      }) : () -> ()
    } else {
    }
    %eq3A = arith.constant 4 : i32
    %eq3A_30 = arith.cmpi eq, %add3A, %eq3A : i32
    %convert_element_type3A_31 = arith.extui %eq3A_30 : i1 to i32
    %cond3A_32 = arith.constant 0 : i32
    %cond3A_33 = arith.cmpi ne, %convert_element_type3A_31, %cond3A_32 : i32
    scf.if %cond3A_33 {
      "tpu.region"() ({
        %run_scoped3A = tpu.sem_alloc : memref<!tpu.dma_semaphore, #tpu.memory_space<semaphore_mem>>
        %dma_start3A_34 = arith.constant 0 : i32
        %dma_start3A_35 = tpu.memref_slice %arg7[%dma_start3A_34] : memref<8192xf32, #tpu.memory_space<vmem>> -> memref<4096xf32, #tpu.memory_space<vmem>>
        %dma_start3A_36 = arith.constant 0 : i32
        %dma_start3A_37 = tpu.memref_slice %arg7[%dma_start3A_36] : memref<8192xf32, #tpu.memory_space<vmem>> -> memref<4096xf32, #tpu.memory_space<vmem>>
        tpu.enqueue_dma source(%arg3 : memref<4096xf32, #tpu.memory_space<hbm>>) target(%dma_start3A_37 : memref<4096xf32, #tpu.memory_space<vmem>>) target_semaphore(%run_scoped3A : memref<!tpu.dma_semaphore, #tpu.memory_space<semaphore_mem>>)
        %dma_wait3A_38 = arith.constant 0 : i32
        %dma_wait3A_39 = tpu.memref_slice %arg7[%dma_wait3A_38] : memref<8192xf32, #tpu.memory_space<vmem>> -> memref<4096xf32, #tpu.memory_space<vmem>>
        %dma_wait3A_40 = arith.constant 0 : i32
        %dma_wait3A_41 = tpu.memref_slice %arg7[%dma_wait3A_40] : memref<8192xf32, #tpu.memory_space<vmem>> -> memref<4096xf32, #tpu.memory_space<vmem>>
        tpu.wait_dma2 semaphore(%run_scoped3A : memref<!tpu.dma_semaphore, #tpu.memory_space<semaphore_mem>>) src(%arg3 : memref<4096xf32, #tpu.memory_space<hbm>>) dst(%dma_wait3A_41 : memref<4096xf32, #tpu.memory_space<vmem>>)
        tpu.yield
      }) : () -> ()
      "tpu.region"() ({
        %run_scoped3A = tpu.sem_alloc : memref<!tpu.dma_semaphore, #tpu.memory_space<semaphore_mem>>
        %dma_start3A_34 = arith.constant 0 : i32
        %dma_start3A_35 = tpu.memref_slice %arg7[%dma_start3A_34] : memref<8192xf32, #tpu.memory_space<vmem>> -> memref<4096xf32, #tpu.memory_space<vmem>>
        %dma_start3A_36 = arith.constant 63995904 : i32
        %dma_start3A_37 = tpu.memref_slice %arg4[%dma_start3A_36] : memref<64000000xf32, #tpu.memory_space<hbm>> -> memref<4096xf32, #tpu.memory_space<hbm>>
        %dma_start3A_38 = arith.constant 63995904 : i32
        %dma_start3A_39 = tpu.memref_slice %arg4[%dma_start3A_38] : memref<64000000xf32, #tpu.memory_space<hbm>> -> memref<4096xf32, #tpu.memory_space<hbm>>
        %dma_start3A_40 = arith.constant 0 : i32
        %dma_start3A_41 = tpu.memref_slice %arg7[%dma_start3A_40] : memref<8192xf32, #tpu.memory_space<vmem>> -> memref<4096xf32, #tpu.memory_space<vmem>>
        tpu.enqueue_dma source(%dma_start3A_41 : memref<4096xf32, #tpu.memory_space<vmem>>) target(%dma_start3A_39 : memref<4096xf32, #tpu.memory_space<hbm>>) target_semaphore(%run_scoped3A : memref<!tpu.dma_semaphore, #tpu.memory_space<semaphore_mem>>)
        %dma_wait3A_42 = arith.constant 0 : i32
        %dma_wait3A_43 = tpu.memref_slice %arg7[%dma_wait3A_42] : memref<8192xf32, #tpu.memory_space<vmem>> -> memref<4096xf32, #tpu.memory_space<vmem>>
        %dma_wait3A_44 = arith.constant 63995904 : i32
        %dma_wait3A_45 = tpu.memref_slice %arg4[%dma_wait3A_44] : memref<64000000xf32, #tpu.memory_space<hbm>> -> memref<4096xf32, #tpu.memory_space<hbm>>
        %dma_wait3A_46 = arith.constant 63995904 : i32
        %dma_wait3A_47 = tpu.memref_slice %arg4[%dma_wait3A_46] : memref<64000000xf32, #tpu.memory_space<hbm>> -> memref<4096xf32, #tpu.memory_space<hbm>>
        %dma_wait3A_48 = arith.constant 0 : i32
        %dma_wait3A_49 = tpu.memref_slice %arg7[%dma_wait3A_48] : memref<8192xf32, #tpu.memory_space<vmem>> -> memref<4096xf32, #tpu.memory_space<vmem>>
        tpu.wait_dma2 semaphore(%run_scoped3A : memref<!tpu.dma_semaphore, #tpu.memory_space<semaphore_mem>>) src(%dma_wait3A_49 : memref<4096xf32, #tpu.memory_space<vmem>>) dst(%dma_wait3A_47 : memref<4096xf32, #tpu.memory_space<hbm>>)
        tpu.yield
      }) : () -> ()
    } else {
    }
    return
  }
}

#map = affine_map<(d0, d1) -> (0, 0)>
#map1 = affine_map<(d0, d1) -> (0, 0, 0, 0)>
module attributes {stable_mosaic.version = 14 : i64} {
  func.func @_gather(%arg0: i32, %arg1: i32, %arg2: memref<200x4096xi32, #tpu.memory_space<hbm>>, %arg3: memref<1000000x64xf32, #tpu.memory_space<hbm>>, %arg4: memref<200x8x32x1024xf32, #tpu.memory_space<hbm>>, %arg5: memref<200x128xi32, #tpu.memory_space<vmem>>, %arg6: memref<128x64xf32, #tpu.memory_space<vmem>>, %arg7: memref<128x64xf32, #tpu.memory_space<vmem>>, %arg8: memref<8x1024xf32, #tpu.memory_space<vmem>>, %arg9: memref<8x1024xf32, #tpu.memory_space<vmem>>, %arg10: memref<!tpu.dma_semaphore, #tpu.memory_space<semaphore_mem>>, %arg11: memref<!tpu.dma_semaphore, #tpu.memory_space<semaphore_mem>>, %arg12: memref<!tpu.dma_semaphore, #tpu.memory_space<semaphore_mem>>, %arg13: memref<!tpu.dma_semaphore, #tpu.memory_space<semaphore_mem>>) attributes {dimension_semantics = [#tpu.dimension_semantics<core_parallel>, #tpu.dimension_semantics<subcore_parallel>], iteration_bounds = array<i64: 2, 16>, scalar_prefetch = 0 : i64, scratch_operands = 9 : i64, tpu.core_type = #tpu.core_type<sc_vector_subcore>, window_params = [{transform_indices = #map}, {transform_indices = #map}, {transform_indices = #map1}]} {
    %mul3A = arith.constant 2 : i32
    %mul3A_0 = arith.muli %arg1, %mul3A : i32
    %add3A = arith.addi %mul3A_0, %arg0 : i32
    %iota3A = tpu.iota {dimensions = array<i32: 0>} : vector<16xi32>
    %mul3A_1 = arith.constant 128 : i32
    %mul3A_2 = arith.muli %add3A, %mul3A_1 : i32
    "tpu.region"() ({
      %run_scoped3A = tpu.sem_alloc : memref<!tpu.dma_semaphore, #tpu.memory_space<semaphore_mem>>
      %dma_start3A_31 = arith.constant 0 : i32
      %dma_start3A_32 = tpu.memref_slice %arg2[%dma_start3A_31, %mul3A_2] : memref<200x4096xi32, #tpu.memory_space<hbm>> -> memref<200x128xi32, #tpu.memory_space<hbm>>
      %dma_start3A_33 = arith.constant 0 : i32
      %dma_start3A_34 = tpu.memref_slice %arg2[%dma_start3A_33, %mul3A_2] : memref<200x4096xi32, #tpu.memory_space<hbm>> -> memref<200x128xi32, #tpu.memory_space<hbm>>
      tpu.enqueue_dma source(%dma_start3A_34 : memref<200x128xi32, #tpu.memory_space<hbm>>) target(%arg5 : memref<200x128xi32, #tpu.memory_space<vmem>>) target_semaphore(%run_scoped3A : memref<!tpu.dma_semaphore, #tpu.memory_space<semaphore_mem>>)
      %dma_wait3A_35 = arith.constant 0 : i32
      %dma_wait3A_36 = tpu.memref_slice %arg2[%dma_wait3A_35, %mul3A_2] : memref<200x4096xi32, #tpu.memory_space<hbm>> -> memref<200x128xi32, #tpu.memory_space<hbm>>
      %dma_wait3A_37 = arith.constant 0 : i32
      %dma_wait3A_38 = tpu.memref_slice %arg2[%dma_wait3A_37, %mul3A_2] : memref<200x4096xi32, #tpu.memory_space<hbm>> -> memref<200x128xi32, #tpu.memory_space<hbm>>
      tpu.wait_dma2 semaphore(%run_scoped3A : memref<!tpu.dma_semaphore, #tpu.memory_space<semaphore_mem>>) src(%dma_wait3A_38 : memref<200x128xi32, #tpu.memory_space<hbm>>) dst(%arg5 : memref<200x128xi32, #tpu.memory_space<vmem>>)
      tpu.yield
    }) : () -> ()
    %dma_start3A = arith.constant 0 : i32
    %dma_start3A_3 = arith.constant 0 : i32
    %dma_start3A_4 = tpu.memref_slice %arg5[%dma_start3A, %dma_start3A_3] : memref<200x128xi32, #tpu.memory_space<vmem>> -> memref<1x128xi32, #tpu.memory_space<vmem>>
    %dma_start3A_5 = tpu.memref_squeeze %dma_start3A_4 : memref<1x128xi32, #tpu.memory_space<vmem>> -> memref<128xi32, #tpu.memory_space<vmem>>
    %dma_start3A_6 = arith.constant 0 : i32
    %dma_start3A_7 = arith.constant 0 : i32
    %dma_start3A_8 = tpu.memref_slice %arg3[%dma_start3A_6, %dma_start3A_7] : memref<1000000x64xf32, #tpu.memory_space<hbm>> -> memref<1000000x64xf32, #tpu.memory_space<hbm>>
    tpu.enqueue_indirect_dma source(%dma_start3A_8 : memref<1000000x64xf32, #tpu.memory_space<hbm>>) target(%arg6 : memref<128x64xf32, #tpu.memory_space<vmem>>) offsets(%dma_start3A_5 : memref<128xi32, #tpu.memory_space<vmem>>) semaphore(%arg10 : memref<!tpu.dma_semaphore, #tpu.memory_space<semaphore_mem>>)
    %scan3A = arith.constant 0 : i32
    %scan3A_9 = arith.constant 0 : i32
    %scan3A_10 = arith.constant 100 : i32
    %scan3A_11 = arith.addi %scan3A_9, %scan3A_10 : i32
    %scan3A_12 = arith.constant 1 : i32
    scf.for %scan3A_31 = %scan3A_9 to %scan3A_11 step %scan3A_12  : i32 {
      %mul3A_32 = arith.constant 2 : i32
      %mul3A_33 = arith.muli %mul3A_32, %scan3A_31 : i32
      %add3A_34 = arith.constant 1 : i32
      %add3A_35 = arith.addi %mul3A_33, %add3A_34 : i32
      %dma_start3A_36 = arith.constant 0 : i32
      %dma_start3A_37 = tpu.memref_slice %arg5[%add3A_35, %dma_start3A_36] : memref<200x128xi32, #tpu.memory_space<vmem>> -> memref<1x128xi32, #tpu.memory_space<vmem>>
      %dma_start3A_38 = tpu.memref_squeeze %dma_start3A_37 : memref<1x128xi32, #tpu.memory_space<vmem>> -> memref<128xi32, #tpu.memory_space<vmem>>
      %dma_start3A_39 = arith.constant 0 : i32
      %dma_start3A_40 = arith.constant 0 : i32
      %dma_start3A_41 = tpu.memref_slice %arg3[%dma_start3A_39, %dma_start3A_40] : memref<1000000x64xf32, #tpu.memory_space<hbm>> -> memref<1000000x64xf32, #tpu.memory_space<hbm>>
      tpu.enqueue_indirect_dma source(%dma_start3A_41 : memref<1000000x64xf32, #tpu.memory_space<hbm>>) target(%arg7 : memref<128x64xf32, #tpu.memory_space<vmem>>) offsets(%dma_start3A_38 : memref<128xi32, #tpu.memory_space<vmem>>) semaphore(%arg11 : memref<!tpu.dma_semaphore, #tpu.memory_space<semaphore_mem>>)
      %dma_wait3A_42 = arith.constant 0 : i32
      %dma_wait3A_43 = tpu.memref_slice %arg5[%mul3A_33, %dma_wait3A_42] : memref<200x128xi32, #tpu.memory_space<vmem>> -> memref<1x128xi32, #tpu.memory_space<vmem>>
      %dma_wait3A_44 = tpu.memref_squeeze %dma_wait3A_43 : memref<1x128xi32, #tpu.memory_space<vmem>> -> memref<128xi32, #tpu.memory_space<vmem>>
      %dma_wait3A_45 = arith.constant 0 : i32
      %dma_wait3A_46 = arith.constant 0 : i32
      %dma_wait3A_47 = tpu.memref_slice %arg3[%dma_wait3A_45, %dma_wait3A_46] : memref<1000000x64xf32, #tpu.memory_space<hbm>> -> memref<1000000x64xf32, #tpu.memory_space<hbm>>
      tpu.wait_indirect_dma semaphore(%arg10 : memref<!tpu.dma_semaphore, #tpu.memory_space<semaphore_mem>>) src(%dma_wait3A_47 : memref<1000000x64xf32, #tpu.memory_space<hbm>>) dst(%arg6 : memref<128x64xf32, #tpu.memory_space<vmem>>)
      %gt3A = arith.constant 0 : i32
      %gt3A_48 = arith.cmpi sgt, %scan3A_31, %gt3A : i32
      %convert_element_type3A = arith.extui %gt3A_48 : i1 to i32
      %cond3A = arith.constant 0 : i32
      %cond3A_49 = arith.cmpi ne, %convert_element_type3A, %cond3A : i32
      scf.if %cond3A_49 {
        %sub3A = arith.constant 2 : i32
        %sub3A_95 = arith.subi %mul3A_33, %sub3A : i32
        %dma_wait3A_96 = arith.constant 0 : i32
        %dma_wait3A_97 = arith.constant 0 : i32
        %dma_wait3A_98 = tpu.memref_slice %arg4[%sub3A_95, %dma_wait3A_96, %add3A, %dma_wait3A_97] : memref<200x8x32x1024xf32, #tpu.memory_space<hbm>> -> memref<1x8x1x1024xf32, #tpu.memory_space<hbm>>
        %dma_wait3A_99 = tpu.memref_squeeze %dma_wait3A_98 : memref<1x8x1x1024xf32, #tpu.memory_space<hbm>> -> memref<8x1024xf32, #tpu.memory_space<hbm>>
        %dma_wait3A_100 = arith.constant 0 : i32
        %dma_wait3A_101 = arith.constant 0 : i32
        %dma_wait3A_102 = tpu.memref_slice %arg4[%sub3A_95, %dma_wait3A_100, %add3A, %dma_wait3A_101] : memref<200x8x32x1024xf32, #tpu.memory_space<hbm>> -> memref<1x8x1x1024xf32, #tpu.memory_space<hbm>>
        %dma_wait3A_103 = tpu.memref_squeeze %dma_wait3A_102 : memref<1x8x1x1024xf32, #tpu.memory_space<hbm>> -> memref<8x1024xf32, #tpu.memory_space<hbm>>
        tpu.wait_dma2 semaphore(%arg12 : memref<!tpu.dma_semaphore, #tpu.memory_space<semaphore_mem>>) src(%arg8 : memref<8x1024xf32, #tpu.memory_space<vmem>>) dst(%dma_wait3A_103 : memref<8x1024xf32, #tpu.memory_space<hbm>>)
      } else {
      }
      %scan3A_50 = arith.constant 0 : i32
      %scan3A_51 = arith.constant 0 : i32
      %scan3A_52 = arith.constant 16 : i32
      %scan3A_53 = arith.addi %scan3A_51, %scan3A_52 : i32
      %scan3A_54 = arith.constant 2 : i32
      scf.for %scan3A_95 = %scan3A_51 to %scan3A_53 step %scan3A_54  : i32 {
        %add3A_96 = vector.broadcast %scan3A_95 : i32 to vector<16xi32>
        %add3A_97 = arith.addi %iota3A, %add3A_96 : vector<16xi32>
        %and3A = arith.constant 15 : i32
        %and3A_98 = vector.broadcast %and3A : i32 to vector<16xi32>
        %and3A_99 = arith.andi %add3A_97, %and3A_98 : vector<16xi32>
        %scan3A_100 = arith.constant 0 : i32
        %mul3A_101 = arith.constant 16 : i32
        %mul3A_102 = arith.muli %scan3A_100, %mul3A_101 : i32
        %add3A_103 = vector.broadcast %mul3A_102 : i32 to vector<16xi32>
        %add3A_104 = arith.addi %and3A_99, %add3A_103 : vector<16xi32>
        %shift_right_arithmetic3A = arith.constant 3 : i32
        %shift_right_arithmetic3A_105 = vector.broadcast %shift_right_arithmetic3A : i32 to vector<16xi32>
        %shift_right_arithmetic3A_106 = arith.shrsi %add3A_104, %shift_right_arithmetic3A_105 : vector<16xi32>
        %and3A_107 = arith.constant 7 : i32
        %and3A_108 = vector.broadcast %and3A_107 : i32 to vector<16xi32>
        %and3A_109 = arith.andi %add3A_104, %and3A_108 : vector<16xi32>
        %shift_left3A = arith.constant 7 : i32
        %shift_left3A_110 = vector.broadcast %shift_left3A : i32 to vector<16xi32>
        %shift_left3A_111 = arith.shli %and3A_109, %shift_left3A_110 : vector<16xi32>
        %add3A_112 = arith.addi %shift_left3A_111, %iota3A : vector<16xi32>
        %add3A_113 = arith.constant 0 : i32
        %add3A_114 = vector.broadcast %add3A_113 : i32 to vector<16xi32>
        %add3A_115 = arith.addi %iota3A, %add3A_114 : vector<16xi32>
        %gather3A = tpu.vector_load_idx %arg6[%add3A_115, %add3A_104] : memref<128x64xf32, #tpu.memory_space<vmem>>[vector<16xi32>, vector<16xi32>], vector<16xf32>,
        %add3A_116 = arith.constant 16 : i32
        %add3A_117 = vector.broadcast %add3A_116 : i32 to vector<16xi32>
        %add3A_118 = arith.addi %iota3A, %add3A_117 : vector<16xi32>
        %gather3A_119 = tpu.vector_load_idx %arg6[%add3A_118, %add3A_104] : memref<128x64xf32, #tpu.memory_space<vmem>>[vector<16xi32>, vector<16xi32>], vector<16xf32>,
        %add3A_120 = arith.constant 32 : i32
        %add3A_121 = vector.broadcast %add3A_120 : i32 to vector<16xi32>
        %add3A_122 = arith.addi %iota3A, %add3A_121 : vector<16xi32>
        %gather3A_123 = tpu.vector_load_idx %arg6[%add3A_122, %add3A_104] : memref<128x64xf32, #tpu.memory_space<vmem>>[vector<16xi32>, vector<16xi32>], vector<16xf32>,
        %add3A_124 = arith.constant 48 : i32
        %add3A_125 = vector.broadcast %add3A_124 : i32 to vector<16xi32>
        %add3A_126 = arith.addi %iota3A, %add3A_125 : vector<16xi32>
        %gather3A_127 = tpu.vector_load_idx %arg6[%add3A_126, %add3A_104] : memref<128x64xf32, #tpu.memory_space<vmem>>[vector<16xi32>, vector<16xi32>], vector<16xf32>,
        %add3A_128 = arith.constant 64 : i32
        %add3A_129 = vector.broadcast %add3A_128 : i32 to vector<16xi32>
        %add3A_130 = arith.addi %iota3A, %add3A_129 : vector<16xi32>
        %gather3A_131 = tpu.vector_load_idx %arg6[%add3A_130, %add3A_104] : memref<128x64xf32, #tpu.memory_space<vmem>>[vector<16xi32>, vector<16xi32>], vector<16xf32>,
        %add3A_132 = arith.constant 80 : i32
        %add3A_133 = vector.broadcast %add3A_132 : i32 to vector<16xi32>
        %add3A_134 = arith.addi %iota3A, %add3A_133 : vector<16xi32>
        %gather3A_135 = tpu.vector_load_idx %arg6[%add3A_134, %add3A_104] : memref<128x64xf32, #tpu.memory_space<vmem>>[vector<16xi32>, vector<16xi32>], vector<16xf32>,
        %add3A_136 = arith.constant 96 : i32
        %add3A_137 = vector.broadcast %add3A_136 : i32 to vector<16xi32>
        %add3A_138 = arith.addi %iota3A, %add3A_137 : vector<16xi32>
        %gather3A_139 = tpu.vector_load_idx %arg6[%add3A_138, %add3A_104] : memref<128x64xf32, #tpu.memory_space<vmem>>[vector<16xi32>, vector<16xi32>], vector<16xf32>,
        %add3A_140 = arith.constant 112 : i32
        %add3A_141 = vector.broadcast %add3A_140 : i32 to vector<16xi32>
        %add3A_142 = arith.addi %iota3A, %add3A_141 : vector<16xi32>
        %gather3A_143 = tpu.vector_load_idx %arg6[%add3A_142, %add3A_104] : memref<128x64xf32, #tpu.memory_space<vmem>>[vector<16xi32>, vector<16xi32>], vector<16xf32>,
        %add3A_144 = arith.constant 0 : i32
        %add3A_145 = vector.broadcast %add3A_144 : i32 to vector<16xi32>
        %add3A_146 = arith.addi %add3A_112, %add3A_145 : vector<16xi32>
        tpu.vector_store_idx %arg8[%shift_right_arithmetic3A_106, %add3A_146], %gather3A : memref<8x1024xf32, #tpu.memory_space<vmem>>[vector<16xi32>, vector<16xi32>], vector<16xf32>,
        %add3A_147 = arith.constant 16 : i32
        %add3A_148 = vector.broadcast %add3A_147 : i32 to vector<16xi32>
        %add3A_149 = arith.addi %add3A_112, %add3A_148 : vector<16xi32>
        tpu.vector_store_idx %arg8[%shift_right_arithmetic3A_106, %add3A_149], %gather3A_119 : memref<8x1024xf32, #tpu.memory_space<vmem>>[vector<16xi32>, vector<16xi32>], vector<16xf32>,
        %add3A_150 = arith.constant 32 : i32
        %add3A_151 = vector.broadcast %add3A_150 : i32 to vector<16xi32>
        %add3A_152 = arith.addi %add3A_112, %add3A_151 : vector<16xi32>
        tpu.vector_store_idx %arg8[%shift_right_arithmetic3A_106, %add3A_152], %gather3A_123 : memref<8x1024xf32, #tpu.memory_space<vmem>>[vector<16xi32>, vector<16xi32>], vector<16xf32>,
        %add3A_153 = arith.constant 48 : i32
        %add3A_154 = vector.broadcast %add3A_153 : i32 to vector<16xi32>
        %add3A_155 = arith.addi %add3A_112, %add3A_154 : vector<16xi32>
        tpu.vector_store_idx %arg8[%shift_right_arithmetic3A_106, %add3A_155], %gather3A_127 : memref<8x1024xf32, #tpu.memory_space<vmem>>[vector<16xi32>, vector<16xi32>], vector<16xf32>,
        %add3A_156 = arith.constant 64 : i32
        %add3A_157 = vector.broadcast %add3A_156 : i32 to vector<16xi32>
        %add3A_158 = arith.addi %add3A_112, %add3A_157 : vector<16xi32>
        tpu.vector_store_idx %arg8[%shift_right_arithmetic3A_106, %add3A_158], %gather3A_131 : memref<8x1024xf32, #tpu.memory_space<vmem>>[vector<16xi32>, vector<16xi32>], vector<16xf32>,
        %add3A_159 = arith.constant 80 : i32
        %add3A_160 = vector.broadcast %add3A_159 : i32 to vector<16xi32>
        %add3A_161 = arith.addi %add3A_112, %add3A_160 : vector<16xi32>
        tpu.vector_store_idx %arg8[%shift_right_arithmetic3A_106, %add3A_161], %gather3A_135 : memref<8x1024xf32, #tpu.memory_space<vmem>>[vector<16xi32>, vector<16xi32>], vector<16xf32>,
        %add3A_162 = arith.constant 96 : i32
        %add3A_163 = vector.broadcast %add3A_162 : i32 to vector<16xi32>
        %add3A_164 = arith.addi %add3A_112, %add3A_163 : vector<16xi32>
        tpu.vector_store_idx %arg8[%shift_right_arithmetic3A_106, %add3A_164], %gather3A_139 : memref<8x1024xf32, #tpu.memory_space<vmem>>[vector<16xi32>, vector<16xi32>], vector<16xf32>,
        %add3A_165 = arith.constant 112 : i32
        %add3A_166 = vector.broadcast %add3A_165 : i32 to vector<16xi32>
        %add3A_167 = arith.addi %add3A_112, %add3A_166 : vector<16xi32>
        tpu.vector_store_idx %arg8[%shift_right_arithmetic3A_106, %add3A_167], %gather3A_143 : memref<8x1024xf32, #tpu.memory_space<vmem>>[vector<16xi32>, vector<16xi32>], vector<16xf32>,
        %scan3A_168 = arith.constant 1 : i32
        %mul3A_169 = arith.constant 16 : i32
        %mul3A_170 = arith.muli %scan3A_168, %mul3A_169 : i32
        %add3A_171 = vector.broadcast %mul3A_170 : i32 to vector<16xi32>
        %add3A_172 = arith.addi %and3A_99, %add3A_171 : vector<16xi32>
        %shift_right_arithmetic3A_173 = arith.constant 3 : i32
        %shift_right_arithmetic3A_174 = vector.broadcast %shift_right_arithmetic3A_173 : i32 to vector<16xi32>
        %shift_right_arithmetic3A_175 = arith.shrsi %add3A_172, %shift_right_arithmetic3A_174 : vector<16xi32>
        %and3A_176 = arith.constant 7 : i32
        %and3A_177 = vector.broadcast %and3A_176 : i32 to vector<16xi32>
        %and3A_178 = arith.andi %add3A_172, %and3A_177 : vector<16xi32>
        %shift_left3A_179 = arith.constant 7 : i32
        %shift_left3A_180 = vector.broadcast %shift_left3A_179 : i32 to vector<16xi32>
        %shift_left3A_181 = arith.shli %and3A_178, %shift_left3A_180 : vector<16xi32>
        %add3A_182 = arith.addi %shift_left3A_181, %iota3A : vector<16xi32>
        %add3A_183 = arith.constant 0 : i32
        %add3A_184 = vector.broadcast %add3A_183 : i32 to vector<16xi32>
        %add3A_185 = arith.addi %iota3A, %add3A_184 : vector<16xi32>
        %gather3A_186 = tpu.vector_load_idx %arg6[%add3A_185, %add3A_172] : memref<128x64xf32, #tpu.memory_space<vmem>>[vector<16xi32>, vector<16xi32>], vector<16xf32>,
        %add3A_187 = arith.constant 16 : i32
        %add3A_188 = vector.broadcast %add3A_187 : i32 to vector<16xi32>
        %add3A_189 = arith.addi %iota3A, %add3A_188 : vector<16xi32>
        %gather3A_190 = tpu.vector_load_idx %arg6[%add3A_189, %add3A_172] : memref<128x64xf32, #tpu.memory_space<vmem>>[vector<16xi32>, vector<16xi32>], vector<16xf32>,
        %add3A_191 = arith.constant 32 : i32
        %add3A_192 = vector.broadcast %add3A_191 : i32 to vector<16xi32>
        %add3A_193 = arith.addi %iota3A, %add3A_192 : vector<16xi32>
        %gather3A_194 = tpu.vector_load_idx %arg6[%add3A_193, %add3A_172] : memref<128x64xf32, #tpu.memory_space<vmem>>[vector<16xi32>, vector<16xi32>], vector<16xf32>,
        %add3A_195 = arith.constant 48 : i32
        %add3A_196 = vector.broadcast %add3A_195 : i32 to vector<16xi32>
        %add3A_197 = arith.addi %iota3A, %add3A_196 : vector<16xi32>
        %gather3A_198 = tpu.vector_load_idx %arg6[%add3A_197, %add3A_172] : memref<128x64xf32, #tpu.memory_space<vmem>>[vector<16xi32>, vector<16xi32>], vector<16xf32>,
        %add3A_199 = arith.constant 64 : i32
        %add3A_200 = vector.broadcast %add3A_199 : i32 to vector<16xi32>
        %add3A_201 = arith.addi %iota3A, %add3A_200 : vector<16xi32>
        %gather3A_202 = tpu.vector_load_idx %arg6[%add3A_201, %add3A_172] : memref<128x64xf32, #tpu.memory_space<vmem>>[vector<16xi32>, vector<16xi32>], vector<16xf32>,
        %add3A_203 = arith.constant 80 : i32
        %add3A_204 = vector.broadcast %add3A_203 : i32 to vector<16xi32>
        %add3A_205 = arith.addi %iota3A, %add3A_204 : vector<16xi32>
        %gather3A_206 = tpu.vector_load_idx %arg6[%add3A_205, %add3A_172] : memref<128x64xf32, #tpu.memory_space<vmem>>[vector<16xi32>, vector<16xi32>], vector<16xf32>,
        %add3A_207 = arith.constant 96 : i32
        %add3A_208 = vector.broadcast %add3A_207 : i32 to vector<16xi32>
        %add3A_209 = arith.addi %iota3A, %add3A_208 : vector<16xi32>
        %gather3A_210 = tpu.vector_load_idx %arg6[%add3A_209, %add3A_172] : memref<128x64xf32, #tpu.memory_space<vmem>>[vector<16xi32>, vector<16xi32>], vector<16xf32>,
        %add3A_211 = arith.constant 112 : i32
        %add3A_212 = vector.broadcast %add3A_211 : i32 to vector<16xi32>
        %add3A_213 = arith.addi %iota3A, %add3A_212 : vector<16xi32>
        %gather3A_214 = tpu.vector_load_idx %arg6[%add3A_213, %add3A_172] : memref<128x64xf32, #tpu.memory_space<vmem>>[vector<16xi32>, vector<16xi32>], vector<16xf32>,
        %add3A_215 = arith.constant 0 : i32
        %add3A_216 = vector.broadcast %add3A_215 : i32 to vector<16xi32>
        %add3A_217 = arith.addi %add3A_182, %add3A_216 : vector<16xi32>
        tpu.vector_store_idx %arg8[%shift_right_arithmetic3A_175, %add3A_217], %gather3A_186 : memref<8x1024xf32, #tpu.memory_space<vmem>>[vector<16xi32>, vector<16xi32>], vector<16xf32>,
        %add3A_218 = arith.constant 16 : i32
        %add3A_219 = vector.broadcast %add3A_218 : i32 to vector<16xi32>
        %add3A_220 = arith.addi %add3A_182, %add3A_219 : vector<16xi32>
        tpu.vector_store_idx %arg8[%shift_right_arithmetic3A_175, %add3A_220], %gather3A_190 : memref<8x1024xf32, #tpu.memory_space<vmem>>[vector<16xi32>, vector<16xi32>], vector<16xf32>,
        %add3A_221 = arith.constant 32 : i32
        %add3A_222 = vector.broadcast %add3A_221 : i32 to vector<16xi32>
        %add3A_223 = arith.addi %add3A_182, %add3A_222 : vector<16xi32>
        tpu.vector_store_idx %arg8[%shift_right_arithmetic3A_175, %add3A_223], %gather3A_194 : memref<8x1024xf32, #tpu.memory_space<vmem>>[vector<16xi32>, vector<16xi32>], vector<16xf32>,
        %add3A_224 = arith.constant 48 : i32
        %add3A_225 = vector.broadcast %add3A_224 : i32 to vector<16xi32>
        %add3A_226 = arith.addi %add3A_182, %add3A_225 : vector<16xi32>
        tpu.vector_store_idx %arg8[%shift_right_arithmetic3A_175, %add3A_226], %gather3A_198 : memref<8x1024xf32, #tpu.memory_space<vmem>>[vector<16xi32>, vector<16xi32>], vector<16xf32>,
        %add3A_227 = arith.constant 64 : i32
        %add3A_228 = vector.broadcast %add3A_227 : i32 to vector<16xi32>
        %add3A_229 = arith.addi %add3A_182, %add3A_228 : vector<16xi32>
        tpu.vector_store_idx %arg8[%shift_right_arithmetic3A_175, %add3A_229], %gather3A_202 : memref<8x1024xf32, #tpu.memory_space<vmem>>[vector<16xi32>, vector<16xi32>], vector<16xf32>,
        %add3A_230 = arith.constant 80 : i32
        %add3A_231 = vector.broadcast %add3A_230 : i32 to vector<16xi32>
        %add3A_232 = arith.addi %add3A_182, %add3A_231 : vector<16xi32>
        tpu.vector_store_idx %arg8[%shift_right_arithmetic3A_175, %add3A_232], %gather3A_206 : memref<8x1024xf32, #tpu.memory_space<vmem>>[vector<16xi32>, vector<16xi32>], vector<16xf32>,
        %add3A_233 = arith.constant 96 : i32
        %add3A_234 = vector.broadcast %add3A_233 : i32 to vector<16xi32>
        %add3A_235 = arith.addi %add3A_182, %add3A_234 : vector<16xi32>
        tpu.vector_store_idx %arg8[%shift_right_arithmetic3A_175, %add3A_235], %gather3A_210 : memref<8x1024xf32, #tpu.memory_space<vmem>>[vector<16xi32>, vector<16xi32>], vector<16xf32>,
        %add3A_236 = arith.constant 112 : i32
        %add3A_237 = vector.broadcast %add3A_236 : i32 to vector<16xi32>
        %add3A_238 = arith.addi %add3A_182, %add3A_237 : vector<16xi32>
        tpu.vector_store_idx %arg8[%shift_right_arithmetic3A_175, %add3A_238], %gather3A_214 : memref<8x1024xf32, #tpu.memory_space<vmem>>[vector<16xi32>, vector<16xi32>], vector<16xf32>,
        %scan3A_239 = arith.constant 2 : i32
        %mul3A_240 = arith.constant 16 : i32
        %mul3A_241 = arith.muli %scan3A_239, %mul3A_240 : i32
        %add3A_242 = vector.broadcast %mul3A_241 : i32 to vector<16xi32>
        %add3A_243 = arith.addi %and3A_99, %add3A_242 : vector<16xi32>
        %shift_right_arithmetic3A_244 = arith.constant 3 : i32
        %shift_right_arithmetic3A_245 = vector.broadcast %shift_right_arithmetic3A_244 : i32 to vector<16xi32>
        %shift_right_arithmetic3A_246 = arith.shrsi %add3A_243, %shift_right_arithmetic3A_245 : vector<16xi32>
        %and3A_247 = arith.constant 7 : i32
        %and3A_248 = vector.broadcast %and3A_247 : i32 to vector<16xi32>
        %and3A_249 = arith.andi %add3A_243, %and3A_248 : vector<16xi32>
        %shift_left3A_250 = arith.constant 7 : i32
        %shift_left3A_251 = vector.broadcast %shift_left3A_250 : i32 to vector<16xi32>
        %shift_left3A_252 = arith.shli %and3A_249, %shift_left3A_251 : vector<16xi32>
        %add3A_253 = arith.addi %shift_left3A_252, %iota3A : vector<16xi32>
        %add3A_254 = arith.constant 0 : i32
        %add3A_255 = vector.broadcast %add3A_254 : i32 to vector<16xi32>
        %add3A_256 = arith.addi %iota3A, %add3A_255 : vector<16xi32>
        %gather3A_257 = tpu.vector_load_idx %arg6[%add3A_256, %add3A_243] : memref<128x64xf32, #tpu.memory_space<vmem>>[vector<16xi32>, vector<16xi32>], vector<16xf32>,
        %add3A_258 = arith.constant 16 : i32
        %add3A_259 = vector.broadcast %add3A_258 : i32 to vector<16xi32>
        %add3A_260 = arith.addi %iota3A, %add3A_259 : vector<16xi32>
        %gather3A_261 = tpu.vector_load_idx %arg6[%add3A_260, %add3A_243] : memref<128x64xf32, #tpu.memory_space<vmem>>[vector<16xi32>, vector<16xi32>], vector<16xf32>,
        %add3A_262 = arith.constant 32 : i32
        %add3A_263 = vector.broadcast %add3A_262 : i32 to vector<16xi32>
        %add3A_264 = arith.addi %iota3A, %add3A_263 : vector<16xi32>
        %gather3A_265 = tpu.vector_load_idx %arg6[%add3A_264, %add3A_243] : memref<128x64xf32, #tpu.memory_space<vmem>>[vector<16xi32>, vector<16xi32>], vector<16xf32>,
        %add3A_266 = arith.constant 48 : i32
        %add3A_267 = vector.broadcast %add3A_266 : i32 to vector<16xi32>
        %add3A_268 = arith.addi %iota3A, %add3A_267 : vector<16xi32>
        %gather3A_269 = tpu.vector_load_idx %arg6[%add3A_268, %add3A_243] : memref<128x64xf32, #tpu.memory_space<vmem>>[vector<16xi32>, vector<16xi32>], vector<16xf32>,
        %add3A_270 = arith.constant 64 : i32
        %add3A_271 = vector.broadcast %add3A_270 : i32 to vector<16xi32>
        %add3A_272 = arith.addi %iota3A, %add3A_271 : vector<16xi32>
        %gather3A_273 = tpu.vector_load_idx %arg6[%add3A_272, %add3A_243] : memref<128x64xf32, #tpu.memory_space<vmem>>[vector<16xi32>, vector<16xi32>], vector<16xf32>,
        %add3A_274 = arith.constant 80 : i32
        %add3A_275 = vector.broadcast %add3A_274 : i32 to vector<16xi32>
        %add3A_276 = arith.addi %iota3A, %add3A_275 : vector<16xi32>
        %gather3A_277 = tpu.vector_load_idx %arg6[%add3A_276, %add3A_243] : memref<128x64xf32, #tpu.memory_space<vmem>>[vector<16xi32>, vector<16xi32>], vector<16xf32>,
        %add3A_278 = arith.constant 96 : i32
        %add3A_279 = vector.broadcast %add3A_278 : i32 to vector<16xi32>
        %add3A_280 = arith.addi %iota3A, %add3A_279 : vector<16xi32>
        %gather3A_281 = tpu.vector_load_idx %arg6[%add3A_280, %add3A_243] : memref<128x64xf32, #tpu.memory_space<vmem>>[vector<16xi32>, vector<16xi32>], vector<16xf32>,
        %add3A_282 = arith.constant 112 : i32
        %add3A_283 = vector.broadcast %add3A_282 : i32 to vector<16xi32>
        %add3A_284 = arith.addi %iota3A, %add3A_283 : vector<16xi32>
        %gather3A_285 = tpu.vector_load_idx %arg6[%add3A_284, %add3A_243] : memref<128x64xf32, #tpu.memory_space<vmem>>[vector<16xi32>, vector<16xi32>], vector<16xf32>,
        %add3A_286 = arith.constant 0 : i32
        %add3A_287 = vector.broadcast %add3A_286 : i32 to vector<16xi32>
        %add3A_288 = arith.addi %add3A_253, %add3A_287 : vector<16xi32>
        tpu.vector_store_idx %arg8[%shift_right_arithmetic3A_246, %add3A_288], %gather3A_257 : memref<8x1024xf32, #tpu.memory_space<vmem>>[vector<16xi32>, vector<16xi32>], vector<16xf32>,
        %add3A_289 = arith.constant 16 : i32
        %add3A_290 = vector.broadcast %add3A_289 : i32 to vector<16xi32>
        %add3A_291 = arith.addi %add3A_253, %add3A_290 : vector<16xi32>
        tpu.vector_store_idx %arg8[%shift_right_arithmetic3A_246, %add3A_291], %gather3A_261 : memref<8x1024xf32, #tpu.memory_space<vmem>>[vector<16xi32>, vector<16xi32>], vector<16xf32>,
        %add3A_292 = arith.constant 32 : i32
        %add3A_293 = vector.broadcast %add3A_292 : i32 to vector<16xi32>
        %add3A_294 = arith.addi %add3A_253, %add3A_293 : vector<16xi32>
        tpu.vector_store_idx %arg8[%shift_right_arithmetic3A_246, %add3A_294], %gather3A_265 : memref<8x1024xf32, #tpu.memory_space<vmem>>[vector<16xi32>, vector<16xi32>], vector<16xf32>,
        %add3A_295 = arith.constant 48 : i32
        %add3A_296 = vector.broadcast %add3A_295 : i32 to vector<16xi32>
        %add3A_297 = arith.addi %add3A_253, %add3A_296 : vector<16xi32>
        tpu.vector_store_idx %arg8[%shift_right_arithmetic3A_246, %add3A_297], %gather3A_269 : memref<8x1024xf32, #tpu.memory_space<vmem>>[vector<16xi32>, vector<16xi32>], vector<16xf32>,
        %add3A_298 = arith.constant 64 : i32
        %add3A_299 = vector.broadcast %add3A_298 : i32 to vector<16xi32>
        %add3A_300 = arith.addi %add3A_253, %add3A_299 : vector<16xi32>
        tpu.vector_store_idx %arg8[%shift_right_arithmetic3A_246, %add3A_300], %gather3A_273 : memref<8x1024xf32, #tpu.memory_space<vmem>>[vector<16xi32>, vector<16xi32>], vector<16xf32>,
        %add3A_301 = arith.constant 80 : i32
        %add3A_302 = vector.broadcast %add3A_301 : i32 to vector<16xi32>
        %add3A_303 = arith.addi %add3A_253, %add3A_302 : vector<16xi32>
        tpu.vector_store_idx %arg8[%shift_right_arithmetic3A_246, %add3A_303], %gather3A_277 : memref<8x1024xf32, #tpu.memory_space<vmem>>[vector<16xi32>, vector<16xi32>], vector<16xf32>,
        %add3A_304 = arith.constant 96 : i32
        %add3A_305 = vector.broadcast %add3A_304 : i32 to vector<16xi32>
        %add3A_306 = arith.addi %add3A_253, %add3A_305 : vector<16xi32>
        tpu.vector_store_idx %arg8[%shift_right_arithmetic3A_246, %add3A_306], %gather3A_281 : memref<8x1024xf32, #tpu.memory_space<vmem>>[vector<16xi32>, vector<16xi32>], vector<16xf32>,
        %add3A_307 = arith.constant 112 : i32
        %add3A_308 = vector.broadcast %add3A_307 : i32 to vector<16xi32>
        %add3A_309 = arith.addi %add3A_253, %add3A_308 : vector<16xi32>
        tpu.vector_store_idx %arg8[%shift_right_arithmetic3A_246, %add3A_309], %gather3A_285 : memref<8x1024xf32, #tpu.memory_space<vmem>>[vector<16xi32>, vector<16xi32>], vector<16xf32>,
        %scan3A_310 = arith.constant 3 : i32
        %mul3A_311 = arith.constant 16 : i32
        %mul3A_312 = arith.muli %scan3A_310, %mul3A_311 : i32
        %add3A_313 = vector.broadcast %mul3A_312 : i32 to vector<16xi32>
        %add3A_314 = arith.addi %and3A_99, %add3A_313 : vector<16xi32>
        %shift_right_arithmetic3A_315 = arith.constant 3 : i32
        %shift_right_arithmetic3A_316 = vector.broadcast %shift_right_arithmetic3A_315 : i32 to vector<16xi32>
        %shift_right_arithmetic3A_317 = arith.shrsi %add3A_314, %shift_right_arithmetic3A_316 : vector<16xi32>
        %and3A_318 = arith.constant 7 : i32
        %and3A_319 = vector.broadcast %and3A_318 : i32 to vector<16xi32>
        %and3A_320 = arith.andi %add3A_314, %and3A_319 : vector<16xi32>
        %shift_left3A_321 = arith.constant 7 : i32
        %shift_left3A_322 = vector.broadcast %shift_left3A_321 : i32 to vector<16xi32>
        %shift_left3A_323 = arith.shli %and3A_320, %shift_left3A_322 : vector<16xi32>
        %add3A_324 = arith.addi %shift_left3A_323, %iota3A : vector<16xi32>
        %add3A_325 = arith.constant 0 : i32
        %add3A_326 = vector.broadcast %add3A_325 : i32 to vector<16xi32>
        %add3A_327 = arith.addi %iota3A, %add3A_326 : vector<16xi32>
        %gather3A_328 = tpu.vector_load_idx %arg6[%add3A_327, %add3A_314] : memref<128x64xf32, #tpu.memory_space<vmem>>[vector<16xi32>, vector<16xi32>], vector<16xf32>,
        %add3A_329 = arith.constant 16 : i32
        %add3A_330 = vector.broadcast %add3A_329 : i32 to vector<16xi32>
        %add3A_331 = arith.addi %iota3A, %add3A_330 : vector<16xi32>
        %gather3A_332 = tpu.vector_load_idx %arg6[%add3A_331, %add3A_314] : memref<128x64xf32, #tpu.memory_space<vmem>>[vector<16xi32>, vector<16xi32>], vector<16xf32>,
        %add3A_333 = arith.constant 32 : i32
        %add3A_334 = vector.broadcast %add3A_333 : i32 to vector<16xi32>
        %add3A_335 = arith.addi %iota3A, %add3A_334 : vector<16xi32>
        %gather3A_336 = tpu.vector_load_idx %arg6[%add3A_335, %add3A_314] : memref<128x64xf32, #tpu.memory_space<vmem>>[vector<16xi32>, vector<16xi32>], vector<16xf32>,
        %add3A_337 = arith.constant 48 : i32
        %add3A_338 = vector.broadcast %add3A_337 : i32 to vector<16xi32>
        %add3A_339 = arith.addi %iota3A, %add3A_338 : vector<16xi32>
        %gather3A_340 = tpu.vector_load_idx %arg6[%add3A_339, %add3A_314] : memref<128x64xf32, #tpu.memory_space<vmem>>[vector<16xi32>, vector<16xi32>], vector<16xf32>,
        %add3A_341 = arith.constant 64 : i32
        %add3A_342 = vector.broadcast %add3A_341 : i32 to vector<16xi32>
        %add3A_343 = arith.addi %iota3A, %add3A_342 : vector<16xi32>
        %gather3A_344 = tpu.vector_load_idx %arg6[%add3A_343, %add3A_314] : memref<128x64xf32, #tpu.memory_space<vmem>>[vector<16xi32>, vector<16xi32>], vector<16xf32>,
        %add3A_345 = arith.constant 80 : i32
        %add3A_346 = vector.broadcast %add3A_345 : i32 to vector<16xi32>
        %add3A_347 = arith.addi %iota3A, %add3A_346 : vector<16xi32>
        %gather3A_348 = tpu.vector_load_idx %arg6[%add3A_347, %add3A_314] : memref<128x64xf32, #tpu.memory_space<vmem>>[vector<16xi32>, vector<16xi32>], vector<16xf32>,
        %add3A_349 = arith.constant 96 : i32
        %add3A_350 = vector.broadcast %add3A_349 : i32 to vector<16xi32>
        %add3A_351 = arith.addi %iota3A, %add3A_350 : vector<16xi32>
        %gather3A_352 = tpu.vector_load_idx %arg6[%add3A_351, %add3A_314] : memref<128x64xf32, #tpu.memory_space<vmem>>[vector<16xi32>, vector<16xi32>], vector<16xf32>,
        %add3A_353 = arith.constant 112 : i32
        %add3A_354 = vector.broadcast %add3A_353 : i32 to vector<16xi32>
        %add3A_355 = arith.addi %iota3A, %add3A_354 : vector<16xi32>
        %gather3A_356 = tpu.vector_load_idx %arg6[%add3A_355, %add3A_314] : memref<128x64xf32, #tpu.memory_space<vmem>>[vector<16xi32>, vector<16xi32>], vector<16xf32>,
        %add3A_357 = arith.constant 0 : i32
        %add3A_358 = vector.broadcast %add3A_357 : i32 to vector<16xi32>
        %add3A_359 = arith.addi %add3A_324, %add3A_358 : vector<16xi32>
        tpu.vector_store_idx %arg8[%shift_right_arithmetic3A_317, %add3A_359], %gather3A_328 : memref<8x1024xf32, #tpu.memory_space<vmem>>[vector<16xi32>, vector<16xi32>], vector<16xf32>,
        %add3A_360 = arith.constant 16 : i32
        %add3A_361 = vector.broadcast %add3A_360 : i32 to vector<16xi32>
        %add3A_362 = arith.addi %add3A_324, %add3A_361 : vector<16xi32>
        tpu.vector_store_idx %arg8[%shift_right_arithmetic3A_317, %add3A_362], %gather3A_332 : memref<8x1024xf32, #tpu.memory_space<vmem>>[vector<16xi32>, vector<16xi32>], vector<16xf32>,
        %add3A_363 = arith.constant 32 : i32
        %add3A_364 = vector.broadcast %add3A_363 : i32 to vector<16xi32>
        %add3A_365 = arith.addi %add3A_324, %add3A_364 : vector<16xi32>
        tpu.vector_store_idx %arg8[%shift_right_arithmetic3A_317, %add3A_365], %gather3A_336 : memref<8x1024xf32, #tpu.memory_space<vmem>>[vector<16xi32>, vector<16xi32>], vector<16xf32>,
        %add3A_366 = arith.constant 48 : i32
        %add3A_367 = vector.broadcast %add3A_366 : i32 to vector<16xi32>
        %add3A_368 = arith.addi %add3A_324, %add3A_367 : vector<16xi32>
        tpu.vector_store_idx %arg8[%shift_right_arithmetic3A_317, %add3A_368], %gather3A_340 : memref<8x1024xf32, #tpu.memory_space<vmem>>[vector<16xi32>, vector<16xi32>], vector<16xf32>,
        %add3A_369 = arith.constant 64 : i32
        %add3A_370 = vector.broadcast %add3A_369 : i32 to vector<16xi32>
        %add3A_371 = arith.addi %add3A_324, %add3A_370 : vector<16xi32>
        tpu.vector_store_idx %arg8[%shift_right_arithmetic3A_317, %add3A_371], %gather3A_344 : memref<8x1024xf32, #tpu.memory_space<vmem>>[vector<16xi32>, vector<16xi32>], vector<16xf32>,
        %add3A_372 = arith.constant 80 : i32
        %add3A_373 = vector.broadcast %add3A_372 : i32 to vector<16xi32>
        %add3A_374 = arith.addi %add3A_324, %add3A_373 : vector<16xi32>
        tpu.vector_store_idx %arg8[%shift_right_arithmetic3A_317, %add3A_374], %gather3A_348 : memref<8x1024xf32, #tpu.memory_space<vmem>>[vector<16xi32>, vector<16xi32>], vector<16xf32>,
        %add3A_375 = arith.constant 96 : i32
        %add3A_376 = vector.broadcast %add3A_375 : i32 to vector<16xi32>
        %add3A_377 = arith.addi %add3A_324, %add3A_376 : vector<16xi32>
        tpu.vector_store_idx %arg8[%shift_right_arithmetic3A_317, %add3A_377], %gather3A_352 : memref<8x1024xf32, #tpu.memory_space<vmem>>[vector<16xi32>, vector<16xi32>], vector<16xf32>,
        %add3A_378 = arith.constant 112 : i32
        %add3A_379 = vector.broadcast %add3A_378 : i32 to vector<16xi32>
        %add3A_380 = arith.addi %add3A_324, %add3A_379 : vector<16xi32>
        tpu.vector_store_idx %arg8[%shift_right_arithmetic3A_317, %add3A_380], %gather3A_356 : memref<8x1024xf32, #tpu.memory_space<vmem>>[vector<16xi32>, vector<16xi32>], vector<16xf32>,
        %scan3A_381 = arith.constant 4 : i32
        %scan3A_382 = arith.constant 1 : i32
        %scan3A_383 = arith.addi %scan3A_95, %scan3A_382 : i32
        %add3A_384 = vector.broadcast %scan3A_383 : i32 to vector<16xi32>
        %add3A_385 = arith.addi %iota3A, %add3A_384 : vector<16xi32>
        %and3A_386 = arith.constant 15 : i32
        %and3A_387 = vector.broadcast %and3A_386 : i32 to vector<16xi32>
        %and3A_388 = arith.andi %add3A_385, %and3A_387 : vector<16xi32>
        %scan3A_389 = arith.constant 0 : i32
        %mul3A_390 = arith.constant 16 : i32
        %mul3A_391 = arith.muli %scan3A_389, %mul3A_390 : i32
        %add3A_392 = vector.broadcast %mul3A_391 : i32 to vector<16xi32>
        %add3A_393 = arith.addi %and3A_388, %add3A_392 : vector<16xi32>
        %shift_right_arithmetic3A_394 = arith.constant 3 : i32
        %shift_right_arithmetic3A_395 = vector.broadcast %shift_right_arithmetic3A_394 : i32 to vector<16xi32>
        %shift_right_arithmetic3A_396 = arith.shrsi %add3A_393, %shift_right_arithmetic3A_395 : vector<16xi32>
        %and3A_397 = arith.constant 7 : i32
        %and3A_398 = vector.broadcast %and3A_397 : i32 to vector<16xi32>
        %and3A_399 = arith.andi %add3A_393, %and3A_398 : vector<16xi32>
        %shift_left3A_400 = arith.constant 7 : i32
        %shift_left3A_401 = vector.broadcast %shift_left3A_400 : i32 to vector<16xi32>
        %shift_left3A_402 = arith.shli %and3A_399, %shift_left3A_401 : vector<16xi32>
        %add3A_403 = arith.addi %shift_left3A_402, %iota3A : vector<16xi32>
        %add3A_404 = arith.constant 0 : i32
        %add3A_405 = vector.broadcast %add3A_404 : i32 to vector<16xi32>
        %add3A_406 = arith.addi %iota3A, %add3A_405 : vector<16xi32>
        %gather3A_407 = tpu.vector_load_idx %arg6[%add3A_406, %add3A_393] : memref<128x64xf32, #tpu.memory_space<vmem>>[vector<16xi32>, vector<16xi32>], vector<16xf32>,
        %add3A_408 = arith.constant 16 : i32
        %add3A_409 = vector.broadcast %add3A_408 : i32 to vector<16xi32>
        %add3A_410 = arith.addi %iota3A, %add3A_409 : vector<16xi32>
        %gather3A_411 = tpu.vector_load_idx %arg6[%add3A_410, %add3A_393] : memref<128x64xf32, #tpu.memory_space<vmem>>[vector<16xi32>, vector<16xi32>], vector<16xf32>,
        %add3A_412 = arith.constant 32 : i32
        %add3A_413 = vector.broadcast %add3A_412 : i32 to vector<16xi32>
        %add3A_414 = arith.addi %iota3A, %add3A_413 : vector<16xi32>
        %gather3A_415 = tpu.vector_load_idx %arg6[%add3A_414, %add3A_393] : memref<128x64xf32, #tpu.memory_space<vmem>>[vector<16xi32>, vector<16xi32>], vector<16xf32>,
        %add3A_416 = arith.constant 48 : i32
        %add3A_417 = vector.broadcast %add3A_416 : i32 to vector<16xi32>
        %add3A_418 = arith.addi %iota3A, %add3A_417 : vector<16xi32>
        %gather3A_419 = tpu.vector_load_idx %arg6[%add3A_418, %add3A_393] : memref<128x64xf32, #tpu.memory_space<vmem>>[vector<16xi32>, vector<16xi32>], vector<16xf32>,
        %add3A_420 = arith.constant 64 : i32
        %add3A_421 = vector.broadcast %add3A_420 : i32 to vector<16xi32>
        %add3A_422 = arith.addi %iota3A, %add3A_421 : vector<16xi32>
        %gather3A_423 = tpu.vector_load_idx %arg6[%add3A_422, %add3A_393] : memref<128x64xf32, #tpu.memory_space<vmem>>[vector<16xi32>, vector<16xi32>], vector<16xf32>,
        %add3A_424 = arith.constant 80 : i32
        %add3A_425 = vector.broadcast %add3A_424 : i32 to vector<16xi32>
        %add3A_426 = arith.addi %iota3A, %add3A_425 : vector<16xi32>
        %gather3A_427 = tpu.vector_load_idx %arg6[%add3A_426, %add3A_393] : memref<128x64xf32, #tpu.memory_space<vmem>>[vector<16xi32>, vector<16xi32>], vector<16xf32>,
        %add3A_428 = arith.constant 96 : i32
        %add3A_429 = vector.broadcast %add3A_428 : i32 to vector<16xi32>
        %add3A_430 = arith.addi %iota3A, %add3A_429 : vector<16xi32>
        %gather3A_431 = tpu.vector_load_idx %arg6[%add3A_430, %add3A_393] : memref<128x64xf32, #tpu.memory_space<vmem>>[vector<16xi32>, vector<16xi32>], vector<16xf32>,
        %add3A_432 = arith.constant 112 : i32
        %add3A_433 = vector.broadcast %add3A_432 : i32 to vector<16xi32>
        %add3A_434 = arith.addi %iota3A, %add3A_433 : vector<16xi32>
        %gather3A_435 = tpu.vector_load_idx %arg6[%add3A_434, %add3A_393] : memref<128x64xf32, #tpu.memory_space<vmem>>[vector<16xi32>, vector<16xi32>], vector<16xf32>,
        %add3A_436 = arith.constant 0 : i32
        %add3A_437 = vector.broadcast %add3A_436 : i32 to vector<16xi32>
        %add3A_438 = arith.addi %add3A_403, %add3A_437 : vector<16xi32>
        tpu.vector_store_idx %arg8[%shift_right_arithmetic3A_396, %add3A_438], %gather3A_407 : memref<8x1024xf32, #tpu.memory_space<vmem>>[vector<16xi32>, vector<16xi32>], vector<16xf32>,
        %add3A_439 = arith.constant 16 : i32
        %add3A_440 = vector.broadcast %add3A_439 : i32 to vector<16xi32>
        %add3A_441 = arith.addi %add3A_403, %add3A_440 : vector<16xi32>
        tpu.vector_store_idx %arg8[%shift_right_arithmetic3A_396, %add3A_441], %gather3A_411 : memref<8x1024xf32, #tpu.memory_space<vmem>>[vector<16xi32>, vector<16xi32>], vector<16xf32>,
        %add3A_442 = arith.constant 32 : i32
        %add3A_443 = vector.broadcast %add3A_442 : i32 to vector<16xi32>
        %add3A_444 = arith.addi %add3A_403, %add3A_443 : vector<16xi32>
        tpu.vector_store_idx %arg8[%shift_right_arithmetic3A_396, %add3A_444], %gather3A_415 : memref<8x1024xf32, #tpu.memory_space<vmem>>[vector<16xi32>, vector<16xi32>], vector<16xf32>,
        %add3A_445 = arith.constant 48 : i32
        %add3A_446 = vector.broadcast %add3A_445 : i32 to vector<16xi32>
        %add3A_447 = arith.addi %add3A_403, %add3A_446 : vector<16xi32>
        tpu.vector_store_idx %arg8[%shift_right_arithmetic3A_396, %add3A_447], %gather3A_419 : memref<8x1024xf32, #tpu.memory_space<vmem>>[vector<16xi32>, vector<16xi32>], vector<16xf32>,
        %add3A_448 = arith.constant 64 : i32
        %add3A_449 = vector.broadcast %add3A_448 : i32 to vector<16xi32>
        %add3A_450 = arith.addi %add3A_403, %add3A_449 : vector<16xi32>
        tpu.vector_store_idx %arg8[%shift_right_arithmetic3A_396, %add3A_450], %gather3A_423 : memref<8x1024xf32, #tpu.memory_space<vmem>>[vector<16xi32>, vector<16xi32>], vector<16xf32>,
        %add3A_451 = arith.constant 80 : i32
        %add3A_452 = vector.broadcast %add3A_451 : i32 to vector<16xi32>
        %add3A_453 = arith.addi %add3A_403, %add3A_452 : vector<16xi32>
        tpu.vector_store_idx %arg8[%shift_right_arithmetic3A_396, %add3A_453], %gather3A_427 : memref<8x1024xf32, #tpu.memory_space<vmem>>[vector<16xi32>, vector<16xi32>], vector<16xf32>,
        %add3A_454 = arith.constant 96 : i32
        %add3A_455 = vector.broadcast %add3A_454 : i32 to vector<16xi32>
        %add3A_456 = arith.addi %add3A_403, %add3A_455 : vector<16xi32>
        tpu.vector_store_idx %arg8[%shift_right_arithmetic3A_396, %add3A_456], %gather3A_431 : memref<8x1024xf32, #tpu.memory_space<vmem>>[vector<16xi32>, vector<16xi32>], vector<16xf32>,
        %add3A_457 = arith.constant 112 : i32
        %add3A_458 = vector.broadcast %add3A_457 : i32 to vector<16xi32>
        %add3A_459 = arith.addi %add3A_403, %add3A_458 : vector<16xi32>
        tpu.vector_store_idx %arg8[%shift_right_arithmetic3A_396, %add3A_459], %gather3A_435 : memref<8x1024xf32, #tpu.memory_space<vmem>>[vector<16xi32>, vector<16xi32>], vector<16xf32>,
        %scan3A_460 = arith.constant 1 : i32
        %mul3A_461 = arith.constant 16 : i32
        %mul3A_462 = arith.muli %scan3A_460, %mul3A_461 : i32
        %add3A_463 = vector.broadcast %mul3A_462 : i32 to vector<16xi32>
        %add3A_464 = arith.addi %and3A_388, %add3A_463 : vector<16xi32>
        %shift_right_arithmetic3A_465 = arith.constant 3 : i32
        %shift_right_arithmetic3A_466 = vector.broadcast %shift_right_arithmetic3A_465 : i32 to vector<16xi32>
        %shift_right_arithmetic3A_467 = arith.shrsi %add3A_464, %shift_right_arithmetic3A_466 : vector<16xi32>
        %and3A_468 = arith.constant 7 : i32
        %and3A_469 = vector.broadcast %and3A_468 : i32 to vector<16xi32>
        %and3A_470 = arith.andi %add3A_464, %and3A_469 : vector<16xi32>
        %shift_left3A_471 = arith.constant 7 : i32
        %shift_left3A_472 = vector.broadcast %shift_left3A_471 : i32 to vector<16xi32>
        %shift_left3A_473 = arith.shli %and3A_470, %shift_left3A_472 : vector<16xi32>
        %add3A_474 = arith.addi %shift_left3A_473, %iota3A : vector<16xi32>
        %add3A_475 = arith.constant 0 : i32
        %add3A_476 = vector.broadcast %add3A_475 : i32 to vector<16xi32>
        %add3A_477 = arith.addi %iota3A, %add3A_476 : vector<16xi32>
        %gather3A_478 = tpu.vector_load_idx %arg6[%add3A_477, %add3A_464] : memref<128x64xf32, #tpu.memory_space<vmem>>[vector<16xi32>, vector<16xi32>], vector<16xf32>,
        %add3A_479 = arith.constant 16 : i32
        %add3A_480 = vector.broadcast %add3A_479 : i32 to vector<16xi32>
        %add3A_481 = arith.addi %iota3A, %add3A_480 : vector<16xi32>
        %gather3A_482 = tpu.vector_load_idx %arg6[%add3A_481, %add3A_464] : memref<128x64xf32, #tpu.memory_space<vmem>>[vector<16xi32>, vector<16xi32>], vector<16xf32>,
        %add3A_483 = arith.constant 32 : i32
        %add3A_484 = vector.broadcast %add3A_483 : i32 to vector<16xi32>
        %add3A_485 = arith.addi %iota3A, %add3A_484 : vector<16xi32>
        %gather3A_486 = tpu.vector_load_idx %arg6[%add3A_485, %add3A_464] : memref<128x64xf32, #tpu.memory_space<vmem>>[vector<16xi32>, vector<16xi32>], vector<16xf32>,
        %add3A_487 = arith.constant 48 : i32
        %add3A_488 = vector.broadcast %add3A_487 : i32 to vector<16xi32>
        %add3A_489 = arith.addi %iota3A, %add3A_488 : vector<16xi32>
        %gather3A_490 = tpu.vector_load_idx %arg6[%add3A_489, %add3A_464] : memref<128x64xf32, #tpu.memory_space<vmem>>[vector<16xi32>, vector<16xi32>], vector<16xf32>,
        %add3A_491 = arith.constant 64 : i32
        %add3A_492 = vector.broadcast %add3A_491 : i32 to vector<16xi32>
        %add3A_493 = arith.addi %iota3A, %add3A_492 : vector<16xi32>
        %gather3A_494 = tpu.vector_load_idx %arg6[%add3A_493, %add3A_464] : memref<128x64xf32, #tpu.memory_space<vmem>>[vector<16xi32>, vector<16xi32>], vector<16xf32>,
        %add3A_495 = arith.constant 80 : i32
        %add3A_496 = vector.broadcast %add3A_495 : i32 to vector<16xi32>
        %add3A_497 = arith.addi %iota3A, %add3A_496 : vector<16xi32>
        %gather3A_498 = tpu.vector_load_idx %arg6[%add3A_497, %add3A_464] : memref<128x64xf32, #tpu.memory_space<vmem>>[vector<16xi32>, vector<16xi32>], vector<16xf32>,
        %add3A_499 = arith.constant 96 : i32
        %add3A_500 = vector.broadcast %add3A_499 : i32 to vector<16xi32>
        %add3A_501 = arith.addi %iota3A, %add3A_500 : vector<16xi32>
        %gather3A_502 = tpu.vector_load_idx %arg6[%add3A_501, %add3A_464] : memref<128x64xf32, #tpu.memory_space<vmem>>[vector<16xi32>, vector<16xi32>], vector<16xf32>,
        %add3A_503 = arith.constant 112 : i32
        %add3A_504 = vector.broadcast %add3A_503 : i32 to vector<16xi32>
        %add3A_505 = arith.addi %iota3A, %add3A_504 : vector<16xi32>
        %gather3A_506 = tpu.vector_load_idx %arg6[%add3A_505, %add3A_464] : memref<128x64xf32, #tpu.memory_space<vmem>>[vector<16xi32>, vector<16xi32>], vector<16xf32>,
        %add3A_507 = arith.constant 0 : i32
        %add3A_508 = vector.broadcast %add3A_507 : i32 to vector<16xi32>
        %add3A_509 = arith.addi %add3A_474, %add3A_508 : vector<16xi32>
        tpu.vector_store_idx %arg8[%shift_right_arithmetic3A_467, %add3A_509], %gather3A_478 : memref<8x1024xf32, #tpu.memory_space<vmem>>[vector<16xi32>, vector<16xi32>], vector<16xf32>,
        %add3A_510 = arith.constant 16 : i32
        %add3A_511 = vector.broadcast %add3A_510 : i32 to vector<16xi32>
        %add3A_512 = arith.addi %add3A_474, %add3A_511 : vector<16xi32>
        tpu.vector_store_idx %arg8[%shift_right_arithmetic3A_467, %add3A_512], %gather3A_482 : memref<8x1024xf32, #tpu.memory_space<vmem>>[vector<16xi32>, vector<16xi32>], vector<16xf32>,
        %add3A_513 = arith.constant 32 : i32
        %add3A_514 = vector.broadcast %add3A_513 : i32 to vector<16xi32>
        %add3A_515 = arith.addi %add3A_474, %add3A_514 : vector<16xi32>
        tpu.vector_store_idx %arg8[%shift_right_arithmetic3A_467, %add3A_515], %gather3A_486 : memref<8x1024xf32, #tpu.memory_space<vmem>>[vector<16xi32>, vector<16xi32>], vector<16xf32>,
        %add3A_516 = arith.constant 48 : i32
        %add3A_517 = vector.broadcast %add3A_516 : i32 to vector<16xi32>
        %add3A_518 = arith.addi %add3A_474, %add3A_517 : vector<16xi32>
        tpu.vector_store_idx %arg8[%shift_right_arithmetic3A_467, %add3A_518], %gather3A_490 : memref<8x1024xf32, #tpu.memory_space<vmem>>[vector<16xi32>, vector<16xi32>], vector<16xf32>,
        %add3A_519 = arith.constant 64 : i32
        %add3A_520 = vector.broadcast %add3A_519 : i32 to vector<16xi32>
        %add3A_521 = arith.addi %add3A_474, %add3A_520 : vector<16xi32>
        tpu.vector_store_idx %arg8[%shift_right_arithmetic3A_467, %add3A_521], %gather3A_494 : memref<8x1024xf32, #tpu.memory_space<vmem>>[vector<16xi32>, vector<16xi32>], vector<16xf32>,
        %add3A_522 = arith.constant 80 : i32
        %add3A_523 = vector.broadcast %add3A_522 : i32 to vector<16xi32>
        %add3A_524 = arith.addi %add3A_474, %add3A_523 : vector<16xi32>
        tpu.vector_store_idx %arg8[%shift_right_arithmetic3A_467, %add3A_524], %gather3A_498 : memref<8x1024xf32, #tpu.memory_space<vmem>>[vector<16xi32>, vector<16xi32>], vector<16xf32>,
        %add3A_525 = arith.constant 96 : i32
        %add3A_526 = vector.broadcast %add3A_525 : i32 to vector<16xi32>
        %add3A_527 = arith.addi %add3A_474, %add3A_526 : vector<16xi32>
        tpu.vector_store_idx %arg8[%shift_right_arithmetic3A_467, %add3A_527], %gather3A_502 : memref<8x1024xf32, #tpu.memory_space<vmem>>[vector<16xi32>, vector<16xi32>], vector<16xf32>,
        %add3A_528 = arith.constant 112 : i32
        %add3A_529 = vector.broadcast %add3A_528 : i32 to vector<16xi32>
        %add3A_530 = arith.addi %add3A_474, %add3A_529 : vector<16xi32>
        tpu.vector_store_idx %arg8[%shift_right_arithmetic3A_467, %add3A_530], %gather3A_506 : memref<8x1024xf32, #tpu.memory_space<vmem>>[vector<16xi32>, vector<16xi32>], vector<16xf32>,
        %scan3A_531 = arith.constant 2 : i32
        %mul3A_532 = arith.constant 16 : i32
        %mul3A_533 = arith.muli %scan3A_531, %mul3A_532 : i32
        %add3A_534 = vector.broadcast %mul3A_533 : i32 to vector<16xi32>
        %add3A_535 = arith.addi %and3A_388, %add3A_534 : vector<16xi32>
        %shift_right_arithmetic3A_536 = arith.constant 3 : i32
        %shift_right_arithmetic3A_537 = vector.broadcast %shift_right_arithmetic3A_536 : i32 to vector<16xi32>
        %shift_right_arithmetic3A_538 = arith.shrsi %add3A_535, %shift_right_arithmetic3A_537 : vector<16xi32>
        %and3A_539 = arith.constant 7 : i32
        %and3A_540 = vector.broadcast %and3A_539 : i32 to vector<16xi32>
        %and3A_541 = arith.andi %add3A_535, %and3A_540 : vector<16xi32>
        %shift_left3A_542 = arith.constant 7 : i32
        %shift_left3A_543 = vector.broadcast %shift_left3A_542 : i32 to vector<16xi32>
        %shift_left3A_544 = arith.shli %and3A_541, %shift_left3A_543 : vector<16xi32>
        %add3A_545 = arith.addi %shift_left3A_544, %iota3A : vector<16xi32>
        %add3A_546 = arith.constant 0 : i32
        %add3A_547 = vector.broadcast %add3A_546 : i32 to vector<16xi32>
        %add3A_548 = arith.addi %iota3A, %add3A_547 : vector<16xi32>
        %gather3A_549 = tpu.vector_load_idx %arg6[%add3A_548, %add3A_535] : memref<128x64xf32, #tpu.memory_space<vmem>>[vector<16xi32>, vector<16xi32>], vector<16xf32>,
        %add3A_550 = arith.constant 16 : i32
        %add3A_551 = vector.broadcast %add3A_550 : i32 to vector<16xi32>
        %add3A_552 = arith.addi %iota3A, %add3A_551 : vector<16xi32>
        %gather3A_553 = tpu.vector_load_idx %arg6[%add3A_552, %add3A_535] : memref<128x64xf32, #tpu.memory_space<vmem>>[vector<16xi32>, vector<16xi32>], vector<16xf32>,
        %add3A_554 = arith.constant 32 : i32
        %add3A_555 = vector.broadcast %add3A_554 : i32 to vector<16xi32>
        %add3A_556 = arith.addi %iota3A, %add3A_555 : vector<16xi32>
        %gather3A_557 = tpu.vector_load_idx %arg6[%add3A_556, %add3A_535] : memref<128x64xf32, #tpu.memory_space<vmem>>[vector<16xi32>, vector<16xi32>], vector<16xf32>,
        %add3A_558 = arith.constant 48 : i32
        %add3A_559 = vector.broadcast %add3A_558 : i32 to vector<16xi32>
        %add3A_560 = arith.addi %iota3A, %add3A_559 : vector<16xi32>
        %gather3A_561 = tpu.vector_load_idx %arg6[%add3A_560, %add3A_535] : memref<128x64xf32, #tpu.memory_space<vmem>>[vector<16xi32>, vector<16xi32>], vector<16xf32>,
        %add3A_562 = arith.constant 64 : i32
        %add3A_563 = vector.broadcast %add3A_562 : i32 to vector<16xi32>
        %add3A_564 = arith.addi %iota3A, %add3A_563 : vector<16xi32>
        %gather3A_565 = tpu.vector_load_idx %arg6[%add3A_564, %add3A_535] : memref<128x64xf32, #tpu.memory_space<vmem>>[vector<16xi32>, vector<16xi32>], vector<16xf32>,
        %add3A_566 = arith.constant 80 : i32
        %add3A_567 = vector.broadcast %add3A_566 : i32 to vector<16xi32>
        %add3A_568 = arith.addi %iota3A, %add3A_567 : vector<16xi32>
        %gather3A_569 = tpu.vector_load_idx %arg6[%add3A_568, %add3A_535] : memref<128x64xf32, #tpu.memory_space<vmem>>[vector<16xi32>, vector<16xi32>], vector<16xf32>,
        %add3A_570 = arith.constant 96 : i32
        %add3A_571 = vector.broadcast %add3A_570 : i32 to vector<16xi32>
        %add3A_572 = arith.addi %iota3A, %add3A_571 : vector<16xi32>
        %gather3A_573 = tpu.vector_load_idx %arg6[%add3A_572, %add3A_535] : memref<128x64xf32, #tpu.memory_space<vmem>>[vector<16xi32>, vector<16xi32>], vector<16xf32>,
        %add3A_574 = arith.constant 112 : i32
        %add3A_575 = vector.broadcast %add3A_574 : i32 to vector<16xi32>
        %add3A_576 = arith.addi %iota3A, %add3A_575 : vector<16xi32>
        %gather3A_577 = tpu.vector_load_idx %arg6[%add3A_576, %add3A_535] : memref<128x64xf32, #tpu.memory_space<vmem>>[vector<16xi32>, vector<16xi32>], vector<16xf32>,
        %add3A_578 = arith.constant 0 : i32
        %add3A_579 = vector.broadcast %add3A_578 : i32 to vector<16xi32>
        %add3A_580 = arith.addi %add3A_545, %add3A_579 : vector<16xi32>
        tpu.vector_store_idx %arg8[%shift_right_arithmetic3A_538, %add3A_580], %gather3A_549 : memref<8x1024xf32, #tpu.memory_space<vmem>>[vector<16xi32>, vector<16xi32>], vector<16xf32>,
        %add3A_581 = arith.constant 16 : i32
        %add3A_582 = vector.broadcast %add3A_581 : i32 to vector<16xi32>
        %add3A_583 = arith.addi %add3A_545, %add3A_582 : vector<16xi32>
        tpu.vector_store_idx %arg8[%shift_right_arithmetic3A_538, %add3A_583], %gather3A_553 : memref<8x1024xf32, #tpu.memory_space<vmem>>[vector<16xi32>, vector<16xi32>], vector<16xf32>,
        %add3A_584 = arith.constant 32 : i32
        %add3A_585 = vector.broadcast %add3A_584 : i32 to vector<16xi32>
        %add3A_586 = arith.addi %add3A_545, %add3A_585 : vector<16xi32>
        tpu.vector_store_idx %arg8[%shift_right_arithmetic3A_538, %add3A_586], %gather3A_557 : memref<8x1024xf32, #tpu.memory_space<vmem>>[vector<16xi32>, vector<16xi32>], vector<16xf32>,
        %add3A_587 = arith.constant 48 : i32
        %add3A_588 = vector.broadcast %add3A_587 : i32 to vector<16xi32>
        %add3A_589 = arith.addi %add3A_545, %add3A_588 : vector<16xi32>
        tpu.vector_store_idx %arg8[%shift_right_arithmetic3A_538, %add3A_589], %gather3A_561 : memref<8x1024xf32, #tpu.memory_space<vmem>>[vector<16xi32>, vector<16xi32>], vector<16xf32>,
        %add3A_590 = arith.constant 64 : i32
        %add3A_591 = vector.broadcast %add3A_590 : i32 to vector<16xi32>
        %add3A_592 = arith.addi %add3A_545, %add3A_591 : vector<16xi32>
        tpu.vector_store_idx %arg8[%shift_right_arithmetic3A_538, %add3A_592], %gather3A_565 : memref<8x1024xf32, #tpu.memory_space<vmem>>[vector<16xi32>, vector<16xi32>], vector<16xf32>,
        %add3A_593 = arith.constant 80 : i32
        %add3A_594 = vector.broadcast %add3A_593 : i32 to vector<16xi32>
        %add3A_595 = arith.addi %add3A_545, %add3A_594 : vector<16xi32>
        tpu.vector_store_idx %arg8[%shift_right_arithmetic3A_538, %add3A_595], %gather3A_569 : memref<8x1024xf32, #tpu.memory_space<vmem>>[vector<16xi32>, vector<16xi32>], vector<16xf32>,
        %add3A_596 = arith.constant 96 : i32
        %add3A_597 = vector.broadcast %add3A_596 : i32 to vector<16xi32>
        %add3A_598 = arith.addi %add3A_545, %add3A_597 : vector<16xi32>
        tpu.vector_store_idx %arg8[%shift_right_arithmetic3A_538, %add3A_598], %gather3A_573 : memref<8x1024xf32, #tpu.memory_space<vmem>>[vector<16xi32>, vector<16xi32>], vector<16xf32>,
        %add3A_599 = arith.constant 112 : i32
        %add3A_600 = vector.broadcast %add3A_599 : i32 to vector<16xi32>
        %add3A_601 = arith.addi %add3A_545, %add3A_600 : vector<16xi32>
        tpu.vector_store_idx %arg8[%shift_right_arithmetic3A_538, %add3A_601], %gather3A_577 : memref<8x1024xf32, #tpu.memory_space<vmem>>[vector<16xi32>, vector<16xi32>], vector<16xf32>,
        %scan3A_602 = arith.constant 3 : i32
        %mul3A_603 = arith.constant 16 : i32
        %mul3A_604 = arith.muli %scan3A_602, %mul3A_603 : i32
        %add3A_605 = vector.broadcast %mul3A_604 : i32 to vector<16xi32>
        %add3A_606 = arith.addi %and3A_388, %add3A_605 : vector<16xi32>
        %shift_right_arithmetic3A_607 = arith.constant 3 : i32
        %shift_right_arithmetic3A_608 = vector.broadcast %shift_right_arithmetic3A_607 : i32 to vector<16xi32>
        %shift_right_arithmetic3A_609 = arith.shrsi %add3A_606, %shift_right_arithmetic3A_608 : vector<16xi32>
        %and3A_610 = arith.constant 7 : i32
        %and3A_611 = vector.broadcast %and3A_610 : i32 to vector<16xi32>
        %and3A_612 = arith.andi %add3A_606, %and3A_611 : vector<16xi32>
        %shift_left3A_613 = arith.constant 7 : i32
        %shift_left3A_614 = vector.broadcast %shift_left3A_613 : i32 to vector<16xi32>
        %shift_left3A_615 = arith.shli %and3A_612, %shift_left3A_614 : vector<16xi32>
        %add3A_616 = arith.addi %shift_left3A_615, %iota3A : vector<16xi32>
        %add3A_617 = arith.constant 0 : i32
        %add3A_618 = vector.broadcast %add3A_617 : i32 to vector<16xi32>
        %add3A_619 = arith.addi %iota3A, %add3A_618 : vector<16xi32>
        %gather3A_620 = tpu.vector_load_idx %arg6[%add3A_619, %add3A_606] : memref<128x64xf32, #tpu.memory_space<vmem>>[vector<16xi32>, vector<16xi32>], vector<16xf32>,
        %add3A_621 = arith.constant 16 : i32
        %add3A_622 = vector.broadcast %add3A_621 : i32 to vector<16xi32>
        %add3A_623 = arith.addi %iota3A, %add3A_622 : vector<16xi32>
        %gather3A_624 = tpu.vector_load_idx %arg6[%add3A_623, %add3A_606] : memref<128x64xf32, #tpu.memory_space<vmem>>[vector<16xi32>, vector<16xi32>], vector<16xf32>,
        %add3A_625 = arith.constant 32 : i32
        %add3A_626 = vector.broadcast %add3A_625 : i32 to vector<16xi32>
        %add3A_627 = arith.addi %iota3A, %add3A_626 : vector<16xi32>
        %gather3A_628 = tpu.vector_load_idx %arg6[%add3A_627, %add3A_606] : memref<128x64xf32, #tpu.memory_space<vmem>>[vector<16xi32>, vector<16xi32>], vector<16xf32>,
        %add3A_629 = arith.constant 48 : i32
        %add3A_630 = vector.broadcast %add3A_629 : i32 to vector<16xi32>
        %add3A_631 = arith.addi %iota3A, %add3A_630 : vector<16xi32>
        %gather3A_632 = tpu.vector_load_idx %arg6[%add3A_631, %add3A_606] : memref<128x64xf32, #tpu.memory_space<vmem>>[vector<16xi32>, vector<16xi32>], vector<16xf32>,
        %add3A_633 = arith.constant 64 : i32
        %add3A_634 = vector.broadcast %add3A_633 : i32 to vector<16xi32>
        %add3A_635 = arith.addi %iota3A, %add3A_634 : vector<16xi32>
        %gather3A_636 = tpu.vector_load_idx %arg6[%add3A_635, %add3A_606] : memref<128x64xf32, #tpu.memory_space<vmem>>[vector<16xi32>, vector<16xi32>], vector<16xf32>,
        %add3A_637 = arith.constant 80 : i32
        %add3A_638 = vector.broadcast %add3A_637 : i32 to vector<16xi32>
        %add3A_639 = arith.addi %iota3A, %add3A_638 : vector<16xi32>
        %gather3A_640 = tpu.vector_load_idx %arg6[%add3A_639, %add3A_606] : memref<128x64xf32, #tpu.memory_space<vmem>>[vector<16xi32>, vector<16xi32>], vector<16xf32>,
        %add3A_641 = arith.constant 96 : i32
        %add3A_642 = vector.broadcast %add3A_641 : i32 to vector<16xi32>
        %add3A_643 = arith.addi %iota3A, %add3A_642 : vector<16xi32>
        %gather3A_644 = tpu.vector_load_idx %arg6[%add3A_643, %add3A_606] : memref<128x64xf32, #tpu.memory_space<vmem>>[vector<16xi32>, vector<16xi32>], vector<16xf32>,
        %add3A_645 = arith.constant 112 : i32
        %add3A_646 = vector.broadcast %add3A_645 : i32 to vector<16xi32>
        %add3A_647 = arith.addi %iota3A, %add3A_646 : vector<16xi32>
        %gather3A_648 = tpu.vector_load_idx %arg6[%add3A_647, %add3A_606] : memref<128x64xf32, #tpu.memory_space<vmem>>[vector<16xi32>, vector<16xi32>], vector<16xf32>,
        %add3A_649 = arith.constant 0 : i32
        %add3A_650 = vector.broadcast %add3A_649 : i32 to vector<16xi32>
        %add3A_651 = arith.addi %add3A_616, %add3A_650 : vector<16xi32>
        tpu.vector_store_idx %arg8[%shift_right_arithmetic3A_609, %add3A_651], %gather3A_620 : memref<8x1024xf32, #tpu.memory_space<vmem>>[vector<16xi32>, vector<16xi32>], vector<16xf32>,
        %add3A_652 = arith.constant 16 : i32
        %add3A_653 = vector.broadcast %add3A_652 : i32 to vector<16xi32>
        %add3A_654 = arith.addi %add3A_616, %add3A_653 : vector<16xi32>
        tpu.vector_store_idx %arg8[%shift_right_arithmetic3A_609, %add3A_654], %gather3A_624 : memref<8x1024xf32, #tpu.memory_space<vmem>>[vector<16xi32>, vector<16xi32>], vector<16xf32>,
        %add3A_655 = arith.constant 32 : i32
        %add3A_656 = vector.broadcast %add3A_655 : i32 to vector<16xi32>
        %add3A_657 = arith.addi %add3A_616, %add3A_656 : vector<16xi32>
        tpu.vector_store_idx %arg8[%shift_right_arithmetic3A_609, %add3A_657], %gather3A_628 : memref<8x1024xf32, #tpu.memory_space<vmem>>[vector<16xi32>, vector<16xi32>], vector<16xf32>,
        %add3A_658 = arith.constant 48 : i32
        %add3A_659 = vector.broadcast %add3A_658 : i32 to vector<16xi32>
        %add3A_660 = arith.addi %add3A_616, %add3A_659 : vector<16xi32>
        tpu.vector_store_idx %arg8[%shift_right_arithmetic3A_609, %add3A_660], %gather3A_632 : memref<8x1024xf32, #tpu.memory_space<vmem>>[vector<16xi32>, vector<16xi32>], vector<16xf32>,
        %add3A_661 = arith.constant 64 : i32
        %add3A_662 = vector.broadcast %add3A_661 : i32 to vector<16xi32>
        %add3A_663 = arith.addi %add3A_616, %add3A_662 : vector<16xi32>
        tpu.vector_store_idx %arg8[%shift_right_arithmetic3A_609, %add3A_663], %gather3A_636 : memref<8x1024xf32, #tpu.memory_space<vmem>>[vector<16xi32>, vector<16xi32>], vector<16xf32>,
        %add3A_664 = arith.constant 80 : i32
        %add3A_665 = vector.broadcast %add3A_664 : i32 to vector<16xi32>
        %add3A_666 = arith.addi %add3A_616, %add3A_665 : vector<16xi32>
        tpu.vector_store_idx %arg8[%shift_right_arithmetic3A_609, %add3A_666], %gather3A_640 : memref<8x1024xf32, #tpu.memory_space<vmem>>[vector<16xi32>, vector<16xi32>], vector<16xf32>,
        %add3A_667 = arith.constant 96 : i32
        %add3A_668 = vector.broadcast %add3A_667 : i32 to vector<16xi32>
        %add3A_669 = arith.addi %add3A_616, %add3A_668 : vector<16xi32>
        tpu.vector_store_idx %arg8[%shift_right_arithmetic3A_609, %add3A_669], %gather3A_644 : memref<8x1024xf32, #tpu.memory_space<vmem>>[vector<16xi32>, vector<16xi32>], vector<16xf32>,
        %add3A_670 = arith.constant 112 : i32
        %add3A_671 = vector.broadcast %add3A_670 : i32 to vector<16xi32>
        %add3A_672 = arith.addi %add3A_616, %add3A_671 : vector<16xi32>
        tpu.vector_store_idx %arg8[%shift_right_arithmetic3A_609, %add3A_672], %gather3A_648 : memref<8x1024xf32, #tpu.memory_space<vmem>>[vector<16xi32>, vector<16xi32>], vector<16xf32>,
        %scan3A_673 = arith.constant 4 : i32
      }
      %scan3A_55 = arith.constant 16 : i32
      %dma_start3A_56 = arith.constant 0 : i32
      %dma_start3A_57 = arith.constant 0 : i32
      %dma_start3A_58 = tpu.memref_slice %arg4[%mul3A_33, %dma_start3A_56, %add3A, %dma_start3A_57] : memref<200x8x32x1024xf32, #tpu.memory_space<hbm>> -> memref<1x8x1x1024xf32, #tpu.memory_space<hbm>>
      %dma_start3A_59 = tpu.memref_squeeze %dma_start3A_58 : memref<1x8x1x1024xf32, #tpu.memory_space<hbm>> -> memref<8x1024xf32, #tpu.memory_space<hbm>>
      %dma_start3A_60 = arith.constant 0 : i32
      %dma_start3A_61 = arith.constant 0 : i32
      %dma_start3A_62 = tpu.memref_slice %arg4[%mul3A_33, %dma_start3A_60, %add3A, %dma_start3A_61] : memref<200x8x32x1024xf32, #tpu.memory_space<hbm>> -> memref<1x8x1x1024xf32, #tpu.memory_space<hbm>>
      %dma_start3A_63 = tpu.memref_squeeze %dma_start3A_62 : memref<1x8x1x1024xf32, #tpu.memory_space<hbm>> -> memref<8x1024xf32, #tpu.memory_space<hbm>>
      tpu.enqueue_dma source(%arg8 : memref<8x1024xf32, #tpu.memory_space<vmem>>) target(%dma_start3A_63 : memref<8x1024xf32, #tpu.memory_space<hbm>>) target_semaphore(%arg12 : memref<!tpu.dma_semaphore, #tpu.memory_space<semaphore_mem>>)
      %add3A_64 = arith.constant 2 : i32
      %add3A_65 = arith.addi %mul3A_33, %add3A_64 : i32
      %lt3A = arith.constant 200 : i32
      %lt3A_66 = arith.cmpi slt, %add3A_65, %lt3A : i32
      %convert_element_type3A_67 = arith.extui %lt3A_66 : i1 to i32
      %cond3A_68 = arith.constant 0 : i32
      %cond3A_69 = arith.cmpi ne, %convert_element_type3A_67, %cond3A_68 : i32
      scf.if %cond3A_69 {
        %add3A_95 = arith.constant 2 : i32
        %add3A_96 = arith.addi %mul3A_33, %add3A_95 : i32
        %dma_start3A_97 = arith.constant 0 : i32
        %dma_start3A_98 = tpu.memref_slice %arg5[%add3A_96, %dma_start3A_97] : memref<200x128xi32, #tpu.memory_space<vmem>> -> memref<1x128xi32, #tpu.memory_space<vmem>>
        %dma_start3A_99 = tpu.memref_squeeze %dma_start3A_98 : memref<1x128xi32, #tpu.memory_space<vmem>> -> memref<128xi32, #tpu.memory_space<vmem>>
        %dma_start3A_100 = arith.constant 0 : i32
        %dma_start3A_101 = arith.constant 0 : i32
        %dma_start3A_102 = tpu.memref_slice %arg3[%dma_start3A_100, %dma_start3A_101] : memref<1000000x64xf32, #tpu.memory_space<hbm>> -> memref<1000000x64xf32, #tpu.memory_space<hbm>>
        tpu.enqueue_indirect_dma source(%dma_start3A_102 : memref<1000000x64xf32, #tpu.memory_space<hbm>>) target(%arg6 : memref<128x64xf32, #tpu.memory_space<vmem>>) offsets(%dma_start3A_99 : memref<128xi32, #tpu.memory_space<vmem>>) semaphore(%arg10 : memref<!tpu.dma_semaphore, #tpu.memory_space<semaphore_mem>>)
      } else {
      }
      %dma_wait3A_70 = arith.constant 0 : i32
      %dma_wait3A_71 = tpu.memref_slice %arg5[%add3A_35, %dma_wait3A_70] : memref<200x128xi32, #tpu.memory_space<vmem>> -> memref<1x128xi32, #tpu.memory_space<vmem>>
      %dma_wait3A_72 = tpu.memref_squeeze %dma_wait3A_71 : memref<1x128xi32, #tpu.memory_space<vmem>> -> memref<128xi32, #tpu.memory_space<vmem>>
      %dma_wait3A_73 = arith.constant 0 : i32
      %dma_wait3A_74 = arith.constant 0 : i32
      %dma_wait3A_75 = tpu.memref_slice %arg3[%dma_wait3A_73, %dma_wait3A_74] : memref<1000000x64xf32, #tpu.memory_space<hbm>> -> memref<1000000x64xf32, #tpu.memory_space<hbm>>
      tpu.wait_indirect_dma semaphore(%arg11 : memref<!tpu.dma_semaphore, #tpu.memory_space<semaphore_mem>>) src(%dma_wait3A_75 : memref<1000000x64xf32, #tpu.memory_space<hbm>>) dst(%arg7 : memref<128x64xf32, #tpu.memory_space<vmem>>)
      %gt3A_76 = arith.constant 0 : i32
      %gt3A_77 = arith.cmpi sgt, %scan3A_31, %gt3A_76 : i32
      %convert_element_type3A_78 = arith.extui %gt3A_77 : i1 to i32
      %cond3A_79 = arith.constant 0 : i32
      %cond3A_80 = arith.cmpi ne, %convert_element_type3A_78, %cond3A_79 : i32
      scf.if %cond3A_80 {
        %sub3A = arith.constant 2 : i32
        %sub3A_95 = arith.subi %add3A_35, %sub3A : i32
        %dma_wait3A_96 = arith.constant 0 : i32
        %dma_wait3A_97 = arith.constant 0 : i32
        %dma_wait3A_98 = tpu.memref_slice %arg4[%sub3A_95, %dma_wait3A_96, %add3A, %dma_wait3A_97] : memref<200x8x32x1024xf32, #tpu.memory_space<hbm>> -> memref<1x8x1x1024xf32, #tpu.memory_space<hbm>>
        %dma_wait3A_99 = tpu.memref_squeeze %dma_wait3A_98 : memref<1x8x1x1024xf32, #tpu.memory_space<hbm>> -> memref<8x1024xf32, #tpu.memory_space<hbm>>
        %dma_wait3A_100 = arith.constant 0 : i32
        %dma_wait3A_101 = arith.constant 0 : i32
        %dma_wait3A_102 = tpu.memref_slice %arg4[%sub3A_95, %dma_wait3A_100, %add3A, %dma_wait3A_101] : memref<200x8x32x1024xf32, #tpu.memory_space<hbm>> -> memref<1x8x1x1024xf32, #tpu.memory_space<hbm>>
        %dma_wait3A_103 = tpu.memref_squeeze %dma_wait3A_102 : memref<1x8x1x1024xf32, #tpu.memory_space<hbm>> -> memref<8x1024xf32, #tpu.memory_space<hbm>>
        tpu.wait_dma2 semaphore(%arg13 : memref<!tpu.dma_semaphore, #tpu.memory_space<semaphore_mem>>) src(%arg9 : memref<8x1024xf32, #tpu.memory_space<vmem>>) dst(%dma_wait3A_103 : memref<8x1024xf32, #tpu.memory_space<hbm>>)
      } else {
      }
      %scan3A_81 = arith.constant 0 : i32
      %scan3A_82 = arith.constant 0 : i32
      %scan3A_83 = arith.constant 16 : i32
      %scan3A_84 = arith.addi %scan3A_82, %scan3A_83 : i32
      %scan3A_85 = arith.constant 2 : i32
      scf.for %scan3A_95 = %scan3A_82 to %scan3A_84 step %scan3A_85  : i32 {
        %add3A_96 = vector.broadcast %scan3A_95 : i32 to vector<16xi32>
        %add3A_97 = arith.addi %iota3A, %add3A_96 : vector<16xi32>
        %and3A = arith.constant 15 : i32
        %and3A_98 = vector.broadcast %and3A : i32 to vector<16xi32>
        %and3A_99 = arith.andi %add3A_97, %and3A_98 : vector<16xi32>
        %scan3A_100 = arith.constant 0 : i32
        %mul3A_101 = arith.constant 16 : i32
        %mul3A_102 = arith.muli %scan3A_100, %mul3A_101 : i32
        %add3A_103 = vector.broadcast %mul3A_102 : i32 to vector<16xi32>
        %add3A_104 = arith.addi %and3A_99, %add3A_103 : vector<16xi32>
        %shift_right_arithmetic3A = arith.constant 3 : i32
        %shift_right_arithmetic3A_105 = vector.broadcast %shift_right_arithmetic3A : i32 to vector<16xi32>
        %shift_right_arithmetic3A_106 = arith.shrsi %add3A_104, %shift_right_arithmetic3A_105 : vector<16xi32>
        %and3A_107 = arith.constant 7 : i32
        %and3A_108 = vector.broadcast %and3A_107 : i32 to vector<16xi32>
        %and3A_109 = arith.andi %add3A_104, %and3A_108 : vector<16xi32>
        %shift_left3A = arith.constant 7 : i32
        %shift_left3A_110 = vector.broadcast %shift_left3A : i32 to vector<16xi32>
        %shift_left3A_111 = arith.shli %and3A_109, %shift_left3A_110 : vector<16xi32>
        %add3A_112 = arith.addi %shift_left3A_111, %iota3A : vector<16xi32>
        %add3A_113 = arith.constant 0 : i32
        %add3A_114 = vector.broadcast %add3A_113 : i32 to vector<16xi32>
        %add3A_115 = arith.addi %iota3A, %add3A_114 : vector<16xi32>
        %gather3A = tpu.vector_load_idx %arg7[%add3A_115, %add3A_104] : memref<128x64xf32, #tpu.memory_space<vmem>>[vector<16xi32>, vector<16xi32>], vector<16xf32>,
        %add3A_116 = arith.constant 16 : i32
        %add3A_117 = vector.broadcast %add3A_116 : i32 to vector<16xi32>
        %add3A_118 = arith.addi %iota3A, %add3A_117 : vector<16xi32>
        %gather3A_119 = tpu.vector_load_idx %arg7[%add3A_118, %add3A_104] : memref<128x64xf32, #tpu.memory_space<vmem>>[vector<16xi32>, vector<16xi32>], vector<16xf32>,
        %add3A_120 = arith.constant 32 : i32
        %add3A_121 = vector.broadcast %add3A_120 : i32 to vector<16xi32>
        %add3A_122 = arith.addi %iota3A, %add3A_121 : vector<16xi32>
        %gather3A_123 = tpu.vector_load_idx %arg7[%add3A_122, %add3A_104] : memref<128x64xf32, #tpu.memory_space<vmem>>[vector<16xi32>, vector<16xi32>], vector<16xf32>,
        %add3A_124 = arith.constant 48 : i32
        %add3A_125 = vector.broadcast %add3A_124 : i32 to vector<16xi32>
        %add3A_126 = arith.addi %iota3A, %add3A_125 : vector<16xi32>
        %gather3A_127 = tpu.vector_load_idx %arg7[%add3A_126, %add3A_104] : memref<128x64xf32, #tpu.memory_space<vmem>>[vector<16xi32>, vector<16xi32>], vector<16xf32>,
        %add3A_128 = arith.constant 64 : i32
        %add3A_129 = vector.broadcast %add3A_128 : i32 to vector<16xi32>
        %add3A_130 = arith.addi %iota3A, %add3A_129 : vector<16xi32>
        %gather3A_131 = tpu.vector_load_idx %arg7[%add3A_130, %add3A_104] : memref<128x64xf32, #tpu.memory_space<vmem>>[vector<16xi32>, vector<16xi32>], vector<16xf32>,
        %add3A_132 = arith.constant 80 : i32
        %add3A_133 = vector.broadcast %add3A_132 : i32 to vector<16xi32>
        %add3A_134 = arith.addi %iota3A, %add3A_133 : vector<16xi32>
        %gather3A_135 = tpu.vector_load_idx %arg7[%add3A_134, %add3A_104] : memref<128x64xf32, #tpu.memory_space<vmem>>[vector<16xi32>, vector<16xi32>], vector<16xf32>,
        %add3A_136 = arith.constant 96 : i32
        %add3A_137 = vector.broadcast %add3A_136 : i32 to vector<16xi32>
        %add3A_138 = arith.addi %iota3A, %add3A_137 : vector<16xi32>
        %gather3A_139 = tpu.vector_load_idx %arg7[%add3A_138, %add3A_104] : memref<128x64xf32, #tpu.memory_space<vmem>>[vector<16xi32>, vector<16xi32>], vector<16xf32>,
        %add3A_140 = arith.constant 112 : i32
        %add3A_141 = vector.broadcast %add3A_140 : i32 to vector<16xi32>
        %add3A_142 = arith.addi %iota3A, %add3A_141 : vector<16xi32>
        %gather3A_143 = tpu.vector_load_idx %arg7[%add3A_142, %add3A_104] : memref<128x64xf32, #tpu.memory_space<vmem>>[vector<16xi32>, vector<16xi32>], vector<16xf32>,
        %add3A_144 = arith.constant 0 : i32
        %add3A_145 = vector.broadcast %add3A_144 : i32 to vector<16xi32>
        %add3A_146 = arith.addi %add3A_112, %add3A_145 : vector<16xi32>
        tpu.vector_store_idx %arg9[%shift_right_arithmetic3A_106, %add3A_146], %gather3A : memref<8x1024xf32, #tpu.memory_space<vmem>>[vector<16xi32>, vector<16xi32>], vector<16xf32>,
        %add3A_147 = arith.constant 16 : i32
        %add3A_148 = vector.broadcast %add3A_147 : i32 to vector<16xi32>
        %add3A_149 = arith.addi %add3A_112, %add3A_148 : vector<16xi32>
        tpu.vector_store_idx %arg9[%shift_right_arithmetic3A_106, %add3A_149], %gather3A_119 : memref<8x1024xf32, #tpu.memory_space<vmem>>[vector<16xi32>, vector<16xi32>], vector<16xf32>,
        %add3A_150 = arith.constant 32 : i32
        %add3A_151 = vector.broadcast %add3A_150 : i32 to vector<16xi32>
        %add3A_152 = arith.addi %add3A_112, %add3A_151 : vector<16xi32>
        tpu.vector_store_idx %arg9[%shift_right_arithmetic3A_106, %add3A_152], %gather3A_123 : memref<8x1024xf32, #tpu.memory_space<vmem>>[vector<16xi32>, vector<16xi32>], vector<16xf32>,
        %add3A_153 = arith.constant 48 : i32
        %add3A_154 = vector.broadcast %add3A_153 : i32 to vector<16xi32>
        %add3A_155 = arith.addi %add3A_112, %add3A_154 : vector<16xi32>
        tpu.vector_store_idx %arg9[%shift_right_arithmetic3A_106, %add3A_155], %gather3A_127 : memref<8x1024xf32, #tpu.memory_space<vmem>>[vector<16xi32>, vector<16xi32>], vector<16xf32>,
        %add3A_156 = arith.constant 64 : i32
        %add3A_157 = vector.broadcast %add3A_156 : i32 to vector<16xi32>
        %add3A_158 = arith.addi %add3A_112, %add3A_157 : vector<16xi32>
        tpu.vector_store_idx %arg9[%shift_right_arithmetic3A_106, %add3A_158], %gather3A_131 : memref<8x1024xf32, #tpu.memory_space<vmem>>[vector<16xi32>, vector<16xi32>], vector<16xf32>,
        %add3A_159 = arith.constant 80 : i32
        %add3A_160 = vector.broadcast %add3A_159 : i32 to vector<16xi32>
        %add3A_161 = arith.addi %add3A_112, %add3A_160 : vector<16xi32>
        tpu.vector_store_idx %arg9[%shift_right_arithmetic3A_106, %add3A_161], %gather3A_135 : memref<8x1024xf32, #tpu.memory_space<vmem>>[vector<16xi32>, vector<16xi32>], vector<16xf32>,
        %add3A_162 = arith.constant 96 : i32
        %add3A_163 = vector.broadcast %add3A_162 : i32 to vector<16xi32>
        %add3A_164 = arith.addi %add3A_112, %add3A_163 : vector<16xi32>
        tpu.vector_store_idx %arg9[%shift_right_arithmetic3A_106, %add3A_164], %gather3A_139 : memref<8x1024xf32, #tpu.memory_space<vmem>>[vector<16xi32>, vector<16xi32>], vector<16xf32>,
        %add3A_165 = arith.constant 112 : i32
        %add3A_166 = vector.broadcast %add3A_165 : i32 to vector<16xi32>
        %add3A_167 = arith.addi %add3A_112, %add3A_166 : vector<16xi32>
        tpu.vector_store_idx %arg9[%shift_right_arithmetic3A_106, %add3A_167], %gather3A_143 : memref<8x1024xf32, #tpu.memory_space<vmem>>[vector<16xi32>, vector<16xi32>], vector<16xf32>,
        %scan3A_168 = arith.constant 1 : i32
        %mul3A_169 = arith.constant 16 : i32
        %mul3A_170 = arith.muli %scan3A_168, %mul3A_169 : i32
        %add3A_171 = vector.broadcast %mul3A_170 : i32 to vector<16xi32>
        %add3A_172 = arith.addi %and3A_99, %add3A_171 : vector<16xi32>
        %shift_right_arithmetic3A_173 = arith.constant 3 : i32
        %shift_right_arithmetic3A_174 = vector.broadcast %shift_right_arithmetic3A_173 : i32 to vector<16xi32>
        %shift_right_arithmetic3A_175 = arith.shrsi %add3A_172, %shift_right_arithmetic3A_174 : vector<16xi32>
        %and3A_176 = arith.constant 7 : i32
        %and3A_177 = vector.broadcast %and3A_176 : i32 to vector<16xi32>
        %and3A_178 = arith.andi %add3A_172, %and3A_177 : vector<16xi32>
        %shift_left3A_179 = arith.constant 7 : i32
        %shift_left3A_180 = vector.broadcast %shift_left3A_179 : i32 to vector<16xi32>
        %shift_left3A_181 = arith.shli %and3A_178, %shift_left3A_180 : vector<16xi32>
        %add3A_182 = arith.addi %shift_left3A_181, %iota3A : vector<16xi32>
        %add3A_183 = arith.constant 0 : i32
        %add3A_184 = vector.broadcast %add3A_183 : i32 to vector<16xi32>
        %add3A_185 = arith.addi %iota3A, %add3A_184 : vector<16xi32>
        %gather3A_186 = tpu.vector_load_idx %arg7[%add3A_185, %add3A_172] : memref<128x64xf32, #tpu.memory_space<vmem>>[vector<16xi32>, vector<16xi32>], vector<16xf32>,
        %add3A_187 = arith.constant 16 : i32
        %add3A_188 = vector.broadcast %add3A_187 : i32 to vector<16xi32>
        %add3A_189 = arith.addi %iota3A, %add3A_188 : vector<16xi32>
        %gather3A_190 = tpu.vector_load_idx %arg7[%add3A_189, %add3A_172] : memref<128x64xf32, #tpu.memory_space<vmem>>[vector<16xi32>, vector<16xi32>], vector<16xf32>,
        %add3A_191 = arith.constant 32 : i32
        %add3A_192 = vector.broadcast %add3A_191 : i32 to vector<16xi32>
        %add3A_193 = arith.addi %iota3A, %add3A_192 : vector<16xi32>
        %gather3A_194 = tpu.vector_load_idx %arg7[%add3A_193, %add3A_172] : memref<128x64xf32, #tpu.memory_space<vmem>>[vector<16xi32>, vector<16xi32>], vector<16xf32>,
        %add3A_195 = arith.constant 48 : i32
        %add3A_196 = vector.broadcast %add3A_195 : i32 to vector<16xi32>
        %add3A_197 = arith.addi %iota3A, %add3A_196 : vector<16xi32>
        %gather3A_198 = tpu.vector_load_idx %arg7[%add3A_197, %add3A_172] : memref<128x64xf32, #tpu.memory_space<vmem>>[vector<16xi32>, vector<16xi32>], vector<16xf32>,
        %add3A_199 = arith.constant 64 : i32
        %add3A_200 = vector.broadcast %add3A_199 : i32 to vector<16xi32>
        %add3A_201 = arith.addi %iota3A, %add3A_200 : vector<16xi32>
        %gather3A_202 = tpu.vector_load_idx %arg7[%add3A_201, %add3A_172] : memref<128x64xf32, #tpu.memory_space<vmem>>[vector<16xi32>, vector<16xi32>], vector<16xf32>,
        %add3A_203 = arith.constant 80 : i32
        %add3A_204 = vector.broadcast %add3A_203 : i32 to vector<16xi32>
        %add3A_205 = arith.addi %iota3A, %add3A_204 : vector<16xi32>
        %gather3A_206 = tpu.vector_load_idx %arg7[%add3A_205, %add3A_172] : memref<128x64xf32, #tpu.memory_space<vmem>>[vector<16xi32>, vector<16xi32>], vector<16xf32>,
        %add3A_207 = arith.constant 96 : i32
        %add3A_208 = vector.broadcast %add3A_207 : i32 to vector<16xi32>
        %add3A_209 = arith.addi %iota3A, %add3A_208 : vector<16xi32>
        %gather3A_210 = tpu.vector_load_idx %arg7[%add3A_209, %add3A_172] : memref<128x64xf32, #tpu.memory_space<vmem>>[vector<16xi32>, vector<16xi32>], vector<16xf32>,
        %add3A_211 = arith.constant 112 : i32
        %add3A_212 = vector.broadcast %add3A_211 : i32 to vector<16xi32>
        %add3A_213 = arith.addi %iota3A, %add3A_212 : vector<16xi32>
        %gather3A_214 = tpu.vector_load_idx %arg7[%add3A_213, %add3A_172] : memref<128x64xf32, #tpu.memory_space<vmem>>[vector<16xi32>, vector<16xi32>], vector<16xf32>,
        %add3A_215 = arith.constant 0 : i32
        %add3A_216 = vector.broadcast %add3A_215 : i32 to vector<16xi32>
        %add3A_217 = arith.addi %add3A_182, %add3A_216 : vector<16xi32>
        tpu.vector_store_idx %arg9[%shift_right_arithmetic3A_175, %add3A_217], %gather3A_186 : memref<8x1024xf32, #tpu.memory_space<vmem>>[vector<16xi32>, vector<16xi32>], vector<16xf32>,
        %add3A_218 = arith.constant 16 : i32
        %add3A_219 = vector.broadcast %add3A_218 : i32 to vector<16xi32>
        %add3A_220 = arith.addi %add3A_182, %add3A_219 : vector<16xi32>
        tpu.vector_store_idx %arg9[%shift_right_arithmetic3A_175, %add3A_220], %gather3A_190 : memref<8x1024xf32, #tpu.memory_space<vmem>>[vector<16xi32>, vector<16xi32>], vector<16xf32>,
        %add3A_221 = arith.constant 32 : i32
        %add3A_222 = vector.broadcast %add3A_221 : i32 to vector<16xi32>
        %add3A_223 = arith.addi %add3A_182, %add3A_222 : vector<16xi32>
        tpu.vector_store_idx %arg9[%shift_right_arithmetic3A_175, %add3A_223], %gather3A_194 : memref<8x1024xf32, #tpu.memory_space<vmem>>[vector<16xi32>, vector<16xi32>], vector<16xf32>,
        %add3A_224 = arith.constant 48 : i32
        %add3A_225 = vector.broadcast %add3A_224 : i32 to vector<16xi32>
        %add3A_226 = arith.addi %add3A_182, %add3A_225 : vector<16xi32>
        tpu.vector_store_idx %arg9[%shift_right_arithmetic3A_175, %add3A_226], %gather3A_198 : memref<8x1024xf32, #tpu.memory_space<vmem>>[vector<16xi32>, vector<16xi32>], vector<16xf32>,
        %add3A_227 = arith.constant 64 : i32
        %add3A_228 = vector.broadcast %add3A_227 : i32 to vector<16xi32>
        %add3A_229 = arith.addi %add3A_182, %add3A_228 : vector<16xi32>
        tpu.vector_store_idx %arg9[%shift_right_arithmetic3A_175, %add3A_229], %gather3A_202 : memref<8x1024xf32, #tpu.memory_space<vmem>>[vector<16xi32>, vector<16xi32>], vector<16xf32>,
        %add3A_230 = arith.constant 80 : i32
        %add3A_231 = vector.broadcast %add3A_230 : i32 to vector<16xi32>
        %add3A_232 = arith.addi %add3A_182, %add3A_231 : vector<16xi32>
        tpu.vector_store_idx %arg9[%shift_right_arithmetic3A_175, %add3A_232], %gather3A_206 : memref<8x1024xf32, #tpu.memory_space<vmem>>[vector<16xi32>, vector<16xi32>], vector<16xf32>,
        %add3A_233 = arith.constant 96 : i32
        %add3A_234 = vector.broadcast %add3A_233 : i32 to vector<16xi32>
        %add3A_235 = arith.addi %add3A_182, %add3A_234 : vector<16xi32>
        tpu.vector_store_idx %arg9[%shift_right_arithmetic3A_175, %add3A_235], %gather3A_210 : memref<8x1024xf32, #tpu.memory_space<vmem>>[vector<16xi32>, vector<16xi32>], vector<16xf32>,
        %add3A_236 = arith.constant 112 : i32
        %add3A_237 = vector.broadcast %add3A_236 : i32 to vector<16xi32>
        %add3A_238 = arith.addi %add3A_182, %add3A_237 : vector<16xi32>
        tpu.vector_store_idx %arg9[%shift_right_arithmetic3A_175, %add3A_238], %gather3A_214 : memref<8x1024xf32, #tpu.memory_space<vmem>>[vector<16xi32>, vector<16xi32>], vector<16xf32>,
        %scan3A_239 = arith.constant 2 : i32
        %mul3A_240 = arith.constant 16 : i32
        %mul3A_241 = arith.muli %scan3A_239, %mul3A_240 : i32
        %add3A_242 = vector.broadcast %mul3A_241 : i32 to vector<16xi32>
        %add3A_243 = arith.addi %and3A_99, %add3A_242 : vector<16xi32>
        %shift_right_arithmetic3A_244 = arith.constant 3 : i32
        %shift_right_arithmetic3A_245 = vector.broadcast %shift_right_arithmetic3A_244 : i32 to vector<16xi32>
        %shift_right_arithmetic3A_246 = arith.shrsi %add3A_243, %shift_right_arithmetic3A_245 : vector<16xi32>
        %and3A_247 = arith.constant 7 : i32
        %and3A_248 = vector.broadcast %and3A_247 : i32 to vector<16xi32>
        %and3A_249 = arith.andi %add3A_243, %and3A_248 : vector<16xi32>
        %shift_left3A_250 = arith.constant 7 : i32
        %shift_left3A_251 = vector.broadcast %shift_left3A_250 : i32 to vector<16xi32>
        %shift_left3A_252 = arith.shli %and3A_249, %shift_left3A_251 : vector<16xi32>
        %add3A_253 = arith.addi %shift_left3A_252, %iota3A : vector<16xi32>
        %add3A_254 = arith.constant 0 : i32
        %add3A_255 = vector.broadcast %add3A_254 : i32 to vector<16xi32>
        %add3A_256 = arith.addi %iota3A, %add3A_255 : vector<16xi32>
        %gather3A_257 = tpu.vector_load_idx %arg7[%add3A_256, %add3A_243] : memref<128x64xf32, #tpu.memory_space<vmem>>[vector<16xi32>, vector<16xi32>], vector<16xf32>,
        %add3A_258 = arith.constant 16 : i32
        %add3A_259 = vector.broadcast %add3A_258 : i32 to vector<16xi32>
        %add3A_260 = arith.addi %iota3A, %add3A_259 : vector<16xi32>
        %gather3A_261 = tpu.vector_load_idx %arg7[%add3A_260, %add3A_243] : memref<128x64xf32, #tpu.memory_space<vmem>>[vector<16xi32>, vector<16xi32>], vector<16xf32>,
        %add3A_262 = arith.constant 32 : i32
        %add3A_263 = vector.broadcast %add3A_262 : i32 to vector<16xi32>
        %add3A_264 = arith.addi %iota3A, %add3A_263 : vector<16xi32>
        %gather3A_265 = tpu.vector_load_idx %arg7[%add3A_264, %add3A_243] : memref<128x64xf32, #tpu.memory_space<vmem>>[vector<16xi32>, vector<16xi32>], vector<16xf32>,
        %add3A_266 = arith.constant 48 : i32
        %add3A_267 = vector.broadcast %add3A_266 : i32 to vector<16xi32>
        %add3A_268 = arith.addi %iota3A, %add3A_267 : vector<16xi32>
        %gather3A_269 = tpu.vector_load_idx %arg7[%add3A_268, %add3A_243] : memref<128x64xf32, #tpu.memory_space<vmem>>[vector<16xi32>, vector<16xi32>], vector<16xf32>,
        %add3A_270 = arith.constant 64 : i32
        %add3A_271 = vector.broadcast %add3A_270 : i32 to vector<16xi32>
        %add3A_272 = arith.addi %iota3A, %add3A_271 : vector<16xi32>
        %gather3A_273 = tpu.vector_load_idx %arg7[%add3A_272, %add3A_243] : memref<128x64xf32, #tpu.memory_space<vmem>>[vector<16xi32>, vector<16xi32>], vector<16xf32>,
        %add3A_274 = arith.constant 80 : i32
        %add3A_275 = vector.broadcast %add3A_274 : i32 to vector<16xi32>
        %add3A_276 = arith.addi %iota3A, %add3A_275 : vector<16xi32>
        %gather3A_277 = tpu.vector_load_idx %arg7[%add3A_276, %add3A_243] : memref<128x64xf32, #tpu.memory_space<vmem>>[vector<16xi32>, vector<16xi32>], vector<16xf32>,
        %add3A_278 = arith.constant 96 : i32
        %add3A_279 = vector.broadcast %add3A_278 : i32 to vector<16xi32>
        %add3A_280 = arith.addi %iota3A, %add3A_279 : vector<16xi32>
        %gather3A_281 = tpu.vector_load_idx %arg7[%add3A_280, %add3A_243] : memref<128x64xf32, #tpu.memory_space<vmem>>[vector<16xi32>, vector<16xi32>], vector<16xf32>,
        %add3A_282 = arith.constant 112 : i32
        %add3A_283 = vector.broadcast %add3A_282 : i32 to vector<16xi32>
        %add3A_284 = arith.addi %iota3A, %add3A_283 : vector<16xi32>
        %gather3A_285 = tpu.vector_load_idx %arg7[%add3A_284, %add3A_243] : memref<128x64xf32, #tpu.memory_space<vmem>>[vector<16xi32>, vector<16xi32>], vector<16xf32>,
        %add3A_286 = arith.constant 0 : i32
        %add3A_287 = vector.broadcast %add3A_286 : i32 to vector<16xi32>
        %add3A_288 = arith.addi %add3A_253, %add3A_287 : vector<16xi32>
        tpu.vector_store_idx %arg9[%shift_right_arithmetic3A_246, %add3A_288], %gather3A_257 : memref<8x1024xf32, #tpu.memory_space<vmem>>[vector<16xi32>, vector<16xi32>], vector<16xf32>,
        %add3A_289 = arith.constant 16 : i32
        %add3A_290 = vector.broadcast %add3A_289 : i32 to vector<16xi32>
        %add3A_291 = arith.addi %add3A_253, %add3A_290 : vector<16xi32>
        tpu.vector_store_idx %arg9[%shift_right_arithmetic3A_246, %add3A_291], %gather3A_261 : memref<8x1024xf32, #tpu.memory_space<vmem>>[vector<16xi32>, vector<16xi32>], vector<16xf32>,
        %add3A_292 = arith.constant 32 : i32
        %add3A_293 = vector.broadcast %add3A_292 : i32 to vector<16xi32>
        %add3A_294 = arith.addi %add3A_253, %add3A_293 : vector<16xi32>
        tpu.vector_store_idx %arg9[%shift_right_arithmetic3A_246, %add3A_294], %gather3A_265 : memref<8x1024xf32, #tpu.memory_space<vmem>>[vector<16xi32>, vector<16xi32>], vector<16xf32>,
        %add3A_295 = arith.constant 48 : i32
        %add3A_296 = vector.broadcast %add3A_295 : i32 to vector<16xi32>
        %add3A_297 = arith.addi %add3A_253, %add3A_296 : vector<16xi32>
        tpu.vector_store_idx %arg9[%shift_right_arithmetic3A_246, %add3A_297], %gather3A_269 : memref<8x1024xf32, #tpu.memory_space<vmem>>[vector<16xi32>, vector<16xi32>], vector<16xf32>,
        %add3A_298 = arith.constant 64 : i32
        %add3A_299 = vector.broadcast %add3A_298 : i32 to vector<16xi32>
        %add3A_300 = arith.addi %add3A_253, %add3A_299 : vector<16xi32>
        tpu.vector_store_idx %arg9[%shift_right_arithmetic3A_246, %add3A_300], %gather3A_273 : memref<8x1024xf32, #tpu.memory_space<vmem>>[vector<16xi32>, vector<16xi32>], vector<16xf32>,
        %add3A_301 = arith.constant 80 : i32
        %add3A_302 = vector.broadcast %add3A_301 : i32 to vector<16xi32>
        %add3A_303 = arith.addi %add3A_253, %add3A_302 : vector<16xi32>
        tpu.vector_store_idx %arg9[%shift_right_arithmetic3A_246, %add3A_303], %gather3A_277 : memref<8x1024xf32, #tpu.memory_space<vmem>>[vector<16xi32>, vector<16xi32>], vector<16xf32>,
        %add3A_304 = arith.constant 96 : i32
        %add3A_305 = vector.broadcast %add3A_304 : i32 to vector<16xi32>
        %add3A_306 = arith.addi %add3A_253, %add3A_305 : vector<16xi32>
        tpu.vector_store_idx %arg9[%shift_right_arithmetic3A_246, %add3A_306], %gather3A_281 : memref<8x1024xf32, #tpu.memory_space<vmem>>[vector<16xi32>, vector<16xi32>], vector<16xf32>,
        %add3A_307 = arith.constant 112 : i32
        %add3A_308 = vector.broadcast %add3A_307 : i32 to vector<16xi32>
        %add3A_309 = arith.addi %add3A_253, %add3A_308 : vector<16xi32>
        tpu.vector_store_idx %arg9[%shift_right_arithmetic3A_246, %add3A_309], %gather3A_285 : memref<8x1024xf32, #tpu.memory_space<vmem>>[vector<16xi32>, vector<16xi32>], vector<16xf32>,
        %scan3A_310 = arith.constant 3 : i32
        %mul3A_311 = arith.constant 16 : i32
        %mul3A_312 = arith.muli %scan3A_310, %mul3A_311 : i32
        %add3A_313 = vector.broadcast %mul3A_312 : i32 to vector<16xi32>
        %add3A_314 = arith.addi %and3A_99, %add3A_313 : vector<16xi32>
        %shift_right_arithmetic3A_315 = arith.constant 3 : i32
        %shift_right_arithmetic3A_316 = vector.broadcast %shift_right_arithmetic3A_315 : i32 to vector<16xi32>
        %shift_right_arithmetic3A_317 = arith.shrsi %add3A_314, %shift_right_arithmetic3A_316 : vector<16xi32>
        %and3A_318 = arith.constant 7 : i32
        %and3A_319 = vector.broadcast %and3A_318 : i32 to vector<16xi32>
        %and3A_320 = arith.andi %add3A_314, %and3A_319 : vector<16xi32>
        %shift_left3A_321 = arith.constant 7 : i32
        %shift_left3A_322 = vector.broadcast %shift_left3A_321 : i32 to vector<16xi32>
        %shift_left3A_323 = arith.shli %and3A_320, %shift_left3A_322 : vector<16xi32>
        %add3A_324 = arith.addi %shift_left3A_323, %iota3A : vector<16xi32>
        %add3A_325 = arith.constant 0 : i32
        %add3A_326 = vector.broadcast %add3A_325 : i32 to vector<16xi32>
        %add3A_327 = arith.addi %iota3A, %add3A_326 : vector<16xi32>
        %gather3A_328 = tpu.vector_load_idx %arg7[%add3A_327, %add3A_314] : memref<128x64xf32, #tpu.memory_space<vmem>>[vector<16xi32>, vector<16xi32>], vector<16xf32>,
        %add3A_329 = arith.constant 16 : i32
        %add3A_330 = vector.broadcast %add3A_329 : i32 to vector<16xi32>
        %add3A_331 = arith.addi %iota3A, %add3A_330 : vector<16xi32>
        %gather3A_332 = tpu.vector_load_idx %arg7[%add3A_331, %add3A_314] : memref<128x64xf32, #tpu.memory_space<vmem>>[vector<16xi32>, vector<16xi32>], vector<16xf32>,
        %add3A_333 = arith.constant 32 : i32
        %add3A_334 = vector.broadcast %add3A_333 : i32 to vector<16xi32>
        %add3A_335 = arith.addi %iota3A, %add3A_334 : vector<16xi32>
        %gather3A_336 = tpu.vector_load_idx %arg7[%add3A_335, %add3A_314] : memref<128x64xf32, #tpu.memory_space<vmem>>[vector<16xi32>, vector<16xi32>], vector<16xf32>,
        %add3A_337 = arith.constant 48 : i32
        %add3A_338 = vector.broadcast %add3A_337 : i32 to vector<16xi32>
        %add3A_339 = arith.addi %iota3A, %add3A_338 : vector<16xi32>
        %gather3A_340 = tpu.vector_load_idx %arg7[%add3A_339, %add3A_314] : memref<128x64xf32, #tpu.memory_space<vmem>>[vector<16xi32>, vector<16xi32>], vector<16xf32>,
        %add3A_341 = arith.constant 64 : i32
        %add3A_342 = vector.broadcast %add3A_341 : i32 to vector<16xi32>
        %add3A_343 = arith.addi %iota3A, %add3A_342 : vector<16xi32>
        %gather3A_344 = tpu.vector_load_idx %arg7[%add3A_343, %add3A_314] : memref<128x64xf32, #tpu.memory_space<vmem>>[vector<16xi32>, vector<16xi32>], vector<16xf32>,
        %add3A_345 = arith.constant 80 : i32
        %add3A_346 = vector.broadcast %add3A_345 : i32 to vector<16xi32>
        %add3A_347 = arith.addi %iota3A, %add3A_346 : vector<16xi32>
        %gather3A_348 = tpu.vector_load_idx %arg7[%add3A_347, %add3A_314] : memref<128x64xf32, #tpu.memory_space<vmem>>[vector<16xi32>, vector<16xi32>], vector<16xf32>,
        %add3A_349 = arith.constant 96 : i32
        %add3A_350 = vector.broadcast %add3A_349 : i32 to vector<16xi32>
        %add3A_351 = arith.addi %iota3A, %add3A_350 : vector<16xi32>
        %gather3A_352 = tpu.vector_load_idx %arg7[%add3A_351, %add3A_314] : memref<128x64xf32, #tpu.memory_space<vmem>>[vector<16xi32>, vector<16xi32>], vector<16xf32>,
        %add3A_353 = arith.constant 112 : i32
        %add3A_354 = vector.broadcast %add3A_353 : i32 to vector<16xi32>
        %add3A_355 = arith.addi %iota3A, %add3A_354 : vector<16xi32>
        %gather3A_356 = tpu.vector_load_idx %arg7[%add3A_355, %add3A_314] : memref<128x64xf32, #tpu.memory_space<vmem>>[vector<16xi32>, vector<16xi32>], vector<16xf32>,
        %add3A_357 = arith.constant 0 : i32
        %add3A_358 = vector.broadcast %add3A_357 : i32 to vector<16xi32>
        %add3A_359 = arith.addi %add3A_324, %add3A_358 : vector<16xi32>
        tpu.vector_store_idx %arg9[%shift_right_arithmetic3A_317, %add3A_359], %gather3A_328 : memref<8x1024xf32, #tpu.memory_space<vmem>>[vector<16xi32>, vector<16xi32>], vector<16xf32>,
        %add3A_360 = arith.constant 16 : i32
        %add3A_361 = vector.broadcast %add3A_360 : i32 to vector<16xi32>
        %add3A_362 = arith.addi %add3A_324, %add3A_361 : vector<16xi32>
        tpu.vector_store_idx %arg9[%shift_right_arithmetic3A_317, %add3A_362], %gather3A_332 : memref<8x1024xf32, #tpu.memory_space<vmem>>[vector<16xi32>, vector<16xi32>], vector<16xf32>,
        %add3A_363 = arith.constant 32 : i32
        %add3A_364 = vector.broadcast %add3A_363 : i32 to vector<16xi32>
        %add3A_365 = arith.addi %add3A_324, %add3A_364 : vector<16xi32>
        tpu.vector_store_idx %arg9[%shift_right_arithmetic3A_317, %add3A_365], %gather3A_336 : memref<8x1024xf32, #tpu.memory_space<vmem>>[vector<16xi32>, vector<16xi32>], vector<16xf32>,
        %add3A_366 = arith.constant 48 : i32
        %add3A_367 = vector.broadcast %add3A_366 : i32 to vector<16xi32>
        %add3A_368 = arith.addi %add3A_324, %add3A_367 : vector<16xi32>
        tpu.vector_store_idx %arg9[%shift_right_arithmetic3A_317, %add3A_368], %gather3A_340 : memref<8x1024xf32, #tpu.memory_space<vmem>>[vector<16xi32>, vector<16xi32>], vector<16xf32>,
        %add3A_369 = arith.constant 64 : i32
        %add3A_370 = vector.broadcast %add3A_369 : i32 to vector<16xi32>
        %add3A_371 = arith.addi %add3A_324, %add3A_370 : vector<16xi32>
        tpu.vector_store_idx %arg9[%shift_right_arithmetic3A_317, %add3A_371], %gather3A_344 : memref<8x1024xf32, #tpu.memory_space<vmem>>[vector<16xi32>, vector<16xi32>], vector<16xf32>,
        %add3A_372 = arith.constant 80 : i32
        %add3A_373 = vector.broadcast %add3A_372 : i32 to vector<16xi32>
        %add3A_374 = arith.addi %add3A_324, %add3A_373 : vector<16xi32>
        tpu.vector_store_idx %arg9[%shift_right_arithmetic3A_317, %add3A_374], %gather3A_348 : memref<8x1024xf32, #tpu.memory_space<vmem>>[vector<16xi32>, vector<16xi32>], vector<16xf32>,
        %add3A_375 = arith.constant 96 : i32
        %add3A_376 = vector.broadcast %add3A_375 : i32 to vector<16xi32>
        %add3A_377 = arith.addi %add3A_324, %add3A_376 : vector<16xi32>
        tpu.vector_store_idx %arg9[%shift_right_arithmetic3A_317, %add3A_377], %gather3A_352 : memref<8x1024xf32, #tpu.memory_space<vmem>>[vector<16xi32>, vector<16xi32>], vector<16xf32>,
        %add3A_378 = arith.constant 112 : i32
        %add3A_379 = vector.broadcast %add3A_378 : i32 to vector<16xi32>
        %add3A_380 = arith.addi %add3A_324, %add3A_379 : vector<16xi32>
        tpu.vector_store_idx %arg9[%shift_right_arithmetic3A_317, %add3A_380], %gather3A_356 : memref<8x1024xf32, #tpu.memory_space<vmem>>[vector<16xi32>, vector<16xi32>], vector<16xf32>,
        %scan3A_381 = arith.constant 4 : i32
        %scan3A_382 = arith.constant 1 : i32
        %scan3A_383 = arith.addi %scan3A_95, %scan3A_382 : i32
        %add3A_384 = vector.broadcast %scan3A_383 : i32 to vector<16xi32>
        %add3A_385 = arith.addi %iota3A, %add3A_384 : vector<16xi32>
        %and3A_386 = arith.constant 15 : i32
        %and3A_387 = vector.broadcast %and3A_386 : i32 to vector<16xi32>
        %and3A_388 = arith.andi %add3A_385, %and3A_387 : vector<16xi32>
        %scan3A_389 = arith.constant 0 : i32
        %mul3A_390 = arith.constant 16 : i32
        %mul3A_391 = arith.muli %scan3A_389, %mul3A_390 : i32
        %add3A_392 = vector.broadcast %mul3A_391 : i32 to vector<16xi32>
        %add3A_393 = arith.addi %and3A_388, %add3A_392 : vector<16xi32>
        %shift_right_arithmetic3A_394 = arith.constant 3 : i32
        %shift_right_arithmetic3A_395 = vector.broadcast %shift_right_arithmetic3A_394 : i32 to vector<16xi32>
        %shift_right_arithmetic3A_396 = arith.shrsi %add3A_393, %shift_right_arithmetic3A_395 : vector<16xi32>
        %and3A_397 = arith.constant 7 : i32
        %and3A_398 = vector.broadcast %and3A_397 : i32 to vector<16xi32>
        %and3A_399 = arith.andi %add3A_393, %and3A_398 : vector<16xi32>
        %shift_left3A_400 = arith.constant 7 : i32
        %shift_left3A_401 = vector.broadcast %shift_left3A_400 : i32 to vector<16xi32>
        %shift_left3A_402 = arith.shli %and3A_399, %shift_left3A_401 : vector<16xi32>
        %add3A_403 = arith.addi %shift_left3A_402, %iota3A : vector<16xi32>
        %add3A_404 = arith.constant 0 : i32
        %add3A_405 = vector.broadcast %add3A_404 : i32 to vector<16xi32>
        %add3A_406 = arith.addi %iota3A, %add3A_405 : vector<16xi32>
        %gather3A_407 = tpu.vector_load_idx %arg7[%add3A_406, %add3A_393] : memref<128x64xf32, #tpu.memory_space<vmem>>[vector<16xi32>, vector<16xi32>], vector<16xf32>,
        %add3A_408 = arith.constant 16 : i32
        %add3A_409 = vector.broadcast %add3A_408 : i32 to vector<16xi32>
        %add3A_410 = arith.addi %iota3A, %add3A_409 : vector<16xi32>
        %gather3A_411 = tpu.vector_load_idx %arg7[%add3A_410, %add3A_393] : memref<128x64xf32, #tpu.memory_space<vmem>>[vector<16xi32>, vector<16xi32>], vector<16xf32>,
        %add3A_412 = arith.constant 32 : i32
        %add3A_413 = vector.broadcast %add3A_412 : i32 to vector<16xi32>
        %add3A_414 = arith.addi %iota3A, %add3A_413 : vector<16xi32>
        %gather3A_415 = tpu.vector_load_idx %arg7[%add3A_414, %add3A_393] : memref<128x64xf32, #tpu.memory_space<vmem>>[vector<16xi32>, vector<16xi32>], vector<16xf32>,
        %add3A_416 = arith.constant 48 : i32
        %add3A_417 = vector.broadcast %add3A_416 : i32 to vector<16xi32>
        %add3A_418 = arith.addi %iota3A, %add3A_417 : vector<16xi32>
        %gather3A_419 = tpu.vector_load_idx %arg7[%add3A_418, %add3A_393] : memref<128x64xf32, #tpu.memory_space<vmem>>[vector<16xi32>, vector<16xi32>], vector<16xf32>,
        %add3A_420 = arith.constant 64 : i32
        %add3A_421 = vector.broadcast %add3A_420 : i32 to vector<16xi32>
        %add3A_422 = arith.addi %iota3A, %add3A_421 : vector<16xi32>
        %gather3A_423 = tpu.vector_load_idx %arg7[%add3A_422, %add3A_393] : memref<128x64xf32, #tpu.memory_space<vmem>>[vector<16xi32>, vector<16xi32>], vector<16xf32>,
        %add3A_424 = arith.constant 80 : i32
        %add3A_425 = vector.broadcast %add3A_424 : i32 to vector<16xi32>
        %add3A_426 = arith.addi %iota3A, %add3A_425 : vector<16xi32>
        %gather3A_427 = tpu.vector_load_idx %arg7[%add3A_426, %add3A_393] : memref<128x64xf32, #tpu.memory_space<vmem>>[vector<16xi32>, vector<16xi32>], vector<16xf32>,
        %add3A_428 = arith.constant 96 : i32
        %add3A_429 = vector.broadcast %add3A_428 : i32 to vector<16xi32>
        %add3A_430 = arith.addi %iota3A, %add3A_429 : vector<16xi32>
        %gather3A_431 = tpu.vector_load_idx %arg7[%add3A_430, %add3A_393] : memref<128x64xf32, #tpu.memory_space<vmem>>[vector<16xi32>, vector<16xi32>], vector<16xf32>,
        %add3A_432 = arith.constant 112 : i32
        %add3A_433 = vector.broadcast %add3A_432 : i32 to vector<16xi32>
        %add3A_434 = arith.addi %iota3A, %add3A_433 : vector<16xi32>
        %gather3A_435 = tpu.vector_load_idx %arg7[%add3A_434, %add3A_393] : memref<128x64xf32, #tpu.memory_space<vmem>>[vector<16xi32>, vector<16xi32>], vector<16xf32>,
        %add3A_436 = arith.constant 0 : i32
        %add3A_437 = vector.broadcast %add3A_436 : i32 to vector<16xi32>
        %add3A_438 = arith.addi %add3A_403, %add3A_437 : vector<16xi32>
        tpu.vector_store_idx %arg9[%shift_right_arithmetic3A_396, %add3A_438], %gather3A_407 : memref<8x1024xf32, #tpu.memory_space<vmem>>[vector<16xi32>, vector<16xi32>], vector<16xf32>,
        %add3A_439 = arith.constant 16 : i32
        %add3A_440 = vector.broadcast %add3A_439 : i32 to vector<16xi32>
        %add3A_441 = arith.addi %add3A_403, %add3A_440 : vector<16xi32>
        tpu.vector_store_idx %arg9[%shift_right_arithmetic3A_396, %add3A_441], %gather3A_411 : memref<8x1024xf32, #tpu.memory_space<vmem>>[vector<16xi32>, vector<16xi32>], vector<16xf32>,
        %add3A_442 = arith.constant 32 : i32
        %add3A_443 = vector.broadcast %add3A_442 : i32 to vector<16xi32>
        %add3A_444 = arith.addi %add3A_403, %add3A_443 : vector<16xi32>
        tpu.vector_store_idx %arg9[%shift_right_arithmetic3A_396, %add3A_444], %gather3A_415 : memref<8x1024xf32, #tpu.memory_space<vmem>>[vector<16xi32>, vector<16xi32>], vector<16xf32>,
        %add3A_445 = arith.constant 48 : i32
        %add3A_446 = vector.broadcast %add3A_445 : i32 to vector<16xi32>
        %add3A_447 = arith.addi %add3A_403, %add3A_446 : vector<16xi32>
        tpu.vector_store_idx %arg9[%shift_right_arithmetic3A_396, %add3A_447], %gather3A_419 : memref<8x1024xf32, #tpu.memory_space<vmem>>[vector<16xi32>, vector<16xi32>], vector<16xf32>,
        %add3A_448 = arith.constant 64 : i32
        %add3A_449 = vector.broadcast %add3A_448 : i32 to vector<16xi32>
        %add3A_450 = arith.addi %add3A_403, %add3A_449 : vector<16xi32>
        tpu.vector_store_idx %arg9[%shift_right_arithmetic3A_396, %add3A_450], %gather3A_423 : memref<8x1024xf32, #tpu.memory_space<vmem>>[vector<16xi32>, vector<16xi32>], vector<16xf32>,
        %add3A_451 = arith.constant 80 : i32
        %add3A_452 = vector.broadcast %add3A_451 : i32 to vector<16xi32>
        %add3A_453 = arith.addi %add3A_403, %add3A_452 : vector<16xi32>
        tpu.vector_store_idx %arg9[%shift_right_arithmetic3A_396, %add3A_453], %gather3A_427 : memref<8x1024xf32, #tpu.memory_space<vmem>>[vector<16xi32>, vector<16xi32>], vector<16xf32>,
        %add3A_454 = arith.constant 96 : i32
        %add3A_455 = vector.broadcast %add3A_454 : i32 to vector<16xi32>
        %add3A_456 = arith.addi %add3A_403, %add3A_455 : vector<16xi32>
        tpu.vector_store_idx %arg9[%shift_right_arithmetic3A_396, %add3A_456], %gather3A_431 : memref<8x1024xf32, #tpu.memory_space<vmem>>[vector<16xi32>, vector<16xi32>], vector<16xf32>,
        %add3A_457 = arith.constant 112 : i32
        %add3A_458 = vector.broadcast %add3A_457 : i32 to vector<16xi32>
        %add3A_459 = arith.addi %add3A_403, %add3A_458 : vector<16xi32>
        tpu.vector_store_idx %arg9[%shift_right_arithmetic3A_396, %add3A_459], %gather3A_435 : memref<8x1024xf32, #tpu.memory_space<vmem>>[vector<16xi32>, vector<16xi32>], vector<16xf32>,
        %scan3A_460 = arith.constant 1 : i32
        %mul3A_461 = arith.constant 16 : i32
        %mul3A_462 = arith.muli %scan3A_460, %mul3A_461 : i32
        %add3A_463 = vector.broadcast %mul3A_462 : i32 to vector<16xi32>
        %add3A_464 = arith.addi %and3A_388, %add3A_463 : vector<16xi32>
        %shift_right_arithmetic3A_465 = arith.constant 3 : i32
        %shift_right_arithmetic3A_466 = vector.broadcast %shift_right_arithmetic3A_465 : i32 to vector<16xi32>
        %shift_right_arithmetic3A_467 = arith.shrsi %add3A_464, %shift_right_arithmetic3A_466 : vector<16xi32>
        %and3A_468 = arith.constant 7 : i32
        %and3A_469 = vector.broadcast %and3A_468 : i32 to vector<16xi32>
        %and3A_470 = arith.andi %add3A_464, %and3A_469 : vector<16xi32>
        %shift_left3A_471 = arith.constant 7 : i32
        %shift_left3A_472 = vector.broadcast %shift_left3A_471 : i32 to vector<16xi32>
        %shift_left3A_473 = arith.shli %and3A_470, %shift_left3A_472 : vector<16xi32>
        %add3A_474 = arith.addi %shift_left3A_473, %iota3A : vector<16xi32>
        %add3A_475 = arith.constant 0 : i32
        %add3A_476 = vector.broadcast %add3A_475 : i32 to vector<16xi32>
        %add3A_477 = arith.addi %iota3A, %add3A_476 : vector<16xi32>
        %gather3A_478 = tpu.vector_load_idx %arg7[%add3A_477, %add3A_464] : memref<128x64xf32, #tpu.memory_space<vmem>>[vector<16xi32>, vector<16xi32>], vector<16xf32>,
        %add3A_479 = arith.constant 16 : i32
        %add3A_480 = vector.broadcast %add3A_479 : i32 to vector<16xi32>
        %add3A_481 = arith.addi %iota3A, %add3A_480 : vector<16xi32>
        %gather3A_482 = tpu.vector_load_idx %arg7[%add3A_481, %add3A_464] : memref<128x64xf32, #tpu.memory_space<vmem>>[vector<16xi32>, vector<16xi32>], vector<16xf32>,
        %add3A_483 = arith.constant 32 : i32
        %add3A_484 = vector.broadcast %add3A_483 : i32 to vector<16xi32>
        %add3A_485 = arith.addi %iota3A, %add3A_484 : vector<16xi32>
        %gather3A_486 = tpu.vector_load_idx %arg7[%add3A_485, %add3A_464] : memref<128x64xf32, #tpu.memory_space<vmem>>[vector<16xi32>, vector<16xi32>], vector<16xf32>,
        %add3A_487 = arith.constant 48 : i32
        %add3A_488 = vector.broadcast %add3A_487 : i32 to vector<16xi32>
        %add3A_489 = arith.addi %iota3A, %add3A_488 : vector<16xi32>
        %gather3A_490 = tpu.vector_load_idx %arg7[%add3A_489, %add3A_464] : memref<128x64xf32, #tpu.memory_space<vmem>>[vector<16xi32>, vector<16xi32>], vector<16xf32>,
        %add3A_491 = arith.constant 64 : i32
        %add3A_492 = vector.broadcast %add3A_491 : i32 to vector<16xi32>
        %add3A_493 = arith.addi %iota3A, %add3A_492 : vector<16xi32>
        %gather3A_494 = tpu.vector_load_idx %arg7[%add3A_493, %add3A_464] : memref<128x64xf32, #tpu.memory_space<vmem>>[vector<16xi32>, vector<16xi32>], vector<16xf32>,
        %add3A_495 = arith.constant 80 : i32
        %add3A_496 = vector.broadcast %add3A_495 : i32 to vector<16xi32>
        %add3A_497 = arith.addi %iota3A, %add3A_496 : vector<16xi32>
        %gather3A_498 = tpu.vector_load_idx %arg7[%add3A_497, %add3A_464] : memref<128x64xf32, #tpu.memory_space<vmem>>[vector<16xi32>, vector<16xi32>], vector<16xf32>,
        %add3A_499 = arith.constant 96 : i32
        %add3A_500 = vector.broadcast %add3A_499 : i32 to vector<16xi32>
        %add3A_501 = arith.addi %iota3A, %add3A_500 : vector<16xi32>
        %gather3A_502 = tpu.vector_load_idx %arg7[%add3A_501, %add3A_464] : memref<128x64xf32, #tpu.memory_space<vmem>>[vector<16xi32>, vector<16xi32>], vector<16xf32>,
        %add3A_503 = arith.constant 112 : i32
        %add3A_504 = vector.broadcast %add3A_503 : i32 to vector<16xi32>
        %add3A_505 = arith.addi %iota3A, %add3A_504 : vector<16xi32>
        %gather3A_506 = tpu.vector_load_idx %arg7[%add3A_505, %add3A_464] : memref<128x64xf32, #tpu.memory_space<vmem>>[vector<16xi32>, vector<16xi32>], vector<16xf32>,
        %add3A_507 = arith.constant 0 : i32
        %add3A_508 = vector.broadcast %add3A_507 : i32 to vector<16xi32>
        %add3A_509 = arith.addi %add3A_474, %add3A_508 : vector<16xi32>
        tpu.vector_store_idx %arg9[%shift_right_arithmetic3A_467, %add3A_509], %gather3A_478 : memref<8x1024xf32, #tpu.memory_space<vmem>>[vector<16xi32>, vector<16xi32>], vector<16xf32>,
        %add3A_510 = arith.constant 16 : i32
        %add3A_511 = vector.broadcast %add3A_510 : i32 to vector<16xi32>
        %add3A_512 = arith.addi %add3A_474, %add3A_511 : vector<16xi32>
        tpu.vector_store_idx %arg9[%shift_right_arithmetic3A_467, %add3A_512], %gather3A_482 : memref<8x1024xf32, #tpu.memory_space<vmem>>[vector<16xi32>, vector<16xi32>], vector<16xf32>,
        %add3A_513 = arith.constant 32 : i32
        %add3A_514 = vector.broadcast %add3A_513 : i32 to vector<16xi32>
        %add3A_515 = arith.addi %add3A_474, %add3A_514 : vector<16xi32>
        tpu.vector_store_idx %arg9[%shift_right_arithmetic3A_467, %add3A_515], %gather3A_486 : memref<8x1024xf32, #tpu.memory_space<vmem>>[vector<16xi32>, vector<16xi32>], vector<16xf32>,
        %add3A_516 = arith.constant 48 : i32
        %add3A_517 = vector.broadcast %add3A_516 : i32 to vector<16xi32>
        %add3A_518 = arith.addi %add3A_474, %add3A_517 : vector<16xi32>
        tpu.vector_store_idx %arg9[%shift_right_arithmetic3A_467, %add3A_518], %gather3A_490 : memref<8x1024xf32, #tpu.memory_space<vmem>>[vector<16xi32>, vector<16xi32>], vector<16xf32>,
        %add3A_519 = arith.constant 64 : i32
        %add3A_520 = vector.broadcast %add3A_519 : i32 to vector<16xi32>
        %add3A_521 = arith.addi %add3A_474, %add3A_520 : vector<16xi32>
        tpu.vector_store_idx %arg9[%shift_right_arithmetic3A_467, %add3A_521], %gather3A_494 : memref<8x1024xf32, #tpu.memory_space<vmem>>[vector<16xi32>, vector<16xi32>], vector<16xf32>,
        %add3A_522 = arith.constant 80 : i32
        %add3A_523 = vector.broadcast %add3A_522 : i32 to vector<16xi32>
        %add3A_524 = arith.addi %add3A_474, %add3A_523 : vector<16xi32>
        tpu.vector_store_idx %arg9[%shift_right_arithmetic3A_467, %add3A_524], %gather3A_498 : memref<8x1024xf32, #tpu.memory_space<vmem>>[vector<16xi32>, vector<16xi32>], vector<16xf32>,
        %add3A_525 = arith.constant 96 : i32
        %add3A_526 = vector.broadcast %add3A_525 : i32 to vector<16xi32>
        %add3A_527 = arith.addi %add3A_474, %add3A_526 : vector<16xi32>
        tpu.vector_store_idx %arg9[%shift_right_arithmetic3A_467, %add3A_527], %gather3A_502 : memref<8x1024xf32, #tpu.memory_space<vmem>>[vector<16xi32>, vector<16xi32>], vector<16xf32>,
        %add3A_528 = arith.constant 112 : i32
        %add3A_529 = vector.broadcast %add3A_528 : i32 to vector<16xi32>
        %add3A_530 = arith.addi %add3A_474, %add3A_529 : vector<16xi32>
        tpu.vector_store_idx %arg9[%shift_right_arithmetic3A_467, %add3A_530], %gather3A_506 : memref<8x1024xf32, #tpu.memory_space<vmem>>[vector<16xi32>, vector<16xi32>], vector<16xf32>,
        %scan3A_531 = arith.constant 2 : i32
        %mul3A_532 = arith.constant 16 : i32
        %mul3A_533 = arith.muli %scan3A_531, %mul3A_532 : i32
        %add3A_534 = vector.broadcast %mul3A_533 : i32 to vector<16xi32>
        %add3A_535 = arith.addi %and3A_388, %add3A_534 : vector<16xi32>
        %shift_right_arithmetic3A_536 = arith.constant 3 : i32
        %shift_right_arithmetic3A_537 = vector.broadcast %shift_right_arithmetic3A_536 : i32 to vector<16xi32>
        %shift_right_arithmetic3A_538 = arith.shrsi %add3A_535, %shift_right_arithmetic3A_537 : vector<16xi32>
        %and3A_539 = arith.constant 7 : i32
        %and3A_540 = vector.broadcast %and3A_539 : i32 to vector<16xi32>
        %and3A_541 = arith.andi %add3A_535, %and3A_540 : vector<16xi32>
        %shift_left3A_542 = arith.constant 7 : i32
        %shift_left3A_543 = vector.broadcast %shift_left3A_542 : i32 to vector<16xi32>
        %shift_left3A_544 = arith.shli %and3A_541, %shift_left3A_543 : vector<16xi32>
        %add3A_545 = arith.addi %shift_left3A_544, %iota3A : vector<16xi32>
        %add3A_546 = arith.constant 0 : i32
        %add3A_547 = vector.broadcast %add3A_546 : i32 to vector<16xi32>
        %add3A_548 = arith.addi %iota3A, %add3A_547 : vector<16xi32>
        %gather3A_549 = tpu.vector_load_idx %arg7[%add3A_548, %add3A_535] : memref<128x64xf32, #tpu.memory_space<vmem>>[vector<16xi32>, vector<16xi32>], vector<16xf32>,
        %add3A_550 = arith.constant 16 : i32
        %add3A_551 = vector.broadcast %add3A_550 : i32 to vector<16xi32>
        %add3A_552 = arith.addi %iota3A, %add3A_551 : vector<16xi32>
        %gather3A_553 = tpu.vector_load_idx %arg7[%add3A_552, %add3A_535] : memref<128x64xf32, #tpu.memory_space<vmem>>[vector<16xi32>, vector<16xi32>], vector<16xf32>,
        %add3A_554 = arith.constant 32 : i32
        %add3A_555 = vector.broadcast %add3A_554 : i32 to vector<16xi32>
        %add3A_556 = arith.addi %iota3A, %add3A_555 : vector<16xi32>
        %gather3A_557 = tpu.vector_load_idx %arg7[%add3A_556, %add3A_535] : memref<128x64xf32, #tpu.memory_space<vmem>>[vector<16xi32>, vector<16xi32>], vector<16xf32>,
        %add3A_558 = arith.constant 48 : i32
        %add3A_559 = vector.broadcast %add3A_558 : i32 to vector<16xi32>
        %add3A_560 = arith.addi %iota3A, %add3A_559 : vector<16xi32>
        %gather3A_561 = tpu.vector_load_idx %arg7[%add3A_560, %add3A_535] : memref<128x64xf32, #tpu.memory_space<vmem>>[vector<16xi32>, vector<16xi32>], vector<16xf32>,
        %add3A_562 = arith.constant 64 : i32
        %add3A_563 = vector.broadcast %add3A_562 : i32 to vector<16xi32>
        %add3A_564 = arith.addi %iota3A, %add3A_563 : vector<16xi32>
        %gather3A_565 = tpu.vector_load_idx %arg7[%add3A_564, %add3A_535] : memref<128x64xf32, #tpu.memory_space<vmem>>[vector<16xi32>, vector<16xi32>], vector<16xf32>,
        %add3A_566 = arith.constant 80 : i32
        %add3A_567 = vector.broadcast %add3A_566 : i32 to vector<16xi32>
        %add3A_568 = arith.addi %iota3A, %add3A_567 : vector<16xi32>
        %gather3A_569 = tpu.vector_load_idx %arg7[%add3A_568, %add3A_535] : memref<128x64xf32, #tpu.memory_space<vmem>>[vector<16xi32>, vector<16xi32>], vector<16xf32>,
        %add3A_570 = arith.constant 96 : i32
        %add3A_571 = vector.broadcast %add3A_570 : i32 to vector<16xi32>
        %add3A_572 = arith.addi %iota3A, %add3A_571 : vector<16xi32>
        %gather3A_573 = tpu.vector_load_idx %arg7[%add3A_572, %add3A_535] : memref<128x64xf32, #tpu.memory_space<vmem>>[vector<16xi32>, vector<16xi32>], vector<16xf32>,
        %add3A_574 = arith.constant 112 : i32
        %add3A_575 = vector.broadcast %add3A_574 : i32 to vector<16xi32>
        %add3A_576 = arith.addi %iota3A, %add3A_575 : vector<16xi32>
        %gather3A_577 = tpu.vector_load_idx %arg7[%add3A_576, %add3A_535] : memref<128x64xf32, #tpu.memory_space<vmem>>[vector<16xi32>, vector<16xi32>], vector<16xf32>,
        %add3A_578 = arith.constant 0 : i32
        %add3A_579 = vector.broadcast %add3A_578 : i32 to vector<16xi32>
        %add3A_580 = arith.addi %add3A_545, %add3A_579 : vector<16xi32>
        tpu.vector_store_idx %arg9[%shift_right_arithmetic3A_538, %add3A_580], %gather3A_549 : memref<8x1024xf32, #tpu.memory_space<vmem>>[vector<16xi32>, vector<16xi32>], vector<16xf32>,
        %add3A_581 = arith.constant 16 : i32
        %add3A_582 = vector.broadcast %add3A_581 : i32 to vector<16xi32>
        %add3A_583 = arith.addi %add3A_545, %add3A_582 : vector<16xi32>
        tpu.vector_store_idx %arg9[%shift_right_arithmetic3A_538, %add3A_583], %gather3A_553 : memref<8x1024xf32, #tpu.memory_space<vmem>>[vector<16xi32>, vector<16xi32>], vector<16xf32>,
        %add3A_584 = arith.constant 32 : i32
        %add3A_585 = vector.broadcast %add3A_584 : i32 to vector<16xi32>
        %add3A_586 = arith.addi %add3A_545, %add3A_585 : vector<16xi32>
        tpu.vector_store_idx %arg9[%shift_right_arithmetic3A_538, %add3A_586], %gather3A_557 : memref<8x1024xf32, #tpu.memory_space<vmem>>[vector<16xi32>, vector<16xi32>], vector<16xf32>,
        %add3A_587 = arith.constant 48 : i32
        %add3A_588 = vector.broadcast %add3A_587 : i32 to vector<16xi32>
        %add3A_589 = arith.addi %add3A_545, %add3A_588 : vector<16xi32>
        tpu.vector_store_idx %arg9[%shift_right_arithmetic3A_538, %add3A_589], %gather3A_561 : memref<8x1024xf32, #tpu.memory_space<vmem>>[vector<16xi32>, vector<16xi32>], vector<16xf32>,
        %add3A_590 = arith.constant 64 : i32
        %add3A_591 = vector.broadcast %add3A_590 : i32 to vector<16xi32>
        %add3A_592 = arith.addi %add3A_545, %add3A_591 : vector<16xi32>
        tpu.vector_store_idx %arg9[%shift_right_arithmetic3A_538, %add3A_592], %gather3A_565 : memref<8x1024xf32, #tpu.memory_space<vmem>>[vector<16xi32>, vector<16xi32>], vector<16xf32>,
        %add3A_593 = arith.constant 80 : i32
        %add3A_594 = vector.broadcast %add3A_593 : i32 to vector<16xi32>
        %add3A_595 = arith.addi %add3A_545, %add3A_594 : vector<16xi32>
        tpu.vector_store_idx %arg9[%shift_right_arithmetic3A_538, %add3A_595], %gather3A_569 : memref<8x1024xf32, #tpu.memory_space<vmem>>[vector<16xi32>, vector<16xi32>], vector<16xf32>,
        %add3A_596 = arith.constant 96 : i32
        %add3A_597 = vector.broadcast %add3A_596 : i32 to vector<16xi32>
        %add3A_598 = arith.addi %add3A_545, %add3A_597 : vector<16xi32>
        tpu.vector_store_idx %arg9[%shift_right_arithmetic3A_538, %add3A_598], %gather3A_573 : memref<8x1024xf32, #tpu.memory_space<vmem>>[vector<16xi32>, vector<16xi32>], vector<16xf32>,
        %add3A_599 = arith.constant 112 : i32
        %add3A_600 = vector.broadcast %add3A_599 : i32 to vector<16xi32>
        %add3A_601 = arith.addi %add3A_545, %add3A_600 : vector<16xi32>
        tpu.vector_store_idx %arg9[%shift_right_arithmetic3A_538, %add3A_601], %gather3A_577 : memref<8x1024xf32, #tpu.memory_space<vmem>>[vector<16xi32>, vector<16xi32>], vector<16xf32>,
        %scan3A_602 = arith.constant 3 : i32
        %mul3A_603 = arith.constant 16 : i32
        %mul3A_604 = arith.muli %scan3A_602, %mul3A_603 : i32
        %add3A_605 = vector.broadcast %mul3A_604 : i32 to vector<16xi32>
        %add3A_606 = arith.addi %and3A_388, %add3A_605 : vector<16xi32>
        %shift_right_arithmetic3A_607 = arith.constant 3 : i32
        %shift_right_arithmetic3A_608 = vector.broadcast %shift_right_arithmetic3A_607 : i32 to vector<16xi32>
        %shift_right_arithmetic3A_609 = arith.shrsi %add3A_606, %shift_right_arithmetic3A_608 : vector<16xi32>
        %and3A_610 = arith.constant 7 : i32
        %and3A_611 = vector.broadcast %and3A_610 : i32 to vector<16xi32>
        %and3A_612 = arith.andi %add3A_606, %and3A_611 : vector<16xi32>
        %shift_left3A_613 = arith.constant 7 : i32
        %shift_left3A_614 = vector.broadcast %shift_left3A_613 : i32 to vector<16xi32>
        %shift_left3A_615 = arith.shli %and3A_612, %shift_left3A_614 : vector<16xi32>
        %add3A_616 = arith.addi %shift_left3A_615, %iota3A : vector<16xi32>
        %add3A_617 = arith.constant 0 : i32
        %add3A_618 = vector.broadcast %add3A_617 : i32 to vector<16xi32>
        %add3A_619 = arith.addi %iota3A, %add3A_618 : vector<16xi32>
        %gather3A_620 = tpu.vector_load_idx %arg7[%add3A_619, %add3A_606] : memref<128x64xf32, #tpu.memory_space<vmem>>[vector<16xi32>, vector<16xi32>], vector<16xf32>,
        %add3A_621 = arith.constant 16 : i32
        %add3A_622 = vector.broadcast %add3A_621 : i32 to vector<16xi32>
        %add3A_623 = arith.addi %iota3A, %add3A_622 : vector<16xi32>
        %gather3A_624 = tpu.vector_load_idx %arg7[%add3A_623, %add3A_606] : memref<128x64xf32, #tpu.memory_space<vmem>>[vector<16xi32>, vector<16xi32>], vector<16xf32>,
        %add3A_625 = arith.constant 32 : i32
        %add3A_626 = vector.broadcast %add3A_625 : i32 to vector<16xi32>
        %add3A_627 = arith.addi %iota3A, %add3A_626 : vector<16xi32>
        %gather3A_628 = tpu.vector_load_idx %arg7[%add3A_627, %add3A_606] : memref<128x64xf32, #tpu.memory_space<vmem>>[vector<16xi32>, vector<16xi32>], vector<16xf32>,
        %add3A_629 = arith.constant 48 : i32
        %add3A_630 = vector.broadcast %add3A_629 : i32 to vector<16xi32>
        %add3A_631 = arith.addi %iota3A, %add3A_630 : vector<16xi32>
        %gather3A_632 = tpu.vector_load_idx %arg7[%add3A_631, %add3A_606] : memref<128x64xf32, #tpu.memory_space<vmem>>[vector<16xi32>, vector<16xi32>], vector<16xf32>,
        %add3A_633 = arith.constant 64 : i32
        %add3A_634 = vector.broadcast %add3A_633 : i32 to vector<16xi32>
        %add3A_635 = arith.addi %iota3A, %add3A_634 : vector<16xi32>
        %gather3A_636 = tpu.vector_load_idx %arg7[%add3A_635, %add3A_606] : memref<128x64xf32, #tpu.memory_space<vmem>>[vector<16xi32>, vector<16xi32>], vector<16xf32>,
        %add3A_637 = arith.constant 80 : i32
        %add3A_638 = vector.broadcast %add3A_637 : i32 to vector<16xi32>
        %add3A_639 = arith.addi %iota3A, %add3A_638 : vector<16xi32>
        %gather3A_640 = tpu.vector_load_idx %arg7[%add3A_639, %add3A_606] : memref<128x64xf32, #tpu.memory_space<vmem>>[vector<16xi32>, vector<16xi32>], vector<16xf32>,
        %add3A_641 = arith.constant 96 : i32
        %add3A_642 = vector.broadcast %add3A_641 : i32 to vector<16xi32>
        %add3A_643 = arith.addi %iota3A, %add3A_642 : vector<16xi32>
        %gather3A_644 = tpu.vector_load_idx %arg7[%add3A_643, %add3A_606] : memref<128x64xf32, #tpu.memory_space<vmem>>[vector<16xi32>, vector<16xi32>], vector<16xf32>,
        %add3A_645 = arith.constant 112 : i32
        %add3A_646 = vector.broadcast %add3A_645 : i32 to vector<16xi32>
        %add3A_647 = arith.addi %iota3A, %add3A_646 : vector<16xi32>
        %gather3A_648 = tpu.vector_load_idx %arg7[%add3A_647, %add3A_606] : memref<128x64xf32, #tpu.memory_space<vmem>>[vector<16xi32>, vector<16xi32>], vector<16xf32>,
        %add3A_649 = arith.constant 0 : i32
        %add3A_650 = vector.broadcast %add3A_649 : i32 to vector<16xi32>
        %add3A_651 = arith.addi %add3A_616, %add3A_650 : vector<16xi32>
        tpu.vector_store_idx %arg9[%shift_right_arithmetic3A_609, %add3A_651], %gather3A_620 : memref<8x1024xf32, #tpu.memory_space<vmem>>[vector<16xi32>, vector<16xi32>], vector<16xf32>,
        %add3A_652 = arith.constant 16 : i32
        %add3A_653 = vector.broadcast %add3A_652 : i32 to vector<16xi32>
        %add3A_654 = arith.addi %add3A_616, %add3A_653 : vector<16xi32>
        tpu.vector_store_idx %arg9[%shift_right_arithmetic3A_609, %add3A_654], %gather3A_624 : memref<8x1024xf32, #tpu.memory_space<vmem>>[vector<16xi32>, vector<16xi32>], vector<16xf32>,
        %add3A_655 = arith.constant 32 : i32
        %add3A_656 = vector.broadcast %add3A_655 : i32 to vector<16xi32>
        %add3A_657 = arith.addi %add3A_616, %add3A_656 : vector<16xi32>
        tpu.vector_store_idx %arg9[%shift_right_arithmetic3A_609, %add3A_657], %gather3A_628 : memref<8x1024xf32, #tpu.memory_space<vmem>>[vector<16xi32>, vector<16xi32>], vector<16xf32>,
        %add3A_658 = arith.constant 48 : i32
        %add3A_659 = vector.broadcast %add3A_658 : i32 to vector<16xi32>
        %add3A_660 = arith.addi %add3A_616, %add3A_659 : vector<16xi32>
        tpu.vector_store_idx %arg9[%shift_right_arithmetic3A_609, %add3A_660], %gather3A_632 : memref<8x1024xf32, #tpu.memory_space<vmem>>[vector<16xi32>, vector<16xi32>], vector<16xf32>,
        %add3A_661 = arith.constant 64 : i32
        %add3A_662 = vector.broadcast %add3A_661 : i32 to vector<16xi32>
        %add3A_663 = arith.addi %add3A_616, %add3A_662 : vector<16xi32>
        tpu.vector_store_idx %arg9[%shift_right_arithmetic3A_609, %add3A_663], %gather3A_636 : memref<8x1024xf32, #tpu.memory_space<vmem>>[vector<16xi32>, vector<16xi32>], vector<16xf32>,
        %add3A_664 = arith.constant 80 : i32
        %add3A_665 = vector.broadcast %add3A_664 : i32 to vector<16xi32>
        %add3A_666 = arith.addi %add3A_616, %add3A_665 : vector<16xi32>
        tpu.vector_store_idx %arg9[%shift_right_arithmetic3A_609, %add3A_666], %gather3A_640 : memref<8x1024xf32, #tpu.memory_space<vmem>>[vector<16xi32>, vector<16xi32>], vector<16xf32>,
        %add3A_667 = arith.constant 96 : i32
        %add3A_668 = vector.broadcast %add3A_667 : i32 to vector<16xi32>
        %add3A_669 = arith.addi %add3A_616, %add3A_668 : vector<16xi32>
        tpu.vector_store_idx %arg9[%shift_right_arithmetic3A_609, %add3A_669], %gather3A_644 : memref<8x1024xf32, #tpu.memory_space<vmem>>[vector<16xi32>, vector<16xi32>], vector<16xf32>,
        %add3A_670 = arith.constant 112 : i32
        %add3A_671 = vector.broadcast %add3A_670 : i32 to vector<16xi32>
        %add3A_672 = arith.addi %add3A_616, %add3A_671 : vector<16xi32>
        tpu.vector_store_idx %arg9[%shift_right_arithmetic3A_609, %add3A_672], %gather3A_648 : memref<8x1024xf32, #tpu.memory_space<vmem>>[vector<16xi32>, vector<16xi32>], vector<16xf32>,
        %scan3A_673 = arith.constant 4 : i32
      }
      %scan3A_86 = arith.constant 16 : i32
      %dma_start3A_87 = arith.constant 0 : i32
      %dma_start3A_88 = arith.constant 0 : i32
      %dma_start3A_89 = tpu.memref_slice %arg4[%add3A_35, %dma_start3A_87, %add3A, %dma_start3A_88] : memref<200x8x32x1024xf32, #tpu.memory_space<hbm>> -> memref<1x8x1x1024xf32, #tpu.memory_space<hbm>>
      %dma_start3A_90 = tpu.memref_squeeze %dma_start3A_89 : memref<1x8x1x1024xf32, #tpu.memory_space<hbm>> -> memref<8x1024xf32, #tpu.memory_space<hbm>>
      %dma_start3A_91 = arith.constant 0 : i32
      %dma_start3A_92 = arith.constant 0 : i32
      %dma_start3A_93 = tpu.memref_slice %arg4[%add3A_35, %dma_start3A_91, %add3A, %dma_start3A_92] : memref<200x8x32x1024xf32, #tpu.memory_space<hbm>> -> memref<1x8x1x1024xf32, #tpu.memory_space<hbm>>
      %dma_start3A_94 = tpu.memref_squeeze %dma_start3A_93 : memref<1x8x1x1024xf32, #tpu.memory_space<hbm>> -> memref<8x1024xf32, #tpu.memory_space<hbm>>
      tpu.enqueue_dma source(%arg9 : memref<8x1024xf32, #tpu.memory_space<vmem>>) target(%dma_start3A_94 : memref<8x1024xf32, #tpu.memory_space<hbm>>) target_semaphore(%arg13 : memref<!tpu.dma_semaphore, #tpu.memory_space<semaphore_mem>>)
    }
    %scan3A_13 = arith.constant 100 : i32
    %dma_wait3A = arith.constant 198 : i32
    %dma_wait3A_14 = arith.constant 0 : i32
    %dma_wait3A_15 = arith.constant 0 : i32
    %dma_wait3A_16 = tpu.memref_slice %arg4[%dma_wait3A, %dma_wait3A_14, %add3A, %dma_wait3A_15] : memref<200x8x32x1024xf32, #tpu.memory_space<hbm>> -> memref<1x8x1x1024xf32, #tpu.memory_space<hbm>>
    %dma_wait3A_17 = tpu.memref_squeeze %dma_wait3A_16 : memref<1x8x1x1024xf32, #tpu.memory_space<hbm>> -> memref<8x1024xf32, #tpu.memory_space<hbm>>
    %dma_wait3A_18 = arith.constant 0 : i32
    %dma_wait3A_19 = arith.constant 0 : i32
    %dma_wait3A_20 = tpu.memref_slice %arg4[%dma_wait3A, %dma_wait3A_18, %add3A, %dma_wait3A_19] : memref<200x8x32x1024xf32, #tpu.memory_space<hbm>> -> memref<1x8x1x1024xf32, #tpu.memory_space<hbm>>
    %dma_wait3A_21 = tpu.memref_squeeze %dma_wait3A_20 : memref<1x8x1x1024xf32, #tpu.memory_space<hbm>> -> memref<8x1024xf32, #tpu.memory_space<hbm>>
    tpu.wait_dma2 semaphore(%arg12 : memref<!tpu.dma_semaphore, #tpu.memory_space<semaphore_mem>>) src(%arg8 : memref<8x1024xf32, #tpu.memory_space<vmem>>) dst(%dma_wait3A_21 : memref<8x1024xf32, #tpu.memory_space<hbm>>)
    %dma_wait3A_22 = arith.constant 199 : i32
    %dma_wait3A_23 = arith.constant 0 : i32
    %dma_wait3A_24 = arith.constant 0 : i32
    %dma_wait3A_25 = tpu.memref_slice %arg4[%dma_wait3A_22, %dma_wait3A_23, %add3A, %dma_wait3A_24] : memref<200x8x32x1024xf32, #tpu.memory_space<hbm>> -> memref<1x8x1x1024xf32, #tpu.memory_space<hbm>>
    %dma_wait3A_26 = tpu.memref_squeeze %dma_wait3A_25 : memref<1x8x1x1024xf32, #tpu.memory_space<hbm>> -> memref<8x1024xf32, #tpu.memory_space<hbm>>
    %dma_wait3A_27 = arith.constant 0 : i32
    %dma_wait3A_28 = arith.constant 0 : i32
    %dma_wait3A_29 = tpu.memref_slice %arg4[%dma_wait3A_22, %dma_wait3A_27, %add3A, %dma_wait3A_28] : memref<200x8x32x1024xf32, #tpu.memory_space<hbm>> -> memref<1x8x1x1024xf32, #tpu.memory_space<hbm>>
    %dma_wait3A_30 = tpu.memref_squeeze %dma_wait3A_29 : memref<1x8x1x1024xf32, #tpu.memory_space<hbm>> -> memref<8x1024xf32, #tpu.memory_space<hbm>>
    tpu.wait_dma2 semaphore(%arg13 : memref<!tpu.dma_semaphore, #tpu.memory_space<semaphore_mem>>) src(%arg9 : memref<8x1024xf32, #tpu.memory_space<vmem>>) dst(%dma_wait3A_30 : memref<8x1024xf32, #tpu.memory_space<hbm>>)
    return
  }
}

</mosaic_0001>

<sc_bundles>
// kernel: kernel.4.cloned.1.call-start
scs
__scs_entry_jumppad:
0x0: {  	(pc) =	sbr.rel $0x88, $3  }
0x1: {  	(tag) =	ssettag $0x0;
	lr =	simm.s32 $0x1  }
0x2: {  	[smem:$0x3F9F] =	sst lr;
	_ =	strace $0xD0000000  }
0x3: {  	_ = 	snop  }
0x4: {  	_ = 	snop  }
0x5: {  	_ = 	snop  }
0x6: {  	_ = 	snop  }
0x7: {  	_ = 	snop  }
__scs_overlays_trampoline_lowered:
0x8: {  	[smem:$0x3FAE] =	sst s0  }
0x9: {  	[smem:$0x3FAF] =	sst s1  }
0xa: {  	[smem:$0x3FB0] =	sst s2  }
0xb: {  	[smem:$0x3FB1] =	sst s3  }
0xc: {  	[smem:$0x3FB2] =	sst s4  }
0xd: {  	[smem:$0x3FB3] =	sst s5  }
0xe: {  	[smem:$0x3FB4] =	sst s6  }
0xf: {  	[smem:$0x3FB5] =	sst s7  }
0x10: {  	[smem:$0x3FB6] =	sst s8  }
0x11: {  	[smem:$0x3FB7] =	sst s9;
	s0 =	simm.s32 @!p0 $0x0  }
0x12: {  	s1 =	sld [smem:$0x3F9D];
	s0 =	simm.s32 @p0 $0x1  }
0x13: {  	[smem:$0x3FB8] =	sst s0;
	s0 =	simm.s32 @!p1 $0x0  }
0x14: {  	s2 =	sld [smem:$0x3F9C];
	s0 =	simm.s32 @p1 $0x1  }
0x15: {  	[smem:$0x3FB9] =	sst s0;
	s0 =	simm.s32 @!p2 $0x0  }
0x16: {  	s3 =	sld [smem:$0x3FDB];
	s0 =	simm.s32 @p2 $0x1  }
0x17: {  	s4 =	simm.s32 $0x1BF5;
	[smem:$0x3FBB] =	sst s0  }
0x18: {  	s0 =	sld [smem:$0x3F9E];
	_ =	swait.ge [sflag:s4], $0x0  }
0x19: {  	s7 =	sld [smem:$0x3F9F]  }
0x1a: {  	s8 =	sadd.s32 $0xFFFFE003, lr  }
0x1b: {  	s9 =	sadd.s32 $0xFFFFFEF7, lr;
	s5 =	simm.s32 $0xFFFFFFFF;
	p2 =	slt.u32 s8, $0xFFFFF086  }
0x1c: {  	p1 =	slt.u32 s9, $0xF7A;
	s5 =	simm.s32 @!p2 $0x0  }
0x1d: {  	s5 =	simm.s32 @p1 $0x1;
	p0 =	seq.s32 s7, s2  }
0x1e: {  	s7 =	smul.u32 @!p0 $0xF7A, s2;
	p2 =	seq.s32 @!p0 s5, $0x0  }
0x1f: {  	s9 =	smul.u32 $0xF7A, s1;
	s8 =	simm.s32 @!p0 $0x1BF5;
	p2 =	por !p2, p0  }
0x20: {  	[sflag:s8] =	ssyncset.s32 @!p0 $0xFFFFF086;
	s6 =	sadd.s32 @!p0 s3, s7;
	s7 =	simm.s32 @!p0 $0x108  }
0x21: {  	s3 =	sadd.s32 s3, s9;
	s6 =	sadd.s32 @!p0 $0x88, s6;
	s7 =	simm.s32 @p2 $0x1082  }
0x22: {  	[simem:s7], [sflag:s8] =	dma.local @!p0 [hbm:s6], $0xF7A  }
0x23: {  	s9 =	sor.u32 $0xD0000000, s2;
	s6 =	simm.s32 $0x108;
	_ =	swait.ge @!p0 [sflag:s8], $0x0  }
0x24: {  	s3 =	sadd.s32 $0x88, s3;
	s6 =	simm.s32 @!p1 $0x1082;
	[sflag:s4] =	ssyncset.s32 $0xFFFFF086  }
0x25: {  	[simem:s6], [sflag:s4] =	dma.local [hbm:s3], $0xF7A  }
0x26: {  	[smem:$0x3F9F] =	sst s1;
	(tag) =	ssettag s2;
	_ =	strace s9  }
0x27: {  	s1 =	sld [smem:$0x3FAF]  }
0x28: {  	s2 =	sld [smem:$0x3FB0]  }
0x29: {  	s4 =	sld [smem:$0x3FB2]  }
0x2a: {  	p0 =	seq.s32 s5, $0x0;
	s5 =	sld [smem:$0x3FB3]  }
0x2b: {  	s6 =	sld [smem:$0x3FB4]  }
0x2c: {  	s7 =	sld [smem:$0x3FB5]  }
0x2d: {  	s3 =	simm.s32 $0x108;
	s8 =	sld [smem:$0x3FB6]  }
0x2e: {  	s3 =	simm.s32 @!p0 $0x1082;
	s9 =	sld [smem:$0x3FB7]  }
0x2f: {  	lr =	sadd.s32 s0, s3;
	s0 =	sld [smem:$0x3FAE]  }
0x30: {  	s3 =	sld [smem:$0x3FB1]  }
0x31: {  	[smem:$0x3FBA] =	sst s10  }
0x32: {  	s10 =	sld [smem:$0x3FB8];
	_ =	sdelay $0x3  }
0x33: {  	p0 =	seq.s32 s10, $0x1;
	s10 =	sld [smem:$0x3FBA];
	_ =	sdelay $0x3  }
0x34: {  	[smem:$0x3FBA] =	sst s10  }
0x35: {  	s10 =	sld [smem:$0x3FB9];
	_ =	sdelay $0x3  }
0x36: {  	p1 =	seq.s32 s10, $0x1;
	s10 =	sld [smem:$0x3FBA];
	_ =	sdelay $0x3  }
0x37: {  	[smem:$0x3FBA] =	sst s10  }
0x38: {  	s10 =	sld [smem:$0x3FBB]  }
0x39: {  	_ = 	snop;
	(pc) =	sbr.ind lr, $3  }
0x3a: {  	_ = 	snop  }
0x3b: {  	_ = 	snop  }
0x3c: {  	p2 =	seq.s32 s10, $0x1;
	s10 =	sld [smem:$0x3FBA]  }
0x3d: {  	_ =	shalt  }
0x3e: {  	_ =	shalt  }
0x3f: {  	_ =	shalt  }
0x40: {  	_ =	shalt  }
0x41: {  	_ =	shalt  }
0x42: {  	_ =	shalt  }
0x43: {  	_ =	shalt  }
0x44: {  	_ =	shalt  }
0x45: {  	_ =	shalt  }
0x46: {  	_ =	shalt  }
0x47: {  	_ =	shalt  }
0x48: {  	_ =	shalt  }
0x49: {  	_ =	shalt  }
0x4a: {  	_ =	shalt  }
0x4b: {  	_ =	shalt  }
0x4c: {  	_ =	shalt  }
0x4d: {  	_ =	shalt  }
0x4e: {  	_ =	shalt  }
0x4f: {  	_ =	shalt  }
0x50: {  	_ =	shalt  }
0x51: {  	_ =	shalt  }
0x52: {  	_ =	shalt  }
0x53: {  	_ =	shalt  }
0x54: {  	_ =	shalt  }
0x55: {  	_ =	shalt  }
0x56: {  	_ =	shalt  }
0x57: {  	_ =	shalt  }
0x58: {  	_ =	shalt  }
0x59: {  	_ =	shalt  }
0x5a: {  	_ =	shalt  }
0x5b: {  	_ =	shalt  }
0x5c: {  	_ =	shalt  }
0x5d: {  	_ =	shalt  }
0x5e: {  	_ =	shalt  }
0x5f: {  	_ =	shalt  }
0x60: {  	_ =	shalt  }
0x61: {  	_ =	shalt  }
0x62: {  	_ =	shalt  }
0x63: {  	_ =	shalt  }
0x64: {  	_ =	shalt  }
0x65: {  	_ =	shalt  }
0x66: {  	_ =	shalt  }
0x67: {  	_ =	shalt  }
0x68: {  	_ =	shalt  }
0x69: {  	_ =	shalt  }
0x6a: {  	_ =	shalt  }
0x6b: {  	_ =	shalt  }
0x6c: {  	_ =	shalt  }
0x6d: {  	_ =	shalt  }
0x6e: {  	_ =	shalt  }
0x6f: {  	_ =	shalt  }
0x70: {  	_ =	shalt  }
0x71: {  	_ =	shalt  }
0x72: {  	_ =	shalt  }
0x73: {  	_ =	shalt  }
0x74: {  	_ =	shalt  }
0x75: {  	_ =	shalt  }
0x76: {  	_ =	shalt  }
0x77: {  	_ =	shalt  }
0x78: {  	_ =	shalt  }
0x79: {  	_ =	shalt  }
0x7a: {  	_ =	shalt  }
0x7b: {  	_ =	shalt  }
0x7c: {  	_ =	shalt  }
0x7d: {  	_ =	shalt  }
0x7e: {  	_ =	shalt  }
0x7f: {  	_ =	shalt  }
0x80: {  	_ =	shalt  }
0x81: {  	_ =	shalt  }
0x82: {  	_ =	shalt  }
0x83: {  	_ =	shalt  }
0x84: {  	_ =	shalt  }
0x85: {  	_ =	shalt  }
0x86: {  	_ =	shalt  }
0x87: {  	_ =	shalt  }
.Lfunc_end0:
.L_simem_size_0:
called_computation_lowered:
.L_overlay_start_0:
0x88: {  	s2 =	sld [smem:$0x3FD9]  }
0x89: {  	s3 =	sld [smem:$0x3FFE];
	_ =	sdelay $0x1  }
0x8a: {  	s1 =	srdreg.scid  }
0x8b: {  	s0 =	sand.u32 $0x1, s1  }
0x8c: {  	s17 =	sshll.u32 s0, $0xA;
	s2 =	sadd.s32 s3, s2  }
0x8d: {  	s2 =	sadd.s32 s2, s17  }
0x8e: {  	[smem:$0x3FC6] =	sst s2  }
0x8f: {  	_ = 	snop  }
0x90: {  	s2 =	sld [smem:$0x3FC8]  }
0x91: {  	s18 =	sld [smem:$0x3FD0];
	(tm) =	ssettm $0x1  }
0x92: {  	s4 =	sld [smem:$0x3FFB];
	_ =	sdelay $0x3  }
0x93: {  	_ =	strace s4  }
0x94: {  	s4 =	sld [smem:$0x3FFC];
	_ =	sdelay $0x3  }
0x95: {  	_ =	strace s4  }
0x96: {  	s4 =	sld [smem:$0x3FFD];
	_ =	sdelay $0x3  }
0x97: {  	_ =	strace s4  }
0x98: {  	_ =	strace $0x8FFFFFFF  }
0x99: {  	s19 =	sld [smem:$0x3FDB];
	_ =	sdelay $0x1  }
0x9a: {  	s5 =	simm.s32 $_scs_section_size  }
0x9b: {  	s6 =	simm.s32 $_size__tile_overlayer_lowered;
	s7 =	simm.s32 $_tile_overlayer_lowered  }
0x9c: {  	s22 =	simm.s32 $0x1BFF;
	s21 =	sshll.u32 s7, $0x1;
	s4 =	sadd.s32 s5, s19  }
0x9d: {  	s8 =	simm.s32 $0x0;
	s20 =	sshll.u32 s6, $0x1;
	s6 =	sadd.s32 s21, s4  }
0x9e: {  	[timem:s8], [sflag:s22] =	dma.local [hbm:s6], s20  }
0x9f: {  	_ =	swait.ge [sflag:s22], s20  }
0xa0: {  	s5 =	ssub.s32 $0x0, s20;
	[sflag:s22] =	ssyncset.done $0x0  }
0xa1: {  	[sflag:s22] =	ssyncadd.s32 s5;
	_ =	sdelay $0x1  }
0xa2: {  	s23 =	simm.s32 $0x1B8B  }
0xa3: {  	_ =	swait.ge [sflag:s23], $0x1  }
0xa4: {  	[sflag:s23] =	ssyncset.done $0x0  }
0xa5: {  	s25 =	simm.s32 $0x1B8E;
	s24 =	sld [smem:$0x3FFE];
	[sflag:s23] =	ssyncadd.s32 $0xFFFFFFFF  }
0xa6: {  	s26 =	simm.s32 $execute0_lowered;
	[smem:$0x3FD2] =	sst s25  }
0xa7: {  	s6 =	sshll.u32 s26, $0x1;
	_ =	strace $0x80000046;
	[dreg:$0x1] =	wrdreg $0xFFFFFFFF  }
0xa8: {  	s28 =	simm.s32 $_size_execute0_lowered;
	s4 =	sadd.s32 s4, s6;
	[dreg:$0x0] =	wrdreg $0x0  }
0xa9: {  	s6 =	sshll.u32 s28, $0x1;
	[dreg:$0x2] =	wrdreg s4  }
0xaa: {  	[dreg:$0x3] =	wrdreg s6  }
0xab: {  	[dreg:$0x4] =	wrdreg $0xC0  }
0xac: {  	_ =	task [dreg:s8], $0x5FFFF  }
0xad: {  	[dreg:$0x1] =	wrdreg $0xFFFFFFFF  }
0xae: {  	[dreg:$0x0] =	wrdreg $0x60  }
0xaf: {  	[dreg:$0x2] =	wrdreg s2  }
0xb0: {  	[dreg:$0x3] =	wrdreg s18  }
0xb1: {  	[dreg:$0x4] =	wrdreg s24  }
0xb2: {  	[dreg:$0x5] =	wrdreg $0x9  }
0xb3: {  	_ =	task.clear_ibuf [dreg:s8], $0x6FFFF;
	_ =	strace $0x90000046  }
0xb4: {  	s29 =	simm.s32 $0x9;
	_ =	strace $0x80000048  }
0xb5: {  	_ =	swait.ge [sflag:s29], $0x1  }
0xb6: {  	[sflag:s29] =	ssyncadd.s32 $0xFFFFFFFF  }
0xb7: {  	_ =	strace $0x90000048  }
0xb8: {  	_ =	sfence  }
0xb9: {  	s30 =	sld [smem:$0x0];
	_ =	sdelay $0x2  }
0xba: {  	s31 =	sshll.u32 s1, $0xD;
	s1 =	sshrl.u32 s1, $0x2  }
0xbb: {  	s3 =	sand.u32 $0x4000, s31;
	s1 =	sadd.s32 s1, s30  }
0xbc: {  	s0 =	sor.u32 s3, s0;
	s1 =	sshll.u32 s1, $0x11  }
0xbd: {  	s0 =	sor.u32 s1, s0  }
0xbe: {  	s0 =	sadd.s32 $0x8F2B, s0  }
0xbf: {  	[sflag:s0] =	ssyncadd.remote.s32 $0x1  }
0xc0: {  	_ =	sfence.sel $0xFFFF  }
0xc1: {  	[dreg:$0x0] =	wrdreg $0xFFFFFFFF;
	(pc) =	sbr.abs _section_cstart, $3  }
0xc2: {  	[dreg:$0x1] =	wrdreg $0xFFFFFFFF  }
0xc3: {  	_ =	task.clear_ibuf [dreg:s8], $0x2FFFF;
	_ =	strace $0x9FFFFFFF  }
0xc4: {  	(tm) =	ssettm $0x7FFFFFFF  }
0xc5: {  	_ =	shalt  }
tec
execute0_lowered:
.L_overlay_start_1:
0x0: {  	(tag) =	ssettag $0x1  }
0x1: {  	v4 =	vlaneseq.u32  }
0x2: {  	v1 =	vor.u32 $0x1000, v4  }
0x3: {  	[tilespmem:$0x1FC10] =	vst v1;
	v1 =	vor.u32 $0x1400, v4  }
0x4: {  	[tilespmem:$0x1FC20] =	vst v1;
	v1 =	vor.u32 $0x1800, v4  }
0x5: {  	v0 =	vmul.u32 $0x80, v4;
	[tilespmem:$0x1FC30] =	vst v1;
	v1 =	vor.u32 $0x1C00, v4  }
0x6: {  	[tilespmem:$0x1FC40] =	vst v1;
	v1 =	vor.u32 $0x10, v4  }
0x7: {  	[tilespmem:$0x1FC50] =	vst v1;
	v1 =	vor.u32 $0x800, v0  }
0x8: {  	[tilespmem:$0x1FC60] =	vst v1;
	v1 =	vor.u32 $0x810, v0  }
0x9: {  	[tilespmem:$0x1FC70] =	vst v1;
	v1 =	vor.u32 $0x820, v0  }
0xa: {  	[tilespmem:$0x1FC80] =	vst v1;
	v1 =	vor.u32 $0x830, v0  }
0xb: {  	[tilespmem:$0x1FC90] =	vst v1;
	v1 =	vor.u32 $0x840, v0  }
0xc: {  	[tilespmem:$0x1FCA0] =	vst v1;
	v1 =	vor.u32 $0x850, v0  }
0xd: {  	[tilespmem:$0x1FCB0] =	vst v1;
	v1 =	vor.u32 $0x860, v0  }
0xe: {  	[tilespmem:$0x1FCC0] =	vst v1;
	v1 =	vor.u32 $0x870, v0  }
0xf: {  	[tilespmem:$0x1FCD0] =	vst v1;
	v1 =	vor.u32 $0x410, v4  }
0x10: {  	[tilespmem:$0x1FCE0] =	vst v1;
	v1 =	vor.u32 $0x810, v4  }
0x11: {  	[tilespmem:$0x1FCF0] =	vst v1;
	v1 =	vor.u32 $0xC10, v4  }
0x12: {  	[tilespmem:$0x1FD00] =	vst v1;
	v1 =	vor.u32 $0x1010, v4  }
0x13: {  	[tilespmem:$0x1FD10] =	vst v1;
	v1 =	vor.u32 $0x1410, v4  }
0x14: {  	[tilespmem:$0x1FD20] =	vst v1;
	v1 =	vor.u32 $0x1810, v4  }
0x15: {  	s7 =	rddreg [dreg:$0x0];
	[tilespmem:$0x1FD30] =	vst v1;
	v1 =	vor.u32 $0x1C10, v4  }
0x16: {  	s0 =	rddreg [dreg:$0x1];
	[tilespmem:$0x1FD40] =	vst v1;
	v1 =	vor.u32 $0x20, v4  }
0x17: {  	s9 =	rddreg [dreg:$0x2];
	s3 =	simm.s32 $0x0;
	[tilespmem:$0x1FD50] =	vst v1;
	v1 =	vor.u32 $0x1000, v0  }
0x18: {  	[smem:$0x7FF] =	sst s3;
	[tilespmem:$0x1FD60] =	vst v1;
	v1 =	vor.u32 $0x1010, v0  }
0x19: {  	s1 =	rddreg [dreg:$0x3];
	_ =	strace $0x80000047;
	[tilespmem:$0x1FD70] =	vst v1  }
0x1a: {  	v9 =	vor.u32 $0x1430, v4;
	[tilespmem:$0x1FF30] =	vst v0  }
0x1b: {  	v11 =	vor.u32 $0x1C30, v4;
	[tilespmem:$0x1FF40] =	vst v9  }
0x1c: {  	v2 =	vor.u32 $0x10, v0;
	[tilespmem:$0x1FF50] =	vst v11  }
0x1d: {  	v5 =	vor.u32 $0x20, v0;
	[tilespmem:$0x1FF60] =	vst v2  }
0x1e: {  	v6 =	vor.u32 $0x30, v0;
	[tilespmem:$0x1FF70] =	vst v5  }
0x1f: {  	v3 =	vor.u32 $0x40, v0;
	[tilespmem:$0x1FF80] =	vst v6  }
0x20: {  	v8 =	vor.u32 $0x50, v0;
	[tilespmem:$0x1FF90] =	vst v3  }
0x21: {  	v10 =	vor.u32 $0x60, v0;
	[tilespmem:$0x1FFA0] =	vst v8  }
0x22: {  	v12 =	vor.u32 $0x70, v0;
	[tilespmem:$0x1FFB0] =	vst v10  }
0x23: {  	v13 =	vor.u32 $0x400, v4;
	[tilespmem:$0x1FFC0] =	vst v12  }
0x24: {  	v14 =	vor.u32 $0x800, v4;
	[tilespmem:$0x1FFD0] =	vst v13  }
0x25: {  	v15 =	vor.u32 $0xC00, v4;
	[tilespmem:$0x1FFE0] =	vst v14  }
0x26: {  	v1 =	vor.u32 $0x1020, v0;
	[tilespmem:$0x1FFF0] =	vst v15  }
0x27: {  	[tilespmem:$0x1FD80] =	vst v1;
	v1 =	vor.u32 $0x1030, v0  }
0x28: {  	[tilespmem:$0x1FD90] =	vst v1;
	v1 =	vor.u32 $0x1040, v0  }
0x29: {  	[tilespmem:$0x1FDA0] =	vst v1;
	v1 =	vor.u32 $0x1050, v0  }
0x2a: {  	[tilespmem:$0x1FDB0] =	vst v1;
	v1 =	vor.u32 $0x1060, v0  }
0x2b: {  	[tilespmem:$0x1FDC0] =	vst v1;
	v1 =	vor.u32 $0x1070, v0  }
0x2c: {  	[tilespmem:$0x1FDD0] =	vst v1;
	v1 =	vor.u32 $0x420, v4  }
0x2d: {  	[tilespmem:$0x1FDE0] =	vst v1;
	v1 =	vor.u32 $0x820, v4  }
0x2e: {  	[tilespmem:$0x1FDF0] =	vst v1;
	v1 =	vor.u32 $0xC20, v4  }
0x2f: {  	[tilespmem:$0x1FE00] =	vst v1;
	v1 =	vor.u32 $0x1020, v4  }
0x30: {  	[tilespmem:$0x1FE10] =	vst v1;
	v1 =	vor.u32 $0x1420, v4  }
0x31: {  	[tilespmem:$0x1FE20] =	vst v1;
	v1 =	vor.u32 $0x1820, v4  }
0x32: {  	[tilespmem:$0x1FE30] =	vst v1;
	v1 =	vor.u32 $0x1C20, v4  }
0x33: {  	[tilespmem:$0x1FE40] =	vst v1;
	v1 =	vor.u32 $0x30, v4  }
0x34: {  	[tilespmem:$0x1FE50] =	vst v1;
	v1 =	vor.u32 $0x1800, v0  }
0x35: {  	[tilespmem:$0x1FE60] =	vst v1;
	v1 =	vor.u32 $0x1810, v0  }
0x36: {  	s4 =	srdreg.scid;
	s2 =	stileid.u32;
	[tilespmem:$0x1FE70] =	vst v1;
	v1 =	vor.u32 $0x1820, v0  }
0x37: {  	s13 =	simm.s32 $0x1;
	s14 =	simm.s32 $0x2000;
	s15 =	simm.s32 $0x4000;
	[tilespmem:$0x1FE80] =	vst v1;
	v1 =	vor.u32 $0x1830, v0  }
0x38: {  	s16 =	simm.s32 $0x2;
	s17 =	simm.s32 $0x6000;
	s18 =	simm.s32 $0x3;
	[tilespmem:$0x1FE90] =	vst v1;
	v1 =	vor.u32 $0x1840, v0  }
0x39: {  	s19 =	simm.s32 $0x4;
	s20 =	simm.s32 $0x5;
	s4 =	sand.u32 $0x1, s4;
	[tilespmem:$0x1FEA0] =	vst v1;
	v1 =	vor.u32 $0x1850, v0  }
0x3a: {  	s6 =	sshll.u32 s2, $0x1;
	s10 =	sadd.s32 $0xA00, s9;
	s9 =	sadd.s32 $0x7A1A00, s9;
	[tilespmem:$0x1FEB0] =	vst v1;
	v1 =	vor.u32 $0x1860, v0  }
0x3b: {  	p0 =	sgt.u32 s2, $0x1;
	s5 =	ssub.s32 $0x2, s4;
	s21 =	sor.u32 s4, s6;
	[tilespmem:$0x1FEC0] =	vst v1;
	v1 =	vor.u32 $0x1870, v0  }
0x3c: {  	s8 =	sshrl.u32 s5, $0x1;
	s4 =	sshll.u32 s21, $0x7;
	s30 =	sshll.u32 s21, $0xA;
	[tilespmem:$0x1FED0] =	vst v1;
	v1 =	vor.u32 $0x430, v4  }
.Ltmp0:
0x3d: {  	s6 =	sor.u32 $0x1E80, s21;
	p1 =	sne.s32 s21, $0x4;
	[tilespmem:$0x1FEE0] =	vst v1;
	v1 =	vor.u32 $0x830, v4;
	(pc) =	sbr.rel .LBB2_1-.Ltmp0, $4  }
0x3e: {  	s21 =	simm.s32 $0x0;
	s11 =	ssub.s32 s5, s8;
	s4 =	sadd.s32 s7, s4;
	[tilespmem:$0x1FEF0] =	vst v1;
	v1 =	vor.u32 $0xC30, v4  }
0x3f: {  	s5 =	sadd.s32 s10, s30;
	s31 =	sshll.u32 s6, $0x7;
	s12 =	sshll.u32 s6, $0xA;
	[tilespmem:$0x1FF00] =	vst v1;
	v1 =	vor.u32 $0x1030, v4  }
0x40: {  	s6 =	sadd.s32 $0x2000, s4;
	s7 =	sadd.s32 s7, s31;
	s8 =	sadd.s32 s10, s12;
	[tilespmem:$0x1FF10] =	vst v1;
	v1 =	vor.u32 $0x1830, v4  }
0x41: {  	s10 =	smax.u32 s11, $0x1;
	s11 =	simm.s32 $0x400;
	s12 =	simm.s32 $0x7A1400;
	[tilespmem:$0x1FF20] =	vst v1  }
.LBB2_11:
0x42: {  	s22 =	simm.s32 @!p1 $0x0;
	s23 =	simm.s32 @!p1 $0x4000;
	s24 =	simm.s32 @!p1 $0x5  }
0x43: {  	[tilespmem:s23], [sflag:$0x5] =	stream.linear.gather @!p1 [hbm4b:s0+s22], $0x1000, $0x38;
	[tilespmem:$0x8000] =	vst v63  }
0x44: {  	s21 =	sadd.s32 $0x1, s21;
	_ =	swait.ge @!p1 [sflag:s24], $0x1000  }
0x45: {  	p2 =	sne.s32 s21, s10;
	[sflag:s24] =	ssyncset.done @!p1 $0x0  }
.Ltmp1:
0x46: {  	[sflag:s24] =	ssyncadd.s32 @!p1 $0xFFFFF000;
	(pc) =	sbr.rel @!p2 .LBB2_12-.Ltmp1, $4  }
0x47: {  	[hbm4b:s9+s22] =	stream.linear.scatter @!p1 [tilespmem:s23], [sflag:$0x5], $0x1000, $0x38;
	[tilespmem:$0x8000] =	vst v63  }
0x48: {  	_ =	swait.ge @!p1 [sflag:s24], $0x1000  }
0x49: {  	[sflag:s24] =	ssyncset.done @!p1 $0x0  }
0x4a: {  	[sflag:s24] =	ssyncadd.s32 @!p1 $0xFFFFF000  }
.LBB2_1:
0x4b: {  	[tilespmem:s3], [sflag:$0x1] =	stream.strided.gather [hbm4b:s4+s11], $0x2000, s12, s11, $0x38;
	[tilespmem:$0x8000] =	vst v63  }
0x4c: {  	s22 =	simm.s32 $0x0  }
.LBB2_2:
0x4d: {  	s23 =	sshllo.u32 s22, $0x1;
	_ =	swait.ge [sflag:s13], $0x2000  }
0x4e: {  	[sflag:s13] =	ssyncset.done $0x0;
	s24 =	sshll.u32 s23, $0xC  }
0x4f: {  	p2 =	seq.s32 s22, $0x0;
	[sflag:s13] =	ssyncadd.s32 $0xFFFFE000;
	s24 =	sadd.s32 s24, s4  }
0x50: {  	[tilespmem:s14], [sflag:$0x2] =	stream.strided.gather [hbm4b:s24+s11], $0x2000, s12, s11, $0x38;
	[tilespmem:$0x8000] =	vst v63  }
0x51: {  	s24 =	simm.s32 @!p2 $0x3  }
0x52: {  	_ =	swait.ge @!p2 [sflag:s24], $0x2000  }
0x53: {  	[sflag:s24] =	ssyncset.done @!p2 $0x0  }
0x54: {  	[sflag:s24] =	ssyncadd.s32 @!p2 $0xFFFFE000;
	s24 =	simm.s32 $0x0  }
.LBB2_3:
0x55: {  	v8 =	vld [tilespmem:$0x1FFA0]  }
0x56: {  	v10 =	vld [tilespmem:$0x1FFB0]  }
0x57: {  	v12 =	vld [tilespmem:$0x1FFC0]  }
0x58: {  	v13 =	vld [tilespmem:$0x1FFD0]  }
0x59: {  	v14 =	vld [tilespmem:$0x1FFE0]  }
0x5a: {  	v9 =	vlaneseq.u32;
	v15 =	vld [tilespmem:$0x1FFF0]  }
0x5b: {  	v44 =	vld [tilespmem:$0x1FC10];
	v1 =	vadd.s32 s24, v9  }
0x5c: {  	v45 =	vld [tilespmem:$0x1FC20];
	v2 =	vand.u32 $0xF, v1  }
0x5d: {  	v3 =	vor.u32 v0, v2;
	v0 =	vld [tilespmem:$0x1FF60]  }
0x5e: {  	v46 =	vld [tilespmem:$0x1FC30]  }
0x5f: {  	v47 =	vld [tilespmem:$0x1FC40]  }
0x60: {  	v49 =	vld [tilespmem:$0x1FC60]  }
0x61: {  	v50 =	vld [tilespmem:$0x1FC70]  }
0x62: {  	v4 =	vor.u32 v0, v1;
	v0 =	vld [tilespmem:$0x1FF70]  }
0x63: {  	v51 =	vld [tilespmem:$0x1FC80]  }
0x64: {  	v52 =	vld [tilespmem:$0x1FC90]  }
0x65: {  	v53 =	vld [tilespmem:$0x1FCA0]  }
0x66: {  	v54 =	vld [tilespmem:$0x1FCB0]  }
0x67: {  	v5 =	vor.u32 v0, v2;
	v0 =	vld [tilespmem:$0x1FF80]  }
0x68: {  	v48 =	vld [tilespmem:$0x1FC50]  }
0x69: {  	v55 =	vld [tilespmem:$0x1FCC0]  }
0x6a: {  	v56 =	vld [tilespmem:$0x1FCD0]  }
0x6b: {  	v57 =	vld [tilespmem:$0x1FCE0]  }
0x6c: {  	v6 =	vor.u32 v0, v1;
	v0 =	vld [tilespmem:$0x1FF90]  }
0x6d: {  	v58 =	vld [tilespmem:$0x1FCF0]  }
0x6e: {  	v59 =	vld [tilespmem:$0x1FD00];
	v8 =	vor.u32 v8, v1  }
0x6f: {  	v60 =	vld [tilespmem:$0x1FD10];
	v10 =	vor.u32 v10, v2  }
0x70: {  	v61 =	vld [tilespmem:$0x1FD20]  }
0x71: {  	v62 =	vld [tilespmem:$0x1FD30];
	v7 =	vor.u32 v0, v2;
	v0 =	vshll.u32 v2, $0x6  }
0x72: {  	v11 =	vshll.u32 v1, $0x6;
	v3 =	vld.idx.msk [tilespmem:v3+s3+$0x0], $0xffff;
	v9 =	vor.u32 v9, v0  }
0x73: {  	v11 =	vand.u32 $0x380, v11;
	v8 =	vld.idx.msk [tilespmem:v8+s3+$0x0], $0xffff;
	v9 =	vand.u32 $0x4F, v9  }
0x74: {  	v12 =	vor.u32 v12, v1;
	v10 =	vld.idx.msk [tilespmem:v10+s3+$0x0], $0xffff;
	v9 =	vor.u32 v11, v9  }
0x75: {  	v4 =	vld.idx.msk [tilespmem:v4+s3+$0x0], $0xffff;
	v13 =	vor.u32 v13, v0  }
0x76: {  	v5 =	vld.idx.msk [tilespmem:v5+s3+$0x0], $0xffff;
	v14 =	vor.u32 v14, v0  }
0x77: {  	v6 =	vld.idx.msk [tilespmem:v6+s3+$0x0], $0xffff;
	v15 =	vor.u32 v15, v0  }
0x78: {  	v16 =	vor.u32 v44, v0;
	v7 =	vld.idx.msk [tilespmem:v7+s3+$0x0], $0xffff  }
0x79: {  	v12 =	vld.idx.msk [tilespmem:v12+s3+$0x0], $0xffff;
	[tilespmem:v9+s15+$0x0] =	vst.idx.msk $0xffff, v3;
	v3 =	vor.u32 v45, v0  }
0x7a: {  	v63 =	vld [tilespmem:$0x1FD40];
	v26 =	vor.u32 v46, v0;
	[tilespmem:v13+s15+$0x0] =	vst.idx.msk $0xffff, v4  }
0x7b: {  	v43 =	vld [tilespmem:$0x1FD60];
	v27 =	vor.u32 v47, v0;
	[tilespmem:v14+s15+$0x0] =	vst.idx.msk $0xffff, v5  }
0x7c: {  	v19 =	vld [tilespmem:$0x1FD50];
	v28 =	vor.u32 v49, v2;
	[tilespmem:v15+s15+$0x0] =	vst.idx.msk $0xffff, v6  }
0x7d: {  	v40 =	vld [tilespmem:$0x1FE10];
	v29 =	vor.u32 v50, v1;
	[tilespmem:v16+s15+$0x0] =	vst.idx.msk $0xffff, v7  }
0x7e: {  	v42 =	vld [tilespmem:$0x1FE20];
	v30 =	vor.u32 v52, v1;
	[tilespmem:v3+s15+$0x0] =	vst.idx.msk $0xffff, v8  }
0x7f: {  	v41 =	vld [tilespmem:$0x1FE40];
	v31 =	vor.u32 v53, v2;
	v33 =	vor.u32 v48, v0;
	[tilespmem:v26+s15+$0x0] =	vst.idx.msk $0xffff, v10  }
0x80: {  	v32 =	vor.u32 v54, v1;
	v9 =	vand.u32 $0x5F, v33;
	v33 =	vld [tilespmem:$0x1FDA0];
	[tilespmem:v27+s15+$0x0] =	vst.idx.msk $0xffff, v12  }
0x81: {  	v34 =	vor.u32 v55, v2;
	v6 =	vld.idx.msk [tilespmem:v28+s3+$0x0], $0xffff  }
0x82: {  	v35 =	vor.u32 v56, v1;
	v7 =	vld.idx.msk [tilespmem:v29+s3+$0x0], $0xffff  }
0x83: {  	v4 =	vld.idx.msk [tilespmem:v30+s3+$0x0], $0xffff  }
0x84: {  	v3 =	vor.u32 v51, v2;
	v5 =	vld.idx.msk [tilespmem:v31+s3+$0x0], $0xffff  }
0x85: {  	v8 =	vld.idx.msk [tilespmem:v32+s3+$0x0], $0xffff  }
0x86: {  	v10 =	vld.idx.msk [tilespmem:v34+s3+$0x0], $0xffff  }
0x87: {  	v9 =	vor.u32 v11, v9;
	v12 =	vld.idx.msk [tilespmem:v35+s3+$0x0], $0xffff  }
0x88: {  	v36 =	vor.u32 v57, v0;
	v30 =	vld [tilespmem:$0x1FD70]  }
0x89: {  	v37 =	vor.u32 v58, v0;
	v3 =	vld.idx.msk [tilespmem:v3+s3+$0x0], $0xffff  }
0x8a: {  	v38 =	vor.u32 v59, v0;
	v31 =	vld [tilespmem:$0x1FD80]  }
0x8b: {  	v39 =	vor.u32 v60, v0;
	v32 =	vld [tilespmem:$0x1FD90]  }
0x8c: {  	v34 =	vld [tilespmem:$0x1FDB0];
	[tilespmem:v9+s15+$0x0] =	vst.idx.msk $0xffff, v6;
	v9 =	vor.u32 v61, v0  }
0x8d: {  	v13 =	vor.u32 v62, v0;
	v35 =	vld [tilespmem:$0x1FDC0];
	[tilespmem:v36+s15+$0x0] =	vst.idx.msk $0xffff, v7  }
0x8e: {  	v29 =	vld [tilespmem:$0x1FE30];
	[tilespmem:v37+s15+$0x0] =	vst.idx.msk $0xffff, v3;
	v3 =	vor.u32 v63, v0  }
0x8f: {  	v14 =	vor.u32 v43, v2;
	v36 =	vld [tilespmem:$0x1FDD0];
	[tilespmem:v38+s15+$0x0] =	vst.idx.msk $0xffff, v4  }
0x90: {  	v15 =	vor.u32 v30, v1;
	v37 =	vld [tilespmem:$0x1FDE0];
	[tilespmem:v39+s15+$0x0] =	vst.idx.msk $0xffff, v5  }
0x91: {  	v16 =	vor.u32 v31, v2;
	v38 =	vld [tilespmem:$0x1FDF0];
	[tilespmem:v9+s15+$0x0] =	vst.idx.msk $0xffff, v8  }
0x92: {  	v17 =	vor.u32 v32, v1;
	v39 =	vld [tilespmem:$0x1FE00];
	[tilespmem:v13+s15+$0x0] =	vst.idx.msk $0xffff, v10  }
0x93: {  	v18 =	vor.u32 v34, v1;
	v9 =	vor.u32 v19, v0;
	v19 =	vld [tilespmem:$0x1FE70];
	[tilespmem:v3+s15+$0x0] =	vst.idx.msk $0xffff, v12  }
0x94: {  	v20 =	vor.u32 v35, v2;
	v4 =	vld.idx.msk [tilespmem:v14+s3+$0x0], $0xffff  }
0x95: {  	v5 =	vld.idx.msk [tilespmem:v15+s3+$0x0], $0xffff  }
0x96: {  	v6 =	vld.idx.msk [tilespmem:v16+s3+$0x0], $0xffff  }
0x97: {  	v9 =	vand.u32 $0x6F, v9;
	v3 =	vor.u32 v33, v2;
	v7 =	vld.idx.msk [tilespmem:v17+s3+$0x0], $0xffff  }
0x98: {  	v21 =	vor.u32 v36, v1;
	v9 =	vor.u32 v11, v9;
	v8 =	vld.idx.msk [tilespmem:v18+s3+$0x0], $0xffff  }
0x99: {  	v22 =	vor.u32 v37, v0;
	v10 =	vld.idx.msk [tilespmem:v20+s3+$0x0], $0xffff  }
0x9a: {  	v23 =	vor.u32 v38, v0;
	v18 =	vld [tilespmem:$0x1FE60]  }
0x9b: {  	v20 =	vld [tilespmem:$0x1FE80];
	v24 =	vor.u32 v39, v0  }
0x9c: {  	v25 =	vor.u32 v40, v0;
	v3 =	vld.idx.msk [tilespmem:v3+s3+$0x0], $0xffff  }
0x9d: {  	v26 =	vor.u32 v42, v0;
	v12 =	vld.idx.msk [tilespmem:v21+s3+$0x0], $0xffff;
	[tilespmem:v9+s15+$0x0] =	vst.idx.msk $0xffff, v4  }
0x9e: {  	v27 =	vor.u32 v29, v0;
	v21 =	vld [tilespmem:$0x1FE90];
	[tilespmem:v22+s15+$0x0] =	vst.idx.msk $0xffff, v5  }
0x9f: {  	v28 =	vor.u32 v41, v0;
	v22 =	vld [tilespmem:$0x1FEA0];
	[tilespmem:v23+s15+$0x0] =	vst.idx.msk $0xffff, v6  }
0xa0: {  	v23 =	vld [tilespmem:$0x1FEB0];
	[tilespmem:v24+s15+$0x0] =	vst.idx.msk $0xffff, v7  }
0xa1: {  	v9 =	vor.u32 v18, v2;
	v24 =	vld [tilespmem:$0x1FEC0];
	[tilespmem:v25+s15+$0x0] =	vst.idx.msk $0xffff, v3  }
0xa2: {  	v13 =	vor.u32 v20, v2;
	v25 =	vld [tilespmem:$0x1FED0];
	[tilespmem:v26+s15+$0x0] =	vst.idx.msk $0xffff, v8  }
0xa3: {  	v15 =	vor.u32 v21, v1;
	v26 =	vld [tilespmem:$0x1FEE0];
	[tilespmem:v27+s15+$0x0] =	vst.idx.msk $0xffff, v10  }
0xa4: {  	v3 =	vor.u32 v19, v1;
	[tilespmem:v28+s15+$0x0] =	vst.idx.msk $0xffff, v12;
	v28 =	vld [tilespmem:$0x1FE50]  }
0xa5: {  	v16 =	vor.u32 v22, v2;
	v27 =	vld [tilespmem:$0x1FEF0]  }
0xa6: {  	v7 =	vld.idx.msk [tilespmem:v9+s3+$0x0], $0xffff  }
0xa7: {  	v17 =	vor.u32 v23, v1;
	v4 =	vld.idx.msk [tilespmem:v13+s3+$0x0], $0xffff  }
0xa8: {  	v5 =	vld.idx.msk [tilespmem:v15+s3+$0x0], $0xffff  }
0xa9: {  	v2 =	vor.u32 v24, v2;
	v3 =	vld.idx.msk [tilespmem:v3+s3+$0x0], $0xffff;
	v9 =	vor.u32 v28, v0  }
0xaa: {  	v1 =	vor.u32 v25, v1;
	v6 =	vld.idx.msk [tilespmem:v16+s3+$0x0], $0xffff;
	v9 =	vand.u32 $0x7F, v9  }
0xab: {  	v16 =	vld [tilespmem:$0x1FF00];
	v9 =	vor.u32 v11, v9  }
0xac: {  	v8 =	vld.idx.msk [tilespmem:v17+s3+$0x0], $0xffff  }
0xad: {  	v28 =	vld [tilespmem:$0x1FF10]  }
0xae: {  	v10 =	vor.u32 v26, v0;
	v2 =	vld.idx.msk [tilespmem:v2+s3+$0x0], $0xffff  }
0xaf: {  	v11 =	vor.u32 v27, v0;
	v1 =	vld.idx.msk [tilespmem:v1+s3+$0x0], $0xffff  }
0xb0: {  	v12 =	vor.u32 v16, v0;
	[tilespmem:v9+s15+$0x0] =	vst.idx.msk $0xffff, v7;
	v9 =	vld [tilespmem:$0x1FF40]  }
0xb1: {  	v17 =	vld [tilespmem:$0x1FF20]  }
0xb2: {  	v15 =	vld [tilespmem:$0x1FF50]  }
0xb3: {  	v13 =	vor.u32 v28, v0;
	[tilespmem:v10+s15+$0x0] =	vst.idx.msk $0xffff, v3;
	v10 =	vld [tilespmem:$0x1FF30]  }
0xb4: {  	[tilespmem:v11+s15+$0x0] =	vst.idx.msk $0xffff, v4;
	v11 =	vld [tilespmem:$0x1FF60]  }
0xb5: {  	[tilespmem:v12+s15+$0x0] =	vst.idx.msk $0xffff, v5;
	v12 =	vld [tilespmem:$0x1FF70];
	v7 =	vor.u32 v9, v0  }
0xb6: {  	s25 =	sadd.s32 $0x1, s24;
	v14 =	vlaneseq.u32;
	v3 =	vor.u32 v17, v0  }
0xb7: {  	v9 =	vadd.s32 s25, v14  }
0xb8: {  	[tilespmem:v13+s15+$0x0] =	vst.idx.msk $0xffff, v6;
	v13 =	vld [tilespmem:$0x1FFB0];
	v0 =	vor.u32 v15, v0;
	v4 =	vand.u32 $0xF, v9  }
0xb9: {  	v15 =	vld [tilespmem:$0x1FFC0];
	v5 =	vor.u32 v10, v4  }
0xba: {  	v6 =	vor.u32 v11, v9;
	[tilespmem:v7+s15+$0x0] =	vst.idx.msk $0xffff, v8;
	v7 =	vor.u32 v12, v4;
	v12 =	vld [tilespmem:$0x1FFD0]  }
0xbb: {  	[tilespmem:v3+s15+$0x0] =	vst.idx.msk $0xffff, v2;
	v2 =	vld [tilespmem:$0x1FF80]  }
0xbc: {  	v3 =	vld [tilespmem:$0x1FFA0]  }
0xbd: {  	[tilespmem:v0+s15+$0x0] =	vst.idx.msk $0xffff, v1;
	v0 =	vld [tilespmem:$0x1FF90]  }
0xbe: {  	v1 =	vld.idx.msk [tilespmem:v5+s3+$0x0], $0xffff  }
0xbf: {  	v10 =	vor.u32 v15, v9;
	v5 =	vld.idx.msk [tilespmem:v6+s3+$0x0], $0xffff  }
0xc0: {  	v8 =	vshll.u32 v4, $0x6;
	v6 =	vor.u32 v13, v4;
	v13 =	vld [tilespmem:$0x1FFE0]  }
0xc1: {  	v11 =	vor.u32 v14, v8;
	v14 =	vld [tilespmem:$0x1FFF0];
	v2 =	vor.u32 v2, v9  }
0xc2: {  	v0 =	vor.u32 v0, v4  }
0xc3: {  	v7 =	vld.idx.msk [tilespmem:v7+s3+$0x0], $0xffff;
	v3 =	vor.u32 v3, v9  }
0xc4: {  	v12 =	vor.u32 v12, v8;
	v10 =	vld.idx.msk [tilespmem:v10+s3+$0x0], $0xffff  }
0xc5: {  	v13 =	vor.u32 v13, v8;
	v6 =	vld.idx.msk [tilespmem:v6+s3+$0x0], $0xffff  }
0xc6: {  	v14 =	vor.u32 v14, v8;
	v2 =	vld.idx.msk [tilespmem:v2+s3+$0x0], $0xffff  }
0xc7: {  	v44 =	vor.u32 v44, v8;
	v0 =	vld.idx.msk [tilespmem:v0+s3+$0x0], $0xffff  }
0xc8: {  	v3 =	vld.idx.msk [tilespmem:v3+s3+$0x0], $0xffff;
	[tilespmem:v11+s15+$0x0] =	vst.idx.msk $0xffff, v1;
	v1 =	vor.u32 v45, v8  }
0xc9: {  	v46 =	vor.u32 v46, v8;
	[tilespmem:v12+s15+$0x0] =	vst.idx.msk $0xffff, v5  }
0xca: {  	v47 =	vor.u32 v47, v8;
	[tilespmem:v13+s15+$0x0] =	vst.idx.msk $0xffff, v7  }
0xcb: {  	[tilespmem:v14+s15+$0x0] =	vst.idx.msk $0xffff, v2;
	v2 =	vor.u32 v49, v4  }
0xcc: {  	[tilespmem:v44+s15+$0x0] =	vst.idx.msk $0xffff, v0;
	v0 =	vor.u32 v50, v9  }
0xcd: {  	[tilespmem:v1+s15+$0x0] =	vst.idx.msk $0xffff, v3;
	v1 =	vor.u32 v51, v4  }
0xce: {  	v3 =	vor.u32 v52, v9;
	[tilespmem:v46+s15+$0x0] =	vst.idx.msk $0xffff, v6  }
0xcf: {  	v52 =	vor.u32 v53, v4;
	[tilespmem:v47+s15+$0x0] =	vst.idx.msk $0xffff, v10  }
0xd0: {  	v53 =	vor.u32 v54, v9;
	v2 =	vld.idx.msk [tilespmem:v2+s3+$0x0], $0xffff  }
0xd1: {  	v54 =	vor.u32 v55, v4;
	v0 =	vld.idx.msk [tilespmem:v0+s3+$0x0], $0xffff  }
0xd2: {  	v55 =	vor.u32 v56, v9;
	v56 =	vor.u32 v48, v8;
	v1 =	vld.idx.msk [tilespmem:v1+s3+$0x0], $0xffff  }
0xd3: {  	v57 =	vor.u32 v57, v8;
	v3 =	vld.idx.msk [tilespmem:v3+s3+$0x0], $0xffff  }
0xd4: {  	v58 =	vor.u32 v58, v8;
	v5 =	vld.idx.msk [tilespmem:v52+s3+$0x0], $0xffff  }
0xd5: {  	v59 =	vor.u32 v59, v8;
	v6 =	vld.idx.msk [tilespmem:v53+s3+$0x0], $0xffff  }
0xd6: {  	v60 =	vor.u32 v60, v8;
	v7 =	vld.idx.msk [tilespmem:v54+s3+$0x0], $0xffff  }
0xd7: {  	v10 =	vld.idx.msk [tilespmem:v55+s3+$0x0], $0xffff;
	[tilespmem:v56+s15+$0x0] =	vst.idx.msk $0xffff, v2;
	v2 =	vor.u32 v61, v8  }
0xd8: {  	[tilespmem:v57+s15+$0x0] =	vst.idx.msk $0xffff, v0;
	v0 =	vor.u32 v62, v8  }
0xd9: {  	[tilespmem:v58+s15+$0x0] =	vst.idx.msk $0xffff, v1;
	v1 =	vor.u32 v63, v8  }
0xda: {  	[tilespmem:v59+s15+$0x0] =	vst.idx.msk $0xffff, v3;
	v3 =	vor.u32 v43, v4  }
0xdb: {  	v44 =	vor.u32 v30, v9;
	[tilespmem:v60+s15+$0x0] =	vst.idx.msk $0xffff, v5  }
0xdc: {  	v45 =	vor.u32 v34, v9;
	v48 =	vld [tilespmem:$0x1FD50];
	[tilespmem:v2+s15+$0x0] =	vst.idx.msk $0xffff, v6  }
0xdd: {  	v46 =	vor.u32 v35, v4;
	[tilespmem:v0+s15+$0x0] =	vst.idx.msk $0xffff, v7  }
0xde: {  	v2 =	vor.u32 v31, v4;
	[tilespmem:v1+s15+$0x0] =	vst.idx.msk $0xffff, v10  }
0xdf: {  	v0 =	vor.u32 v32, v9;
	v3 =	vld.idx.msk [tilespmem:v3+s3+$0x0], $0xffff  }
0xe0: {  	v1 =	vor.u32 v33, v4;
	v5 =	vld.idx.msk [tilespmem:v44+s3+$0x0], $0xffff  }
0xe1: {  	v47 =	vor.u32 v36, v9;
	v11 =	vor.u32 v48, v8;
	v6 =	vld.idx.msk [tilespmem:v45+s3+$0x0], $0xffff  }
0xe2: {  	v49 =	vor.u32 v37, v8;
	v7 =	vld.idx.msk [tilespmem:v46+s3+$0x0], $0xffff  }
0xe3: {  	v50 =	vor.u32 v38, v8;
	v2 =	vld.idx.msk [tilespmem:v2+s3+$0x0], $0xffff  }
0xe4: {  	v51 =	vor.u32 v39, v8;
	v0 =	vld.idx.msk [tilespmem:v0+s3+$0x0], $0xffff  }
0xe5: {  	v52 =	vor.u32 v40, v8;
	v1 =	vld.idx.msk [tilespmem:v1+s3+$0x0], $0xffff  }
0xe6: {  	v10 =	vld.idx.msk [tilespmem:v47+s3+$0x0], $0xffff;
	[tilespmem:v11+s15+$0x0] =	vst.idx.msk $0xffff, v3;
	v3 =	vor.u32 v42, v8  }
0xe7: {  	v53 =	vor.u32 v29, v8;
	[tilespmem:v49+s15+$0x0] =	vst.idx.msk $0xffff, v5  }
0xe8: {  	[tilespmem:v50+s15+$0x0] =	vst.idx.msk $0xffff, v2;
	v2 =	vor.u32 v41, v8  }
0xe9: {  	[tilespmem:v51+s15+$0x0] =	vst.idx.msk $0xffff, v0;
	v0 =	vor.u32 v18, v4  }
0xea: {  	v54 =	vor.u32 v21, v9;
	[tilespmem:v52+s15+$0x0] =	vst.idx.msk $0xffff, v1  }
0xeb: {  	v55 =	vor.u32 v23, v9;
	v57 =	vld [tilespmem:$0x1FE50];
	[tilespmem:v3+s15+$0x0] =	vst.idx.msk $0xffff, v6  }
0xec: {  	v62 =	vld [tilespmem:$0x1FF40];
	v1 =	vor.u32 v19, v9;
	[tilespmem:v53+s15+$0x0] =	vst.idx.msk $0xffff, v7  }
0xed: {  	v63 =	vld [tilespmem:$0x1FF50];
	v3 =	vor.u32 v20, v4;
	[tilespmem:v2+s15+$0x0] =	vst.idx.msk $0xffff, v10  }
0xee: {  	v56 =	vor.u32 v25, v9;
	v0 =	vld.idx.msk [tilespmem:v0+s3+$0x0], $0xffff  }
0xef: {  	v2 =	vor.u32 v22, v4;
	v5 =	vld.idx.msk [tilespmem:v54+s3+$0x0], $0xffff  }
0xf0: {  	v9 =	vor.u32 v57, v8;
	v4 =	vor.u32 v24, v4;
	v6 =	vld.idx.msk [tilespmem:v55+s3+$0x0], $0xffff  }
0xf1: {  	v58 =	vor.u32 v26, v8;
	v1 =	vld.idx.msk [tilespmem:v1+s3+$0x0], $0xffff  }
0xf2: {  	v59 =	vor.u32 v27, v8;
	v3 =	vld.idx.msk [tilespmem:v3+s3+$0x0], $0xffff  }
0xf3: {  	v60 =	vor.u32 v16, v8;
	v7 =	vld.idx.msk [tilespmem:v56+s3+$0x0], $0xffff  }
0xf4: {  	v61 =	vor.u32 v28, v8;
	v2 =	vld.idx.msk [tilespmem:v2+s3+$0x0], $0xffff  }
0xf5: {  	v4 =	vld.idx.msk [tilespmem:v4+s3+$0x0], $0xffff;
	[tilespmem:v9+s15+$0x0] =	vst.idx.msk $0xffff, v0;
	v0 =	vor.u32 v62, v8  }
0xf6: {  	[tilespmem:v58+s15+$0x0] =	vst.idx.msk $0xffff, v1;
	v1 =	vor.u32 v17, v8  }
0xf7: {  	p2 =	slt.u32 s24, $0xE;
	[tilespmem:v59+s15+$0x0] =	vst.idx.msk $0xffff, v3;
	v3 =	vor.u32 v63, v8  }
.Ltmp2:
0xf8: {  	[tilespmem:v60+s15+$0x0] =	vst.idx.msk $0xffff, v5;
	(pc) =	sbr.rel @p2 .LBB2_3-.Ltmp2, $4  }
0xf9: {  	[tilespmem:v61+s15+$0x0] =	vst.idx.msk $0xffff, v2  }
0xfa: {  	[tilespmem:v0+s15+$0x0] =	vst.idx.msk $0xffff, v6  }
0xfb: {  	[tilespmem:v1+s15+$0x0] =	vst.idx.msk $0xffff, v4  }
0xfc: {  	s24 =	sadd.s32 $0x2, s24;
	v0 =	vld [tilespmem:$0x1FF30];
	[tilespmem:v3+s15+$0x0] =	vst.idx.msk $0xffff, v7  }
0xfd: {  	s24 =	sshll.u32 s22, $0x10  }
0xfe: {  	p2 =	seq.s32 s22, $0x79;
	s24 =	sadd.s32 s24, s5  }
0xff: {  	[hbm4b:s24+s3] =	stream.linear.scatter [tilespmem:s15], [sflag:$0x3], $0x2000, $0x38;
	[tilespmem:$0x8000] =	vst v63  }
0x100: {  	p3 =	seq.s32 @!p2 s22, $0x0;
	s25 =	simm.s32 @!p2 $0x400;
	_ =	swait.ge [sflag:s16], $0x2000  }
0x101: {  	s26 =	simm.s32 @!p2 $0x7A1400;
	s24 =	sshll.u32 @!p2 s22, $0xD;
	[sflag:s16] =	ssyncset.done $0x0  }
0x102: {  	s28 =	simm.s32 @!p2 $0x0;
	s24 =	sadd.s32 @!p2 s24, s6;
	[sflag:s16] =	ssyncadd.s32 $0xFFFFE000  }
0x103: {  	[tilespmem:s28], [sflag:$0x1] =	stream.strided.gather @!p2 [hbm4b:s24+s25], $0x2000, s26, s25, $0x38;
	[tilespmem:$0x8000] =	vst v63  }
0x104: {  	p2 =	por p2, !p3  }
0x105: {  	_ =	swait.ge @p2 [sflag:s19], $0x2000  }
0x106: {  	[sflag:s19] =	ssyncset.done @p2 $0x0  }
0x107: {  	s24 =	simm.s32 $0x0;
	[sflag:s19] =	ssyncadd.s32 @p2 $0xFFFFE000  }
.LBB2_5:
0x108: {  	v8 =	vld [tilespmem:$0x1FFA0]  }
0x109: {  	v10 =	vld [tilespmem:$0x1FFB0]  }
0x10a: {  	v12 =	vld [tilespmem:$0x1FFC0]  }
0x10b: {  	v13 =	vld [tilespmem:$0x1FFD0]  }
0x10c: {  	v14 =	vld [tilespmem:$0x1FFE0]  }
0x10d: {  	v9 =	vlaneseq.u32;
	v15 =	vld [tilespmem:$0x1FFF0]  }
0x10e: {  	v44 =	vld [tilespmem:$0x1FC10];
	v1 =	vadd.s32 s24, v9  }
0x10f: {  	v45 =	vld [tilespmem:$0x1FC20];
	v2 =	vand.u32 $0xF, v1  }
0x110: {  	v3 =	vor.u32 v0, v2;
	v0 =	vld [tilespmem:$0x1FF60]  }
0x111: {  	v46 =	vld [tilespmem:$0x1FC30]  }
0x112: {  	v47 =	vld [tilespmem:$0x1FC40]  }
0x113: {  	v49 =	vld [tilespmem:$0x1FC60]  }
0x114: {  	v50 =	vld [tilespmem:$0x1FC70]  }
0x115: {  	v4 =	vor.u32 v0, v1;
	v0 =	vld [tilespmem:$0x1FF70]  }
0x116: {  	v51 =	vld [tilespmem:$0x1FC80]  }
0x117: {  	v52 =	vld [tilespmem:$0x1FC90]  }
0x118: {  	v53 =	vld [tilespmem:$0x1FCA0]  }
0x119: {  	v54 =	vld [tilespmem:$0x1FCB0]  }
0x11a: {  	v5 =	vor.u32 v0, v2;
	v0 =	vld [tilespmem:$0x1FF80]  }
0x11b: {  	v48 =	vld [tilespmem:$0x1FC50]  }
0x11c: {  	v55 =	vld [tilespmem:$0x1FCC0]  }
0x11d: {  	v18 =	vld [tilespmem:$0x1FCD0]  }
0x11e: {  	v19 =	vld [tilespmem:$0x1FCE0]  }
0x11f: {  	v6 =	vor.u32 v0, v1;
	v0 =	vld [tilespmem:$0x1FF90]  }
0x120: {  	v20 =	vld [tilespmem:$0x1FCF0]  }
0x121: {  	v21 =	vld [tilespmem:$0x1FD00];
	v8 =	vor.u32 v8, v1  }
0x122: {  	v22 =	vld [tilespmem:$0x1FD10];
	v10 =	vor.u32 v10, v2  }
0x123: {  	v23 =	vld [tilespmem:$0x1FD20]  }
0x124: {  	v24 =	vld [tilespmem:$0x1FD30];
	v7 =	vor.u32 v0, v2;
	v0 =	vshll.u32 v2, $0x6  }
0x125: {  	v11 =	vshll.u32 v1, $0x6;
	v3 =	vld.idx.msk [tilespmem:v3+s14+$0x0], $0xffff;
	v9 =	vor.u32 v9, v0  }
0x126: {  	v11 =	vand.u32 $0x380, v11;
	v8 =	vld.idx.msk [tilespmem:v8+s14+$0x0], $0xffff;
	v9 =	vand.u32 $0x4F, v9  }
0x127: {  	v12 =	vor.u32 v12, v1;
	v10 =	vld.idx.msk [tilespmem:v10+s14+$0x0], $0xffff;
	v9 =	vor.u32 v11, v9  }
0x128: {  	v4 =	vld.idx.msk [tilespmem:v4+s14+$0x0], $0xffff;
	v13 =	vor.u32 v13, v0  }
0x129: {  	v5 =	vld.idx.msk [tilespmem:v5+s14+$0x0], $0xffff;
	v14 =	vor.u32 v14, v0  }
0x12a: {  	v6 =	vld.idx.msk [tilespmem:v6+s14+$0x0], $0xffff;
	v15 =	vor.u32 v15, v0  }
0x12b: {  	v16 =	vor.u32 v44, v0;
	v7 =	vld.idx.msk [tilespmem:v7+s14+$0x0], $0xffff  }
0x12c: {  	v12 =	vld.idx.msk [tilespmem:v12+s14+$0x0], $0xffff;
	[tilespmem:v9+s17+$0x0] =	vst.idx.msk $0xffff, v3;
	v3 =	vor.u32 v45, v0  }
0x12d: {  	v25 =	vld [tilespmem:$0x1FD40];
	v37 =	vor.u32 v46, v0;
	[tilespmem:v13+s17+$0x0] =	vst.idx.msk $0xffff, v4  }
0x12e: {  	v27 =	vld [tilespmem:$0x1FD60];
	v38 =	vor.u32 v47, v0;
	[tilespmem:v14+s17+$0x0] =	vst.idx.msk $0xffff, v5  }
0x12f: {  	v28 =	vld [tilespmem:$0x1FD80];
	v39 =	vor.u32 v49, v2;
	[tilespmem:v15+s17+$0x0] =	vst.idx.msk $0xffff, v6  }
0x130: {  	v56 =	vld [tilespmem:$0x1FD90];
	v40 =	vor.u32 v50, v1;
	[tilespmem:v16+s17+$0x0] =	vst.idx.msk $0xffff, v7  }
0x131: {  	v26 =	vld [tilespmem:$0x1FDA0];
	v41 =	vor.u32 v52, v1;
	[tilespmem:v3+s17+$0x0] =	vst.idx.msk $0xffff, v8  }
0x132: {  	v32 =	vld [tilespmem:$0x1FD50];
	v42 =	vor.u32 v53, v2;
	v57 =	vor.u32 v48, v0;
	[tilespmem:v37+s17+$0x0] =	vst.idx.msk $0xffff, v10  }
0x133: {  	v43 =	vor.u32 v54, v1;
	v9 =	vand.u32 $0x5F, v57;
	v57 =	vld [tilespmem:$0x1FDB0];
	[tilespmem:v38+s17+$0x0] =	vst.idx.msk $0xffff, v12  }
0x134: {  	v58 =	vor.u32 v55, v2;
	v6 =	vld.idx.msk [tilespmem:v39+s14+$0x0], $0xffff  }
0x135: {  	v3 =	vor.u32 v51, v2;
	v7 =	vld.idx.msk [tilespmem:v40+s14+$0x0], $0xffff  }
0x136: {  	v59 =	vor.u32 v18, v1;
	v4 =	vld.idx.msk [tilespmem:v41+s14+$0x0], $0xffff  }
0x137: {  	v5 =	vld.idx.msk [tilespmem:v42+s14+$0x0], $0xffff  }
0x138: {  	v9 =	vor.u32 v11, v9;
	v8 =	vld.idx.msk [tilespmem:v43+s14+$0x0], $0xffff  }
0x139: {  	v60 =	vor.u32 v19, v0;
	v10 =	vld.idx.msk [tilespmem:v58+s14+$0x0], $0xffff  }
0x13a: {  	v61 =	vor.u32 v20, v0;
	v3 =	vld.idx.msk [tilespmem:v3+s14+$0x0], $0xffff  }
0x13b: {  	v62 =	vor.u32 v21, v0;
	v12 =	vld.idx.msk [tilespmem:v59+s14+$0x0], $0xffff  }
0x13c: {  	v63 =	vor.u32 v22, v0;
	v43 =	vld [tilespmem:$0x1FD70]  }
0x13d: {  	v58 =	vld [tilespmem:$0x1FDC0];
	[tilespmem:v9+s17+$0x0] =	vst.idx.msk $0xffff, v6;
	v9 =	vor.u32 v23, v0  }
0x13e: {  	v13 =	vor.u32 v24, v0;
	v59 =	vld [tilespmem:$0x1FDD0];
	[tilespmem:v60+s17+$0x0] =	vst.idx.msk $0xffff, v7  }
0x13f: {  	v41 =	vld [tilespmem:$0x1FE20];
	[tilespmem:v61+s17+$0x0] =	vst.idx.msk $0xffff, v3;
	v3 =	vor.u32 v25, v0  }
0x140: {  	v15 =	vor.u32 v27, v2;
	v60 =	vld [tilespmem:$0x1FDE0];
	[tilespmem:v62+s17+$0x0] =	vst.idx.msk $0xffff, v4  }
0x141: {  	v17 =	vor.u32 v43, v1;
	v61 =	vld [tilespmem:$0x1FDF0];
	[tilespmem:v63+s17+$0x0] =	vst.idx.msk $0xffff, v5  }
0x142: {  	v29 =	vor.u32 v28, v2;
	v62 =	vld [tilespmem:$0x1FE00];
	[tilespmem:v9+s17+$0x0] =	vst.idx.msk $0xffff, v8  }
0x143: {  	v30 =	vor.u32 v56, v1;
	v63 =	vld [tilespmem:$0x1FE10];
	[tilespmem:v13+s17+$0x0] =	vst.idx.msk $0xffff, v10  }
0x144: {  	v31 =	vor.u32 v57, v1;
	v9 =	vor.u32 v32, v0;
	v32 =	vld [tilespmem:$0x1FE70];
	[tilespmem:v3+s17+$0x0] =	vst.idx.msk $0xffff, v12  }
0x145: {  	v33 =	vor.u32 v58, v2;
	v4 =	vld.idx.msk [tilespmem:v15+s14+$0x0], $0xffff  }
0x146: {  	v34 =	vor.u32 v59, v1;
	v5 =	vld.idx.msk [tilespmem:v17+s14+$0x0], $0xffff  }
0x147: {  	v6 =	vld.idx.msk [tilespmem:v29+s14+$0x0], $0xffff  }
0x148: {  	v7 =	vld.idx.msk [tilespmem:v30+s14+$0x0], $0xffff  }
0x149: {  	v8 =	vld.idx.msk [tilespmem:v31+s14+$0x0], $0xffff  }
0x14a: {  	v9 =	vand.u32 $0x6F, v9;
	v3 =	vor.u32 v26, v2;
	v10 =	vld.idx.msk [tilespmem:v33+s14+$0x0], $0xffff  }
0x14b: {  	v9 =	vor.u32 v11, v9;
	v12 =	vld.idx.msk [tilespmem:v34+s14+$0x0], $0xffff  }
0x14c: {  	v35 =	vor.u32 v60, v0;
	v29 =	vld [tilespmem:$0x1FE30]  }
0x14d: {  	v36 =	vor.u32 v61, v0;
	v30 =	vld [tilespmem:$0x1FE40]  }
0x14e: {  	v37 =	vor.u32 v62, v0;
	v31 =	vld [tilespmem:$0x1FE60]  }
0x14f: {  	v38 =	vor.u32 v63, v0;
	v3 =	vld.idx.msk [tilespmem:v3+s14+$0x0], $0xffff  }
0x150: {  	v39 =	vor.u32 v41, v0;
	v33 =	vld [tilespmem:$0x1FE80];
	[tilespmem:v9+s17+$0x0] =	vst.idx.msk $0xffff, v4  }
0x151: {  	v34 =	vld [tilespmem:$0x1FE90];
	v40 =	vor.u32 v29, v0;
	[tilespmem:v35+s17+$0x0] =	vst.idx.msk $0xffff, v5  }
0x152: {  	v42 =	vor.u32 v30, v0;
	v35 =	vld [tilespmem:$0x1FEA0];
	[tilespmem:v36+s17+$0x0] =	vst.idx.msk $0xffff, v6  }
0x153: {  	v36 =	vld [tilespmem:$0x1FEB0];
	[tilespmem:v37+s17+$0x0] =	vst.idx.msk $0xffff, v7  }
0x154: {  	v9 =	vor.u32 v31, v2;
	v37 =	vld [tilespmem:$0x1FEC0];
	[tilespmem:v38+s17+$0x0] =	vst.idx.msk $0xffff, v3  }
0x155: {  	v13 =	vor.u32 v33, v2;
	v38 =	vld [tilespmem:$0x1FED0];
	[tilespmem:v39+s17+$0x0] =	vst.idx.msk $0xffff, v8  }
0x156: {  	v15 =	vor.u32 v34, v1;
	v39 =	vld [tilespmem:$0x1FEE0];
	[tilespmem:v40+s17+$0x0] =	vst.idx.msk $0xffff, v10  }
0x157: {  	v3 =	vor.u32 v32, v1;
	[tilespmem:v42+s17+$0x0] =	vst.idx.msk $0xffff, v12;
	v42 =	vld [tilespmem:$0x1FE50]  }
0x158: {  	v16 =	vor.u32 v35, v2;
	v40 =	vld [tilespmem:$0x1FEF0]  }
0x159: {  	v7 =	vld.idx.msk [tilespmem:v9+s14+$0x0], $0xffff  }
0x15a: {  	v4 =	vld.idx.msk [tilespmem:v13+s14+$0x0], $0xffff  }
0x15b: {  	v17 =	vor.u32 v36, v1;
	v5 =	vld.idx.msk [tilespmem:v15+s14+$0x0], $0xffff  }
0x15c: {  	v2 =	vor.u32 v37, v2;
	v3 =	vld.idx.msk [tilespmem:v3+s14+$0x0], $0xffff;
	v9 =	vor.u32 v42, v0  }
0x15d: {  	v1 =	vor.u32 v38, v1;
	v6 =	vld.idx.msk [tilespmem:v16+s14+$0x0], $0xffff;
	v9 =	vand.u32 $0x7F, v9  }
0x15e: {  	v42 =	vld [tilespmem:$0x1FF00];
	v9 =	vor.u32 v11, v9  }
0x15f: {  	v16 =	vld [tilespmem:$0x1FF10]  }
0x160: {  	v8 =	vld.idx.msk [tilespmem:v17+s14+$0x0], $0xffff  }
0x161: {  	v10 =	vor.u32 v39, v0;
	v2 =	vld.idx.msk [tilespmem:v2+s14+$0x0], $0xffff  }
0x162: {  	v11 =	vor.u32 v40, v0;
	v1 =	vld.idx.msk [tilespmem:v1+s14+$0x0], $0xffff  }
0x163: {  	v12 =	vor.u32 v42, v0;
	[tilespmem:v9+s17+$0x0] =	vst.idx.msk $0xffff, v7;
	v9 =	vld [tilespmem:$0x1FF40]  }
0x164: {  	v17 =	vld [tilespmem:$0x1FF20]  }
0x165: {  	v15 =	vld [tilespmem:$0x1FF50]  }
0x166: {  	v13 =	vor.u32 v16, v0;
	[tilespmem:v10+s17+$0x0] =	vst.idx.msk $0xffff, v3;
	v10 =	vld [tilespmem:$0x1FF30]  }
0x167: {  	[tilespmem:v11+s17+$0x0] =	vst.idx.msk $0xffff, v4;
	v11 =	vld [tilespmem:$0x1FF60]  }
0x168: {  	[tilespmem:v12+s17+$0x0] =	vst.idx.msk $0xffff, v5;
	v12 =	vld [tilespmem:$0x1FF70];
	v7 =	vor.u32 v9, v0  }
0x169: {  	s25 =	sadd.s32 $0x1, s24;
	v14 =	vlaneseq.u32;
	v3 =	vor.u32 v17, v0  }
0x16a: {  	v9 =	vadd.s32 s25, v14  }
0x16b: {  	[tilespmem:v13+s17+$0x0] =	vst.idx.msk $0xffff, v6;
	v13 =	vld [tilespmem:$0x1FFB0];
	v0 =	vor.u32 v15, v0;
	v4 =	vand.u32 $0xF, v9  }
0x16c: {  	v15 =	vld [tilespmem:$0x1FFC0];
	v5 =	vor.u32 v10, v4  }
0x16d: {  	v6 =	vor.u32 v11, v9;
	[tilespmem:v7+s17+$0x0] =	vst.idx.msk $0xffff, v8;
	v7 =	vor.u32 v12, v4;
	v12 =	vld [tilespmem:$0x1FFD0]  }
0x16e: {  	[tilespmem:v3+s17+$0x0] =	vst.idx.msk $0xffff, v2;
	v2 =	vld [tilespmem:$0x1FF80]  }
0x16f: {  	v3 =	vld [tilespmem:$0x1FFA0]  }
0x170: {  	[tilespmem:v0+s17+$0x0] =	vst.idx.msk $0xffff, v1;
	v0 =	vld [tilespmem:$0x1FF90]  }
0x171: {  	v1 =	vld.idx.msk [tilespmem:v5+s14+$0x0], $0xffff  }
0x172: {  	v10 =	vor.u32 v15, v9;
	v5 =	vld.idx.msk [tilespmem:v6+s14+$0x0], $0xffff  }
0x173: {  	v8 =	vshll.u32 v4, $0x6;
	v6 =	vor.u32 v13, v4;
	v13 =	vld [tilespmem:$0x1FFE0]  }
0x174: {  	v11 =	vor.u32 v14, v8;
	v14 =	vld [tilespmem:$0x1FFF0];
	v2 =	vor.u32 v2, v9  }
0x175: {  	v0 =	vor.u32 v0, v4  }
0x176: {  	v7 =	vld.idx.msk [tilespmem:v7+s14+$0x0], $0xffff;
	v3 =	vor.u32 v3, v9  }
0x177: {  	v12 =	vor.u32 v12, v8;
	v10 =	vld.idx.msk [tilespmem:v10+s14+$0x0], $0xffff  }
0x178: {  	v13 =	vor.u32 v13, v8;
	v6 =	vld.idx.msk [tilespmem:v6+s14+$0x0], $0xffff  }
0x179: {  	v14 =	vor.u32 v14, v8;
	v2 =	vld.idx.msk [tilespmem:v2+s14+$0x0], $0xffff  }
0x17a: {  	v44 =	vor.u32 v44, v8;
	v0 =	vld.idx.msk [tilespmem:v0+s14+$0x0], $0xffff  }
0x17b: {  	v3 =	vld.idx.msk [tilespmem:v3+s14+$0x0], $0xffff;
	[tilespmem:v11+s17+$0x0] =	vst.idx.msk $0xffff, v1;
	v1 =	vor.u32 v45, v8  }
0x17c: {  	v46 =	vor.u32 v46, v8;
	[tilespmem:v12+s17+$0x0] =	vst.idx.msk $0xffff, v5  }
0x17d: {  	v47 =	vor.u32 v47, v8;
	[tilespmem:v13+s17+$0x0] =	vst.idx.msk $0xffff, v7  }
0x17e: {  	[tilespmem:v14+s17+$0x0] =	vst.idx.msk $0xffff, v2;
	v2 =	vor.u32 v49, v4  }
0x17f: {  	[tilespmem:v44+s17+$0x0] =	vst.idx.msk $0xffff, v0;
	v0 =	vor.u32 v50, v9  }
0x180: {  	[tilespmem:v1+s17+$0x0] =	vst.idx.msk $0xffff, v3;
	v1 =	vor.u32 v51, v4  }
0x181: {  	v3 =	vor.u32 v52, v9;
	[tilespmem:v46+s17+$0x0] =	vst.idx.msk $0xffff, v6  }
0x182: {  	v52 =	vor.u32 v53, v4;
	[tilespmem:v47+s17+$0x0] =	vst.idx.msk $0xffff, v10  }
0x183: {  	v53 =	vor.u32 v54, v9;
	v2 =	vld.idx.msk [tilespmem:v2+s14+$0x0], $0xffff  }
0x184: {  	v54 =	vor.u32 v55, v4;
	v0 =	vld.idx.msk [tilespmem:v0+s14+$0x0], $0xffff  }
0x185: {  	v55 =	vor.u32 v18, v9;
	v18 =	vor.u32 v48, v8;
	v1 =	vld.idx.msk [tilespmem:v1+s14+$0x0], $0xffff  }
0x186: {  	v19 =	vor.u32 v19, v8;
	v3 =	vld.idx.msk [tilespmem:v3+s14+$0x0], $0xffff  }
0x187: {  	v20 =	vor.u32 v20, v8;
	v5 =	vld.idx.msk [tilespmem:v52+s14+$0x0], $0xffff  }
0x188: {  	v21 =	vor.u32 v21, v8;
	v6 =	vld.idx.msk [tilespmem:v53+s14+$0x0], $0xffff  }
0x189: {  	v22 =	vor.u32 v22, v8;
	v7 =	vld.idx.msk [tilespmem:v54+s14+$0x0], $0xffff  }
0x18a: {  	v10 =	vld.idx.msk [tilespmem:v55+s14+$0x0], $0xffff;
	[tilespmem:v18+s17+$0x0] =	vst.idx.msk $0xffff, v2;
	v2 =	vor.u32 v23, v8  }
0x18b: {  	[tilespmem:v19+s17+$0x0] =	vst.idx.msk $0xffff, v0;
	v0 =	vor.u32 v24, v8  }
0x18c: {  	[tilespmem:v20+s17+$0x0] =	vst.idx.msk $0xffff, v1;
	v1 =	vor.u32 v25, v8  }
0x18d: {  	[tilespmem:v21+s17+$0x0] =	vst.idx.msk $0xffff, v3;
	v3 =	vor.u32 v27, v4  }
0x18e: {  	v44 =	vor.u32 v43, v9;
	[tilespmem:v22+s17+$0x0] =	vst.idx.msk $0xffff, v5  }
0x18f: {  	v45 =	vor.u32 v57, v9;
	v48 =	vld [tilespmem:$0x1FD50];
	[tilespmem:v2+s17+$0x0] =	vst.idx.msk $0xffff, v6  }
0x190: {  	v46 =	vor.u32 v58, v4;
	[tilespmem:v0+s17+$0x0] =	vst.idx.msk $0xffff, v7  }
0x191: {  	v2 =	vor.u32 v28, v4;
	[tilespmem:v1+s17+$0x0] =	vst.idx.msk $0xffff, v10  }
0x192: {  	v0 =	vor.u32 v56, v9;
	v3 =	vld.idx.msk [tilespmem:v3+s14+$0x0], $0xffff  }
0x193: {  	v1 =	vor.u32 v26, v4;
	v5 =	vld.idx.msk [tilespmem:v44+s14+$0x0], $0xffff  }
0x194: {  	v47 =	vor.u32 v59, v9;
	v11 =	vor.u32 v48, v8;
	v6 =	vld.idx.msk [tilespmem:v45+s14+$0x0], $0xffff  }
0x195: {  	v49 =	vor.u32 v60, v8;
	v7 =	vld.idx.msk [tilespmem:v46+s14+$0x0], $0xffff  }
0x196: {  	v50 =	vor.u32 v61, v8;
	v2 =	vld.idx.msk [tilespmem:v2+s14+$0x0], $0xffff  }
0x197: {  	v51 =	vor.u32 v62, v8;
	v0 =	vld.idx.msk [tilespmem:v0+s14+$0x0], $0xffff  }
0x198: {  	v52 =	vor.u32 v63, v8;
	v1 =	vld.idx.msk [tilespmem:v1+s14+$0x0], $0xffff  }
0x199: {  	v10 =	vld.idx.msk [tilespmem:v47+s14+$0x0], $0xffff;
	[tilespmem:v11+s17+$0x0] =	vst.idx.msk $0xffff, v3;
	v3 =	vor.u32 v41, v8  }
0x19a: {  	v53 =	vor.u32 v29, v8;
	[tilespmem:v49+s17+$0x0] =	vst.idx.msk $0xffff, v5  }
0x19b: {  	[tilespmem:v50+s17+$0x0] =	vst.idx.msk $0xffff, v2;
	v2 =	vor.u32 v30, v8  }
0x19c: {  	[tilespmem:v51+s17+$0x0] =	vst.idx.msk $0xffff, v0;
	v0 =	vor.u32 v31, v4  }
0x19d: {  	v54 =	vor.u32 v34, v9;
	[tilespmem:v52+s17+$0x0] =	vst.idx.msk $0xffff, v1  }
0x19e: {  	v57 =	vld [tilespmem:$0x1FE50];
	v55 =	vor.u32 v36, v9;
	[tilespmem:v3+s17+$0x0] =	vst.idx.msk $0xffff, v6  }
0x19f: {  	v62 =	vld [tilespmem:$0x1FF40];
	v1 =	vor.u32 v32, v9;
	[tilespmem:v53+s17+$0x0] =	vst.idx.msk $0xffff, v7  }
0x1a0: {  	v63 =	vld [tilespmem:$0x1FF50];
	v3 =	vor.u32 v33, v4;
	[tilespmem:v2+s17+$0x0] =	vst.idx.msk $0xffff, v10  }
0x1a1: {  	v56 =	vor.u32 v38, v9;
	v0 =	vld.idx.msk [tilespmem:v0+s14+$0x0], $0xffff  }
0x1a2: {  	v2 =	vor.u32 v35, v4;
	v5 =	vld.idx.msk [tilespmem:v54+s14+$0x0], $0xffff  }
0x1a3: {  	v9 =	vor.u32 v57, v8;
	v4 =	vor.u32 v37, v4;
	v6 =	vld.idx.msk [tilespmem:v55+s14+$0x0], $0xffff  }
0x1a4: {  	v58 =	vor.u32 v39, v8;
	v1 =	vld.idx.msk [tilespmem:v1+s14+$0x0], $0xffff  }
0x1a5: {  	v59 =	vor.u32 v40, v8;
	v3 =	vld.idx.msk [tilespmem:v3+s14+$0x0], $0xffff  }
0x1a6: {  	v60 =	vor.u32 v42, v8;
	v7 =	vld.idx.msk [tilespmem:v56+s14+$0x0], $0xffff  }
0x1a7: {  	v61 =	vor.u32 v16, v8;
	v2 =	vld.idx.msk [tilespmem:v2+s14+$0x0], $0xffff  }
0x1a8: {  	v4 =	vld.idx.msk [tilespmem:v4+s14+$0x0], $0xffff;
	[tilespmem:v9+s17+$0x0] =	vst.idx.msk $0xffff, v0;
	v0 =	vor.u32 v62, v8  }
0x1a9: {  	[tilespmem:v58+s17+$0x0] =	vst.idx.msk $0xffff, v1;
	v1 =	vor.u32 v17, v8  }
0x1aa: {  	p2 =	slt.u32 s24, $0xE;
	[tilespmem:v59+s17+$0x0] =	vst.idx.msk $0xffff, v3;
	v3 =	vor.u32 v63, v8  }
.Ltmp3:
0x1ab: {  	[tilespmem:v60+s17+$0x0] =	vst.idx.msk $0xffff, v5;
	(pc) =	sbr.rel @p2 .LBB2_5-.Ltmp3, $4  }
0x1ac: {  	[tilespmem:v61+s17+$0x0] =	vst.idx.msk $0xffff, v2  }
0x1ad: {  	[tilespmem:v0+s17+$0x0] =	vst.idx.msk $0xffff, v6  }
0x1ae: {  	[tilespmem:v1+s17+$0x0] =	vst.idx.msk $0xffff, v4  }
0x1af: {  	s24 =	sadd.s32 $0x2, s24;
	v0 =	vld [tilespmem:$0x1FF30];
	[tilespmem:v3+s17+$0x0] =	vst.idx.msk $0xffff, v7  }
0x1b0: {  	s22 =	sadd.s32 $0x1, s22  }
0x1b1: {  	p2 =	sne.s32 s22, $0x7A  }
.Ltmp4:
0x1b2: {  	_ = 	snop;
	(pc) =	sbr.rel @p2 .LBB2_2-.Ltmp4, $4  }
0x1b3: {  	_ = 	snop  }
0x1b4: {  	s23 =	sshll.u32 s23, $0xF  }
0x1b5: {  	s23 =	sadd.s32 s23, s5  }
0x1b6: {  	[hbm4b:s23+s3] =	stream.linear.scatter [tilespmem:s17], [sflag:$0x4], $0x2000, $0x38;
	[tilespmem:$0x8000] =	vst v63  }
0x1b7: {  	_ =	swait.ge [sflag:s18], $0x2000  }
.Ltmp5:
0x1b8: {  	[sflag:s18] =	ssyncset.done $0x0;
	(pc) =	sbr.rel @p0 .LBB2_11-.Ltmp5, $4  }
0x1b9: {  	[sflag:s18] =	ssyncadd.s32 $0xFFFFE000  }
0x1ba: {  	_ =	swait.ge [sflag:s19], $0x2000  }
0x1bb: {  	[sflag:s19] =	ssyncset.done $0x0  }
0x1bc: {  	[sflag:s19] =	ssyncadd.s32 $0xFFFFE000  }
0x1bd: {  	s22 =	simm.s32 $0x0  }
0x1be: {  	[tilespmem:s22], [sflag:$0x5] =	stream.strided.gather [hbm4b:s7+s11], $0x2000, s12, s11, $0x38;
	[tilespmem:$0x8000] =	vst v63  }
0x1bf: {  	_ =	swait.ge [sflag:s20], $0x2000  }
0x1c0: {  	[sflag:s20] =	ssyncset.done $0x0  }
0x1c1: {  	[sflag:s20] =	ssyncadd.s32 $0xFFFFE000  }
.LBB2_9:
0x1c2: {  	v8 =	vld [tilespmem:$0x1FFA0]  }
0x1c3: {  	v10 =	vld [tilespmem:$0x1FFB0]  }
0x1c4: {  	v12 =	vld [tilespmem:$0x1FFC0]  }
0x1c5: {  	v13 =	vld [tilespmem:$0x1FFD0]  }
0x1c6: {  	v14 =	vld [tilespmem:$0x1FFE0]  }
0x1c7: {  	v9 =	vlaneseq.u32;
	v15 =	vld [tilespmem:$0x1FFF0]  }
0x1c8: {  	v44 =	vld [tilespmem:$0x1FC10];
	v1 =	vadd.s32 s22, v9  }
0x1c9: {  	v45 =	vld [tilespmem:$0x1FC20];
	v2 =	vand.u32 $0xF, v1  }
0x1ca: {  	v3 =	vor.u32 v0, v2;
	v0 =	vld [tilespmem:$0x1FF60]  }
0x1cb: {  	v46 =	vld [tilespmem:$0x1FC30]  }
0x1cc: {  	v47 =	vld [tilespmem:$0x1FC40]  }
0x1cd: {  	v49 =	vld [tilespmem:$0x1FC60]  }
0x1ce: {  	v50 =	vld [tilespmem:$0x1FC70]  }
0x1cf: {  	v4 =	vor.u32 v0, v1;
	v0 =	vld [tilespmem:$0x1FF70]  }
0x1d0: {  	v51 =	vld [tilespmem:$0x1FC80]  }
0x1d1: {  	v52 =	vld [tilespmem:$0x1FC90]  }
0x1d2: {  	v53 =	vld [tilespmem:$0x1FCA0]  }
0x1d3: {  	v54 =	vld [tilespmem:$0x1FCB0]  }
0x1d4: {  	v5 =	vor.u32 v0, v2;
	v0 =	vld [tilespmem:$0x1FF80]  }
0x1d5: {  	v48 =	vld [tilespmem:$0x1FC50]  }
0x1d6: {  	v18 =	vld [tilespmem:$0x1FCC0]  }
0x1d7: {  	v19 =	vld [tilespmem:$0x1FCD0]  }
0x1d8: {  	v20 =	vld [tilespmem:$0x1FCE0]  }
0x1d9: {  	v6 =	vor.u32 v0, v1;
	v0 =	vld [tilespmem:$0x1FF90]  }
0x1da: {  	v21 =	vld [tilespmem:$0x1FCF0]  }
0x1db: {  	v22 =	vld [tilespmem:$0x1FD00];
	v8 =	vor.u32 v8, v1  }
0x1dc: {  	v23 =	vld [tilespmem:$0x1FD10];
	v10 =	vor.u32 v10, v2  }
0x1dd: {  	v24 =	vld [tilespmem:$0x1FD20]  }
0x1de: {  	v25 =	vld [tilespmem:$0x1FD30];
	v7 =	vor.u32 v0, v2;
	v0 =	vshll.u32 v2, $0x6  }
0x1df: {  	v11 =	vshll.u32 v1, $0x6;
	v3 =	vld.idx.msk [tilespmem:v3+s3+$0x0], $0xffff;
	v9 =	vor.u32 v9, v0  }
0x1e0: {  	v11 =	vand.u32 $0x380, v11;
	v8 =	vld.idx.msk [tilespmem:v8+s3+$0x0], $0xffff;
	v9 =	vand.u32 $0x4F, v9  }
0x1e1: {  	v12 =	vor.u32 v12, v1;
	v10 =	vld.idx.msk [tilespmem:v10+s3+$0x0], $0xffff;
	v9 =	vor.u32 v11, v9  }
0x1e2: {  	v4 =	vld.idx.msk [tilespmem:v4+s3+$0x0], $0xffff;
	v13 =	vor.u32 v13, v0  }
0x1e3: {  	v5 =	vld.idx.msk [tilespmem:v5+s3+$0x0], $0xffff;
	v14 =	vor.u32 v14, v0  }
0x1e4: {  	v6 =	vld.idx.msk [tilespmem:v6+s3+$0x0], $0xffff;
	v15 =	vor.u32 v15, v0  }
0x1e5: {  	v16 =	vor.u32 v44, v0;
	v7 =	vld.idx.msk [tilespmem:v7+s3+$0x0], $0xffff  }
0x1e6: {  	v12 =	vld.idx.msk [tilespmem:v12+s3+$0x0], $0xffff;
	[tilespmem:v9+s15+$0x0] =	vst.idx.msk $0xffff, v3;
	v3 =	vor.u32 v45, v0  }
0x1e7: {  	v26 =	vld [tilespmem:$0x1FD40];
	v38 =	vor.u32 v46, v0;
	[tilespmem:v13+s15+$0x0] =	vst.idx.msk $0xffff, v4  }
0x1e8: {  	v28 =	vld [tilespmem:$0x1FD70];
	v39 =	vor.u32 v47, v0;
	[tilespmem:v14+s15+$0x0] =	vst.idx.msk $0xffff, v5  }
0x1e9: {  	v55 =	vld [tilespmem:$0x1FD80];
	v40 =	vor.u32 v49, v2;
	[tilespmem:v15+s15+$0x0] =	vst.idx.msk $0xffff, v6  }
0x1ea: {  	v27 =	vld [tilespmem:$0x1FD90];
	v41 =	vor.u32 v50, v1;
	[tilespmem:v16+s15+$0x0] =	vst.idx.msk $0xffff, v7  }
0x1eb: {  	v32 =	vld [tilespmem:$0x1FD50];
	v42 =	vor.u32 v52, v1;
	[tilespmem:v3+s15+$0x0] =	vst.idx.msk $0xffff, v8  }
0x1ec: {  	v29 =	vld [tilespmem:$0x1FE30];
	v43 =	vor.u32 v53, v2;
	v57 =	vor.u32 v48, v0;
	[tilespmem:v38+s15+$0x0] =	vst.idx.msk $0xffff, v10  }
0x1ed: {  	v56 =	vor.u32 v54, v1;
	v9 =	vand.u32 $0x5F, v57;
	v57 =	vld [tilespmem:$0x1FDB0];
	[tilespmem:v39+s15+$0x0] =	vst.idx.msk $0xffff, v12  }
0x1ee: {  	v58 =	vor.u32 v18, v2;
	v6 =	vld.idx.msk [tilespmem:v40+s3+$0x0], $0xffff  }
0x1ef: {  	v59 =	vor.u32 v19, v1;
	v7 =	vld.idx.msk [tilespmem:v41+s3+$0x0], $0xffff  }
0x1f0: {  	v3 =	vor.u32 v51, v2;
	v4 =	vld.idx.msk [tilespmem:v42+s3+$0x0], $0xffff  }
0x1f1: {  	v5 =	vld.idx.msk [tilespmem:v43+s3+$0x0], $0xffff  }
0x1f2: {  	v8 =	vld.idx.msk [tilespmem:v56+s3+$0x0], $0xffff  }
0x1f3: {  	v9 =	vor.u32 v11, v9;
	v10 =	vld.idx.msk [tilespmem:v58+s3+$0x0], $0xffff  }
0x1f4: {  	v60 =	vor.u32 v20, v0;
	v12 =	vld.idx.msk [tilespmem:v59+s3+$0x0], $0xffff  }
0x1f5: {  	v61 =	vor.u32 v21, v0;
	v3 =	vld.idx.msk [tilespmem:v3+s3+$0x0], $0xffff  }
0x1f6: {  	v62 =	vor.u32 v22, v0;
	v43 =	vld [tilespmem:$0x1FD60]  }
0x1f7: {  	v63 =	vor.u32 v23, v0;
	v56 =	vld [tilespmem:$0x1FDA0]  }
0x1f8: {  	v58 =	vld [tilespmem:$0x1FDC0];
	[tilespmem:v9+s15+$0x0] =	vst.idx.msk $0xffff, v6;
	v9 =	vor.u32 v24, v0  }
0x1f9: {  	v13 =	vor.u32 v25, v0;
	v59 =	vld [tilespmem:$0x1FDD0];
	[tilespmem:v60+s15+$0x0] =	vst.idx.msk $0xffff, v7  }
0x1fa: {  	v41 =	vld [tilespmem:$0x1FE20];
	[tilespmem:v61+s15+$0x0] =	vst.idx.msk $0xffff, v3;
	v3 =	vor.u32 v26, v0  }
0x1fb: {  	v15 =	vor.u32 v43, v2;
	v60 =	vld [tilespmem:$0x1FDE0];
	[tilespmem:v62+s15+$0x0] =	vst.idx.msk $0xffff, v4  }
0x1fc: {  	v16 =	vor.u32 v28, v1;
	v61 =	vld [tilespmem:$0x1FDF0];
	[tilespmem:v63+s15+$0x0] =	vst.idx.msk $0xffff, v5  }
0x1fd: {  	v17 =	vor.u32 v55, v2;
	v62 =	vld [tilespmem:$0x1FE00];
	[tilespmem:v9+s15+$0x0] =	vst.idx.msk $0xffff, v8  }
0x1fe: {  	v30 =	vor.u32 v27, v1;
	v63 =	vld [tilespmem:$0x1FE10];
	[tilespmem:v13+s15+$0x0] =	vst.idx.msk $0xffff, v10  }
0x1ff: {  	v31 =	vor.u32 v57, v1;
	v9 =	vor.u32 v32, v0;
	v32 =	vld [tilespmem:$0x1FE70];
	[tilespmem:v3+s15+$0x0] =	vst.idx.msk $0xffff, v12  }
0x200: {  	v33 =	vor.u32 v58, v2;
	v4 =	vld.idx.msk [tilespmem:v15+s3+$0x0], $0xffff  }
0x201: {  	v34 =	vor.u32 v59, v1;
	v5 =	vld.idx.msk [tilespmem:v16+s3+$0x0], $0xffff  }
0x202: {  	v6 =	vld.idx.msk [tilespmem:v17+s3+$0x0], $0xffff  }
0x203: {  	v7 =	vld.idx.msk [tilespmem:v30+s3+$0x0], $0xffff  }
0x204: {  	v9 =	vand.u32 $0x6F, v9;
	v3 =	vor.u32 v56, v2;
	v8 =	vld.idx.msk [tilespmem:v31+s3+$0x0], $0xffff  }
0x205: {  	v9 =	vor.u32 v11, v9;
	v10 =	vld.idx.msk [tilespmem:v33+s3+$0x0], $0xffff  }
0x206: {  	v35 =	vor.u32 v60, v0;
	v12 =	vld.idx.msk [tilespmem:v34+s3+$0x0], $0xffff  }
0x207: {  	v36 =	vor.u32 v61, v0;
	v30 =	vld [tilespmem:$0x1FE40]  }
0x208: {  	v37 =	vor.u32 v62, v0;
	v31 =	vld [tilespmem:$0x1FE60]  }
0x209: {  	v38 =	vor.u32 v63, v0;
	v3 =	vld.idx.msk [tilespmem:v3+s3+$0x0], $0xffff  }
0x20a: {  	v39 =	vor.u32 v41, v0;
	v33 =	vld [tilespmem:$0x1FE80];
	[tilespmem:v9+s15+$0x0] =	vst.idx.msk $0xffff, v4  }
0x20b: {  	v40 =	vor.u32 v29, v0;
	v34 =	vld [tilespmem:$0x1FE90];
	[tilespmem:v35+s15+$0x0] =	vst.idx.msk $0xffff, v5  }
0x20c: {  	v42 =	vor.u32 v30, v0;
	v35 =	vld [tilespmem:$0x1FEA0];
	[tilespmem:v36+s15+$0x0] =	vst.idx.msk $0xffff, v6  }
0x20d: {  	v36 =	vld [tilespmem:$0x1FEB0];
	[tilespmem:v37+s15+$0x0] =	vst.idx.msk $0xffff, v7  }
0x20e: {  	v9 =	vor.u32 v31, v2;
	v37 =	vld [tilespmem:$0x1FEC0];
	[tilespmem:v38+s15+$0x0] =	vst.idx.msk $0xffff, v3  }
0x20f: {  	v13 =	vor.u32 v33, v2;
	v38 =	vld [tilespmem:$0x1FED0];
	[tilespmem:v39+s15+$0x0] =	vst.idx.msk $0xffff, v8  }
0x210: {  	v15 =	vor.u32 v34, v1;
	v39 =	vld [tilespmem:$0x1FEE0];
	[tilespmem:v40+s15+$0x0] =	vst.idx.msk $0xffff, v10  }
0x211: {  	v3 =	vor.u32 v32, v1;
	[tilespmem:v42+s15+$0x0] =	vst.idx.msk $0xffff, v12;
	v42 =	vld [tilespmem:$0x1FE50]  }
0x212: {  	v16 =	vor.u32 v35, v2;
	v40 =	vld [tilespmem:$0x1FEF0]  }
0x213: {  	v7 =	vld.idx.msk [tilespmem:v9+s3+$0x0], $0xffff  }
0x214: {  	v4 =	vld.idx.msk [tilespmem:v13+s3+$0x0], $0xffff  }
0x215: {  	v17 =	vor.u32 v36, v1;
	v5 =	vld.idx.msk [tilespmem:v15+s3+$0x0], $0xffff  }
0x216: {  	v2 =	vor.u32 v37, v2;
	v3 =	vld.idx.msk [tilespmem:v3+s3+$0x0], $0xffff;
	v9 =	vor.u32 v42, v0  }
0x217: {  	v1 =	vor.u32 v38, v1;
	v6 =	vld.idx.msk [tilespmem:v16+s3+$0x0], $0xffff;
	v9 =	vand.u32 $0x7F, v9  }
0x218: {  	v42 =	vld [tilespmem:$0x1FF00];
	v9 =	vor.u32 v11, v9  }
0x219: {  	v16 =	vld [tilespmem:$0x1FF10]  }
0x21a: {  	v8 =	vld.idx.msk [tilespmem:v17+s3+$0x0], $0xffff  }
0x21b: {  	v10 =	vor.u32 v39, v0;
	v2 =	vld.idx.msk [tilespmem:v2+s3+$0x0], $0xffff  }
0x21c: {  	v11 =	vor.u32 v40, v0;
	v1 =	vld.idx.msk [tilespmem:v1+s3+$0x0], $0xffff  }
0x21d: {  	v12 =	vor.u32 v42, v0;
	[tilespmem:v9+s15+$0x0] =	vst.idx.msk $0xffff, v7;
	v9 =	vld [tilespmem:$0x1FF40]  }
0x21e: {  	v17 =	vld [tilespmem:$0x1FF20]  }
0x21f: {  	v15 =	vld [tilespmem:$0x1FF50]  }
0x220: {  	v13 =	vor.u32 v16, v0;
	[tilespmem:v10+s15+$0x0] =	vst.idx.msk $0xffff, v3;
	v10 =	vld [tilespmem:$0x1FF30]  }
0x221: {  	[tilespmem:v11+s15+$0x0] =	vst.idx.msk $0xffff, v4;
	v11 =	vld [tilespmem:$0x1FF60]  }
0x222: {  	[tilespmem:v12+s15+$0x0] =	vst.idx.msk $0xffff, v5;
	v12 =	vld [tilespmem:$0x1FF70];
	v7 =	vor.u32 v9, v0  }
0x223: {  	s23 =	sadd.s32 $0x1, s22;
	v14 =	vlaneseq.u32;
	v3 =	vor.u32 v17, v0  }
0x224: {  	v9 =	vadd.s32 s23, v14  }
0x225: {  	[tilespmem:v13+s15+$0x0] =	vst.idx.msk $0xffff, v6;
	v13 =	vld [tilespmem:$0x1FFB0];
	v0 =	vor.u32 v15, v0;
	v4 =	vand.u32 $0xF, v9  }
0x226: {  	v15 =	vld [tilespmem:$0x1FFC0];
	v5 =	vor.u32 v10, v4  }
0x227: {  	v6 =	vor.u32 v11, v9;
	[tilespmem:v7+s15+$0x0] =	vst.idx.msk $0xffff, v8;
	v7 =	vor.u32 v12, v4;
	v12 =	vld [tilespmem:$0x1FFD0]  }
0x228: {  	[tilespmem:v3+s15+$0x0] =	vst.idx.msk $0xffff, v2;
	v2 =	vld [tilespmem:$0x1FF80]  }
0x229: {  	v3 =	vld [tilespmem:$0x1FFA0]  }
0x22a: {  	[tilespmem:v0+s15+$0x0] =	vst.idx.msk $0xffff, v1;
	v0 =	vld [tilespmem:$0x1FF90]  }
0x22b: {  	v1 =	vld.idx.msk [tilespmem:v5+s3+$0x0], $0xffff  }
0x22c: {  	v10 =	vor.u32 v15, v9;
	v5 =	vld.idx.msk [tilespmem:v6+s3+$0x0], $0xffff  }
0x22d: {  	v8 =	vshll.u32 v4, $0x6;
	v6 =	vor.u32 v13, v4;
	v13 =	vld [tilespmem:$0x1FFE0]  }
0x22e: {  	v11 =	vor.u32 v14, v8;
	v14 =	vld [tilespmem:$0x1FFF0];
	v2 =	vor.u32 v2, v9  }
0x22f: {  	v0 =	vor.u32 v0, v4  }
0x230: {  	v7 =	vld.idx.msk [tilespmem:v7+s3+$0x0], $0xffff;
	v3 =	vor.u32 v3, v9  }
0x231: {  	v12 =	vor.u32 v12, v8;
	v10 =	vld.idx.msk [tilespmem:v10+s3+$0x0], $0xffff  }
0x232: {  	v13 =	vor.u32 v13, v8;
	v6 =	vld.idx.msk [tilespmem:v6+s3+$0x0], $0xffff  }
0x233: {  	v14 =	vor.u32 v14, v8;
	v2 =	vld.idx.msk [tilespmem:v2+s3+$0x0], $0xffff  }
0x234: {  	v44 =	vor.u32 v44, v8;
	v0 =	vld.idx.msk [tilespmem:v0+s3+$0x0], $0xffff  }
0x235: {  	v3 =	vld.idx.msk [tilespmem:v3+s3+$0x0], $0xffff;
	[tilespmem:v11+s15+$0x0] =	vst.idx.msk $0xffff, v1;
	v1 =	vor.u32 v45, v8  }
0x236: {  	v46 =	vor.u32 v46, v8;
	[tilespmem:v12+s15+$0x0] =	vst.idx.msk $0xffff, v5  }
0x237: {  	v47 =	vor.u32 v47, v8;
	[tilespmem:v13+s15+$0x0] =	vst.idx.msk $0xffff, v7  }
0x238: {  	[tilespmem:v14+s15+$0x0] =	vst.idx.msk $0xffff, v2;
	v2 =	vor.u32 v49, v4  }
0x239: {  	[tilespmem:v44+s15+$0x0] =	vst.idx.msk $0xffff, v0;
	v0 =	vor.u32 v50, v9  }
0x23a: {  	[tilespmem:v1+s15+$0x0] =	vst.idx.msk $0xffff, v3;
	v1 =	vor.u32 v51, v4  }
0x23b: {  	v3 =	vor.u32 v52, v9;
	[tilespmem:v46+s15+$0x0] =	vst.idx.msk $0xffff, v6  }
0x23c: {  	v52 =	vor.u32 v53, v4;
	[tilespmem:v47+s15+$0x0] =	vst.idx.msk $0xffff, v10  }
0x23d: {  	v53 =	vor.u32 v54, v9;
	v2 =	vld.idx.msk [tilespmem:v2+s3+$0x0], $0xffff  }
0x23e: {  	v54 =	vor.u32 v18, v4;
	v0 =	vld.idx.msk [tilespmem:v0+s3+$0x0], $0xffff  }
0x23f: {  	v18 =	vor.u32 v19, v9;
	v19 =	vor.u32 v48, v8;
	v1 =	vld.idx.msk [tilespmem:v1+s3+$0x0], $0xffff  }
0x240: {  	v20 =	vor.u32 v20, v8;
	v3 =	vld.idx.msk [tilespmem:v3+s3+$0x0], $0xffff  }
0x241: {  	v21 =	vor.u32 v21, v8;
	v5 =	vld.idx.msk [tilespmem:v52+s3+$0x0], $0xffff  }
0x242: {  	v22 =	vor.u32 v22, v8;
	v6 =	vld.idx.msk [tilespmem:v53+s3+$0x0], $0xffff  }
0x243: {  	v23 =	vor.u32 v23, v8;
	v7 =	vld.idx.msk [tilespmem:v54+s3+$0x0], $0xffff  }
0x244: {  	v10 =	vld.idx.msk [tilespmem:v18+s3+$0x0], $0xffff;
	[tilespmem:v19+s15+$0x0] =	vst.idx.msk $0xffff, v2;
	v2 =	vor.u32 v24, v8  }
0x245: {  	[tilespmem:v20+s15+$0x0] =	vst.idx.msk $0xffff, v0;
	v0 =	vor.u32 v25, v8  }
0x246: {  	[tilespmem:v21+s15+$0x0] =	vst.idx.msk $0xffff, v1;
	v1 =	vor.u32 v26, v8  }
0x247: {  	[tilespmem:v22+s15+$0x0] =	vst.idx.msk $0xffff, v3;
	v3 =	vor.u32 v43, v4  }
0x248: {  	v44 =	vor.u32 v28, v9;
	[tilespmem:v23+s15+$0x0] =	vst.idx.msk $0xffff, v5  }
0x249: {  	v45 =	vor.u32 v57, v9;
	v48 =	vld [tilespmem:$0x1FD50];
	[tilespmem:v2+s15+$0x0] =	vst.idx.msk $0xffff, v6  }
0x24a: {  	v46 =	vor.u32 v58, v4;
	[tilespmem:v0+s15+$0x0] =	vst.idx.msk $0xffff, v7  }
0x24b: {  	v2 =	vor.u32 v55, v4;
	[tilespmem:v1+s15+$0x0] =	vst.idx.msk $0xffff, v10  }
0x24c: {  	v0 =	vor.u32 v27, v9;
	v3 =	vld.idx.msk [tilespmem:v3+s3+$0x0], $0xffff  }
0x24d: {  	v1 =	vor.u32 v56, v4;
	v5 =	vld.idx.msk [tilespmem:v44+s3+$0x0], $0xffff  }
0x24e: {  	v47 =	vor.u32 v59, v9;
	v11 =	vor.u32 v48, v8;
	v6 =	vld.idx.msk [tilespmem:v45+s3+$0x0], $0xffff  }
0x24f: {  	v49 =	vor.u32 v60, v8;
	v7 =	vld.idx.msk [tilespmem:v46+s3+$0x0], $0xffff  }
0x250: {  	v50 =	vor.u32 v61, v8;
	v2 =	vld.idx.msk [tilespmem:v2+s3+$0x0], $0xffff  }
0x251: {  	v51 =	vor.u32 v62, v8;
	v0 =	vld.idx.msk [tilespmem:v0+s3+$0x0], $0xffff  }
0x252: {  	v52 =	vor.u32 v63, v8;
	v1 =	vld.idx.msk [tilespmem:v1+s3+$0x0], $0xffff  }
0x253: {  	v10 =	vld.idx.msk [tilespmem:v47+s3+$0x0], $0xffff;
	[tilespmem:v11+s15+$0x0] =	vst.idx.msk $0xffff, v3;
	v3 =	vor.u32 v41, v8  }
0x254: {  	v53 =	vor.u32 v29, v8;
	[tilespmem:v49+s15+$0x0] =	vst.idx.msk $0xffff, v5  }
0x255: {  	[tilespmem:v50+s15+$0x0] =	vst.idx.msk $0xffff, v2;
	v2 =	vor.u32 v30, v8  }
0x256: {  	[tilespmem:v51+s15+$0x0] =	vst.idx.msk $0xffff, v0;
	v0 =	vor.u32 v31, v4  }
0x257: {  	v54 =	vor.u32 v34, v9;
	[tilespmem:v52+s15+$0x0] =	vst.idx.msk $0xffff, v1  }
0x258: {  	v57 =	vld [tilespmem:$0x1FE50];
	v55 =	vor.u32 v36, v9;
	[tilespmem:v3+s15+$0x0] =	vst.idx.msk $0xffff, v6  }
0x259: {  	v62 =	vld [tilespmem:$0x1FF40];
	v1 =	vor.u32 v32, v9;
	[tilespmem:v53+s15+$0x0] =	vst.idx.msk $0xffff, v7  }
0x25a: {  	v63 =	vld [tilespmem:$0x1FF50];
	v3 =	vor.u32 v33, v4;
	[tilespmem:v2+s15+$0x0] =	vst.idx.msk $0xffff, v10  }
0x25b: {  	v56 =	vor.u32 v38, v9;
	v0 =	vld.idx.msk [tilespmem:v0+s3+$0x0], $0xffff  }
0x25c: {  	v2 =	vor.u32 v35, v4;
	v5 =	vld.idx.msk [tilespmem:v54+s3+$0x0], $0xffff  }
0x25d: {  	v9 =	vor.u32 v57, v8;
	v4 =	vor.u32 v37, v4;
	v6 =	vld.idx.msk [tilespmem:v55+s3+$0x0], $0xffff  }
0x25e: {  	v58 =	vor.u32 v39, v8;
	v1 =	vld.idx.msk [tilespmem:v1+s3+$0x0], $0xffff  }
0x25f: {  	v59 =	vor.u32 v40, v8;
	v3 =	vld.idx.msk [tilespmem:v3+s3+$0x0], $0xffff  }
0x260: {  	v60 =	vor.u32 v42, v8;
	v7 =	vld.idx.msk [tilespmem:v56+s3+$0x0], $0xffff  }
0x261: {  	v61 =	vor.u32 v16, v8;
	v2 =	vld.idx.msk [tilespmem:v2+s3+$0x0], $0xffff  }
0x262: {  	v4 =	vld.idx.msk [tilespmem:v4+s3+$0x0], $0xffff;
	[tilespmem:v9+s15+$0x0] =	vst.idx.msk $0xffff, v0;
	v0 =	vor.u32 v62, v8  }
0x263: {  	[tilespmem:v58+s15+$0x0] =	vst.idx.msk $0xffff, v1;
	v1 =	vor.u32 v17, v8  }
0x264: {  	p2 =	slt.u32 s22, $0xE;
	[tilespmem:v59+s15+$0x0] =	vst.idx.msk $0xffff, v3;
	v3 =	vor.u32 v63, v8  }
.Ltmp6:
0x265: {  	[tilespmem:v60+s15+$0x0] =	vst.idx.msk $0xffff, v5;
	(pc) =	sbr.rel @p2 .LBB2_9-.Ltmp6, $4  }
0x266: {  	[tilespmem:v61+s15+$0x0] =	vst.idx.msk $0xffff, v2  }
0x267: {  	[tilespmem:v0+s15+$0x0] =	vst.idx.msk $0xffff, v6  }
0x268: {  	[tilespmem:v1+s15+$0x0] =	vst.idx.msk $0xffff, v4  }
0x269: {  	s22 =	sadd.s32 $0x2, s22;
	v0 =	vld [tilespmem:$0x1FF30];
	[tilespmem:v3+s15+$0x0] =	vst.idx.msk $0xffff, v7  }
.Ltmp7:
0x26a: {  	(pc) =	sbr.rel .LBB2_11-.Ltmp7, $4  }
0x26b: {  	[hbm4b:s8+s3] =	stream.linear.scatter [tilespmem:s15], [sflag:$0x5], $0x2000, $0x38;
	[tilespmem:$0x8000] =	vst v63  }
0x26c: {  	_ =	swait.ge [sflag:s20], $0x2000  }
0x26d: {  	[sflag:s20] =	ssyncset.done $0x0  }
0x26e: {  	[sflag:s20] =	ssyncadd.s32 $0xFFFFE000  }
.LBB2_12:
0x26f: {  	_ =	sfence.sel $0x180000  }
0x270: {  	[bflag:$0x0] =	sbarrier.arrive $0xFFFF  }
0x271: {  	p0 =	sne.s32 s2, $0x0;
	_ =	strace $0x90000047  }
0x272: {  	s0 =	sadd.s32 @!p0 $0x100000, s1;
	[bflag:$0x2] =	sbarrier.arrive $0xFFFF  }
0x273: {  	[sflag:s0] =	ssyncadd.tile.s32 @!p0 $0x1;
	_ =	shalt  }
.Lfunc_end2:
_tile_overlayer_lowered:
.L_overlay_start_2:
0x274: {  	(tag) =	ssettag $0x2  }
0x275: {  	s0 =	rddreg [dreg:$0x0];
	s2 =	stileid.u32  }
0x276: {  	s1 =	rddreg [dreg:$0x1];
	p0 =	sne.s32 s2, $0x0  }
0x277: {  	s3 =	rddreg [dreg:$0x2];
	[bflag:$0x3] =	sbarrier.arrive $0xFFFF;
	s2 =	simm.s32 @!p0 $0x1C05  }
0x278: {  	[timem:s3], [sflag:s2] =	dma.local @!p0 [hbm:s0], s1  }
0x279: {  	s0 =	simm.s32 @!p0 $0x5  }
0x27a: {  	_ =	swait.ge @!p0 [sflag:s0], s1  }
0x27b: {  	s1 =	ssub.s32 @!p0 $0x0, s1;
	[sflag:s0] =	ssyncset.done @!p0 $0x0  }
0x27c: {  	[sflag:s0] =	ssyncadd.s32 @!p0 s1  }
0x27d: {  	[bflag:$0x3] =	sbarrier.arrive $0xFFFF  }
0x27e: {  	_ =	shalt  }

// kernel: kernel.7.cloned.1.call-start
scs
__scs_entry_jumppad:
0x0: {  	(pc) =	sbr.rel $0x88, $3  }
0x1: {  	(tag) =	ssettag $0x0;
	lr =	simm.s32 $0x1  }
0x2: {  	[smem:$0x3F9F] =	sst lr;
	_ =	strace $0xD0000000  }
0x3: {  	_ = 	snop  }
0x4: {  	_ = 	snop  }
0x5: {  	_ = 	snop  }
0x6: {  	_ = 	snop  }
0x7: {  	_ = 	snop  }
__scs_overlays_trampoline_lowered:
0x8: {  	[smem:$0x3FAE] =	sst s0  }
0x9: {  	[smem:$0x3FAF] =	sst s1  }
0xa: {  	[smem:$0x3FB0] =	sst s2  }
0xb: {  	[smem:$0x3FB1] =	sst s3  }
0xc: {  	[smem:$0x3FB2] =	sst s4  }
0xd: {  	[smem:$0x3FB3] =	sst s5  }
0xe: {  	[smem:$0x3FB4] =	sst s6  }
0xf: {  	[smem:$0x3FB5] =	sst s7  }
0x10: {  	[smem:$0x3FB6] =	sst s8  }
0x11: {  	[smem:$0x3FB7] =	sst s9;
	s0 =	simm.s32 @!p0 $0x0  }
0x12: {  	s1 =	sld [smem:$0x3F9D];
	s0 =	simm.s32 @p0 $0x1  }
0x13: {  	[smem:$0x3FB8] =	sst s0;
	s0 =	simm.s32 @!p1 $0x0  }
0x14: {  	s2 =	sld [smem:$0x3F9C];
	s0 =	simm.s32 @p1 $0x1  }
0x15: {  	[smem:$0x3FB9] =	sst s0;
	s0 =	simm.s32 @!p2 $0x0  }
0x16: {  	s3 =	sld [smem:$0x3FDB];
	s0 =	simm.s32 @p2 $0x1  }
0x17: {  	s4 =	simm.s32 $0x1BF5;
	[smem:$0x3FBB] =	sst s0  }
0x18: {  	s0 =	sld [smem:$0x3F9E];
	_ =	swait.ge [sflag:s4], $0x0  }
0x19: {  	s7 =	sld [smem:$0x3F9F]  }
0x1a: {  	s8 =	sadd.s32 $0xFFFFE003, lr  }
0x1b: {  	s9 =	sadd.s32 $0xFFFFFEF7, lr;
	s5 =	simm.s32 $0xFFFFFFFF;
	p2 =	slt.u32 s8, $0xFFFFF086  }
0x1c: {  	p1 =	slt.u32 s9, $0xF7A;
	s5 =	simm.s32 @!p2 $0x0  }
0x1d: {  	s5 =	simm.s32 @p1 $0x1;
	p0 =	seq.s32 s7, s2  }
0x1e: {  	s7 =	smul.u32 @!p0 $0xF7A, s2;
	p2 =	seq.s32 @!p0 s5, $0x0  }
0x1f: {  	s9 =	smul.u32 $0xF7A, s1;
	s8 =	simm.s32 @!p0 $0x1BF5;
	p2 =	por !p2, p0  }
0x20: {  	[sflag:s8] =	ssyncset.s32 @!p0 $0xFFFFF086;
	s6 =	sadd.s32 @!p0 s3, s7;
	s7 =	simm.s32 @!p0 $0x108  }
0x21: {  	s3 =	sadd.s32 s3, s9;
	s6 =	sadd.s32 @!p0 $0x88, s6;
	s7 =	simm.s32 @p2 $0x1082  }
0x22: {  	[simem:s7], [sflag:s8] =	dma.local @!p0 [hbm:s6], $0xF7A  }
0x23: {  	s9 =	sor.u32 $0xD0000000, s2;
	s6 =	simm.s32 $0x108;
	_ =	swait.ge @!p0 [sflag:s8], $0x0  }
0x24: {  	s3 =	sadd.s32 $0x88, s3;
	s6 =	simm.s32 @!p1 $0x1082;
	[sflag:s4] =	ssyncset.s32 $0xFFFFF086  }
0x25: {  	[simem:s6], [sflag:s4] =	dma.local [hbm:s3], $0xF7A  }
0x26: {  	[smem:$0x3F9F] =	sst s1;
	(tag) =	ssettag s2;
	_ =	strace s9  }
0x27: {  	s1 =	sld [smem:$0x3FAF]  }
0x28: {  	s2 =	sld [smem:$0x3FB0]  }
0x29: {  	s4 =	sld [smem:$0x3FB2]  }
0x2a: {  	p0 =	seq.s32 s5, $0x0;
	s5 =	sld [smem:$0x3FB3]  }
0x2b: {  	s6 =	sld [smem:$0x3FB4]  }
0x2c: {  	s7 =	sld [smem:$0x3FB5]  }
0x2d: {  	s3 =	simm.s32 $0x108;
	s8 =	sld [smem:$0x3FB6]  }
0x2e: {  	s3 =	simm.s32 @!p0 $0x1082;
	s9 =	sld [smem:$0x3FB7]  }
0x2f: {  	lr =	sadd.s32 s0, s3;
	s0 =	sld [smem:$0x3FAE]  }
0x30: {  	s3 =	sld [smem:$0x3FB1]  }
0x31: {  	[smem:$0x3FBA] =	sst s10  }
0x32: {  	s10 =	sld [smem:$0x3FB8];
	_ =	sdelay $0x3  }
0x33: {  	p0 =	seq.s32 s10, $0x1;
	s10 =	sld [smem:$0x3FBA];
	_ =	sdelay $0x3  }
0x34: {  	[smem:$0x3FBA] =	sst s10  }
0x35: {  	s10 =	sld [smem:$0x3FB9];
	_ =	sdelay $0x3  }
0x36: {  	p1 =	seq.s32 s10, $0x1;
	s10 =	sld [smem:$0x3FBA];
	_ =	sdelay $0x3  }
0x37: {  	[smem:$0x3FBA] =	sst s10  }
0x38: {  	s10 =	sld [smem:$0x3FBB]  }
0x39: {  	_ = 	snop;
	(pc) =	sbr.ind lr, $3  }
0x3a: {  	_ = 	snop  }
0x3b: {  	_ = 	snop  }
0x3c: {  	p2 =	seq.s32 s10, $0x1;
	s10 =	sld [smem:$0x3FBA]  }
0x3d: {  	_ =	shalt  }
0x3e: {  	_ =	shalt  }
0x3f: {  	_ =	shalt  }
0x40: {  	_ =	shalt  }
0x41: {  	_ =	shalt  }
0x42: {  	_ =	shalt  }
0x43: {  	_ =	shalt  }
0x44: {  	_ =	shalt  }
0x45: {  	_ =	shalt  }
0x46: {  	_ =	shalt  }
0x47: {  	_ =	shalt  }
0x48: {  	_ =	shalt  }
0x49: {  	_ =	shalt  }
0x4a: {  	_ =	shalt  }
0x4b: {  	_ =	shalt  }
0x4c: {  	_ =	shalt  }
0x4d: {  	_ =	shalt  }
0x4e: {  	_ =	shalt  }
0x4f: {  	_ =	shalt  }
0x50: {  	_ =	shalt  }
0x51: {  	_ =	shalt  }
0x52: {  	_ =	shalt  }
0x53: {  	_ =	shalt  }
0x54: {  	_ =	shalt  }
0x55: {  	_ =	shalt  }
0x56: {  	_ =	shalt  }
0x57: {  	_ =	shalt  }
0x58: {  	_ =	shalt  }
0x59: {  	_ =	shalt  }
0x5a: {  	_ =	shalt  }
0x5b: {  	_ =	shalt  }
0x5c: {  	_ =	shalt  }
0x5d: {  	_ =	shalt  }
0x5e: {  	_ =	shalt  }
0x5f: {  	_ =	shalt  }
0x60: {  	_ =	shalt  }
0x61: {  	_ =	shalt  }
0x62: {  	_ =	shalt  }
0x63: {  	_ =	shalt  }
0x64: {  	_ =	shalt  }
0x65: {  	_ =	shalt  }
0x66: {  	_ =	shalt  }
0x67: {  	_ =	shalt  }
0x68: {  	_ =	shalt  }
0x69: {  	_ =	shalt  }
0x6a: {  	_ =	shalt  }
0x6b: {  	_ =	shalt  }
0x6c: {  	_ =	shalt  }
0x6d: {  	_ =	shalt  }
0x6e: {  	_ =	shalt  }
0x6f: {  	_ =	shalt  }
0x70: {  	_ =	shalt  }
0x71: {  	_ =	shalt  }
0x72: {  	_ =	shalt  }
0x73: {  	_ =	shalt  }
0x74: {  	_ =	shalt  }
0x75: {  	_ =	shalt  }
0x76: {  	_ =	shalt  }
0x77: {  	_ =	shalt  }
0x78: {  	_ =	shalt  }
0x79: {  	_ =	shalt  }
0x7a: {  	_ =	shalt  }
0x7b: {  	_ =	shalt  }
0x7c: {  	_ =	shalt  }
0x7d: {  	_ =	shalt  }
0x7e: {  	_ =	shalt  }
0x7f: {  	_ =	shalt  }
0x80: {  	_ =	shalt  }
0x81: {  	_ =	shalt  }
0x82: {  	_ =	shalt  }
0x83: {  	_ =	shalt  }
0x84: {  	_ =	shalt  }
0x85: {  	_ =	shalt  }
0x86: {  	_ =	shalt  }
0x87: {  	_ =	shalt  }
.Lfunc_end0:
.L_simem_size_0:
called_computation.1_lowered:
.L_overlay_start_0:
0x88: {  	s2 =	sld [smem:$0x3FD9]  }
0x89: {  	s3 =	sld [smem:$0x3FFE];
	_ =	sdelay $0x1  }
0x8a: {  	s1 =	srdreg.scid  }
0x8b: {  	s0 =	sand.u32 $0x1, s1  }
0x8c: {  	s17 =	sshll.u32 s0, $0xA;
	s2 =	sadd.s32 s3, s2  }
0x8d: {  	s2 =	sadd.s32 s2, s17  }
0x8e: {  	[smem:$0x3FC6] =	sst s2  }
0x8f: {  	_ = 	snop  }
0x90: {  	s2 =	sld [smem:$0x3FD0];
	(tm) =	ssettm $0x1  }
0x91: {  	s18 =	sld [smem:$0x3FFB];
	_ =	sdelay $0x3  }
0x92: {  	_ =	strace s18  }
0x93: {  	s3 =	sld [smem:$0x3FFC];
	_ =	sdelay $0x3  }
0x94: {  	_ =	strace s3  }
0x95: {  	s3 =	sld [smem:$0x3FFD];
	_ =	sdelay $0x3  }
0x96: {  	_ =	strace s3  }
0x97: {  	_ =	strace $0x8FFFFFFF  }
0x98: {  	s19 =	sld [smem:$0x3FDB];
	_ =	sdelay $0x1  }
0x99: {  	s4 =	simm.s32 $_scs_section_size  }
0x9a: {  	s5 =	simm.s32 $_size__tile_overlayer_lowered;
	s6 =	simm.s32 $_tile_overlayer_lowered  }
0x9b: {  	s22 =	simm.s32 $0x1BFF;
	s21 =	sshll.u32 s6, $0x1;
	s3 =	sadd.s32 s4, s19  }
0x9c: {  	s7 =	simm.s32 $0x0;
	s20 =	sshll.u32 s5, $0x1;
	s5 =	sadd.s32 s21, s3  }
0x9d: {  	[timem:s7], [sflag:s22] =	dma.local [hbm:s5], s20  }
0x9e: {  	_ =	swait.ge [sflag:s22], s20  }
0x9f: {  	s4 =	ssub.s32 $0x0, s20;
	[sflag:s22] =	ssyncset.done $0x0  }
0xa0: {  	[sflag:s22] =	ssyncadd.s32 s4;
	_ =	sdelay $0x1  }
0xa1: {  	s23 =	simm.s32 $0x1B8B  }
0xa2: {  	_ =	swait.ge [sflag:s23], $0x1  }
0xa3: {  	[sflag:s23] =	ssyncset.done $0x0  }
0xa4: {  	s25 =	simm.s32 $0x1B8E;
	s24 =	sld [smem:$0x3FFE];
	[sflag:s23] =	ssyncadd.s32 $0xFFFFFFFF  }
0xa5: {  	s26 =	simm.s32 $execute0_lowered;
	[smem:$0x3FD2] =	sst s25  }
0xa6: {  	s5 =	sshll.u32 s26, $0x1;
	_ =	strace $0x80000049;
	[dreg:$0x1] =	wrdreg $0xFFFFFFFF  }
0xa7: {  	s28 =	simm.s32 $_size_execute0_lowered;
	s3 =	sadd.s32 s3, s5;
	[dreg:$0x0] =	wrdreg $0x0  }
0xa8: {  	s5 =	sshll.u32 s28, $0x1;
	[dreg:$0x2] =	wrdreg s3  }
0xa9: {  	[dreg:$0x3] =	wrdreg s5  }
0xaa: {  	[dreg:$0x4] =	wrdreg $0xC0  }
0xab: {  	_ =	task [dreg:s7], $0x5FFFF  }
0xac: {  	[dreg:$0x1] =	wrdreg $0xFFFFFFFF  }
0xad: {  	[dreg:$0x0] =	wrdreg $0x60  }
0xae: {  	[dreg:$0x2] =	wrdreg s24  }
0xaf: {  	[dreg:$0x3] =	wrdreg s2  }
0xb0: {  	[dreg:$0x4] =	wrdreg $0x9  }
0xb1: {  	_ =	task.clear_ibuf [dreg:s7], $0x5FFFF;
	_ =	strace $0x90000049  }
0xb2: {  	s29 =	simm.s32 $0x9;
	_ =	strace $0x8000004B  }
0xb3: {  	_ =	swait.ge [sflag:s29], $0x1  }
0xb4: {  	[sflag:s29] =	ssyncadd.s32 $0xFFFFFFFF  }
0xb5: {  	_ =	strace $0x9000004B  }
0xb6: {  	_ =	sfence  }
0xb7: {  	s30 =	sld [smem:$0x0];
	_ =	sdelay $0x2  }
0xb8: {  	s31 =	sshll.u32 s1, $0xD;
	s1 =	sshrl.u32 s1, $0x2  }
0xb9: {  	s3 =	sand.u32 $0x4000, s31;
	s1 =	sadd.s32 s1, s30  }
0xba: {  	s0 =	sor.u32 s3, s0;
	s1 =	sshll.u32 s1, $0x11  }
0xbb: {  	s0 =	sor.u32 s1, s0  }
0xbc: {  	s0 =	sadd.s32 $0x8F2B, s0  }
0xbd: {  	[sflag:s0] =	ssyncadd.remote.s32 $0x1  }
0xbe: {  	_ =	sfence.sel $0xFFFF  }
0xbf: {  	[dreg:$0x0] =	wrdreg $0xFFFFFFFF;
	(pc) =	sbr.abs _section_cstart, $3  }
0xc0: {  	[dreg:$0x1] =	wrdreg $0xFFFFFFFF  }
0xc1: {  	_ =	task.clear_ibuf [dreg:s7], $0x2FFFF;
	_ =	strace $0x9FFFFFFF  }
0xc2: {  	(tm) =	ssettm $0x7FFFFFFF  }
0xc3: {  	_ =	shalt  }
tec
execute0_lowered:
.L_overlay_start_1:
0x0: {  	(tag) =	ssettag $0x1  }
0x1: {  	s4 =	rddreg [dreg:$0x0]  }
0x2: {  	s2 =	rddreg [dreg:$0x1]  }
0x3: {  	s0 =	rddreg [dreg:$0x2];
	s5 =	srdreg.scid  }
0x4: {  	s1 =	stileid.u32;
	s3 =	simm.s32 $0x0;
	s9 =	simm.s32 $0x1000  }
0x5: {  	s10 =	simm.s32 $0x5;
	s11 =	simm.s32 $0x6400;
	s12 =	simm.s32 $0x8400  }
0x6: {  	s13 =	simm.s32 $0x1;
	s14 =	simm.s32 $0xA400;
	s15 =	simm.s32 $0x400  }
0x7: {  	v0 =	vlaneseq.u32;
	s16 =	simm.s32 $0x8000;
	s17 =	simm.s32 $0x2;
	s18 =	simm.s32 $0x4  }
0x8: {  	s19 =	simm.s32 $0xC400;
	s20 =	simm.s32 $0x3;
	s21 =	simm.s32 $0x0;
	v1 =	vmul.u32 $0x40, v0;
	v9 =	vshrl.u32 v0, $0x3;
	v10 =	vand.u32 $0x7, v0  }
0x9: {  	s5 =	sand.u32 $0x1, s5;
	s6 =	sshll.u32 s1, $0x1;
	[smem:$0x7FF] =	sst s3;
	v11 =	vor.u32 $0x10, v0;
	v12 =	vor.u32 $0x20, v0;
	v13 =	vor.u32 $0x30, v0  }
0xa: {  	v14 =	vor.u32 $0x40, v0;
	v15 =	vor.u32 $0x50, v0;
	v16 =	vor.u32 $0x60, v0;
	s6 =	sor.u32 s5, s6;
	_ =	strace $0x8000004A;
	s5 =	ssub.s32 $0x2, s5  }
0xb: {  	v17 =	vor.u32 $0x70, v0;
	v9 =	vmul.u32 $0x8, v9;
	s7 =	sshll.u32 s6, $0x4;
	s8 =	sshrl.u32 s5, $0x1;
	s6 =	sshll.u32 s6, $0xA;
	v2 =	vor.u32 $0x400, v1  }
0xc: {  	v3 =	vor.u32 $0x800, v1;
	v4 =	vor.u32 $0xC00, v1;
	v5 =	vor.u32 $0x1000, v1;
	s7 =	sadd.s32 s7, s4;
	s4 =	sadd.s32 $0xA00, s4;
	s8 =	ssub.s32 s5, s8  }
0xd: {  	v6 =	vor.u32 $0x1400, v1;
	v7 =	vor.u32 $0x1800, v1;
	v8 =	vor.u32 $0x1C00, v1;
	s5 =	sadd.s32 $0x7A1C00, s7;
	s7 =	smax.u32 s8, $0x1;
	s8 =	simm.s32 $0x80  }
.LBB2_1:
0xe: {  	[tilespmem:s3], [sflag:$0x5] =	stream.strided.gather [hbm4b:s5+s8], $0x6400, s9, s8, $0x38;
	[tilespmem:$0xE400] =	vst v63  }
0xf: {  	_ =	swait.ge [sflag:s10], $0x6400  }
0x10: {  	[sflag:s10] =	ssyncset.done $0x0  }
0x11: {  	s22 =	simm.s32 $0x0;
	[sflag:s10] =	ssyncadd.s32 $0xFFFF9C00  }
0x12: {  	[tilespmem:s11], [sflag:$0x1] =	stream.indirect.gather [hbm4b:s4+s8], $0x40, s3, s8, $0xb8;
	[tilespmem:$0xE400] =	vst v63  }
.LBB2_2:
0x13: {  	s23 =	sshllo.u32 s22, $0x1  }
0x14: {  	s24 =	sshll.u32 s23, $0x7  }
0x15: {  	s24 =	sand.u32 $0x3FFFFF80, s24  }
0x16: {  	[tilespmem:s12], [sflag:$0x2] =	stream.indirect.gather [hbm4b:s4+s8], $0x40, s24, s8, $0xb8;
	[tilespmem:$0xE400] =	vst v63  }
0x17: {  	_ =	swait.ge [sflag:s13], $0x2000  }
0x18: {  	p0 =	seq.s32 s22, $0x0;
	[sflag:s13] =	ssyncset.done $0x0  }
0x19: {  	s24 =	simm.s32 @!p0 $0x3;
	[sflag:s13] =	ssyncadd.s32 $0xFFFFE000  }
0x1a: {  	_ =	swait.ge @!p0 [sflag:s24], $0x2000  }
0x1b: {  	[sflag:s24] =	ssyncset.done @!p0 $0x0  }
0x1c: {  	[sflag:s24] =	ssyncadd.s32 @!p0 $0xFFFFE000;
	s24 =	simm.s32 $0x0  }
.LBB2_3:
0x1d: {  	v19 =	vadd.s32 s24, v0  }
0x1e: {  	v20 =	vand.u32 $0xF, v19  }
0x1f: {  	v18 =	vor.u32 v1, v20  }
0x20: {  	v21 =	vor.u32 v2, v20  }
0x21: {  	v22 =	vor.u32 v3, v20  }
0x22: {  	v24 =	vshll.u32 v19, $0x7;
	v23 =	vor.u32 v4, v20;
	v25 =	vor.u32 v5, v20  }
0x23: {  	v26 =	vand.u32 $0x380, v24;
	v28 =	vor.u32 v6, v20;
	v29 =	vor.u32 v7, v20  }
0x24: {  	v30 =	vor.u32 v8, v20;
	v31 =	vand.u32 $0x400, v24;
	v62 =	vor.u32 v11, v24;
	v27 =	vld.idx.msk [tilespmem:v18+s11+$0x0], $0xffff  }
0x25: {  	v33 =	vor.u32 v12, v24;
	v61 =	vor.u32 v10, v31;
	v21 =	vld.idx.msk [tilespmem:v21+s11+$0x0], $0xffff;
	v18 =	vor.u32 v9, v26  }
0x26: {  	v35 =	vor.u32 v13, v24;
	v31 =	vand.u32 $0x398, v62;
	v22 =	vld.idx.msk [tilespmem:v22+s11+$0x0], $0xffff;
	v32 =	vor.u32 v18, v61  }
0x27: {  	v37 =	vor.u32 v14, v24;
	v33 =	vand.u32 $0x3A8, v33;
	v34 =	vor.u32 v31, v61;
	v23 =	vld.idx.msk [tilespmem:v23+s11+$0x0], $0xffff  }
0x28: {  	v39 =	vor.u32 v15, v24;
	v35 =	vand.u32 $0x3B8, v35;
	v36 =	vor.u32 v33, v61;
	v25 =	vld.idx.msk [tilespmem:v25+s11+$0x0], $0xffff  }
0x29: {  	v41 =	vor.u32 v16, v24;
	v37 =	vand.u32 $0x3C8, v37;
	v38 =	vor.u32 v35, v61;
	v28 =	vld.idx.msk [tilespmem:v28+s11+$0x0], $0xffff  }
0x2a: {  	v24 =	vor.u32 v17, v24;
	v39 =	vand.u32 $0x3D8, v39;
	v40 =	vor.u32 v37, v61;
	v29 =	vld.idx.msk [tilespmem:v29+s11+$0x0], $0xffff  }
0x2b: {  	v63 =	vor.u32 v39, v61;
	v30 =	vld.idx.msk [tilespmem:v30+s11+$0x0], $0xffff;
	[tilespmem:v32+s14+$0x0] =	vst.idx.msk $0xffff, v27;
	v32 =	vand.u32 $0x3E8, v41  }
0x2c: {  	v43 =	vor.u32 $0x10, v19;
	v24 =	vand.u32 $0x3F8, v24;
	[tilespmem:v34+s14+$0x0] =	vst.idx.msk $0xffff, v21;
	v42 =	vor.u32 v32, v61  }
0x2d: {  	v45 =	vand.u32 $0x1F, v43;
	v44 =	vor.u32 v24, v61;
	[tilespmem:v36+s14+$0x0] =	vst.idx.msk $0xffff, v22  }
0x2e: {  	v46 =	vor.u32 v1, v45;
	[tilespmem:v38+s14+$0x0] =	vst.idx.msk $0xffff, v23  }
0x2f: {  	v47 =	vor.u32 v2, v45;
	[tilespmem:v40+s14+$0x0] =	vst.idx.msk $0xffff, v25  }
0x30: {  	v48 =	vor.u32 v3, v45;
	[tilespmem:v63+s14+$0x0] =	vst.idx.msk $0xffff, v28  }
0x31: {  	v49 =	vor.u32 v4, v45;
	[tilespmem:v42+s14+$0x0] =	vst.idx.msk $0xffff, v29  }
0x32: {  	v52 =	vshll.u32 v43, $0x7;
	v50 =	vor.u32 v5, v45;
	[tilespmem:v44+s14+$0x0] =	vst.idx.msk $0xffff, v30  }
0x33: {  	v51 =	vor.u32 v6, v45;
	v29 =	vand.u32 $0xC00, v52;
	v23 =	vld.idx.msk [tilespmem:v46+s11+$0x0], $0xffff  }
0x34: {  	v53 =	vor.u32 v7, v45;
	v29 =	vor.u32 v10, v29;
	v25 =	vld.idx.msk [tilespmem:v47+s11+$0x0], $0xffff  }
0x35: {  	v26 =	vor.u32 v8, v45;
	v27 =	vld.idx.msk [tilespmem:v48+s11+$0x0], $0xffff;
	v54 =	vor.u32 v18, v29  }
0x36: {  	v21 =	vld.idx.msk [tilespmem:v49+s11+$0x0], $0xffff;
	v55 =	vor.u32 v31, v29  }
0x37: {  	v22 =	vld.idx.msk [tilespmem:v50+s11+$0x0], $0xffff;
	v56 =	vor.u32 v33, v29  }
0x38: {  	v28 =	vld.idx.msk [tilespmem:v51+s11+$0x0], $0xffff;
	v57 =	vor.u32 v35, v29  }
0x39: {  	v30 =	vld.idx.msk [tilespmem:v53+s11+$0x0], $0xffff;
	v58 =	vor.u32 v37, v29  }
0x3a: {  	v20 =	vor.u32 $0x20, v20;
	v26 =	vld.idx.msk [tilespmem:v26+s11+$0x0], $0xffff;
	v59 =	vor.u32 v39, v29;
	[tilespmem:v54+s14+$0x0] =	vst.idx.msk $0xffff, v23  }
0x3b: {  	v60 =	vand.u32 $0x7, v19;
	v62 =	vand.u32 $0x28, v20;
	v61 =	vor.u32 v32, v29;
	[tilespmem:v55+s14+$0x0] =	vst.idx.msk $0xffff, v25  }
0x3c: {  	v38 =	vor.u32 v60, v62;
	v63 =	vor.u32 v24, v29;
	[tilespmem:v56+s14+$0x0] =	vst.idx.msk $0xffff, v27  }
0x3d: {  	v40 =	vor.u32 v1, v38;
	[tilespmem:v57+s14+$0x0] =	vst.idx.msk $0xffff, v21  }
0x3e: {  	v41 =	vor.u32 v2, v38;
	[tilespmem:v58+s14+$0x0] =	vst.idx.msk $0xffff, v22  }
0x3f: {  	v42 =	vor.u32 v3, v38;
	[tilespmem:v59+s14+$0x0] =	vst.idx.msk $0xffff, v28  }
0x40: {  	v43 =	vor.u32 v4, v38;
	[tilespmem:v61+s14+$0x0] =	vst.idx.msk $0xffff, v30  }
0x41: {  	v20 =	vshll.u32 v20, $0x7;
	v44 =	vor.u32 v5, v38;
	[tilespmem:v63+s14+$0x0] =	vst.idx.msk $0xffff, v26  }
0x42: {  	v20 =	vand.u32 $0x1400, v20;
	v45 =	vor.u32 v6, v38;
	v21 =	vld.idx.msk [tilespmem:v40+s11+$0x0], $0xffff  }
0x43: {  	v20 =	vor.u32 v10, v20;
	v46 =	vor.u32 v7, v38;
	v22 =	vld.idx.msk [tilespmem:v41+s11+$0x0], $0xffff  }
0x44: {  	v29 =	vor.u32 v8, v38;
	v47 =	vor.u32 v18, v20;
	v23 =	vld.idx.msk [tilespmem:v42+s11+$0x0], $0xffff  }
0x45: {  	v48 =	vor.u32 v31, v20;
	v25 =	vld.idx.msk [tilespmem:v43+s11+$0x0], $0xffff  }
0x46: {  	v49 =	vor.u32 v33, v20;
	v26 =	vld.idx.msk [tilespmem:v44+s11+$0x0], $0xffff  }
0x47: {  	v50 =	vor.u32 v35, v20;
	v27 =	vld.idx.msk [tilespmem:v45+s11+$0x0], $0xffff  }
0x48: {  	v51 =	vor.u32 v37, v20;
	v28 =	vld.idx.msk [tilespmem:v46+s11+$0x0], $0xffff  }
0x49: {  	v52 =	vor.u32 v39, v20;
	v29 =	vld.idx.msk [tilespmem:v29+s11+$0x0], $0xffff;
	[tilespmem:v47+s14+$0x0] =	vst.idx.msk $0xffff, v21  }
0x4a: {  	v19 =	vor.u32 $0x30, v19;
	v53 =	vor.u32 v32, v20;
	[tilespmem:v48+s14+$0x0] =	vst.idx.msk $0xffff, v22  }
0x4b: {  	v20 =	vor.u32 v24, v20;
	v54 =	vand.u32 $0x3F, v19;
	[tilespmem:v49+s14+$0x0] =	vst.idx.msk $0xffff, v23  }
0x4c: {  	v55 =	vor.u32 v1, v54;
	[tilespmem:v50+s14+$0x0] =	vst.idx.msk $0xffff, v25  }
0x4d: {  	v56 =	vor.u32 v2, v54;
	[tilespmem:v51+s14+$0x0] =	vst.idx.msk $0xffff, v26  }
0x4e: {  	v57 =	vor.u32 v3, v54;
	[tilespmem:v52+s14+$0x0] =	vst.idx.msk $0xffff, v27  }
0x4f: {  	v58 =	vor.u32 v4, v54;
	[tilespmem:v53+s14+$0x0] =	vst.idx.msk $0xffff, v28  }
0x50: {  	v19 =	vshll.u32 v19, $0x7;
	v59 =	vor.u32 v5, v54;
	[tilespmem:v20+s14+$0x0] =	vst.idx.msk $0xffff, v29  }
0x51: {  	v60 =	vor.u32 v6, v54;
	v19 =	vand.u32 $0x1C00, v19;
	v25 =	vld.idx.msk [tilespmem:v55+s11+$0x0], $0xffff  }
0x52: {  	v62 =	vor.u32 v10, v19;
	v61 =	vor.u32 v7, v54;
	v26 =	vld.idx.msk [tilespmem:v56+s11+$0x0], $0xffff  }
0x53: {  	v18 =	vor.u32 v18, v62;
	v23 =	vor.u32 v8, v54;
	v21 =	vld.idx.msk [tilespmem:v57+s11+$0x0], $0xffff  }
0x54: {  	v19 =	vor.u32 v31, v62;
	v22 =	vld.idx.msk [tilespmem:v58+s11+$0x0], $0xffff  }
0x55: {  	v63 =	vor.u32 v33, v62;
	v20 =	vld.idx.msk [tilespmem:v59+s11+$0x0], $0xffff  }
0x56: {  	v36 =	vor.u32 v35, v62;
	v27 =	vld.idx.msk [tilespmem:v60+s11+$0x0], $0xffff  }
0x57: {  	v38 =	vor.u32 v37, v62;
	v28 =	vld.idx.msk [tilespmem:v61+s11+$0x0], $0xffff  }
0x58: {  	v23 =	vld.idx.msk [tilespmem:v23+s11+$0x0], $0xffff;
	[tilespmem:v18+s14+$0x0] =	vst.idx.msk $0xffff, v25;
	v18 =	vor.u32 v39, v62  }
0x59: {  	s25 =	sadd.s32 $0x1, s24;
	[tilespmem:v19+s14+$0x0] =	vst.idx.msk $0xffff, v26  }
0x5a: {  	v39 =	vor.u32 v32, v62;
	v19 =	vadd.s32 s25, v0;
	[tilespmem:v63+s14+$0x0] =	vst.idx.msk $0xffff, v21  }
0x5b: {  	v40 =	vor.u32 v24, v62;
	v24 =	vand.u32 $0xF, v19;
	[tilespmem:v36+s14+$0x0] =	vst.idx.msk $0xffff, v22  }
0x5c: {  	v41 =	vor.u32 v1, v24;
	[tilespmem:v38+s14+$0x0] =	vst.idx.msk $0xffff, v20  }
0x5d: {  	[tilespmem:v18+s14+$0x0] =	vst.idx.msk $0xffff, v27;
	v18 =	vor.u32 v3, v24  }
0x5e: {  	v42 =	vor.u32 v2, v24  }
0x5f: {  	v44 =	vshll.u32 v19, $0x7;
	v43 =	vor.u32 v4, v24;
	v45 =	vor.u32 v5, v24;
	[tilespmem:v39+s14+$0x0] =	vst.idx.msk $0xffff, v28  }
0x60: {  	v46 =	vand.u32 $0x380, v44;
	v47 =	vor.u32 v6, v24;
	v48 =	vor.u32 v7, v24;
	[tilespmem:v40+s14+$0x0] =	vst.idx.msk $0xffff, v23  }
0x61: {  	v49 =	vor.u32 v8, v24;
	v50 =	vand.u32 $0x400, v44;
	v52 =	vor.u32 v11, v44;
	v22 =	vld.idx.msk [tilespmem:v41+s11+$0x0], $0xffff  }
0x62: {  	v54 =	vor.u32 v12, v44;
	v51 =	vor.u32 v10, v50;
	v31 =	vld.idx.msk [tilespmem:v18+s11+$0x0], $0xffff;
	v18 =	vor.u32 v9, v46  }
0x63: {  	v56 =	vor.u32 v13, v44;
	v30 =	vand.u32 $0x398, v52;
	v20 =	vld.idx.msk [tilespmem:v42+s11+$0x0], $0xffff;
	v53 =	vor.u32 v18, v51  }
0x64: {  	v58 =	vor.u32 v14, v44;
	v33 =	vand.u32 $0x3A8, v54;
	v55 =	vor.u32 v30, v51;
	v25 =	vld.idx.msk [tilespmem:v43+s11+$0x0], $0xffff  }
0x65: {  	v60 =	vor.u32 v15, v44;
	v35 =	vand.u32 $0x3B8, v56;
	v57 =	vor.u32 v33, v51;
	v23 =	vld.idx.msk [tilespmem:v45+s11+$0x0], $0xffff  }
0x66: {  	v62 =	vor.u32 v16, v44;
	v37 =	vand.u32 $0x3C8, v58;
	v59 =	vor.u32 v35, v51;
	v27 =	vld.idx.msk [tilespmem:v47+s11+$0x0], $0xffff  }
0x67: {  	v21 =	vor.u32 v17, v44;
	v61 =	vor.u32 v37, v51;
	v39 =	vand.u32 $0x3D8, v60;
	v28 =	vld.idx.msk [tilespmem:v48+s11+$0x0], $0xffff  }
0x68: {  	v32 =	vand.u32 $0x3E8, v62;
	v63 =	vor.u32 v39, v51;
	v29 =	vld.idx.msk [tilespmem:v49+s11+$0x0], $0xffff;
	[tilespmem:v53+s14+$0x0] =	vst.idx.msk $0xffff, v22  }
0x69: {  	v21 =	vand.u32 $0x3F8, v21;
	v42 =	vor.u32 v32, v51;
	v43 =	vor.u32 $0x10, v19;
	[tilespmem:v55+s14+$0x0] =	vst.idx.msk $0xffff, v20  }
0x6a: {  	v26 =	vor.u32 v21, v51;
	v44 =	vand.u32 $0x1F, v43;
	[tilespmem:v57+s14+$0x0] =	vst.idx.msk $0xffff, v31  }
0x6b: {  	v45 =	vor.u32 v1, v44;
	[tilespmem:v59+s14+$0x0] =	vst.idx.msk $0xffff, v25  }
0x6c: {  	v46 =	vor.u32 v2, v44;
	[tilespmem:v61+s14+$0x0] =	vst.idx.msk $0xffff, v23  }
0x6d: {  	v47 =	vor.u32 v3, v44;
	[tilespmem:v63+s14+$0x0] =	vst.idx.msk $0xffff, v27  }
0x6e: {  	v48 =	vor.u32 v4, v44;
	[tilespmem:v42+s14+$0x0] =	vst.idx.msk $0xffff, v28  }
0x6f: {  	v49 =	vor.u32 v5, v44;
	v51 =	vshll.u32 v43, $0x7;
	[tilespmem:v26+s14+$0x0] =	vst.idx.msk $0xffff, v29  }
0x70: {  	v50 =	vor.u32 v6, v44;
	v28 =	vand.u32 $0xC00, v51;
	v25 =	vld.idx.msk [tilespmem:v45+s11+$0x0], $0xffff  }
0x71: {  	v52 =	vor.u32 v7, v44;
	v28 =	vor.u32 v10, v28;
	v23 =	vld.idx.msk [tilespmem:v46+s11+$0x0], $0xffff  }
0x72: {  	v31 =	vor.u32 v8, v44;
	v22 =	vld.idx.msk [tilespmem:v47+s11+$0x0], $0xffff;
	v53 =	vor.u32 v18, v28  }
0x73: {  	v20 =	vld.idx.msk [tilespmem:v48+s11+$0x0], $0xffff;
	v54 =	vor.u32 v30, v28  }
0x74: {  	v26 =	vld.idx.msk [tilespmem:v49+s11+$0x0], $0xffff;
	v55 =	vor.u32 v33, v28  }
0x75: {  	v27 =	vld.idx.msk [tilespmem:v50+s11+$0x0], $0xffff;
	v56 =	vor.u32 v35, v28  }
0x76: {  	v29 =	vld.idx.msk [tilespmem:v52+s11+$0x0], $0xffff;
	v57 =	vor.u32 v37, v28  }
0x77: {  	v24 =	vor.u32 $0x20, v24;
	v31 =	vld.idx.msk [tilespmem:v31+s11+$0x0], $0xffff;
	v58 =	vor.u32 v39, v28;
	[tilespmem:v53+s14+$0x0] =	vst.idx.msk $0xffff, v25  }
0x78: {  	v59 =	vand.u32 $0x7, v19;
	v61 =	vand.u32 $0x28, v24;
	v60 =	vor.u32 v32, v28;
	[tilespmem:v54+s14+$0x0] =	vst.idx.msk $0xffff, v23  }
0x79: {  	v63 =	vor.u32 v59, v61;
	v62 =	vor.u32 v21, v28;
	[tilespmem:v55+s14+$0x0] =	vst.idx.msk $0xffff, v22  }
0x7a: {  	v34 =	vor.u32 v1, v63;
	[tilespmem:v56+s14+$0x0] =	vst.idx.msk $0xffff, v20  }
0x7b: {  	v36 =	vor.u32 v2, v63;
	[tilespmem:v57+s14+$0x0] =	vst.idx.msk $0xffff, v26  }
0x7c: {  	v38 =	vor.u32 v3, v63;
	[tilespmem:v58+s14+$0x0] =	vst.idx.msk $0xffff, v27  }
0x7d: {  	v40 =	vor.u32 v4, v63;
	[tilespmem:v60+s14+$0x0] =	vst.idx.msk $0xffff, v29  }
0x7e: {  	v24 =	vshll.u32 v24, $0x7;
	v41 =	vor.u32 v5, v63;
	[tilespmem:v62+s14+$0x0] =	vst.idx.msk $0xffff, v31  }
0x7f: {  	v24 =	vand.u32 $0x1400, v24;
	v42 =	vor.u32 v6, v63;
	v20 =	vld.idx.msk [tilespmem:v34+s11+$0x0], $0xffff  }
0x80: {  	v43 =	vor.u32 v7, v63;
	v24 =	vor.u32 v10, v24;
	v26 =	vld.idx.msk [tilespmem:v36+s11+$0x0], $0xffff  }
0x81: {  	v44 =	vor.u32 v18, v24;
	v28 =	vor.u32 v8, v63;
	v25 =	vld.idx.msk [tilespmem:v38+s11+$0x0], $0xffff  }
0x82: {  	v45 =	vor.u32 v30, v24;
	v23 =	vld.idx.msk [tilespmem:v40+s11+$0x0], $0xffff  }
0x83: {  	v46 =	vor.u32 v33, v24;
	v22 =	vld.idx.msk [tilespmem:v41+s11+$0x0], $0xffff  }
0x84: {  	v47 =	vor.u32 v35, v24;
	v27 =	vld.idx.msk [tilespmem:v42+s11+$0x0], $0xffff  }
0x85: {  	v48 =	vor.u32 v37, v24;
	v29 =	vld.idx.msk [tilespmem:v43+s11+$0x0], $0xffff  }
0x86: {  	v49 =	vor.u32 v39, v24;
	v28 =	vld.idx.msk [tilespmem:v28+s11+$0x0], $0xffff;
	[tilespmem:v44+s14+$0x0] =	vst.idx.msk $0xffff, v20  }
0x87: {  	v19 =	vor.u32 $0x30, v19;
	v50 =	vor.u32 v32, v24;
	[tilespmem:v45+s14+$0x0] =	vst.idx.msk $0xffff, v26  }
0x88: {  	v51 =	vand.u32 $0x3F, v19;
	v24 =	vor.u32 v21, v24;
	[tilespmem:v46+s14+$0x0] =	vst.idx.msk $0xffff, v25  }
0x89: {  	v52 =	vor.u32 v1, v51;
	[tilespmem:v47+s14+$0x0] =	vst.idx.msk $0xffff, v23  }
0x8a: {  	v53 =	vor.u32 v2, v51;
	[tilespmem:v48+s14+$0x0] =	vst.idx.msk $0xffff, v22  }
0x8b: {  	v54 =	vor.u32 v3, v51;
	[tilespmem:v49+s14+$0x0] =	vst.idx.msk $0xffff, v27  }
0x8c: {  	v55 =	vor.u32 v4, v51;
	[tilespmem:v50+s14+$0x0] =	vst.idx.msk $0xffff, v29  }
0x8d: {  	v19 =	vshll.u32 v19, $0x7;
	v56 =	vor.u32 v5, v51;
	[tilespmem:v24+s14+$0x0] =	vst.idx.msk $0xffff, v28  }
0x8e: {  	v19 =	vand.u32 $0x1C00, v19;
	v57 =	vor.u32 v6, v51;
	v23 =	vld.idx.msk [tilespmem:v52+s11+$0x0], $0xffff  }
0x8f: {  	v19 =	vor.u32 v10, v19;
	v58 =	vor.u32 v7, v51;
	v22 =	vld.idx.msk [tilespmem:v53+s11+$0x0], $0xffff  }
0x90: {  	v18 =	vor.u32 v18, v19;
	v25 =	vor.u32 v8, v51;
	v20 =	vld.idx.msk [tilespmem:v54+s11+$0x0], $0xffff  }
0x91: {  	v59 =	vor.u32 v30, v19;
	v26 =	vld.idx.msk [tilespmem:v55+s11+$0x0], $0xffff  }
0x92: {  	v60 =	vor.u32 v33, v19;
	v24 =	vld.idx.msk [tilespmem:v56+s11+$0x0], $0xffff  }
0x93: {  	v61 =	vor.u32 v35, v19;
	v27 =	vld.idx.msk [tilespmem:v57+s11+$0x0], $0xffff  }
0x94: {  	v62 =	vor.u32 v37, v19;
	v28 =	vld.idx.msk [tilespmem:v58+s11+$0x0], $0xffff  }
0x95: {  	v25 =	vld.idx.msk [tilespmem:v25+s11+$0x0], $0xffff;
	[tilespmem:v18+s14+$0x0] =	vst.idx.msk $0xffff, v23;
	v18 =	vor.u32 v39, v19  }
0x96: {  	v63 =	vor.u32 v32, v19;
	[tilespmem:v59+s14+$0x0] =	vst.idx.msk $0xffff, v22  }
0x97: {  	p1 =	slt.u32 s24, $0xE;
	v19 =	vor.u32 v21, v19;
	[tilespmem:v60+s14+$0x0] =	vst.idx.msk $0xffff, v20  }
.Ltmp0:
0x98: {  	[tilespmem:v61+s14+$0x0] =	vst.idx.msk $0xffff, v26;
	(pc) =	sbr.rel @p1 .LBB2_3-.Ltmp0, $4  }
0x99: {  	[tilespmem:v62+s14+$0x0] =	vst.idx.msk $0xffff, v24  }
0x9a: {  	[tilespmem:v18+s14+$0x0] =	vst.idx.msk $0xffff, v27  }
0x9b: {  	[tilespmem:v63+s14+$0x0] =	vst.idx.msk $0xffff, v28  }
0x9c: {  	s24 =	sadd.s32 $0x2, s24;
	[tilespmem:v19+s14+$0x0] =	vst.idx.msk $0xffff, v25  }
0x9d: {  	p1 =	sne.s32 s22, $0x63  }
.Ltmp1:
0x9e: {  	s24 =	sshll.u32 s22, $0x13;
	(pc) =	sbr.rel @p1 .LBB2_6-.Ltmp1, $4  }
0x9f: {  	s24 =	sor.u32 s6, s24  }
0xa0: {  	s24 =	sshrl.u32 s24, $0x3  }
0xa1: {  	s24 =	sadd.s32 s2, s24  }
0xa2: {  	[hbm4b:s24+s15] =	stream.strided.scatter [tilespmem:s14], [sflag:$0x3], $0x2000, s16, s15, $0x38;
	[tilespmem:$0xE400] =	vst v63  }
.Ltmp2:
0xa3: {  	(pc) =	sbr.rel .LBB2_7-.Ltmp2, $4  }
0xa4: {  	_ = 	snop  }
0xa5: {  	_ =	swait.ge [sflag:s17], $0x2000  }
0xa6: {  	[sflag:s17] =	ssyncset.done $0x0  }
0xa7: {  	[sflag:s17] =	ssyncadd.s32 $0xFFFFE000  }
.LBB2_6:
0xa8: {  	s24 =	sshll.u32 s22, $0x8  }
0xa9: {  	s24 =	sand.u32 $0x3FFFFF00, s24  }
.Ltmp3:
0xaa: {  	s24 =	sadd.s32 $0x100, s24;
	(pc) =	sbr.rel @p0 .LBB2_8-.Ltmp3, $4  }
0xab: {  	[tilespmem:s11], [sflag:$0x1] =	stream.indirect.gather [hbm4b:s4+s8], $0x40, s24, s8, $0xb8;
	[tilespmem:$0xE400] =	vst v63  }
0xac: {  	_ =	swait.ge [sflag:s17], $0x2000  }
0xad: {  	[sflag:s17] =	ssyncset.done $0x0  }
0xae: {  	[sflag:s17] =	ssyncadd.s32 $0xFFFFE000  }
.LBB2_7:
0xaf: {  	_ =	swait.ge [sflag:s18], $0x2000  }
0xb0: {  	[sflag:s18] =	ssyncset.done $0x0  }
0xb1: {  	[sflag:s18] =	ssyncadd.s32 $0xFFFFE000  }
.LBB2_8:
0xb2: {  	s24 =	simm.s32 $0x0  }
.LBB2_9:
0xb3: {  	v19 =	vadd.s32 s24, v0  }
0xb4: {  	v20 =	vand.u32 $0xF, v19  }
0xb5: {  	v18 =	vor.u32 v1, v20  }
0xb6: {  	v21 =	vor.u32 v2, v20  }
0xb7: {  	v22 =	vor.u32 v3, v20  }
0xb8: {  	v24 =	vshll.u32 v19, $0x7;
	v23 =	vor.u32 v4, v20;
	v25 =	vor.u32 v5, v20  }
0xb9: {  	v26 =	vand.u32 $0x380, v24;
	v28 =	vor.u32 v6, v20;
	v29 =	vor.u32 v7, v20  }
0xba: {  	v30 =	vor.u32 v8, v20;
	v31 =	vand.u32 $0x400, v24;
	v62 =	vor.u32 v11, v24;
	v27 =	vld.idx.msk [tilespmem:v18+s12+$0x0], $0xffff  }
0xbb: {  	v33 =	vor.u32 v12, v24;
	v61 =	vor.u32 v10, v31;
	v21 =	vld.idx.msk [tilespmem:v21+s12+$0x0], $0xffff;
	v18 =	vor.u32 v9, v26  }
0xbc: {  	v35 =	vor.u32 v13, v24;
	v31 =	vand.u32 $0x398, v62;
	v22 =	vld.idx.msk [tilespmem:v22+s12+$0x0], $0xffff;
	v32 =	vor.u32 v18, v61  }
0xbd: {  	v37 =	vor.u32 v14, v24;
	v33 =	vand.u32 $0x3A8, v33;
	v34 =	vor.u32 v31, v61;
	v23 =	vld.idx.msk [tilespmem:v23+s12+$0x0], $0xffff  }
0xbe: {  	v39 =	vor.u32 v15, v24;
	v35 =	vand.u32 $0x3B8, v35;
	v36 =	vor.u32 v33, v61;
	v25 =	vld.idx.msk [tilespmem:v25+s12+$0x0], $0xffff  }
0xbf: {  	v41 =	vor.u32 v16, v24;
	v37 =	vand.u32 $0x3C8, v37;
	v38 =	vor.u32 v35, v61;
	v28 =	vld.idx.msk [tilespmem:v28+s12+$0x0], $0xffff  }
0xc0: {  	v24 =	vor.u32 v17, v24;
	v39 =	vand.u32 $0x3D8, v39;
	v40 =	vor.u32 v37, v61;
	v29 =	vld.idx.msk [tilespmem:v29+s12+$0x0], $0xffff  }
0xc1: {  	v63 =	vor.u32 v39, v61;
	v30 =	vld.idx.msk [tilespmem:v30+s12+$0x0], $0xffff;
	[tilespmem:v32+s19+$0x0] =	vst.idx.msk $0xffff, v27;
	v32 =	vand.u32 $0x3E8, v41  }
0xc2: {  	v43 =	vor.u32 $0x10, v19;
	v24 =	vand.u32 $0x3F8, v24;
	[tilespmem:v34+s19+$0x0] =	vst.idx.msk $0xffff, v21;
	v42 =	vor.u32 v32, v61  }
0xc3: {  	v45 =	vand.u32 $0x1F, v43;
	v44 =	vor.u32 v24, v61;
	[tilespmem:v36+s19+$0x0] =	vst.idx.msk $0xffff, v22  }
0xc4: {  	v46 =	vor.u32 v1, v45;
	[tilespmem:v38+s19+$0x0] =	vst.idx.msk $0xffff, v23  }
0xc5: {  	v47 =	vor.u32 v2, v45;
	[tilespmem:v40+s19+$0x0] =	vst.idx.msk $0xffff, v25  }
0xc6: {  	v48 =	vor.u32 v3, v45;
	[tilespmem:v63+s19+$0x0] =	vst.idx.msk $0xffff, v28  }
0xc7: {  	v49 =	vor.u32 v4, v45;
	[tilespmem:v42+s19+$0x0] =	vst.idx.msk $0xffff, v29  }
0xc8: {  	v52 =	vshll.u32 v43, $0x7;
	v50 =	vor.u32 v5, v45;
	[tilespmem:v44+s19+$0x0] =	vst.idx.msk $0xffff, v30  }
0xc9: {  	v51 =	vor.u32 v6, v45;
	v29 =	vand.u32 $0xC00, v52;
	v23 =	vld.idx.msk [tilespmem:v46+s12+$0x0], $0xffff  }
0xca: {  	v53 =	vor.u32 v7, v45;
	v29 =	vor.u32 v10, v29;
	v25 =	vld.idx.msk [tilespmem:v47+s12+$0x0], $0xffff  }
0xcb: {  	v26 =	vor.u32 v8, v45;
	v27 =	vld.idx.msk [tilespmem:v48+s12+$0x0], $0xffff;
	v54 =	vor.u32 v18, v29  }
0xcc: {  	v21 =	vld.idx.msk [tilespmem:v49+s12+$0x0], $0xffff;
	v55 =	vor.u32 v31, v29  }
0xcd: {  	v22 =	vld.idx.msk [tilespmem:v50+s12+$0x0], $0xffff;
	v56 =	vor.u32 v33, v29  }
0xce: {  	v28 =	vld.idx.msk [tilespmem:v51+s12+$0x0], $0xffff;
	v57 =	vor.u32 v35, v29  }
0xcf: {  	v30 =	vld.idx.msk [tilespmem:v53+s12+$0x0], $0xffff;
	v58 =	vor.u32 v37, v29  }
0xd0: {  	v20 =	vor.u32 $0x20, v20;
	v26 =	vld.idx.msk [tilespmem:v26+s12+$0x0], $0xffff;
	v59 =	vor.u32 v39, v29;
	[tilespmem:v54+s19+$0x0] =	vst.idx.msk $0xffff, v23  }
0xd1: {  	v60 =	vand.u32 $0x7, v19;
	v62 =	vand.u32 $0x28, v20;
	v61 =	vor.u32 v32, v29;
	[tilespmem:v55+s19+$0x0] =	vst.idx.msk $0xffff, v25  }
0xd2: {  	v38 =	vor.u32 v60, v62;
	v63 =	vor.u32 v24, v29;
	[tilespmem:v56+s19+$0x0] =	vst.idx.msk $0xffff, v27  }
0xd3: {  	v40 =	vor.u32 v1, v38;
	[tilespmem:v57+s19+$0x0] =	vst.idx.msk $0xffff, v21  }
0xd4: {  	v41 =	vor.u32 v2, v38;
	[tilespmem:v58+s19+$0x0] =	vst.idx.msk $0xffff, v22  }
0xd5: {  	v42 =	vor.u32 v3, v38;
	[tilespmem:v59+s19+$0x0] =	vst.idx.msk $0xffff, v28  }
0xd6: {  	v43 =	vor.u32 v4, v38;
	[tilespmem:v61+s19+$0x0] =	vst.idx.msk $0xffff, v30  }
0xd7: {  	v20 =	vshll.u32 v20, $0x7;
	v44 =	vor.u32 v5, v38;
	[tilespmem:v63+s19+$0x0] =	vst.idx.msk $0xffff, v26  }
0xd8: {  	v20 =	vand.u32 $0x1400, v20;
	v45 =	vor.u32 v6, v38;
	v21 =	vld.idx.msk [tilespmem:v40+s12+$0x0], $0xffff  }
0xd9: {  	v20 =	vor.u32 v10, v20;
	v46 =	vor.u32 v7, v38;
	v22 =	vld.idx.msk [tilespmem:v41+s12+$0x0], $0xffff  }
0xda: {  	v29 =	vor.u32 v8, v38;
	v47 =	vor.u32 v18, v20;
	v23 =	vld.idx.msk [tilespmem:v42+s12+$0x0], $0xffff  }
0xdb: {  	v48 =	vor.u32 v31, v20;
	v25 =	vld.idx.msk [tilespmem:v43+s12+$0x0], $0xffff  }
0xdc: {  	v49 =	vor.u32 v33, v20;
	v26 =	vld.idx.msk [tilespmem:v44+s12+$0x0], $0xffff  }
0xdd: {  	v50 =	vor.u32 v35, v20;
	v27 =	vld.idx.msk [tilespmem:v45+s12+$0x0], $0xffff  }
0xde: {  	v51 =	vor.u32 v37, v20;
	v28 =	vld.idx.msk [tilespmem:v46+s12+$0x0], $0xffff  }
0xdf: {  	v52 =	vor.u32 v39, v20;
	v29 =	vld.idx.msk [tilespmem:v29+s12+$0x0], $0xffff;
	[tilespmem:v47+s19+$0x0] =	vst.idx.msk $0xffff, v21  }
0xe0: {  	v19 =	vor.u32 $0x30, v19;
	v53 =	vor.u32 v32, v20;
	[tilespmem:v48+s19+$0x0] =	vst.idx.msk $0xffff, v22  }
0xe1: {  	v20 =	vor.u32 v24, v20;
	v54 =	vand.u32 $0x3F, v19;
	[tilespmem:v49+s19+$0x0] =	vst.idx.msk $0xffff, v23  }
0xe2: {  	v55 =	vor.u32 v1, v54;
	[tilespmem:v50+s19+$0x0] =	vst.idx.msk $0xffff, v25  }
0xe3: {  	v56 =	vor.u32 v2, v54;
	[tilespmem:v51+s19+$0x0] =	vst.idx.msk $0xffff, v26  }
0xe4: {  	v57 =	vor.u32 v3, v54;
	[tilespmem:v52+s19+$0x0] =	vst.idx.msk $0xffff, v27  }
0xe5: {  	v58 =	vor.u32 v4, v54;
	[tilespmem:v53+s19+$0x0] =	vst.idx.msk $0xffff, v28  }
0xe6: {  	v19 =	vshll.u32 v19, $0x7;
	v59 =	vor.u32 v5, v54;
	[tilespmem:v20+s19+$0x0] =	vst.idx.msk $0xffff, v29  }
0xe7: {  	v60 =	vor.u32 v6, v54;
	v19 =	vand.u32 $0x1C00, v19;
	v25 =	vld.idx.msk [tilespmem:v55+s12+$0x0], $0xffff  }
0xe8: {  	v62 =	vor.u32 v10, v19;
	v61 =	vor.u32 v7, v54;
	v26 =	vld.idx.msk [tilespmem:v56+s12+$0x0], $0xffff  }
0xe9: {  	v18 =	vor.u32 v18, v62;
	v23 =	vor.u32 v8, v54;
	v21 =	vld.idx.msk [tilespmem:v57+s12+$0x0], $0xffff  }
0xea: {  	v19 =	vor.u32 v31, v62;
	v22 =	vld.idx.msk [tilespmem:v58+s12+$0x0], $0xffff  }
0xeb: {  	v63 =	vor.u32 v33, v62;
	v20 =	vld.idx.msk [tilespmem:v59+s12+$0x0], $0xffff  }
0xec: {  	v36 =	vor.u32 v35, v62;
	v27 =	vld.idx.msk [tilespmem:v60+s12+$0x0], $0xffff  }
0xed: {  	v38 =	vor.u32 v37, v62;
	v28 =	vld.idx.msk [tilespmem:v61+s12+$0x0], $0xffff  }
0xee: {  	v23 =	vld.idx.msk [tilespmem:v23+s12+$0x0], $0xffff;
	[tilespmem:v18+s19+$0x0] =	vst.idx.msk $0xffff, v25;
	v18 =	vor.u32 v39, v62  }
0xef: {  	s25 =	sadd.s32 $0x1, s24;
	[tilespmem:v19+s19+$0x0] =	vst.idx.msk $0xffff, v26  }
0xf0: {  	v39 =	vor.u32 v32, v62;
	v19 =	vadd.s32 s25, v0;
	[tilespmem:v63+s19+$0x0] =	vst.idx.msk $0xffff, v21  }
0xf1: {  	v40 =	vor.u32 v24, v62;
	v24 =	vand.u32 $0xF, v19;
	[tilespmem:v36+s19+$0x0] =	vst.idx.msk $0xffff, v22  }
0xf2: {  	v41 =	vor.u32 v1, v24;
	[tilespmem:v38+s19+$0x0] =	vst.idx.msk $0xffff, v20  }
0xf3: {  	[tilespmem:v18+s19+$0x0] =	vst.idx.msk $0xffff, v27;
	v18 =	vor.u32 v3, v24  }
0xf4: {  	v42 =	vor.u32 v2, v24  }
0xf5: {  	v44 =	vshll.u32 v19, $0x7;
	v43 =	vor.u32 v4, v24;
	v45 =	vor.u32 v5, v24;
	[tilespmem:v39+s19+$0x0] =	vst.idx.msk $0xffff, v28  }
0xf6: {  	v46 =	vand.u32 $0x380, v44;
	v47 =	vor.u32 v6, v24;
	v48 =	vor.u32 v7, v24;
	[tilespmem:v40+s19+$0x0] =	vst.idx.msk $0xffff, v23  }
0xf7: {  	v49 =	vor.u32 v8, v24;
	v50 =	vand.u32 $0x400, v44;
	v52 =	vor.u32 v11, v44;
	v22 =	vld.idx.msk [tilespmem:v41+s12+$0x0], $0xffff  }
0xf8: {  	v54 =	vor.u32 v12, v44;
	v51 =	vor.u32 v10, v50;
	v31 =	vld.idx.msk [tilespmem:v18+s12+$0x0], $0xffff;
	v18 =	vor.u32 v9, v46  }
0xf9: {  	v56 =	vor.u32 v13, v44;
	v30 =	vand.u32 $0x398, v52;
	v20 =	vld.idx.msk [tilespmem:v42+s12+$0x0], $0xffff;
	v53 =	vor.u32 v18, v51  }
0xfa: {  	v58 =	vor.u32 v14, v44;
	v33 =	vand.u32 $0x3A8, v54;
	v55 =	vor.u32 v30, v51;
	v25 =	vld.idx.msk [tilespmem:v43+s12+$0x0], $0xffff  }
0xfb: {  	v60 =	vor.u32 v15, v44;
	v35 =	vand.u32 $0x3B8, v56;
	v57 =	vor.u32 v33, v51;
	v23 =	vld.idx.msk [tilespmem:v45+s12+$0x0], $0xffff  }
0xfc: {  	v62 =	vor.u32 v16, v44;
	v37 =	vand.u32 $0x3C8, v58;
	v59 =	vor.u32 v35, v51;
	v27 =	vld.idx.msk [tilespmem:v47+s12+$0x0], $0xffff  }
0xfd: {  	v21 =	vor.u32 v17, v44;
	v61 =	vor.u32 v37, v51;
	v39 =	vand.u32 $0x3D8, v60;
	v28 =	vld.idx.msk [tilespmem:v48+s12+$0x0], $0xffff  }
0xfe: {  	v32 =	vand.u32 $0x3E8, v62;
	v63 =	vor.u32 v39, v51;
	v29 =	vld.idx.msk [tilespmem:v49+s12+$0x0], $0xffff;
	[tilespmem:v53+s19+$0x0] =	vst.idx.msk $0xffff, v22  }
0xff: {  	v21 =	vand.u32 $0x3F8, v21;
	v42 =	vor.u32 v32, v51;
	v43 =	vor.u32 $0x10, v19;
	[tilespmem:v55+s19+$0x0] =	vst.idx.msk $0xffff, v20  }
0x100: {  	v26 =	vor.u32 v21, v51;
	v44 =	vand.u32 $0x1F, v43;
	[tilespmem:v57+s19+$0x0] =	vst.idx.msk $0xffff, v31  }
0x101: {  	v45 =	vor.u32 v1, v44;
	[tilespmem:v59+s19+$0x0] =	vst.idx.msk $0xffff, v25  }
0x102: {  	v46 =	vor.u32 v2, v44;
	[tilespmem:v61+s19+$0x0] =	vst.idx.msk $0xffff, v23  }
0x103: {  	v47 =	vor.u32 v3, v44;
	[tilespmem:v63+s19+$0x0] =	vst.idx.msk $0xffff, v27  }
0x104: {  	v48 =	vor.u32 v4, v44;
	[tilespmem:v42+s19+$0x0] =	vst.idx.msk $0xffff, v28  }
0x105: {  	v49 =	vor.u32 v5, v44;
	v51 =	vshll.u32 v43, $0x7;
	[tilespmem:v26+s19+$0x0] =	vst.idx.msk $0xffff, v29  }
0x106: {  	v50 =	vor.u32 v6, v44;
	v28 =	vand.u32 $0xC00, v51;
	v25 =	vld.idx.msk [tilespmem:v45+s12+$0x0], $0xffff  }
0x107: {  	v52 =	vor.u32 v7, v44;
	v28 =	vor.u32 v10, v28;
	v23 =	vld.idx.msk [tilespmem:v46+s12+$0x0], $0xffff  }
0x108: {  	v31 =	vor.u32 v8, v44;
	v22 =	vld.idx.msk [tilespmem:v47+s12+$0x0], $0xffff;
	v53 =	vor.u32 v18, v28  }
0x109: {  	v20 =	vld.idx.msk [tilespmem:v48+s12+$0x0], $0xffff;
	v54 =	vor.u32 v30, v28  }
0x10a: {  	v26 =	vld.idx.msk [tilespmem:v49+s12+$0x0], $0xffff;
	v55 =	vor.u32 v33, v28  }
0x10b: {  	v27 =	vld.idx.msk [tilespmem:v50+s12+$0x0], $0xffff;
	v56 =	vor.u32 v35, v28  }
0x10c: {  	v29 =	vld.idx.msk [tilespmem:v52+s12+$0x0], $0xffff;
	v57 =	vor.u32 v37, v28  }
0x10d: {  	v24 =	vor.u32 $0x20, v24;
	v31 =	vld.idx.msk [tilespmem:v31+s12+$0x0], $0xffff;
	v58 =	vor.u32 v39, v28;
	[tilespmem:v53+s19+$0x0] =	vst.idx.msk $0xffff, v25  }
0x10e: {  	v59 =	vand.u32 $0x7, v19;
	v61 =	vand.u32 $0x28, v24;
	v60 =	vor.u32 v32, v28;
	[tilespmem:v54+s19+$0x0] =	vst.idx.msk $0xffff, v23  }
0x10f: {  	v63 =	vor.u32 v59, v61;
	v62 =	vor.u32 v21, v28;
	[tilespmem:v55+s19+$0x0] =	vst.idx.msk $0xffff, v22  }
0x110: {  	v34 =	vor.u32 v1, v63;
	[tilespmem:v56+s19+$0x0] =	vst.idx.msk $0xffff, v20  }
0x111: {  	v36 =	vor.u32 v2, v63;
	[tilespmem:v57+s19+$0x0] =	vst.idx.msk $0xffff, v26  }
0x112: {  	v38 =	vor.u32 v3, v63;
	[tilespmem:v58+s19+$0x0] =	vst.idx.msk $0xffff, v27  }
0x113: {  	v40 =	vor.u32 v4, v63;
	[tilespmem:v60+s19+$0x0] =	vst.idx.msk $0xffff, v29  }
0x114: {  	v24 =	vshll.u32 v24, $0x7;
	v41 =	vor.u32 v5, v63;
	[tilespmem:v62+s19+$0x0] =	vst.idx.msk $0xffff, v31  }
0x115: {  	v24 =	vand.u32 $0x1400, v24;
	v42 =	vor.u32 v6, v63;
	v20 =	vld.idx.msk [tilespmem:v34+s12+$0x0], $0xffff  }
0x116: {  	v43 =	vor.u32 v7, v63;
	v24 =	vor.u32 v10, v24;
	v26 =	vld.idx.msk [tilespmem:v36+s12+$0x0], $0xffff  }
0x117: {  	v44 =	vor.u32 v18, v24;
	v28 =	vor.u32 v8, v63;
	v25 =	vld.idx.msk [tilespmem:v38+s12+$0x0], $0xffff  }
0x118: {  	v45 =	vor.u32 v30, v24;
	v23 =	vld.idx.msk [tilespmem:v40+s12+$0x0], $0xffff  }
0x119: {  	v46 =	vor.u32 v33, v24;
	v22 =	vld.idx.msk [tilespmem:v41+s12+$0x0], $0xffff  }
0x11a: {  	v47 =	vor.u32 v35, v24;
	v27 =	vld.idx.msk [tilespmem:v42+s12+$0x0], $0xffff  }
0x11b: {  	v48 =	vor.u32 v37, v24;
	v29 =	vld.idx.msk [tilespmem:v43+s12+$0x0], $0xffff  }
0x11c: {  	v49 =	vor.u32 v39, v24;
	v28 =	vld.idx.msk [tilespmem:v28+s12+$0x0], $0xffff;
	[tilespmem:v44+s19+$0x0] =	vst.idx.msk $0xffff, v20  }
0x11d: {  	v19 =	vor.u32 $0x30, v19;
	v50 =	vor.u32 v32, v24;
	[tilespmem:v45+s19+$0x0] =	vst.idx.msk $0xffff, v26  }
0x11e: {  	v51 =	vand.u32 $0x3F, v19;
	v24 =	vor.u32 v21, v24;
	[tilespmem:v46+s19+$0x0] =	vst.idx.msk $0xffff, v25  }
0x11f: {  	v52 =	vor.u32 v1, v51;
	[tilespmem:v47+s19+$0x0] =	vst.idx.msk $0xffff, v23  }
0x120: {  	v53 =	vor.u32 v2, v51;
	[tilespmem:v48+s19+$0x0] =	vst.idx.msk $0xffff, v22  }
0x121: {  	v54 =	vor.u32 v3, v51;
	[tilespmem:v49+s19+$0x0] =	vst.idx.msk $0xffff, v27  }
0x122: {  	v55 =	vor.u32 v4, v51;
	[tilespmem:v50+s19+$0x0] =	vst.idx.msk $0xffff, v29  }
0x123: {  	v19 =	vshll.u32 v19, $0x7;
	v56 =	vor.u32 v5, v51;
	[tilespmem:v24+s19+$0x0] =	vst.idx.msk $0xffff, v28  }
0x124: {  	v19 =	vand.u32 $0x1C00, v19;
	v57 =	vor.u32 v6, v51;
	v23 =	vld.idx.msk [tilespmem:v52+s12+$0x0], $0xffff  }
0x125: {  	v19 =	vor.u32 v10, v19;
	v58 =	vor.u32 v7, v51;
	v22 =	vld.idx.msk [tilespmem:v53+s12+$0x0], $0xffff  }
0x126: {  	v18 =	vor.u32 v18, v19;
	v25 =	vor.u32 v8, v51;
	v20 =	vld.idx.msk [tilespmem:v54+s12+$0x0], $0xffff  }
0x127: {  	v59 =	vor.u32 v30, v19;
	v26 =	vld.idx.msk [tilespmem:v55+s12+$0x0], $0xffff  }
0x128: {  	v60 =	vor.u32 v33, v19;
	v24 =	vld.idx.msk [tilespmem:v56+s12+$0x0], $0xffff  }
0x129: {  	v61 =	vor.u32 v35, v19;
	v27 =	vld.idx.msk [tilespmem:v57+s12+$0x0], $0xffff  }
0x12a: {  	v62 =	vor.u32 v37, v19;
	v28 =	vld.idx.msk [tilespmem:v58+s12+$0x0], $0xffff  }
0x12b: {  	v25 =	vld.idx.msk [tilespmem:v25+s12+$0x0], $0xffff;
	[tilespmem:v18+s19+$0x0] =	vst.idx.msk $0xffff, v23;
	v18 =	vor.u32 v39, v19  }
0x12c: {  	v63 =	vor.u32 v32, v19;
	[tilespmem:v59+s19+$0x0] =	vst.idx.msk $0xffff, v22  }
0x12d: {  	p0 =	slt.u32 s24, $0xE;
	v19 =	vor.u32 v21, v19;
	[tilespmem:v60+s19+$0x0] =	vst.idx.msk $0xffff, v20  }
.Ltmp4:
0x12e: {  	[tilespmem:v61+s19+$0x0] =	vst.idx.msk $0xffff, v26;
	(pc) =	sbr.rel @p0 .LBB2_9-.Ltmp4, $4  }
0x12f: {  	[tilespmem:v62+s19+$0x0] =	vst.idx.msk $0xffff, v24  }
0x130: {  	[tilespmem:v18+s19+$0x0] =	vst.idx.msk $0xffff, v27  }
0x131: {  	[tilespmem:v63+s19+$0x0] =	vst.idx.msk $0xffff, v28  }
0x132: {  	s24 =	sadd.s32 $0x2, s24;
	[tilespmem:v19+s19+$0x0] =	vst.idx.msk $0xffff, v25  }
0x133: {  	s22 =	sadd.s32 $0x1, s22  }
0x134: {  	p0 =	sne.s32 s22, $0x64  }
.Ltmp5:
0x135: {  	s23 =	sshll.u32 s23, $0x12;
	(pc) =	sbr.rel @p0 .LBB2_2-.Ltmp5, $4  }
0x136: {  	s23 =	sor.u32 s6, s23  }
0x137: {  	s23 =	sshrl.u32 s23, $0x3  }
0x138: {  	s23 =	sadd.s32 s2, s23  }
0x139: {  	[hbm4b:s23+s15] =	stream.strided.scatter [tilespmem:s19], [sflag:$0x4], $0x2000, s16, s15, $0x38;
	[tilespmem:$0xE400] =	vst v63  }
0x13a: {  	s21 =	sadd.s32 $0x1, s21  }
0x13b: {  	_ =	swait.ge [sflag:s20], $0x2000;
	p0 =	sne.s32 s21, s7  }
.Ltmp6:
0x13c: {  	[sflag:s20] =	ssyncset.done $0x0;
	(pc) =	sbr.rel @p0 .LBB2_1-.Ltmp6, $4  }
0x13d: {  	[sflag:s20] =	ssyncadd.s32 $0xFFFFE000  }
0x13e: {  	_ =	swait.ge [sflag:s18], $0x2000  }
0x13f: {  	[sflag:s18] =	ssyncset.done $0x0  }
0x140: {  	[sflag:s18] =	ssyncadd.s32 $0xFFFFE000  }
0x141: {  	_ =	sfence.sel $0x180000  }
0x142: {  	[bflag:$0x0] =	sbarrier.arrive $0xFFFF  }
0x143: {  	p0 =	sne.s32 s1, $0x0;
	_ =	strace $0x9000004A  }
0x144: {  	s0 =	sadd.s32 @!p0 $0x100000, s0;
	[bflag:$0x2] =	sbarrier.arrive $0xFFFF  }
0x145: {  	[sflag:s0] =	ssyncadd.tile.s32 @!p0 $0x1;
	_ =	shalt  }
.Lfunc_end2:
_tile_overlayer_lowered:
.L_overlay_start_2:
0x146: {  	(tag) =	ssettag $0x2  }
0x147: {  	s0 =	rddreg [dreg:$0x0];
	s2 =	stileid.u32  }
0x148: {  	s1 =	rddreg [dreg:$0x1];
	p0 =	sne.s32 s2, $0x0  }
0x149: {  	s3 =	rddreg [dreg:$0x2];
	[bflag:$0x3] =	sbarrier.arrive $0xFFFF;
	s2 =	simm.s32 @!p0 $0x1C05  }
0x14a: {  	[timem:s3], [sflag:s2] =	dma.local @!p0 [hbm:s0], s1  }
0x14b: {  	s0 =	simm.s32 @!p0 $0x5  }
0x14c: {  	_ =	swait.ge @!p0 [sflag:s0], s1  }
0x14d: {  	s1 =	ssub.s32 @!p0 $0x0, s1;
	[sflag:s0] =	ssyncset.done @!p0 $0x0  }
0x14e: {  	[sflag:s0] =	ssyncadd.s32 @!p0 s1  }
0x14f: {  	[bflag:$0x3] =	sbarrier.arrive $0xFFFF  }
0x150: {  	_ =	shalt  }

</sc_bundles>
